<compile_context>
chip_gen: v7x
topology: tpu7x:2x2x1
jax: 0.10.2.dev20260603
libtpu: 0.0.44.dev20260713+nightly
codegen_flags: <defaults>
</compile_context>

<pallas_src>
import functools

import jax
import jax.numpy as jnp
from jax import lax
from jax.experimental import pallas as pl
from jax.experimental.pallas import tpu as pltpu
from jax.experimental.pallas import tpu_sc as plsc

_NUM_CLASS = 80
_STRIDES = (32.0, 16.0, 8.0)
_ANCHORS = (
    ((116.0, 90.0), (156.0, 198.0), (373.0, 326.0)),
    ((30.0, 61.0), (62.0, 45.0), (59.0, 119.0)),
    ((10.0, 13.0), (16.0, 30.0), (33.0, 23.0)),
)
_GRIDS = (19, 38, 76)
_B = 16
_NT = 128
_NO = 85
_NR = 3 * _NT
_NRP = 512
_NC, _NS = 2, 16
_NW = _NC * _NS
_RPW = _NRP // _NW


def _scale_targets(tgt, s):
    g = float(_GRIDS[s])
    stride = _STRIDES[s]
    b = tgt[:, 0:1]
    c = tgt[:, 1:2]
    gx = tgt[:, 2:3] * g
    gy = tgt[:, 3:4] * g
    tw = tgt[:, 4:5] * g
    th = tgt[:, 5:6] * g
    fx = jnp.floor(gx)
    fy = jnp.floor(gy)
    gi = jnp.clip(fx, 0.0, g - 1.0)
    gj = jnp.clip(fy, 0.0, g - 1.0)
    tbx = gx - fx
    tby = gy - fy
    ones = jnp.ones_like(b)
    per_anchor = []
    for a in range(3):
        aw = _ANCHORS[s][a][0] / stride
        ah = _ANCHORS[s][a][1] / stride
        rw = tw / aw
        rh = th / ah
        rmax = jnp.maximum(jnp.maximum(rw, 1.0 / rw), jnp.maximum(rh, 1.0 / rh))
        m = (rmax < 4.0).astype(jnp.float32)
        fidx = ((b * 3.0 + float(a)) * g + gj) * g + gi
        per_anchor.append((m, fidx, tbx, tby, tw, th, aw * ones, ah * ones, c,
                           b, a * ones, gj, gi))
    return [jnp.concatenate([pa[k] for pa in per_anchor], axis=0)
            for k in range(13)]


def _prep_body(tgt_ref, *orefs):
    tgt = tgt_ref[:, :]
    pad = jnp.zeros((_NRP - _NR, 1), jnp.float32)
    for s in range(3):
        g = float(_GRIDS[s])
        vals = _scale_targets(tgt, s)
        b, a, gj, gi = vals[9], vals[10], vals[11], vals[12]
        srow = (b * 3.0 + a) * g + gj
        for k, v in enumerate((srow, gi)):
            orefs[2 * s + k][:, :] = jnp.concatenate(
                [v, pad], axis=0).astype(jnp.int32)


def _prep(target):
    return pl.pallas_call(
        _prep_body,
        out_shape=[jax.ShapeDtypeStruct((_NRP, 1), jnp.int32)] * 6,
    )(target)


_NSL = (48 * 19, 48 * 38, 48 * 76)


def _sc_gather_body(t0, t1, t2, *rest):
    idx_refs = rest[:6]
    outs = rest[6:9]
    svs = rest[9:12]
    gvs = rest[12:15]
    rows = rest[15:18]
    semi, sem, semo = rest[18:21]
    wid = lax.axis_index("s") * _NC + lax.axis_index("c")
    tabs = (t0, t1, t2)
    base = wid * _RPW

    @pl.when(wid < _NR // _RPW)
    def _work():
        _sc_gather_work(tabs, idx_refs, outs, svs, gvs, rows, semi, sem, semo,
                        base)


def _sc_gather_work(tabs, idx_refs, outs, svs, gvs, rows, semi, sem, semo,
                    base):
    ijobs = []
    for s in range(3):
        ijobs.append(pltpu.async_copy(
            idx_refs[2 * s].at[pl.ds(base, _RPW)], svs[s], semi))
        ijobs.append(pltpu.async_copy(
            idx_refs[2 * s + 1].at[pl.ds(base, _RPW)], gvs[s], semi))
    for j in ijobs:
        j.wait()
    rjobs = []
    for s in range(3):
        ss = svs[s][...]
        gg = gvs[s][...]
        for r in range(_RPW):
            rjobs.append(pltpu.async_copy(
                tabs[s].at[ss[r], gg[r], :], rows[s].at[r, :], sem))
    for j in rjobs:
        j.wait()
    ojobs = []
    for s in range(3):
        ojobs.append(pltpu.async_copy(
            rows[s], outs[s].at[pl.ds(base, _RPW), :], semo))
    for j in ojobs:
        j.wait()


@functools.cache
def _sc_gather_kernel():
    return pl.kernel(
        _sc_gather_body,
        out_type=[jax.ShapeDtypeStruct((_NRP, _NO), jnp.float32)] * 3,
        mesh=plsc.VectorSubcoreMesh(core_axis_name="c", subcore_axis_name="s",
                                    num_cores=_NC, num_subcores=_NS),
        scratch_types=(
            [pltpu.VMEM((_RPW,), jnp.int32)] * 6
            + [pltpu.VMEM((_RPW, _NO), jnp.float32)] * 3
            + [pltpu.SemaphoreType.DMA] * 3
        ),
    )


def _sc_gather(p0, p1, p2, idxs):
    return _sc_gather_kernel()(p0, p1, p2, *idxs)


def _obj_body(p0_ref, p1a_ref, p1b_ref, p1c_ref, p2a_ref, p2b_ref,
              p2c_ref, s0_ref, s1_ref, s2_ref):
    step = pl.program_id(0)

    def _sp_sum(x4):
        return jnp.sum(jnp.maximum(x4, 0.0) + jnp.log1p(jnp.exp(-jnp.abs(x4))))

    x = p0_ref[0, :, :, :, :]
    part0 = _sp_sum(jnp.swapaxes(x, -1, -2)[:, :, 4, :])
    part1 = 0.0
    for r in (p1a_ref, p1b_ref, p1c_ref):
        x = r[0, 0, :, :, :]
        part1 = part1 + _sp_sum(jnp.swapaxes(x, -1, -2)[:, 4, :])
    part2 = 0.0
    for r in (p2a_ref, p2b_ref, p2c_ref):
        x = r[0, 0, :, :, :]
        part2 = part2 + _sp_sum(jnp.swapaxes(x, -1, -2)[:, 4, :])
    for s_ref, part in ((s0_ref, part0), (s1_ref, part1), (s2_ref, part2)):
        p11 = jnp.broadcast_to(part, (1, 1))

        @pl.when(step == 0)
        def _init(s_ref=s_ref, p11=p11):
            s_ref[:, :] = p11

        @pl.when(step != 0)
        def _acc(s_ref=s_ref, p11=p11):
            s_ref[:, :] += p11


def _obj_sums(pred0, pred1, pred2):
    specs = [pl.BlockSpec((1, 3, 19, 19, _NO), lambda t: (t, 0, 0, 0, 0))]
    for g in (38, 76):
        for a in range(3):
            specs.append(pl.BlockSpec(
                (1, 1, g, g, _NO),
                lambda t, a=a: (t, a, 0, 0, 0)))
    return pl.pallas_call(
        _obj_body,
        grid=(_B,),
        in_specs=specs,
        out_specs=[pl.BlockSpec((1, 1), lambda t: (0, 0))] * 3,
        out_shape=[jax.ShapeDtypeStruct((1, 1), jnp.float32)] * 3,
    )(pred0, pred1, pred1, pred1, pred2, pred2, pred2)


def _final_body(tgt_ref, c0_ref, c1_ref, c2_ref, ps0_ref, ps1_ref, ps2_ref,
                o_ref):
    tgt = tgt_ref[:, :]
    lcls = 0.0
    lobj = 0.0
    lbox = 0.0
    for s, c_ref, ps_ref in ((0, c0_ref, ps0_ref), (1, c1_ref, ps1_ref),
                             (2, c2_ref, ps2_ref)):
        ncell = float(_B * 3 * _GRIDS[s] * _GRIDS[s])
        m, fidx, tbx, tby, tw, th, aw, ah, c = _scale_targets(tgt, s)[:9]
        ps = ps_ref[0:_NR, :]
        denom = jnp.maximum(jnp.sum(m), 1.0)
        px = jax.nn.sigmoid(ps[:, 0:1])
        py = jax.nn.sigmoid(ps[:, 1:2])
        pw = jnp.exp(ps[:, 2:3]) * aw
        ph = jnp.exp(ps[:, 3:4]) * ah
        b1x1 = px - pw * 0.5
        b1x2 = px + pw * 0.5
        b1y1 = py - ph * 0.5
        b1y2 = py + ph * 0.5
        b2x1 = tbx - tw * 0.5
        b2x2 = tbx + tw * 0.5
        b2y1 = tby - th * 0.5
        b2y2 = tby + th * 0.5
        iw = jnp.maximum(jnp.minimum(b1x2, b2x2) - jnp.maximum(b1x1, b2x1), 0.0)
        ih = jnp.maximum(jnp.minimum(b1y2, b2y2) - jnp.maximum(b1y1, b2y1), 0.0)
        inter = iw * ih
        w1 = b1x2 - b1x1
        h1 = b1y2 - b1y1
        w2 = b2x2 - b2x1
        h2 = b2y2 - b2y1
        union = w1 * h1 + w2 * h2 - inter + 1e-9
        iou = inter / union
        lbox = lbox + jnp.sum(m * (1.0 - iou)) / denom
        xc = ps[:, 5:_NO]
        cls_iota = lax.broadcasted_iota(
            jnp.int32, (_NR, _NUM_CLASS), 1).astype(jnp.float32)
        oh_cls = (cls_iota == c).astype(jnp.float32)
        e = jnp.maximum(xc, 0.0) - xc * oh_cls + jnp.log1p(jnp.exp(-jnp.abs(xc)))
        lcls = lcls + jnp.sum(m * e) / (denom * _NUM_CLASS)
        row_iota = lax.broadcasted_iota(jnp.int32, (_NR, 1), 0).astype(
            jnp.float32)
        key = jnp.where(m > 0.0, fidx, -(row_iota + 1.0))
        ones = jnp.ones((_NR, 1), jnp.float32)
        keyrow = lax.dot_general(ones, key, (((1,), (1,)), ((), ())),
                                 precision=lax.Precision.HIGHEST,
                                 preferred_element_type=jnp.float32)
        ii = lax.broadcasted_iota(jnp.int32, (_NR, _NR), 0)
        jj = lax.broadcasted_iota(jnp.int32, (_NR, _NR), 1)
        later_dup = jnp.where((keyrow == key) & (jj > ii), 1.0, 0.0)
        loser = jnp.max(later_dup, axis=1, keepdims=True)
        v = jnp.maximum(iou, 0.0)
        corr = jnp.sum(m * (1.0 - loser) * ps[:, 4:5] * v)
        lobj = lobj + (c_ref[0, 0] - corr) / ncell
    loss = 0.05 * lcls + lobj + 0.5 * lbox
    o_ref[:, :] = jnp.broadcast_to(loss, (1, 1))


def _final(target, c0, c1, c2, ps0, ps1, ps2):
    return pl.pallas_call(
        _final_body,
        out_shape=jax.ShapeDtypeStruct((1, 1), jnp.float32),
    )(target, c0, c1, c2, ps0, ps1, ps2)


def kernel(pred0, pred1, pred2, target):
    views = [p.reshape(_NSL[s], _GRIDS[s], _NO)
             for s, p in enumerate((pred0, pred1, pred2))]
    idxs = [i.reshape(_NRP) for i in _prep(target)]
    ps0, ps1, ps2 = _sc_gather(*views, idxs)
    s0, s1, s2 = _obj_sums(pred0, pred1, pred2)
    out = _final(target, s0, s1, s2, ps0, ps1, ps2)
    return out.reshape(1)

# --- scband reference (transcript-rebuilt; emitter-appended) ---
"""Pipeline reference for scband-yolo-loss-13950053777818 (READ-ONLY COPY).

The authoritative reference and input builder live on the scoring server;
editing this copy changes nothing except your own understanding.
"""

import jax, jax.numpy as jnp
import numpy as np

NUM_CLASS = 80
NUM_ANC = 3
STRIDES = [32.0, 16.0, 8.0]
ANCHORS = [
    np.array([[116.0, 90.0], [156.0, 198.0], [373.0, 326.0]], dtype=np.float32),
    np.array([[30.0, 61.0], [62.0, 45.0], [59.0, 119.0]], dtype=np.float32),
    np.array([[10.0, 13.0], [16.0, 30.0], [33.0, 23.0]], dtype=np.float32),
]


def _bce_with_logits(x, z):
    # BCEWithLogitsLoss with pos_weight=1.0, mean reduction
    return jnp.mean(jnp.maximum(x, 0.0) - x * z + jnp.log1p(jnp.exp(-jnp.abs(x))))


def _bbox_iou_xywh(box1, box2, eps=1e-9):
    # box1: [4, n] (cx, cy, w, h), box2: [n, 4]
    box2 = box2.T
    b1_x1 = box1[0] - box1[2] / 2.0
    b1_x2 = box1[0] + box1[2] / 2.0
    b1_y1 = box1[1] - box1[3] / 2.0
    b1_y2 = box1[1] + box1[3] / 2.0
    b2_x1 = box2[0] - box2[2] / 2.0
    b2_x2 = box2[0] + box2[2] / 2.0
    b2_y1 = box2[1] - box2[3] / 2.0
    b2_y2 = box2[1] + box2[3] / 2.0
    iw = jnp.clip(jnp.minimum(b1_x2, b2_x2) - jnp.maximum(b1_x1, b2_x1), 0.0, None)
    ih = jnp.clip(jnp.minimum(b1_y2, b2_y2) - jnp.maximum(b1_y1, b2_y1), 0.0, None)
    inter = iw * ih
    w1, h1 = b1_x2 - b1_x1, b1_y2 - b1_y1
    w2, h2 = b2_x2 - b2_x1, b2_y2 - b2_y1
    union = w1 * h1 + w2 * h2 - inter + eps
    return inter / union


def _get_targets(pred_shapes, targets):
    nt = targets.shape[0]
    ai = jnp.tile(jnp.arange(NUM_ANC, dtype=jnp.float32)[:, None], (1, nt))
    t_all = jnp.concatenate([jnp.tile(targets[None, :, :], (NUM_ANC, 1, 1)), ai[:, :, None]], axis=2)
    tcls, tbox, tind, tanch, tmask = [], [], [], [], []
    for yi, shp in enumerate(pred_shapes):
        anchors = jnp.asarray(ANCHORS[yi], dtype=jnp.float32) / STRIDES[yi]
        gh, gw = shp[2], shp[3]
        gain = jnp.array([1.0, 1.0, gw, gh, gw, gh, 1.0], dtype=jnp.float32)
        t = t_all * gain
        if nt:
            r = t[:, :, 4:6] / anchors[:, None, :]
            j = jnp.max(jnp.maximum(r, 1.0 / r), axis=2) < 4.0
            t = t.reshape(NUM_ANC * nt, 7)
            m = j.reshape(NUM_ANC * nt)
        else:
            t = t[0]
            m = jnp.zeros((t.shape[0],), dtype=bool)
        b = t[:, 0].astype(jnp.int32)
        c = t[:, 1].astype(jnp.int32)
        gxy = t[:, 2:4]
        gwh = t[:, 4:6]
        gij = gxy.astype(jnp.int32)
        gi = jnp.clip(gij[:, 0], 0, gw - 1)
        gj = jnp.clip(gij[:, 1], 0, gh - 1)
        a = t[:, 6].astype(jnp.int32)
        tind.append((b, a, gj, gi))
        tbox.append(jnp.concatenate([gxy - gij.astype(jnp.float32), gwh], axis=1))
        tanch.append(anchors[a])
        tcls.append(c)
        tmask.append(m)
    return tcls, tbox, tind, tanch, tmask


def setup_inputs(seed: int = 0):
    key = jax.random.key(seed)
    ks = jax.random.split(key, 8)
    B = 16
    no = 5 + NUM_CLASS
    pred0 = jax.random.normal(ks[0], (B, 3, 19, 19, no), dtype=jnp.float32)
    pred1 = jax.random.normal(ks[1], (B, 3, 38, 38, no), dtype=jnp.float32)
    pred2 = jax.random.normal(ks[2], (B, 3, 76, 76, no), dtype=jnp.float32)
    N = 128
    bidx = jax.random.randint(ks[3], (N,), 0, B).astype(jnp.float32)
    cls = jax.random.randint(ks[4], (N,), 0, NUM_CLASS).astype(jnp.float32)
    xy = jax.random.uniform(ks[5], (N, 2), minval=0.05, maxval=0.95)
    wh = jax.random.uniform(ks[6], (N, 2), minval=0.02, maxval=0.35)
    target = jnp.concatenate([bidx[:, None], cls[:, None], xy, wh], axis=1).astype(jnp.float32)
    return {"pred0": pred0, "pred1": pred1, "pred2": pred2, "target": target}


def reference(pred0, pred1, pred2, target):
    preds = [pred0, pred1, pred2]
    tcls, tbox, tind, tanch, tmask = _get_targets([p.shape for p in preds], target)
    loss_class = jnp.zeros(())
    loss_object = jnp.zeros(())
    loss_box = jnp.zeros(())
    for i, p in enumerate(preds):
        b, a, gj, gi = tind[i]
        m = tmask[i]
        tobj = jnp.zeros_like(p[..., 0])
        n = int(b.shape[0])
        if n:
            mf = m.astype(jnp.float32)
            cnt = jnp.sum(mf)
            denom = jnp.maximum(cnt, 1.0)
            ps = p[b, a, gj, gi]
            pxy = jax.nn.sigmoid(ps[:, 0:2])
            pwh = jnp.exp(ps[:, 2:4]) * tanch[i]
            pbox = jnp.concatenate([pxy, pwh], axis=1)
            iou = _bbox_iou_xywh(pbox.T, tbox[i])
            loss_box = loss_box + jnp.sum(jnp.where(m, 1.0 - iou, 0.0)) / denom
            b_safe = jnp.where(m, b, p.shape[0])
            tobj = tobj.at[b_safe, a, gj, gi].set(
                jax.lax.stop_gradient(jnp.maximum(iou, 0.0)).astype(tobj.dtype), mode="drop"
            )
            if ps.shape[1] - 5 >= 1:
                tcls_oh = jnp.zeros_like(ps[:, 5:]).at[jnp.arange(n), tcls[i]].set(1.0)
                x = ps[:, 5:]
                e = jnp.maximum(x, 0.0) - x * tcls_oh + jnp.log1p(jnp.exp(-jnp.abs(x)))
                loss_class = loss_class + jnp.sum(jnp.where(m[:, None], e, 0.0)) / (denom * x.shape[1])
        loss_object = loss_object + _bce_with_logits(p[..., 4], tobj)
    loss = 0.05 * loss_class + 1.0 * loss_object + 0.5 * loss_box
    return jnp.reshape(loss, (1,))

if __name__ == "__main__":
    import jax
    _d = setup_inputs()
    print(jax.jit(kernel)(*tuple(_d.values())))

</pallas_src>

<mosaic_0001>
#map = affine_map<(d0, d1) -> (0, 0, 0)>
#map1 = affine_map<(d0, d1) -> (0)>
#map2 = affine_map<(d0, d1) -> (0, 0)>
module attributes {stable_mosaic.version = 14 : i64} {
  func.func @_sc_gather_body(%arg0: i32, %arg1: i32, %arg2: memref<912x19x85xf32, #tpu.memory_space<hbm>>, %arg3: memref<1824x38x85xf32, #tpu.memory_space<hbm>>, %arg4: memref<3648x76x85xf32, #tpu.memory_space<hbm>>, %arg5: memref<512xi32, #tpu.memory_space<hbm>>, %arg6: memref<512xi32, #tpu.memory_space<hbm>>, %arg7: memref<512xi32, #tpu.memory_space<hbm>>, %arg8: memref<512xi32, #tpu.memory_space<hbm>>, %arg9: memref<512xi32, #tpu.memory_space<hbm>>, %arg10: memref<512xi32, #tpu.memory_space<hbm>>, %arg11: memref<512x85xf32, #tpu.memory_space<hbm>>, %arg12: memref<512x85xf32, #tpu.memory_space<hbm>>, %arg13: memref<512x85xf32, #tpu.memory_space<hbm>>, %arg14: memref<16xi32, #tpu.memory_space<vmem>>, %arg15: memref<16xi32, #tpu.memory_space<vmem>>, %arg16: memref<16xi32, #tpu.memory_space<vmem>>, %arg17: memref<16xi32, #tpu.memory_space<vmem>>, %arg18: memref<16xi32, #tpu.memory_space<vmem>>, %arg19: memref<16xi32, #tpu.memory_space<vmem>>, %arg20: memref<16x85xf32, #tpu.memory_space<vmem>>, %arg21: memref<16x85xf32, #tpu.memory_space<vmem>>, %arg22: memref<16x85xf32, #tpu.memory_space<vmem>>, %arg23: memref<!tpu.dma_semaphore, #tpu.memory_space<semaphore_mem>>, %arg24: memref<!tpu.dma_semaphore, #tpu.memory_space<semaphore_mem>>, %arg25: memref<!tpu.dma_semaphore, #tpu.memory_space<semaphore_mem>>) attributes {dimension_semantics = [#tpu.dimension_semantics<core_parallel>, #tpu.dimension_semantics<subcore_parallel>], iteration_bounds = array<i64: 2, 16>, scalar_prefetch = 0 : i64, scratch_operands = 12 : i64, tpu.core_type = #tpu.core_type<sc_vector_subcore>, window_params = [{transform_indices = #map}, {transform_indices = #map}, {transform_indices = #map}, {transform_indices = #map1}, {transform_indices = #map1}, {transform_indices = #map1}, {transform_indices = #map1}, {transform_indices = #map1}, {transform_indices = #map1}, {transform_indices = #map2}, {transform_indices = #map2}, {transform_indices = #map2}]} {
    %mul3A = arith.constant 2 : i32
    %mul3A_0 = arith.muli %arg1, %mul3A : i32
    %add3A = arith.addi %mul3A_0, %arg0 : i32
    %mul3A_1 = arith.constant 16 : i32
    %mul3A_2 = arith.muli %add3A, %mul3A_1 : i32
    %lt3A = arith.constant 24 : i32
    %lt3A_3 = arith.cmpi slt, %add3A, %lt3A : i32
    %convert_element_type3A = arith.extui %lt3A_3 : i1 to i32
    %cond3A = arith.constant 0 : i32
    %cond3A_4 = arith.cmpi ne, %convert_element_type3A, %cond3A : i32
    scf.if %cond3A_4 {
      %dma_start3A = tpu.memref_slice %arg5[%mul3A_2] : memref<512xi32, #tpu.memory_space<hbm>> -> memref<16xi32, #tpu.memory_space<hbm>>
      %dma_start3A_5 = tpu.memref_slice %arg5[%mul3A_2] : memref<512xi32, #tpu.memory_space<hbm>> -> memref<16xi32, #tpu.memory_space<hbm>>
      tpu.enqueue_dma source(%dma_start3A_5 : memref<16xi32, #tpu.memory_space<hbm>>) target(%arg14 : memref<16xi32, #tpu.memory_space<vmem>>) target_semaphore(%arg23 : memref<!tpu.dma_semaphore, #tpu.memory_space<semaphore_mem>>)
      %dma_start3A_6 = tpu.memref_slice %arg6[%mul3A_2] : memref<512xi32, #tpu.memory_space<hbm>> -> memref<16xi32, #tpu.memory_space<hbm>>
      %dma_start3A_7 = tpu.memref_slice %arg6[%mul3A_2] : memref<512xi32, #tpu.memory_space<hbm>> -> memref<16xi32, #tpu.memory_space<hbm>>
      tpu.enqueue_dma source(%dma_start3A_7 : memref<16xi32, #tpu.memory_space<hbm>>) target(%arg17 : memref<16xi32, #tpu.memory_space<vmem>>) target_semaphore(%arg23 : memref<!tpu.dma_semaphore, #tpu.memory_space<semaphore_mem>>)
      %dma_start3A_8 = tpu.memref_slice %arg7[%mul3A_2] : memref<512xi32, #tpu.memory_space<hbm>> -> memref<16xi32, #tpu.memory_space<hbm>>
      %dma_start3A_9 = tpu.memref_slice %arg7[%mul3A_2] : memref<512xi32, #tpu.memory_space<hbm>> -> memref<16xi32, #tpu.memory_space<hbm>>
      tpu.enqueue_dma source(%dma_start3A_9 : memref<16xi32, #tpu.memory_space<hbm>>) target(%arg15 : memref<16xi32, #tpu.memory_space<vmem>>) target_semaphore(%arg23 : memref<!tpu.dma_semaphore, #tpu.memory_space<semaphore_mem>>)
      %dma_start3A_10 = tpu.memref_slice %arg8[%mul3A_2] : memref<512xi32, #tpu.memory_space<hbm>> -> memref<16xi32, #tpu.memory_space<hbm>>
      %dma_start3A_11 = tpu.memref_slice %arg8[%mul3A_2] : memref<512xi32, #tpu.memory_space<hbm>> -> memref<16xi32, #tpu.memory_space<hbm>>
      tpu.enqueue_dma source(%dma_start3A_11 : memref<16xi32, #tpu.memory_space<hbm>>) target(%arg18 : memref<16xi32, #tpu.memory_space<vmem>>) target_semaphore(%arg23 : memref<!tpu.dma_semaphore, #tpu.memory_space<semaphore_mem>>)
      %dma_start3A_12 = tpu.memref_slice %arg9[%mul3A_2] : memref<512xi32, #tpu.memory_space<hbm>> -> memref<16xi32, #tpu.memory_space<hbm>>
      %dma_start3A_13 = tpu.memref_slice %arg9[%mul3A_2] : memref<512xi32, #tpu.memory_space<hbm>> -> memref<16xi32, #tpu.memory_space<hbm>>
      tpu.enqueue_dma source(%dma_start3A_13 : memref<16xi32, #tpu.memory_space<hbm>>) target(%arg16 : memref<16xi32, #tpu.memory_space<vmem>>) target_semaphore(%arg23 : memref<!tpu.dma_semaphore, #tpu.memory_space<semaphore_mem>>)
      %dma_start3A_14 = tpu.memref_slice %arg10[%mul3A_2] : memref<512xi32, #tpu.memory_space<hbm>> -> memref<16xi32, #tpu.memory_space<hbm>>
      %dma_start3A_15 = tpu.memref_slice %arg10[%mul3A_2] : memref<512xi32, #tpu.memory_space<hbm>> -> memref<16xi32, #tpu.memory_space<hbm>>
      tpu.enqueue_dma source(%dma_start3A_15 : memref<16xi32, #tpu.memory_space<hbm>>) target(%arg19 : memref<16xi32, #tpu.memory_space<vmem>>) target_semaphore(%arg23 : memref<!tpu.dma_semaphore, #tpu.memory_space<semaphore_mem>>)
      %dma_wait3A = tpu.memref_slice %arg5[%mul3A_2] : memref<512xi32, #tpu.memory_space<hbm>> -> memref<16xi32, #tpu.memory_space<hbm>>
      %dma_wait3A_16 = tpu.memref_slice %arg5[%mul3A_2] : memref<512xi32, #tpu.memory_space<hbm>> -> memref<16xi32, #tpu.memory_space<hbm>>
      tpu.wait_dma2 semaphore(%arg23 : memref<!tpu.dma_semaphore, #tpu.memory_space<semaphore_mem>>) src(%dma_wait3A_16 : memref<16xi32, #tpu.memory_space<hbm>>) dst(%arg14 : memref<16xi32, #tpu.memory_space<vmem>>)
      %dma_wait3A_17 = tpu.memref_slice %arg6[%mul3A_2] : memref<512xi32, #tpu.memory_space<hbm>> -> memref<16xi32, #tpu.memory_space<hbm>>
      %dma_wait3A_18 = tpu.memref_slice %arg6[%mul3A_2] : memref<512xi32, #tpu.memory_space<hbm>> -> memref<16xi32, #tpu.memory_space<hbm>>
      tpu.wait_dma2 semaphore(%arg23 : memref<!tpu.dma_semaphore, #tpu.memory_space<semaphore_mem>>) src(%dma_wait3A_18 : memref<16xi32, #tpu.memory_space<hbm>>) dst(%arg17 : memref<16xi32, #tpu.memory_space<vmem>>)
      %dma_wait3A_19 = tpu.memref_slice %arg7[%mul3A_2] : memref<512xi32, #tpu.memory_space<hbm>> -> memref<16xi32, #tpu.memory_space<hbm>>
      %dma_wait3A_20 = tpu.memref_slice %arg7[%mul3A_2] : memref<512xi32, #tpu.memory_space<hbm>> -> memref<16xi32, #tpu.memory_space<hbm>>
      tpu.wait_dma2 semaphore(%arg23 : memref<!tpu.dma_semaphore, #tpu.memory_space<semaphore_mem>>) src(%dma_wait3A_20 : memref<16xi32, #tpu.memory_space<hbm>>) dst(%arg15 : memref<16xi32, #tpu.memory_space<vmem>>)
      %dma_wait3A_21 = tpu.memref_slice %arg8[%mul3A_2] : memref<512xi32, #tpu.memory_space<hbm>> -> memref<16xi32, #tpu.memory_space<hbm>>
      %dma_wait3A_22 = tpu.memref_slice %arg8[%mul3A_2] : memref<512xi32, #tpu.memory_space<hbm>> -> memref<16xi32, #tpu.memory_space<hbm>>
      tpu.wait_dma2 semaphore(%arg23 : memref<!tpu.dma_semaphore, #tpu.memory_space<semaphore_mem>>) src(%dma_wait3A_22 : memref<16xi32, #tpu.memory_space<hbm>>) dst(%arg18 : memref<16xi32, #tpu.memory_space<vmem>>)
      %dma_wait3A_23 = tpu.memref_slice %arg9[%mul3A_2] : memref<512xi32, #tpu.memory_space<hbm>> -> memref<16xi32, #tpu.memory_space<hbm>>
      %dma_wait3A_24 = tpu.memref_slice %arg9[%mul3A_2] : memref<512xi32, #tpu.memory_space<hbm>> -> memref<16xi32, #tpu.memory_space<hbm>>
      tpu.wait_dma2 semaphore(%arg23 : memref<!tpu.dma_semaphore, #tpu.memory_space<semaphore_mem>>) src(%dma_wait3A_24 : memref<16xi32, #tpu.memory_space<hbm>>) dst(%arg16 : memref<16xi32, #tpu.memory_space<vmem>>)
      %dma_wait3A_25 = tpu.memref_slice %arg10[%mul3A_2] : memref<512xi32, #tpu.memory_space<hbm>> -> memref<16xi32, #tpu.memory_space<hbm>>
      %dma_wait3A_26 = tpu.memref_slice %arg10[%mul3A_2] : memref<512xi32, #tpu.memory_space<hbm>> -> memref<16xi32, #tpu.memory_space<hbm>>
      tpu.wait_dma2 semaphore(%arg23 : memref<!tpu.dma_semaphore, #tpu.memory_space<semaphore_mem>>) src(%dma_wait3A_26 : memref<16xi32, #tpu.memory_space<hbm>>) dst(%arg19 : memref<16xi32, #tpu.memory_space<vmem>>)
      %get3A = arith.constant 0 : index
      %get3A_27 = tpu.vector_load %arg14[%get3A] {strides = array<i32>} : memref<16xi32, #tpu.memory_space<vmem>>, vector<16xi32>,
      %get3A_28 = vector.shape_cast %get3A_27 : vector<16xi32> to vector<16xi32>
      %get3A_29 = arith.constant 0 : index
      %get3A_30 = tpu.vector_load %arg17[%get3A_29] {strides = array<i32>} : memref<16xi32, #tpu.memory_space<vmem>>, vector<16xi32>,
      %get3A_31 = vector.shape_cast %get3A_30 : vector<16xi32> to vector<16xi32>
      %slice3A = vector.extract_strided_slice %get3A_28 {offsets = [0], sizes = [1], strides = [1]} : vector<16xi32> to vector<1xi32>
      %squeeze3A = vector.extract %slice3A[0] : i32 from vector<1xi32>
      %slice3A_32 = vector.extract_strided_slice %get3A_31 {offsets = [0], sizes = [1], strides = [1]} : vector<16xi32> to vector<1xi32>
      %squeeze3A_33 = vector.extract %slice3A_32[0] : i32 from vector<1xi32>
      %dma_start3A_34 = arith.constant 0 : i32
      %dma_start3A_35 = arith.constant 0 : i32
      %dma_start3A_36 = tpu.memref_slice %arg20[%dma_start3A_34, %dma_start3A_35] : memref<16x85xf32, #tpu.memory_space<vmem>> -> memref<1x85xf32, #tpu.memory_space<vmem>>
      %dma_start3A_37 = tpu.memref_squeeze %dma_start3A_36 : memref<1x85xf32, #tpu.memory_space<vmem>> -> memref<85xf32, #tpu.memory_space<vmem>>
      %dma_start3A_38 = arith.constant 0 : i32
      %dma_start3A_39 = tpu.memref_slice %arg2[%squeeze3A, %squeeze3A_33, %dma_start3A_38] : memref<912x19x85xf32, #tpu.memory_space<hbm>> -> memref<1x1x85xf32, #tpu.memory_space<hbm>>
      %dma_start3A_40 = tpu.memref_squeeze %dma_start3A_39 : memref<1x1x85xf32, #tpu.memory_space<hbm>> -> memref<85xf32, #tpu.memory_space<hbm>>
      %dma_start3A_41 = arith.constant 0 : i32
      %dma_start3A_42 = tpu.memref_slice %arg20[%dma_start3A_34, %dma_start3A_41] : memref<16x85xf32, #tpu.memory_space<vmem>> -> memref<1x85xf32, #tpu.memory_space<vmem>>
      %dma_start3A_43 = tpu.memref_squeeze %dma_start3A_42 : memref<1x85xf32, #tpu.memory_space<vmem>> -> memref<85xf32, #tpu.memory_space<vmem>>
      %dma_start3A_44 = arith.constant 0 : i32
      %dma_start3A_45 = tpu.memref_slice %arg2[%squeeze3A, %squeeze3A_33, %dma_start3A_44] : memref<912x19x85xf32, #tpu.memory_space<hbm>> -> memref<1x1x85xf32, #tpu.memory_space<hbm>>
      %dma_start3A_46 = tpu.memref_squeeze %dma_start3A_45 : memref<1x1x85xf32, #tpu.memory_space<hbm>> -> memref<85xf32, #tpu.memory_space<hbm>>
      tpu.enqueue_dma source(%dma_start3A_46 : memref<85xf32, #tpu.memory_space<hbm>>) target(%dma_start3A_43 : memref<85xf32, #tpu.memory_space<vmem>>) target_semaphore(%arg24 : memref<!tpu.dma_semaphore, #tpu.memory_space<semaphore_mem>>)
      %slice3A_47 = vector.extract_strided_slice %get3A_28 {offsets = [1], sizes = [1], strides = [1]} : vector<16xi32> to vector<1xi32>
      %squeeze3A_48 = vector.extract %slice3A_47[0] : i32 from vector<1xi32>
      %slice3A_49 = vector.extract_strided_slice %get3A_31 {offsets = [1], sizes = [1], strides = [1]} : vector<16xi32> to vector<1xi32>
      %squeeze3A_50 = vector.extract %slice3A_49[0] : i32 from vector<1xi32>
      %dma_start3A_51 = arith.constant 1 : i32
      %dma_start3A_52 = arith.constant 0 : i32
      %dma_start3A_53 = tpu.memref_slice %arg20[%dma_start3A_51, %dma_start3A_52] : memref<16x85xf32, #tpu.memory_space<vmem>> -> memref<1x85xf32, #tpu.memory_space<vmem>>
      %dma_start3A_54 = tpu.memref_squeeze %dma_start3A_53 : memref<1x85xf32, #tpu.memory_space<vmem>> -> memref<85xf32, #tpu.memory_space<vmem>>
      %dma_start3A_55 = arith.constant 0 : i32
      %dma_start3A_56 = tpu.memref_slice %arg2[%squeeze3A_48, %squeeze3A_50, %dma_start3A_55] : memref<912x19x85xf32, #tpu.memory_space<hbm>> -> memref<1x1x85xf32, #tpu.memory_space<hbm>>
      %dma_start3A_57 = tpu.memref_squeeze %dma_start3A_56 : memref<1x1x85xf32, #tpu.memory_space<hbm>> -> memref<85xf32, #tpu.memory_space<hbm>>
      %dma_start3A_58 = arith.constant 0 : i32
      %dma_start3A_59 = tpu.memref_slice %arg20[%dma_start3A_51, %dma_start3A_58] : memref<16x85xf32, #tpu.memory_space<vmem>> -> memref<1x85xf32, #tpu.memory_space<vmem>>
      %dma_start3A_60 = tpu.memref_squeeze %dma_start3A_59 : memref<1x85xf32, #tpu.memory_space<vmem>> -> memref<85xf32, #tpu.memory_space<vmem>>
      %dma_start3A_61 = arith.constant 0 : i32
      %dma_start3A_62 = tpu.memref_slice %arg2[%squeeze3A_48, %squeeze3A_50, %dma_start3A_61] : memref<912x19x85xf32, #tpu.memory_space<hbm>> -> memref<1x1x85xf32, #tpu.memory_space<hbm>>
      %dma_start3A_63 = tpu.memref_squeeze %dma_start3A_62 : memref<1x1x85xf32, #tpu.memory_space<hbm>> -> memref<85xf32, #tpu.memory_space<hbm>>
      tpu.enqueue_dma source(%dma_start3A_63 : memref<85xf32, #tpu.memory_space<hbm>>) target(%dma_start3A_60 : memref<85xf32, #tpu.memory_space<vmem>>) target_semaphore(%arg24 : memref<!tpu.dma_semaphore, #tpu.memory_space<semaphore_mem>>)
      %slice3A_64 = vector.extract_strided_slice %get3A_28 {offsets = [2], sizes = [1], strides = [1]} : vector<16xi32> to vector<1xi32>
      %squeeze3A_65 = vector.extract %slice3A_64[0] : i32 from vector<1xi32>
      %slice3A_66 = vector.extract_strided_slice %get3A_31 {offsets = [2], sizes = [1], strides = [1]} : vector<16xi32> to vector<1xi32>
      %squeeze3A_67 = vector.extract %slice3A_66[0] : i32 from vector<1xi32>
      %dma_start3A_68 = arith.constant 2 : i32
      %dma_start3A_69 = arith.constant 0 : i32
      %dma_start3A_70 = tpu.memref_slice %arg20[%dma_start3A_68, %dma_start3A_69] : memref<16x85xf32, #tpu.memory_space<vmem>> -> memref<1x85xf32, #tpu.memory_space<vmem>>
      %dma_start3A_71 = tpu.memref_squeeze %dma_start3A_70 : memref<1x85xf32, #tpu.memory_space<vmem>> -> memref<85xf32, #tpu.memory_space<vmem>>
      %dma_start3A_72 = arith.constant 0 : i32
      %dma_start3A_73 = tpu.memref_slice %arg2[%squeeze3A_65, %squeeze3A_67, %dma_start3A_72] : memref<912x19x85xf32, #tpu.memory_space<hbm>> -> memref<1x1x85xf32, #tpu.memory_space<hbm>>
      %dma_start3A_74 = tpu.memref_squeeze %dma_start3A_73 : memref<1x1x85xf32, #tpu.memory_space<hbm>> -> memref<85xf32, #tpu.memory_space<hbm>>
      %dma_start3A_75 = arith.constant 0 : i32
      %dma_start3A_76 = tpu.memref_slice %arg20[%dma_start3A_68, %dma_start3A_75] : memref<16x85xf32, #tpu.memory_space<vmem>> -> memref<1x85xf32, #tpu.memory_space<vmem>>
      %dma_start3A_77 = tpu.memref_squeeze %dma_start3A_76 : memref<1x85xf32, #tpu.memory_space<vmem>> -> memref<85xf32, #tpu.memory_space<vmem>>
      %dma_start3A_78 = arith.constant 0 : i32
      %dma_start3A_79 = tpu.memref_slice %arg2[%squeeze3A_65, %squeeze3A_67, %dma_start3A_78] : memref<912x19x85xf32, #tpu.memory_space<hbm>> -> memref<1x1x85xf32, #tpu.memory_space<hbm>>
      %dma_start3A_80 = tpu.memref_squeeze %dma_start3A_79 : memref<1x1x85xf32, #tpu.memory_space<hbm>> -> memref<85xf32, #tpu.memory_space<hbm>>
      tpu.enqueue_dma source(%dma_start3A_80 : memref<85xf32, #tpu.memory_space<hbm>>) target(%dma_start3A_77 : memref<85xf32, #tpu.memory_space<vmem>>) target_semaphore(%arg24 : memref<!tpu.dma_semaphore, #tpu.memory_space<semaphore_mem>>)
      %slice3A_81 = vector.extract_strided_slice %get3A_28 {offsets = [3], sizes = [1], strides = [1]} : vector<16xi32> to vector<1xi32>
      %squeeze3A_82 = vector.extract %slice3A_81[0] : i32 from vector<1xi32>
      %slice3A_83 = vector.extract_strided_slice %get3A_31 {offsets = [3], sizes = [1], strides = [1]} : vector<16xi32> to vector<1xi32>
      %squeeze3A_84 = vector.extract %slice3A_83[0] : i32 from vector<1xi32>
      %dma_start3A_85 = arith.constant 3 : i32
      %dma_start3A_86 = arith.constant 0 : i32
      %dma_start3A_87 = tpu.memref_slice %arg20[%dma_start3A_85, %dma_start3A_86] : memref<16x85xf32, #tpu.memory_space<vmem>> -> memref<1x85xf32, #tpu.memory_space<vmem>>
      %dma_start3A_88 = tpu.memref_squeeze %dma_start3A_87 : memref<1x85xf32, #tpu.memory_space<vmem>> -> memref<85xf32, #tpu.memory_space<vmem>>
      %dma_start3A_89 = arith.constant 0 : i32
      %dma_start3A_90 = tpu.memref_slice %arg2[%squeeze3A_82, %squeeze3A_84, %dma_start3A_89] : memref<912x19x85xf32, #tpu.memory_space<hbm>> -> memref<1x1x85xf32, #tpu.memory_space<hbm>>
      %dma_start3A_91 = tpu.memref_squeeze %dma_start3A_90 : memref<1x1x85xf32, #tpu.memory_space<hbm>> -> memref<85xf32, #tpu.memory_space<hbm>>
      %dma_start3A_92 = arith.constant 0 : i32
      %dma_start3A_93 = tpu.memref_slice %arg20[%dma_start3A_85, %dma_start3A_92] : memref<16x85xf32, #tpu.memory_space<vmem>> -> memref<1x85xf32, #tpu.memory_space<vmem>>
      %dma_start3A_94 = tpu.memref_squeeze %dma_start3A_93 : memref<1x85xf32, #tpu.memory_space<vmem>> -> memref<85xf32, #tpu.memory_space<vmem>>
      %dma_start3A_95 = arith.constant 0 : i32
      %dma_start3A_96 = tpu.memref_slice %arg2[%squeeze3A_82, %squeeze3A_84, %dma_start3A_95] : memref<912x19x85xf32, #tpu.memory_space<hbm>> -> memref<1x1x85xf32, #tpu.memory_space<hbm>>
      %dma_start3A_97 = tpu.memref_squeeze %dma_start3A_96 : memref<1x1x85xf32, #tpu.memory_space<hbm>> -> memref<85xf32, #tpu.memory_space<hbm>>
      tpu.enqueue_dma source(%dma_start3A_97 : memref<85xf32, #tpu.memory_space<hbm>>) target(%dma_start3A_94 : memref<85xf32, #tpu.memory_space<vmem>>) target_semaphore(%arg24 : memref<!tpu.dma_semaphore, #tpu.memory_space<semaphore_mem>>)
      %slice3A_98 = vector.extract_strided_slice %get3A_28 {offsets = [4], sizes = [1], strides = [1]} : vector<16xi32> to vector<1xi32>
      %squeeze3A_99 = vector.extract %slice3A_98[0] : i32 from vector<1xi32>
      %slice3A_100 = vector.extract_strided_slice %get3A_31 {offsets = [4], sizes = [1], strides = [1]} : vector<16xi32> to vector<1xi32>
      %squeeze3A_101 = vector.extract %slice3A_100[0] : i32 from vector<1xi32>
      %dma_start3A_102 = arith.constant 4 : i32
      %dma_start3A_103 = arith.constant 0 : i32
      %dma_start3A_104 = tpu.memref_slice %arg20[%dma_start3A_102, %dma_start3A_103] : memref<16x85xf32, #tpu.memory_space<vmem>> -> memref<1x85xf32, #tpu.memory_space<vmem>>
      %dma_start3A_105 = tpu.memref_squeeze %dma_start3A_104 : memref<1x85xf32, #tpu.memory_space<vmem>> -> memref<85xf32, #tpu.memory_space<vmem>>
      %dma_start3A_106 = arith.constant 0 : i32
      %dma_start3A_107 = tpu.memref_slice %arg2[%squeeze3A_99, %squeeze3A_101, %dma_start3A_106] : memref<912x19x85xf32, #tpu.memory_space<hbm>> -> memref<1x1x85xf32, #tpu.memory_space<hbm>>
      %dma_start3A_108 = tpu.memref_squeeze %dma_start3A_107 : memref<1x1x85xf32, #tpu.memory_space<hbm>> -> memref<85xf32, #tpu.memory_space<hbm>>
      %dma_start3A_109 = arith.constant 0 : i32
      %dma_start3A_110 = tpu.memref_slice %arg20[%dma_start3A_102, %dma_start3A_109] : memref<16x85xf32, #tpu.memory_space<vmem>> -> memref<1x85xf32, #tpu.memory_space<vmem>>
      %dma_start3A_111 = tpu.memref_squeeze %dma_start3A_110 : memref<1x85xf32, #tpu.memory_space<vmem>> -> memref<85xf32, #tpu.memory_space<vmem>>
      %dma_start3A_112 = arith.constant 0 : i32
      %dma_start3A_113 = tpu.memref_slice %arg2[%squeeze3A_99, %squeeze3A_101, %dma_start3A_112] : memref<912x19x85xf32, #tpu.memory_space<hbm>> -> memref<1x1x85xf32, #tpu.memory_space<hbm>>
      %dma_start3A_114 = tpu.memref_squeeze %dma_start3A_113 : memref<1x1x85xf32, #tpu.memory_space<hbm>> -> memref<85xf32, #tpu.memory_space<hbm>>
      tpu.enqueue_dma source(%dma_start3A_114 : memref<85xf32, #tpu.memory_space<hbm>>) target(%dma_start3A_111 : memref<85xf32, #tpu.memory_space<vmem>>) target_semaphore(%arg24 : memref<!tpu.dma_semaphore, #tpu.memory_space<semaphore_mem>>)
      %slice3A_115 = vector.extract_strided_slice %get3A_28 {offsets = [5], sizes = [1], strides = [1]} : vector<16xi32> to vector<1xi32>
      %squeeze3A_116 = vector.extract %slice3A_115[0] : i32 from vector<1xi32>
      %slice3A_117 = vector.extract_strided_slice %get3A_31 {offsets = [5], sizes = [1], strides = [1]} : vector<16xi32> to vector<1xi32>
      %squeeze3A_118 = vector.extract %slice3A_117[0] : i32 from vector<1xi32>
      %dma_start3A_119 = arith.constant 5 : i32
      %dma_start3A_120 = arith.constant 0 : i32
      %dma_start3A_121 = tpu.memref_slice %arg20[%dma_start3A_119, %dma_start3A_120] : memref<16x85xf32, #tpu.memory_space<vmem>> -> memref<1x85xf32, #tpu.memory_space<vmem>>
      %dma_start3A_122 = tpu.memref_squeeze %dma_start3A_121 : memref<1x85xf32, #tpu.memory_space<vmem>> -> memref<85xf32, #tpu.memory_space<vmem>>
      %dma_start3A_123 = arith.constant 0 : i32
      %dma_start3A_124 = tpu.memref_slice %arg2[%squeeze3A_116, %squeeze3A_118, %dma_start3A_123] : memref<912x19x85xf32, #tpu.memory_space<hbm>> -> memref<1x1x85xf32, #tpu.memory_space<hbm>>
      %dma_start3A_125 = tpu.memref_squeeze %dma_start3A_124 : memref<1x1x85xf32, #tpu.memory_space<hbm>> -> memref<85xf32, #tpu.memory_space<hbm>>
      %dma_start3A_126 = arith.constant 0 : i32
      %dma_start3A_127 = tpu.memref_slice %arg20[%dma_start3A_119, %dma_start3A_126] : memref<16x85xf32, #tpu.memory_space<vmem>> -> memref<1x85xf32, #tpu.memory_space<vmem>>
      %dma_start3A_128 = tpu.memref_squeeze %dma_start3A_127 : memref<1x85xf32, #tpu.memory_space<vmem>> -> memref<85xf32, #tpu.memory_space<vmem>>
      %dma_start3A_129 = arith.constant 0 : i32
      %dma_start3A_130 = tpu.memref_slice %arg2[%squeeze3A_116, %squeeze3A_118, %dma_start3A_129] : memref<912x19x85xf32, #tpu.memory_space<hbm>> -> memref<1x1x85xf32, #tpu.memory_space<hbm>>
      %dma_start3A_131 = tpu.memref_squeeze %dma_start3A_130 : memref<1x1x85xf32, #tpu.memory_space<hbm>> -> memref<85xf32, #tpu.memory_space<hbm>>
      tpu.enqueue_dma source(%dma_start3A_131 : memref<85xf32, #tpu.memory_space<hbm>>) target(%dma_start3A_128 : memref<85xf32, #tpu.memory_space<vmem>>) target_semaphore(%arg24 : memref<!tpu.dma_semaphore, #tpu.memory_space<semaphore_mem>>)
      %slice3A_132 = vector.extract_strided_slice %get3A_28 {offsets = [6], sizes = [1], strides = [1]} : vector<16xi32> to vector<1xi32>
      %squeeze3A_133 = vector.extract %slice3A_132[0] : i32 from vector<1xi32>
      %slice3A_134 = vector.extract_strided_slice %get3A_31 {offsets = [6], sizes = [1], strides = [1]} : vector<16xi32> to vector<1xi32>
      %squeeze3A_135 = vector.extract %slice3A_134[0] : i32 from vector<1xi32>
      %dma_start3A_136 = arith.constant 6 : i32
      %dma_start3A_137 = arith.constant 0 : i32
      %dma_start3A_138 = tpu.memref_slice %arg20[%dma_start3A_136, %dma_start3A_137] : memref<16x85xf32, #tpu.memory_space<vmem>> -> memref<1x85xf32, #tpu.memory_space<vmem>>
      %dma_start3A_139 = tpu.memref_squeeze %dma_start3A_138 : memref<1x85xf32, #tpu.memory_space<vmem>> -> memref<85xf32, #tpu.memory_space<vmem>>
      %dma_start3A_140 = arith.constant 0 : i32
      %dma_start3A_141 = tpu.memref_slice %arg2[%squeeze3A_133, %squeeze3A_135, %dma_start3A_140] : memref<912x19x85xf32, #tpu.memory_space<hbm>> -> memref<1x1x85xf32, #tpu.memory_space<hbm>>
      %dma_start3A_142 = tpu.memref_squeeze %dma_start3A_141 : memref<1x1x85xf32, #tpu.memory_space<hbm>> -> memref<85xf32, #tpu.memory_space<hbm>>
      %dma_start3A_143 = arith.constant 0 : i32
      %dma_start3A_144 = tpu.memref_slice %arg20[%dma_start3A_136, %dma_start3A_143] : memref<16x85xf32, #tpu.memory_space<vmem>> -> memref<1x85xf32, #tpu.memory_space<vmem>>
      %dma_start3A_145 = tpu.memref_squeeze %dma_start3A_144 : memref<1x85xf32, #tpu.memory_space<vmem>> -> memref<85xf32, #tpu.memory_space<vmem>>
      %dma_start3A_146 = arith.constant 0 : i32
      %dma_start3A_147 = tpu.memref_slice %arg2[%squeeze3A_133, %squeeze3A_135, %dma_start3A_146] : memref<912x19x85xf32, #tpu.memory_space<hbm>> -> memref<1x1x85xf32, #tpu.memory_space<hbm>>
      %dma_start3A_148 = tpu.memref_squeeze %dma_start3A_147 : memref<1x1x85xf32, #tpu.memory_space<hbm>> -> memref<85xf32, #tpu.memory_space<hbm>>
      tpu.enqueue_dma source(%dma_start3A_148 : memref<85xf32, #tpu.memory_space<hbm>>) target(%dma_start3A_145 : memref<85xf32, #tpu.memory_space<vmem>>) target_semaphore(%arg24 : memref<!tpu.dma_semaphore, #tpu.memory_space<semaphore_mem>>)
      %slice3A_149 = vector.extract_strided_slice %get3A_28 {offsets = [7], sizes = [1], strides = [1]} : vector<16xi32> to vector<1xi32>
      %squeeze3A_150 = vector.extract %slice3A_149[0] : i32 from vector<1xi32>
      %slice3A_151 = vector.extract_strided_slice %get3A_31 {offsets = [7], sizes = [1], strides = [1]} : vector<16xi32> to vector<1xi32>
      %squeeze3A_152 = vector.extract %slice3A_151[0] : i32 from vector<1xi32>
      %dma_start3A_153 = arith.constant 7 : i32
      %dma_start3A_154 = arith.constant 0 : i32
      %dma_start3A_155 = tpu.memref_slice %arg20[%dma_start3A_153, %dma_start3A_154] : memref<16x85xf32, #tpu.memory_space<vmem>> -> memref<1x85xf32, #tpu.memory_space<vmem>>
      %dma_start3A_156 = tpu.memref_squeeze %dma_start3A_155 : memref<1x85xf32, #tpu.memory_space<vmem>> -> memref<85xf32, #tpu.memory_space<vmem>>
      %dma_start3A_157 = arith.constant 0 : i32
      %dma_start3A_158 = tpu.memref_slice %arg2[%squeeze3A_150, %squeeze3A_152, %dma_start3A_157] : memref<912x19x85xf32, #tpu.memory_space<hbm>> -> memref<1x1x85xf32, #tpu.memory_space<hbm>>
      %dma_start3A_159 = tpu.memref_squeeze %dma_start3A_158 : memref<1x1x85xf32, #tpu.memory_space<hbm>> -> memref<85xf32, #tpu.memory_space<hbm>>
      %dma_start3A_160 = arith.constant 0 : i32
      %dma_start3A_161 = tpu.memref_slice %arg20[%dma_start3A_153, %dma_start3A_160] : memref<16x85xf32, #tpu.memory_space<vmem>> -> memref<1x85xf32, #tpu.memory_space<vmem>>
      %dma_start3A_162 = tpu.memref_squeeze %dma_start3A_161 : memref<1x85xf32, #tpu.memory_space<vmem>> -> memref<85xf32, #tpu.memory_space<vmem>>
      %dma_start3A_163 = arith.constant 0 : i32
      %dma_start3A_164 = tpu.memref_slice %arg2[%squeeze3A_150, %squeeze3A_152, %dma_start3A_163] : memref<912x19x85xf32, #tpu.memory_space<hbm>> -> memref<1x1x85xf32, #tpu.memory_space<hbm>>
      %dma_start3A_165 = tpu.memref_squeeze %dma_start3A_164 : memref<1x1x85xf32, #tpu.memory_space<hbm>> -> memref<85xf32, #tpu.memory_space<hbm>>
      tpu.enqueue_dma source(%dma_start3A_165 : memref<85xf32, #tpu.memory_space<hbm>>) target(%dma_start3A_162 : memref<85xf32, #tpu.memory_space<vmem>>) target_semaphore(%arg24 : memref<!tpu.dma_semaphore, #tpu.memory_space<semaphore_mem>>)
      %slice3A_166 = vector.extract_strided_slice %get3A_28 {offsets = [8], sizes = [1], strides = [1]} : vector<16xi32> to vector<1xi32>
      %squeeze3A_167 = vector.extract %slice3A_166[0] : i32 from vector<1xi32>
      %slice3A_168 = vector.extract_strided_slice %get3A_31 {offsets = [8], sizes = [1], strides = [1]} : vector<16xi32> to vector<1xi32>
      %squeeze3A_169 = vector.extract %slice3A_168[0] : i32 from vector<1xi32>
      %dma_start3A_170 = arith.constant 8 : i32
      %dma_start3A_171 = arith.constant 0 : i32
      %dma_start3A_172 = tpu.memref_slice %arg20[%dma_start3A_170, %dma_start3A_171] : memref<16x85xf32, #tpu.memory_space<vmem>> -> memref<1x85xf32, #tpu.memory_space<vmem>>
      %dma_start3A_173 = tpu.memref_squeeze %dma_start3A_172 : memref<1x85xf32, #tpu.memory_space<vmem>> -> memref<85xf32, #tpu.memory_space<vmem>>
      %dma_start3A_174 = arith.constant 0 : i32
      %dma_start3A_175 = tpu.memref_slice %arg2[%squeeze3A_167, %squeeze3A_169, %dma_start3A_174] : memref<912x19x85xf32, #tpu.memory_space<hbm>> -> memref<1x1x85xf32, #tpu.memory_space<hbm>>
      %dma_start3A_176 = tpu.memref_squeeze %dma_start3A_175 : memref<1x1x85xf32, #tpu.memory_space<hbm>> -> memref<85xf32, #tpu.memory_space<hbm>>
      %dma_start3A_177 = arith.constant 0 : i32
      %dma_start3A_178 = tpu.memref_slice %arg20[%dma_start3A_170, %dma_start3A_177] : memref<16x85xf32, #tpu.memory_space<vmem>> -> memref<1x85xf32, #tpu.memory_space<vmem>>
      %dma_start3A_179 = tpu.memref_squeeze %dma_start3A_178 : memref<1x85xf32, #tpu.memory_space<vmem>> -> memref<85xf32, #tpu.memory_space<vmem>>
      %dma_start3A_180 = arith.constant 0 : i32
      %dma_start3A_181 = tpu.memref_slice %arg2[%squeeze3A_167, %squeeze3A_169, %dma_start3A_180] : memref<912x19x85xf32, #tpu.memory_space<hbm>> -> memref<1x1x85xf32, #tpu.memory_space<hbm>>
      %dma_start3A_182 = tpu.memref_squeeze %dma_start3A_181 : memref<1x1x85xf32, #tpu.memory_space<hbm>> -> memref<85xf32, #tpu.memory_space<hbm>>
      tpu.enqueue_dma source(%dma_start3A_182 : memref<85xf32, #tpu.memory_space<hbm>>) target(%dma_start3A_179 : memref<85xf32, #tpu.memory_space<vmem>>) target_semaphore(%arg24 : memref<!tpu.dma_semaphore, #tpu.memory_space<semaphore_mem>>)
      %slice3A_183 = vector.extract_strided_slice %get3A_28 {offsets = [9], sizes = [1], strides = [1]} : vector<16xi32> to vector<1xi32>
      %squeeze3A_184 = vector.extract %slice3A_183[0] : i32 from vector<1xi32>
      %slice3A_185 = vector.extract_strided_slice %get3A_31 {offsets = [9], sizes = [1], strides = [1]} : vector<16xi32> to vector<1xi32>
      %squeeze3A_186 = vector.extract %slice3A_185[0] : i32 from vector<1xi32>
      %dma_start3A_187 = arith.constant 9 : i32
      %dma_start3A_188 = arith.constant 0 : i32
      %dma_start3A_189 = tpu.memref_slice %arg20[%dma_start3A_187, %dma_start3A_188] : memref<16x85xf32, #tpu.memory_space<vmem>> -> memref<1x85xf32, #tpu.memory_space<vmem>>
      %dma_start3A_190 = tpu.memref_squeeze %dma_start3A_189 : memref<1x85xf32, #tpu.memory_space<vmem>> -> memref<85xf32, #tpu.memory_space<vmem>>
      %dma_start3A_191 = arith.constant 0 : i32
      %dma_start3A_192 = tpu.memref_slice %arg2[%squeeze3A_184, %squeeze3A_186, %dma_start3A_191] : memref<912x19x85xf32, #tpu.memory_space<hbm>> -> memref<1x1x85xf32, #tpu.memory_space<hbm>>
      %dma_start3A_193 = tpu.memref_squeeze %dma_start3A_192 : memref<1x1x85xf32, #tpu.memory_space<hbm>> -> memref<85xf32, #tpu.memory_space<hbm>>
      %dma_start3A_194 = arith.constant 0 : i32
      %dma_start3A_195 = tpu.memref_slice %arg20[%dma_start3A_187, %dma_start3A_194] : memref<16x85xf32, #tpu.memory_space<vmem>> -> memref<1x85xf32, #tpu.memory_space<vmem>>
      %dma_start3A_196 = tpu.memref_squeeze %dma_start3A_195 : memref<1x85xf32, #tpu.memory_space<vmem>> -> memref<85xf32, #tpu.memory_space<vmem>>
      %dma_start3A_197 = arith.constant 0 : i32
      %dma_start3A_198 = tpu.memref_slice %arg2[%squeeze3A_184, %squeeze3A_186, %dma_start3A_197] : memref<912x19x85xf32, #tpu.memory_space<hbm>> -> memref<1x1x85xf32, #tpu.memory_space<hbm>>
      %dma_start3A_199 = tpu.memref_squeeze %dma_start3A_198 : memref<1x1x85xf32, #tpu.memory_space<hbm>> -> memref<85xf32, #tpu.memory_space<hbm>>
      tpu.enqueue_dma source(%dma_start3A_199 : memref<85xf32, #tpu.memory_space<hbm>>) target(%dma_start3A_196 : memref<85xf32, #tpu.memory_space<vmem>>) target_semaphore(%arg24 : memref<!tpu.dma_semaphore, #tpu.memory_space<semaphore_mem>>)
      %slice3A_200 = vector.extract_strided_slice %get3A_28 {offsets = [10], sizes = [1], strides = [1]} : vector<16xi32> to vector<1xi32>
      %squeeze3A_201 = vector.extract %slice3A_200[0] : i32 from vector<1xi32>
      %slice3A_202 = vector.extract_strided_slice %get3A_31 {offsets = [10], sizes = [1], strides = [1]} : vector<16xi32> to vector<1xi32>
      %squeeze3A_203 = vector.extract %slice3A_202[0] : i32 from vector<1xi32>
      %dma_start3A_204 = arith.constant 10 : i32
      %dma_start3A_205 = arith.constant 0 : i32
      %dma_start3A_206 = tpu.memref_slice %arg20[%dma_start3A_204, %dma_start3A_205] : memref<16x85xf32, #tpu.memory_space<vmem>> -> memref<1x85xf32, #tpu.memory_space<vmem>>
      %dma_start3A_207 = tpu.memref_squeeze %dma_start3A_206 : memref<1x85xf32, #tpu.memory_space<vmem>> -> memref<85xf32, #tpu.memory_space<vmem>>
      %dma_start3A_208 = arith.constant 0 : i32
      %dma_start3A_209 = tpu.memref_slice %arg2[%squeeze3A_201, %squeeze3A_203, %dma_start3A_208] : memref<912x19x85xf32, #tpu.memory_space<hbm>> -> memref<1x1x85xf32, #tpu.memory_space<hbm>>
      %dma_start3A_210 = tpu.memref_squeeze %dma_start3A_209 : memref<1x1x85xf32, #tpu.memory_space<hbm>> -> memref<85xf32, #tpu.memory_space<hbm>>
      %dma_start3A_211 = arith.constant 0 : i32
      %dma_start3A_212 = tpu.memref_slice %arg20[%dma_start3A_204, %dma_start3A_211] : memref<16x85xf32, #tpu.memory_space<vmem>> -> memref<1x85xf32, #tpu.memory_space<vmem>>
      %dma_start3A_213 = tpu.memref_squeeze %dma_start3A_212 : memref<1x85xf32, #tpu.memory_space<vmem>> -> memref<85xf32, #tpu.memory_space<vmem>>
      %dma_start3A_214 = arith.constant 0 : i32
      %dma_start3A_215 = tpu.memref_slice %arg2[%squeeze3A_201, %squeeze3A_203, %dma_start3A_214] : memref<912x19x85xf32, #tpu.memory_space<hbm>> -> memref<1x1x85xf32, #tpu.memory_space<hbm>>
      %dma_start3A_216 = tpu.memref_squeeze %dma_start3A_215 : memref<1x1x85xf32, #tpu.memory_space<hbm>> -> memref<85xf32, #tpu.memory_space<hbm>>
      tpu.enqueue_dma source(%dma_start3A_216 : memref<85xf32, #tpu.memory_space<hbm>>) target(%dma_start3A_213 : memref<85xf32, #tpu.memory_space<vmem>>) target_semaphore(%arg24 : memref<!tpu.dma_semaphore, #tpu.memory_space<semaphore_mem>>)
      %slice3A_217 = vector.extract_strided_slice %get3A_28 {offsets = [11], sizes = [1], strides = [1]} : vector<16xi32> to vector<1xi32>
      %squeeze3A_218 = vector.extract %slice3A_217[0] : i32 from vector<1xi32>
      %slice3A_219 = vector.extract_strided_slice %get3A_31 {offsets = [11], sizes = [1], strides = [1]} : vector<16xi32> to vector<1xi32>
      %squeeze3A_220 = vector.extract %slice3A_219[0] : i32 from vector<1xi32>
      %dma_start3A_221 = arith.constant 11 : i32
      %dma_start3A_222 = arith.constant 0 : i32
      %dma_start3A_223 = tpu.memref_slice %arg20[%dma_start3A_221, %dma_start3A_222] : memref<16x85xf32, #tpu.memory_space<vmem>> -> memref<1x85xf32, #tpu.memory_space<vmem>>
      %dma_start3A_224 = tpu.memref_squeeze %dma_start3A_223 : memref<1x85xf32, #tpu.memory_space<vmem>> -> memref<85xf32, #tpu.memory_space<vmem>>
      %dma_start3A_225 = arith.constant 0 : i32
      %dma_start3A_226 = tpu.memref_slice %arg2[%squeeze3A_218, %squeeze3A_220, %dma_start3A_225] : memref<912x19x85xf32, #tpu.memory_space<hbm>> -> memref<1x1x85xf32, #tpu.memory_space<hbm>>
      %dma_start3A_227 = tpu.memref_squeeze %dma_start3A_226 : memref<1x1x85xf32, #tpu.memory_space<hbm>> -> memref<85xf32, #tpu.memory_space<hbm>>
      %dma_start3A_228 = arith.constant 0 : i32
      %dma_start3A_229 = tpu.memref_slice %arg20[%dma_start3A_221, %dma_start3A_228] : memref<16x85xf32, #tpu.memory_space<vmem>> -> memref<1x85xf32, #tpu.memory_space<vmem>>
      %dma_start3A_230 = tpu.memref_squeeze %dma_start3A_229 : memref<1x85xf32, #tpu.memory_space<vmem>> -> memref<85xf32, #tpu.memory_space<vmem>>
      %dma_start3A_231 = arith.constant 0 : i32
      %dma_start3A_232 = tpu.memref_slice %arg2[%squeeze3A_218, %squeeze3A_220, %dma_start3A_231] : memref<912x19x85xf32, #tpu.memory_space<hbm>> -> memref<1x1x85xf32, #tpu.memory_space<hbm>>
      %dma_start3A_233 = tpu.memref_squeeze %dma_start3A_232 : memref<1x1x85xf32, #tpu.memory_space<hbm>> -> memref<85xf32, #tpu.memory_space<hbm>>
      tpu.enqueue_dma source(%dma_start3A_233 : memref<85xf32, #tpu.memory_space<hbm>>) target(%dma_start3A_230 : memref<85xf32, #tpu.memory_space<vmem>>) target_semaphore(%arg24 : memref<!tpu.dma_semaphore, #tpu.memory_space<semaphore_mem>>)
      %slice3A_234 = vector.extract_strided_slice %get3A_28 {offsets = [12], sizes = [1], strides = [1]} : vector<16xi32> to vector<1xi32>
      %squeeze3A_235 = vector.extract %slice3A_234[0] : i32 from vector<1xi32>
      %slice3A_236 = vector.extract_strided_slice %get3A_31 {offsets = [12], sizes = [1], strides = [1]} : vector<16xi32> to vector<1xi32>
      %squeeze3A_237 = vector.extract %slice3A_236[0] : i32 from vector<1xi32>
      %dma_start3A_238 = arith.constant 12 : i32
      %dma_start3A_239 = arith.constant 0 : i32
      %dma_start3A_240 = tpu.memref_slice %arg20[%dma_start3A_238, %dma_start3A_239] : memref<16x85xf32, #tpu.memory_space<vmem>> -> memref<1x85xf32, #tpu.memory_space<vmem>>
      %dma_start3A_241 = tpu.memref_squeeze %dma_start3A_240 : memref<1x85xf32, #tpu.memory_space<vmem>> -> memref<85xf32, #tpu.memory_space<vmem>>
      %dma_start3A_242 = arith.constant 0 : i32
      %dma_start3A_243 = tpu.memref_slice %arg2[%squeeze3A_235, %squeeze3A_237, %dma_start3A_242] : memref<912x19x85xf32, #tpu.memory_space<hbm>> -> memref<1x1x85xf32, #tpu.memory_space<hbm>>
      %dma_start3A_244 = tpu.memref_squeeze %dma_start3A_243 : memref<1x1x85xf32, #tpu.memory_space<hbm>> -> memref<85xf32, #tpu.memory_space<hbm>>
      %dma_start3A_245 = arith.constant 0 : i32
      %dma_start3A_246 = tpu.memref_slice %arg20[%dma_start3A_238, %dma_start3A_245] : memref<16x85xf32, #tpu.memory_space<vmem>> -> memref<1x85xf32, #tpu.memory_space<vmem>>
      %dma_start3A_247 = tpu.memref_squeeze %dma_start3A_246 : memref<1x85xf32, #tpu.memory_space<vmem>> -> memref<85xf32, #tpu.memory_space<vmem>>
      %dma_start3A_248 = arith.constant 0 : i32
      %dma_start3A_249 = tpu.memref_slice %arg2[%squeeze3A_235, %squeeze3A_237, %dma_start3A_248] : memref<912x19x85xf32, #tpu.memory_space<hbm>> -> memref<1x1x85xf32, #tpu.memory_space<hbm>>
      %dma_start3A_250 = tpu.memref_squeeze %dma_start3A_249 : memref<1x1x85xf32, #tpu.memory_space<hbm>> -> memref<85xf32, #tpu.memory_space<hbm>>
      tpu.enqueue_dma source(%dma_start3A_250 : memref<85xf32, #tpu.memory_space<hbm>>) target(%dma_start3A_247 : memref<85xf32, #tpu.memory_space<vmem>>) target_semaphore(%arg24 : memref<!tpu.dma_semaphore, #tpu.memory_space<semaphore_mem>>)
      %slice3A_251 = vector.extract_strided_slice %get3A_28 {offsets = [13], sizes = [1], strides = [1]} : vector<16xi32> to vector<1xi32>
      %squeeze3A_252 = vector.extract %slice3A_251[0] : i32 from vector<1xi32>
      %slice3A_253 = vector.extract_strided_slice %get3A_31 {offsets = [13], sizes = [1], strides = [1]} : vector<16xi32> to vector<1xi32>
      %squeeze3A_254 = vector.extract %slice3A_253[0] : i32 from vector<1xi32>
      %dma_start3A_255 = arith.constant 13 : i32
      %dma_start3A_256 = arith.constant 0 : i32
      %dma_start3A_257 = tpu.memref_slice %arg20[%dma_start3A_255, %dma_start3A_256] : memref<16x85xf32, #tpu.memory_space<vmem>> -> memref<1x85xf32, #tpu.memory_space<vmem>>
      %dma_start3A_258 = tpu.memref_squeeze %dma_start3A_257 : memref<1x85xf32, #tpu.memory_space<vmem>> -> memref<85xf32, #tpu.memory_space<vmem>>
      %dma_start3A_259 = arith.constant 0 : i32
      %dma_start3A_260 = tpu.memref_slice %arg2[%squeeze3A_252, %squeeze3A_254, %dma_start3A_259] : memref<912x19x85xf32, #tpu.memory_space<hbm>> -> memref<1x1x85xf32, #tpu.memory_space<hbm>>
      %dma_start3A_261 = tpu.memref_squeeze %dma_start3A_260 : memref<1x1x85xf32, #tpu.memory_space<hbm>> -> memref<85xf32, #tpu.memory_space<hbm>>
      %dma_start3A_262 = arith.constant 0 : i32
      %dma_start3A_263 = tpu.memref_slice %arg20[%dma_start3A_255, %dma_start3A_262] : memref<16x85xf32, #tpu.memory_space<vmem>> -> memref<1x85xf32, #tpu.memory_space<vmem>>
      %dma_start3A_264 = tpu.memref_squeeze %dma_start3A_263 : memref<1x85xf32, #tpu.memory_space<vmem>> -> memref<85xf32, #tpu.memory_space<vmem>>
      %dma_start3A_265 = arith.constant 0 : i32
      %dma_start3A_266 = tpu.memref_slice %arg2[%squeeze3A_252, %squeeze3A_254, %dma_start3A_265] : memref<912x19x85xf32, #tpu.memory_space<hbm>> -> memref<1x1x85xf32, #tpu.memory_space<hbm>>
      %dma_start3A_267 = tpu.memref_squeeze %dma_start3A_266 : memref<1x1x85xf32, #tpu.memory_space<hbm>> -> memref<85xf32, #tpu.memory_space<hbm>>
      tpu.enqueue_dma source(%dma_start3A_267 : memref<85xf32, #tpu.memory_space<hbm>>) target(%dma_start3A_264 : memref<85xf32, #tpu.memory_space<vmem>>) target_semaphore(%arg24 : memref<!tpu.dma_semaphore, #tpu.memory_space<semaphore_mem>>)
      %slice3A_268 = vector.extract_strided_slice %get3A_28 {offsets = [14], sizes = [1], strides = [1]} : vector<16xi32> to vector<1xi32>
      %squeeze3A_269 = vector.extract %slice3A_268[0] : i32 from vector<1xi32>
      %slice3A_270 = vector.extract_strided_slice %get3A_31 {offsets = [14], sizes = [1], strides = [1]} : vector<16xi32> to vector<1xi32>
      %squeeze3A_271 = vector.extract %slice3A_270[0] : i32 from vector<1xi32>
      %dma_start3A_272 = arith.constant 14 : i32
      %dma_start3A_273 = arith.constant 0 : i32
      %dma_start3A_274 = tpu.memref_slice %arg20[%dma_start3A_272, %dma_start3A_273] : memref<16x85xf32, #tpu.memory_space<vmem>> -> memref<1x85xf32, #tpu.memory_space<vmem>>
      %dma_start3A_275 = tpu.memref_squeeze %dma_start3A_274 : memref<1x85xf32, #tpu.memory_space<vmem>> -> memref<85xf32, #tpu.memory_space<vmem>>
      %dma_start3A_276 = arith.constant 0 : i32
      %dma_start3A_277 = tpu.memref_slice %arg2[%squeeze3A_269, %squeeze3A_271, %dma_start3A_276] : memref<912x19x85xf32, #tpu.memory_space<hbm>> -> memref<1x1x85xf32, #tpu.memory_space<hbm>>
      %dma_start3A_278 = tpu.memref_squeeze %dma_start3A_277 : memref<1x1x85xf32, #tpu.memory_space<hbm>> -> memref<85xf32, #tpu.memory_space<hbm>>
      %dma_start3A_279 = arith.constant 0 : i32
      %dma_start3A_280 = tpu.memref_slice %arg20[%dma_start3A_272, %dma_start3A_279] : memref<16x85xf32, #tpu.memory_space<vmem>> -> memref<1x85xf32, #tpu.memory_space<vmem>>
      %dma_start3A_281 = tpu.memref_squeeze %dma_start3A_280 : memref<1x85xf32, #tpu.memory_space<vmem>> -> memref<85xf32, #tpu.memory_space<vmem>>
      %dma_start3A_282 = arith.constant 0 : i32
      %dma_start3A_283 = tpu.memref_slice %arg2[%squeeze3A_269, %squeeze3A_271, %dma_start3A_282] : memref<912x19x85xf32, #tpu.memory_space<hbm>> -> memref<1x1x85xf32, #tpu.memory_space<hbm>>
      %dma_start3A_284 = tpu.memref_squeeze %dma_start3A_283 : memref<1x1x85xf32, #tpu.memory_space<hbm>> -> memref<85xf32, #tpu.memory_space<hbm>>
      tpu.enqueue_dma source(%dma_start3A_284 : memref<85xf32, #tpu.memory_space<hbm>>) target(%dma_start3A_281 : memref<85xf32, #tpu.memory_space<vmem>>) target_semaphore(%arg24 : memref<!tpu.dma_semaphore, #tpu.memory_space<semaphore_mem>>)
      %slice3A_285 = vector.extract_strided_slice %get3A_28 {offsets = [15], sizes = [1], strides = [1]} : vector<16xi32> to vector<1xi32>
      %squeeze3A_286 = vector.extract %slice3A_285[0] : i32 from vector<1xi32>
      %slice3A_287 = vector.extract_strided_slice %get3A_31 {offsets = [15], sizes = [1], strides = [1]} : vector<16xi32> to vector<1xi32>
      %squeeze3A_288 = vector.extract %slice3A_287[0] : i32 from vector<1xi32>
      %dma_start3A_289 = arith.constant 15 : i32
      %dma_start3A_290 = arith.constant 0 : i32
      %dma_start3A_291 = tpu.memref_slice %arg20[%dma_start3A_289, %dma_start3A_290] : memref<16x85xf32, #tpu.memory_space<vmem>> -> memref<1x85xf32, #tpu.memory_space<vmem>>
      %dma_start3A_292 = tpu.memref_squeeze %dma_start3A_291 : memref<1x85xf32, #tpu.memory_space<vmem>> -> memref<85xf32, #tpu.memory_space<vmem>>
      %dma_start3A_293 = arith.constant 0 : i32
      %dma_start3A_294 = tpu.memref_slice %arg2[%squeeze3A_286, %squeeze3A_288, %dma_start3A_293] : memref<912x19x85xf32, #tpu.memory_space<hbm>> -> memref<1x1x85xf32, #tpu.memory_space<hbm>>
      %dma_start3A_295 = tpu.memref_squeeze %dma_start3A_294 : memref<1x1x85xf32, #tpu.memory_space<hbm>> -> memref<85xf32, #tpu.memory_space<hbm>>
      %dma_start3A_296 = arith.constant 0 : i32
      %dma_start3A_297 = tpu.memref_slice %arg20[%dma_start3A_289, %dma_start3A_296] : memref<16x85xf32, #tpu.memory_space<vmem>> -> memref<1x85xf32, #tpu.memory_space<vmem>>
      %dma_start3A_298 = tpu.memref_squeeze %dma_start3A_297 : memref<1x85xf32, #tpu.memory_space<vmem>> -> memref<85xf32, #tpu.memory_space<vmem>>
      %dma_start3A_299 = arith.constant 0 : i32
      %dma_start3A_300 = tpu.memref_slice %arg2[%squeeze3A_286, %squeeze3A_288, %dma_start3A_299] : memref<912x19x85xf32, #tpu.memory_space<hbm>> -> memref<1x1x85xf32, #tpu.memory_space<hbm>>
      %dma_start3A_301 = tpu.memref_squeeze %dma_start3A_300 : memref<1x1x85xf32, #tpu.memory_space<hbm>> -> memref<85xf32, #tpu.memory_space<hbm>>
      tpu.enqueue_dma source(%dma_start3A_301 : memref<85xf32, #tpu.memory_space<hbm>>) target(%dma_start3A_298 : memref<85xf32, #tpu.memory_space<vmem>>) target_semaphore(%arg24 : memref<!tpu.dma_semaphore, #tpu.memory_space<semaphore_mem>>)
      %get3A_302 = arith.constant 0 : index
      %get3A_303 = tpu.vector_load %arg15[%get3A_302] {strides = array<i32>} : memref<16xi32, #tpu.memory_space<vmem>>, vector<16xi32>,
      %get3A_304 = vector.shape_cast %get3A_303 : vector<16xi32> to vector<16xi32>
      %get3A_305 = arith.constant 0 : index
      %get3A_306 = tpu.vector_load %arg18[%get3A_305] {strides = array<i32>} : memref<16xi32, #tpu.memory_space<vmem>>, vector<16xi32>,
      %get3A_307 = vector.shape_cast %get3A_306 : vector<16xi32> to vector<16xi32>
      %slice3A_308 = vector.extract_strided_slice %get3A_304 {offsets = [0], sizes = [1], strides = [1]} : vector<16xi32> to vector<1xi32>
      %squeeze3A_309 = vector.extract %slice3A_308[0] : i32 from vector<1xi32>
      %slice3A_310 = vector.extract_strided_slice %get3A_307 {offsets = [0], sizes = [1], strides = [1]} : vector<16xi32> to vector<1xi32>
      %squeeze3A_311 = vector.extract %slice3A_310[0] : i32 from vector<1xi32>
      %dma_start3A_312 = arith.constant 0 : i32
      %dma_start3A_313 = arith.constant 0 : i32
      %dma_start3A_314 = tpu.memref_slice %arg21[%dma_start3A_312, %dma_start3A_313] : memref<16x85xf32, #tpu.memory_space<vmem>> -> memref<1x85xf32, #tpu.memory_space<vmem>>
      %dma_start3A_315 = tpu.memref_squeeze %dma_start3A_314 : memref<1x85xf32, #tpu.memory_space<vmem>> -> memref<85xf32, #tpu.memory_space<vmem>>
      %dma_start3A_316 = arith.constant 0 : i32
      %dma_start3A_317 = tpu.memref_slice %arg3[%squeeze3A_309, %squeeze3A_311, %dma_start3A_316] : memref<1824x38x85xf32, #tpu.memory_space<hbm>> -> memref<1x1x85xf32, #tpu.memory_space<hbm>>
      %dma_start3A_318 = tpu.memref_squeeze %dma_start3A_317 : memref<1x1x85xf32, #tpu.memory_space<hbm>> -> memref<85xf32, #tpu.memory_space<hbm>>
      %dma_start3A_319 = arith.constant 0 : i32
      %dma_start3A_320 = tpu.memref_slice %arg21[%dma_start3A_312, %dma_start3A_319] : memref<16x85xf32, #tpu.memory_space<vmem>> -> memref<1x85xf32, #tpu.memory_space<vmem>>
      %dma_start3A_321 = tpu.memref_squeeze %dma_start3A_320 : memref<1x85xf32, #tpu.memory_space<vmem>> -> memref<85xf32, #tpu.memory_space<vmem>>
      %dma_start3A_322 = arith.constant 0 : i32
      %dma_start3A_323 = tpu.memref_slice %arg3[%squeeze3A_309, %squeeze3A_311, %dma_start3A_322] : memref<1824x38x85xf32, #tpu.memory_space<hbm>> -> memref<1x1x85xf32, #tpu.memory_space<hbm>>
      %dma_start3A_324 = tpu.memref_squeeze %dma_start3A_323 : memref<1x1x85xf32, #tpu.memory_space<hbm>> -> memref<85xf32, #tpu.memory_space<hbm>>
      tpu.enqueue_dma source(%dma_start3A_324 : memref<85xf32, #tpu.memory_space<hbm>>) target(%dma_start3A_321 : memref<85xf32, #tpu.memory_space<vmem>>) target_semaphore(%arg24 : memref<!tpu.dma_semaphore, #tpu.memory_space<semaphore_mem>>)
      %slice3A_325 = vector.extract_strided_slice %get3A_304 {offsets = [1], sizes = [1], strides = [1]} : vector<16xi32> to vector<1xi32>
      %squeeze3A_326 = vector.extract %slice3A_325[0] : i32 from vector<1xi32>
      %slice3A_327 = vector.extract_strided_slice %get3A_307 {offsets = [1], sizes = [1], strides = [1]} : vector<16xi32> to vector<1xi32>
      %squeeze3A_328 = vector.extract %slice3A_327[0] : i32 from vector<1xi32>
      %dma_start3A_329 = arith.constant 1 : i32
      %dma_start3A_330 = arith.constant 0 : i32
      %dma_start3A_331 = tpu.memref_slice %arg21[%dma_start3A_329, %dma_start3A_330] : memref<16x85xf32, #tpu.memory_space<vmem>> -> memref<1x85xf32, #tpu.memory_space<vmem>>
      %dma_start3A_332 = tpu.memref_squeeze %dma_start3A_331 : memref<1x85xf32, #tpu.memory_space<vmem>> -> memref<85xf32, #tpu.memory_space<vmem>>
      %dma_start3A_333 = arith.constant 0 : i32
      %dma_start3A_334 = tpu.memref_slice %arg3[%squeeze3A_326, %squeeze3A_328, %dma_start3A_333] : memref<1824x38x85xf32, #tpu.memory_space<hbm>> -> memref<1x1x85xf32, #tpu.memory_space<hbm>>
      %dma_start3A_335 = tpu.memref_squeeze %dma_start3A_334 : memref<1x1x85xf32, #tpu.memory_space<hbm>> -> memref<85xf32, #tpu.memory_space<hbm>>
      %dma_start3A_336 = arith.constant 0 : i32
      %dma_start3A_337 = tpu.memref_slice %arg21[%dma_start3A_329, %dma_start3A_336] : memref<16x85xf32, #tpu.memory_space<vmem>> -> memref<1x85xf32, #tpu.memory_space<vmem>>
      %dma_start3A_338 = tpu.memref_squeeze %dma_start3A_337 : memref<1x85xf32, #tpu.memory_space<vmem>> -> memref<85xf32, #tpu.memory_space<vmem>>
      %dma_start3A_339 = arith.constant 0 : i32
      %dma_start3A_340 = tpu.memref_slice %arg3[%squeeze3A_326, %squeeze3A_328, %dma_start3A_339] : memref<1824x38x85xf32, #tpu.memory_space<hbm>> -> memref<1x1x85xf32, #tpu.memory_space<hbm>>
      %dma_start3A_341 = tpu.memref_squeeze %dma_start3A_340 : memref<1x1x85xf32, #tpu.memory_space<hbm>> -> memref<85xf32, #tpu.memory_space<hbm>>
      tpu.enqueue_dma source(%dma_start3A_341 : memref<85xf32, #tpu.memory_space<hbm>>) target(%dma_start3A_338 : memref<85xf32, #tpu.memory_space<vmem>>) target_semaphore(%arg24 : memref<!tpu.dma_semaphore, #tpu.memory_space<semaphore_mem>>)
      %slice3A_342 = vector.extract_strided_slice %get3A_304 {offsets = [2], sizes = [1], strides = [1]} : vector<16xi32> to vector<1xi32>
      %squeeze3A_343 = vector.extract %slice3A_342[0] : i32 from vector<1xi32>
      %slice3A_344 = vector.extract_strided_slice %get3A_307 {offsets = [2], sizes = [1], strides = [1]} : vector<16xi32> to vector<1xi32>
      %squeeze3A_345 = vector.extract %slice3A_344[0] : i32 from vector<1xi32>
      %dma_start3A_346 = arith.constant 2 : i32
      %dma_start3A_347 = arith.constant 0 : i32
      %dma_start3A_348 = tpu.memref_slice %arg21[%dma_start3A_346, %dma_start3A_347] : memref<16x85xf32, #tpu.memory_space<vmem>> -> memref<1x85xf32, #tpu.memory_space<vmem>>
      %dma_start3A_349 = tpu.memref_squeeze %dma_start3A_348 : memref<1x85xf32, #tpu.memory_space<vmem>> -> memref<85xf32, #tpu.memory_space<vmem>>
      %dma_start3A_350 = arith.constant 0 : i32
      %dma_start3A_351 = tpu.memref_slice %arg3[%squeeze3A_343, %squeeze3A_345, %dma_start3A_350] : memref<1824x38x85xf32, #tpu.memory_space<hbm>> -> memref<1x1x85xf32, #tpu.memory_space<hbm>>
      %dma_start3A_352 = tpu.memref_squeeze %dma_start3A_351 : memref<1x1x85xf32, #tpu.memory_space<hbm>> -> memref<85xf32, #tpu.memory_space<hbm>>
      %dma_start3A_353 = arith.constant 0 : i32
      %dma_start3A_354 = tpu.memref_slice %arg21[%dma_start3A_346, %dma_start3A_353] : memref<16x85xf32, #tpu.memory_space<vmem>> -> memref<1x85xf32, #tpu.memory_space<vmem>>
      %dma_start3A_355 = tpu.memref_squeeze %dma_start3A_354 : memref<1x85xf32, #tpu.memory_space<vmem>> -> memref<85xf32, #tpu.memory_space<vmem>>
      %dma_start3A_356 = arith.constant 0 : i32
      %dma_start3A_357 = tpu.memref_slice %arg3[%squeeze3A_343, %squeeze3A_345, %dma_start3A_356] : memref<1824x38x85xf32, #tpu.memory_space<hbm>> -> memref<1x1x85xf32, #tpu.memory_space<hbm>>
      %dma_start3A_358 = tpu.memref_squeeze %dma_start3A_357 : memref<1x1x85xf32, #tpu.memory_space<hbm>> -> memref<85xf32, #tpu.memory_space<hbm>>
      tpu.enqueue_dma source(%dma_start3A_358 : memref<85xf32, #tpu.memory_space<hbm>>) target(%dma_start3A_355 : memref<85xf32, #tpu.memory_space<vmem>>) target_semaphore(%arg24 : memref<!tpu.dma_semaphore, #tpu.memory_space<semaphore_mem>>)
      %slice3A_359 = vector.extract_strided_slice %get3A_304 {offsets = [3], sizes = [1], strides = [1]} : vector<16xi32> to vector<1xi32>
      %squeeze3A_360 = vector.extract %slice3A_359[0] : i32 from vector<1xi32>
      %slice3A_361 = vector.extract_strided_slice %get3A_307 {offsets = [3], sizes = [1], strides = [1]} : vector<16xi32> to vector<1xi32>
      %squeeze3A_362 = vector.extract %slice3A_361[0] : i32 from vector<1xi32>
      %dma_start3A_363 = arith.constant 3 : i32
      %dma_start3A_364 = arith.constant 0 : i32
      %dma_start3A_365 = tpu.memref_slice %arg21[%dma_start3A_363, %dma_start3A_364] : memref<16x85xf32, #tpu.memory_space<vmem>> -> memref<1x85xf32, #tpu.memory_space<vmem>>
      %dma_start3A_366 = tpu.memref_squeeze %dma_start3A_365 : memref<1x85xf32, #tpu.memory_space<vmem>> -> memref<85xf32, #tpu.memory_space<vmem>>
      %dma_start3A_367 = arith.constant 0 : i32
      %dma_start3A_368 = tpu.memref_slice %arg3[%squeeze3A_360, %squeeze3A_362, %dma_start3A_367] : memref<1824x38x85xf32, #tpu.memory_space<hbm>> -> memref<1x1x85xf32, #tpu.memory_space<hbm>>
      %dma_start3A_369 = tpu.memref_squeeze %dma_start3A_368 : memref<1x1x85xf32, #tpu.memory_space<hbm>> -> memref<85xf32, #tpu.memory_space<hbm>>
      %dma_start3A_370 = arith.constant 0 : i32
      %dma_start3A_371 = tpu.memref_slice %arg21[%dma_start3A_363, %dma_start3A_370] : memref<16x85xf32, #tpu.memory_space<vmem>> -> memref<1x85xf32, #tpu.memory_space<vmem>>
      %dma_start3A_372 = tpu.memref_squeeze %dma_start3A_371 : memref<1x85xf32, #tpu.memory_space<vmem>> -> memref<85xf32, #tpu.memory_space<vmem>>
      %dma_start3A_373 = arith.constant 0 : i32
      %dma_start3A_374 = tpu.memref_slice %arg3[%squeeze3A_360, %squeeze3A_362, %dma_start3A_373] : memref<1824x38x85xf32, #tpu.memory_space<hbm>> -> memref<1x1x85xf32, #tpu.memory_space<hbm>>
      %dma_start3A_375 = tpu.memref_squeeze %dma_start3A_374 : memref<1x1x85xf32, #tpu.memory_space<hbm>> -> memref<85xf32, #tpu.memory_space<hbm>>
      tpu.enqueue_dma source(%dma_start3A_375 : memref<85xf32, #tpu.memory_space<hbm>>) target(%dma_start3A_372 : memref<85xf32, #tpu.memory_space<vmem>>) target_semaphore(%arg24 : memref<!tpu.dma_semaphore, #tpu.memory_space<semaphore_mem>>)
      %slice3A_376 = vector.extract_strided_slice %get3A_304 {offsets = [4], sizes = [1], strides = [1]} : vector<16xi32> to vector<1xi32>
      %squeeze3A_377 = vector.extract %slice3A_376[0] : i32 from vector<1xi32>
      %slice3A_378 = vector.extract_strided_slice %get3A_307 {offsets = [4], sizes = [1], strides = [1]} : vector<16xi32> to vector<1xi32>
      %squeeze3A_379 = vector.extract %slice3A_378[0] : i32 from vector<1xi32>
      %dma_start3A_380 = arith.constant 4 : i32
      %dma_start3A_381 = arith.constant 0 : i32
      %dma_start3A_382 = tpu.memref_slice %arg21[%dma_start3A_380, %dma_start3A_381] : memref<16x85xf32, #tpu.memory_space<vmem>> -> memref<1x85xf32, #tpu.memory_space<vmem>>
      %dma_start3A_383 = tpu.memref_squeeze %dma_start3A_382 : memref<1x85xf32, #tpu.memory_space<vmem>> -> memref<85xf32, #tpu.memory_space<vmem>>
      %dma_start3A_384 = arith.constant 0 : i32
      %dma_start3A_385 = tpu.memref_slice %arg3[%squeeze3A_377, %squeeze3A_379, %dma_start3A_384] : memref<1824x38x85xf32, #tpu.memory_space<hbm>> -> memref<1x1x85xf32, #tpu.memory_space<hbm>>
      %dma_start3A_386 = tpu.memref_squeeze %dma_start3A_385 : memref<1x1x85xf32, #tpu.memory_space<hbm>> -> memref<85xf32, #tpu.memory_space<hbm>>
      %dma_start3A_387 = arith.constant 0 : i32
      %dma_start3A_388 = tpu.memref_slice %arg21[%dma_start3A_380, %dma_start3A_387] : memref<16x85xf32, #tpu.memory_space<vmem>> -> memref<1x85xf32, #tpu.memory_space<vmem>>
      %dma_start3A_389 = tpu.memref_squeeze %dma_start3A_388 : memref<1x85xf32, #tpu.memory_space<vmem>> -> memref<85xf32, #tpu.memory_space<vmem>>
      %dma_start3A_390 = arith.constant 0 : i32
      %dma_start3A_391 = tpu.memref_slice %arg3[%squeeze3A_377, %squeeze3A_379, %dma_start3A_390] : memref<1824x38x85xf32, #tpu.memory_space<hbm>> -> memref<1x1x85xf32, #tpu.memory_space<hbm>>
      %dma_start3A_392 = tpu.memref_squeeze %dma_start3A_391 : memref<1x1x85xf32, #tpu.memory_space<hbm>> -> memref<85xf32, #tpu.memory_space<hbm>>
      tpu.enqueue_dma source(%dma_start3A_392 : memref<85xf32, #tpu.memory_space<hbm>>) target(%dma_start3A_389 : memref<85xf32, #tpu.memory_space<vmem>>) target_semaphore(%arg24 : memref<!tpu.dma_semaphore, #tpu.memory_space<semaphore_mem>>)
      %slice3A_393 = vector.extract_strided_slice %get3A_304 {offsets = [5], sizes = [1], strides = [1]} : vector<16xi32> to vector<1xi32>
      %squeeze3A_394 = vector.extract %slice3A_393[0] : i32 from vector<1xi32>
      %slice3A_395 = vector.extract_strided_slice %get3A_307 {offsets = [5], sizes = [1], strides = [1]} : vector<16xi32> to vector<1xi32>
      %squeeze3A_396 = vector.extract %slice3A_395[0] : i32 from vector<1xi32>
      %dma_start3A_397 = arith.constant 5 : i32
      %dma_start3A_398 = arith.constant 0 : i32
      %dma_start3A_399 = tpu.memref_slice %arg21[%dma_start3A_397, %dma_start3A_398] : memref<16x85xf32, #tpu.memory_space<vmem>> -> memref<1x85xf32, #tpu.memory_space<vmem>>
      %dma_start3A_400 = tpu.memref_squeeze %dma_start3A_399 : memref<1x85xf32, #tpu.memory_space<vmem>> -> memref<85xf32, #tpu.memory_space<vmem>>
      %dma_start3A_401 = arith.constant 0 : i32
      %dma_start3A_402 = tpu.memref_slice %arg3[%squeeze3A_394, %squeeze3A_396, %dma_start3A_401] : memref<1824x38x85xf32, #tpu.memory_space<hbm>> -> memref<1x1x85xf32, #tpu.memory_space<hbm>>
      %dma_start3A_403 = tpu.memref_squeeze %dma_start3A_402 : memref<1x1x85xf32, #tpu.memory_space<hbm>> -> memref<85xf32, #tpu.memory_space<hbm>>
      %dma_start3A_404 = arith.constant 0 : i32
      %dma_start3A_405 = tpu.memref_slice %arg21[%dma_start3A_397, %dma_start3A_404] : memref<16x85xf32, #tpu.memory_space<vmem>> -> memref<1x85xf32, #tpu.memory_space<vmem>>
      %dma_start3A_406 = tpu.memref_squeeze %dma_start3A_405 : memref<1x85xf32, #tpu.memory_space<vmem>> -> memref<85xf32, #tpu.memory_space<vmem>>
      %dma_start3A_407 = arith.constant 0 : i32
      %dma_start3A_408 = tpu.memref_slice %arg3[%squeeze3A_394, %squeeze3A_396, %dma_start3A_407] : memref<1824x38x85xf32, #tpu.memory_space<hbm>> -> memref<1x1x85xf32, #tpu.memory_space<hbm>>
      %dma_start3A_409 = tpu.memref_squeeze %dma_start3A_408 : memref<1x1x85xf32, #tpu.memory_space<hbm>> -> memref<85xf32, #tpu.memory_space<hbm>>
      tpu.enqueue_dma source(%dma_start3A_409 : memref<85xf32, #tpu.memory_space<hbm>>) target(%dma_start3A_406 : memref<85xf32, #tpu.memory_space<vmem>>) target_semaphore(%arg24 : memref<!tpu.dma_semaphore, #tpu.memory_space<semaphore_mem>>)
      %slice3A_410 = vector.extract_strided_slice %get3A_304 {offsets = [6], sizes = [1], strides = [1]} : vector<16xi32> to vector<1xi32>
      %squeeze3A_411 = vector.extract %slice3A_410[0] : i32 from vector<1xi32>
      %slice3A_412 = vector.extract_strided_slice %get3A_307 {offsets = [6], sizes = [1], strides = [1]} : vector<16xi32> to vector<1xi32>
      %squeeze3A_413 = vector.extract %slice3A_412[0] : i32 from vector<1xi32>
      %dma_start3A_414 = arith.constant 6 : i32
      %dma_start3A_415 = arith.constant 0 : i32
      %dma_start3A_416 = tpu.memref_slice %arg21[%dma_start3A_414, %dma_start3A_415] : memref<16x85xf32, #tpu.memory_space<vmem>> -> memref<1x85xf32, #tpu.memory_space<vmem>>
      %dma_start3A_417 = tpu.memref_squeeze %dma_start3A_416 : memref<1x85xf32, #tpu.memory_space<vmem>> -> memref<85xf32, #tpu.memory_space<vmem>>
      %dma_start3A_418 = arith.constant 0 : i32
      %dma_start3A_419 = tpu.memref_slice %arg3[%squeeze3A_411, %squeeze3A_413, %dma_start3A_418] : memref<1824x38x85xf32, #tpu.memory_space<hbm>> -> memref<1x1x85xf32, #tpu.memory_space<hbm>>
      %dma_start3A_420 = tpu.memref_squeeze %dma_start3A_419 : memref<1x1x85xf32, #tpu.memory_space<hbm>> -> memref<85xf32, #tpu.memory_space<hbm>>
      %dma_start3A_421 = arith.constant 0 : i32
      %dma_start3A_422 = tpu.memref_slice %arg21[%dma_start3A_414, %dma_start3A_421] : memref<16x85xf32, #tpu.memory_space<vmem>> -> memref<1x85xf32, #tpu.memory_space<vmem>>
      %dma_start3A_423 = tpu.memref_squeeze %dma_start3A_422 : memref<1x85xf32, #tpu.memory_space<vmem>> -> memref<85xf32, #tpu.memory_space<vmem>>
      %dma_start3A_424 = arith.constant 0 : i32
      %dma_start3A_425 = tpu.memref_slice %arg3[%squeeze3A_411, %squeeze3A_413, %dma_start3A_424] : memref<1824x38x85xf32, #tpu.memory_space<hbm>> -> memref<1x1x85xf32, #tpu.memory_space<hbm>>
      %dma_start3A_426 = tpu.memref_squeeze %dma_start3A_425 : memref<1x1x85xf32, #tpu.memory_space<hbm>> -> memref<85xf32, #tpu.memory_space<hbm>>
      tpu.enqueue_dma source(%dma_start3A_426 : memref<85xf32, #tpu.memory_space<hbm>>) target(%dma_start3A_423 : memref<85xf32, #tpu.memory_space<vmem>>) target_semaphore(%arg24 : memref<!tpu.dma_semaphore, #tpu.memory_space<semaphore_mem>>)
      %slice3A_427 = vector.extract_strided_slice %get3A_304 {offsets = [7], sizes = [1], strides = [1]} : vector<16xi32> to vector<1xi32>
      %squeeze3A_428 = vector.extract %slice3A_427[0] : i32 from vector<1xi32>
      %slice3A_429 = vector.extract_strided_slice %get3A_307 {offsets = [7], sizes = [1], strides = [1]} : vector<16xi32> to vector<1xi32>
      %squeeze3A_430 = vector.extract %slice3A_429[0] : i32 from vector<1xi32>
      %dma_start3A_431 = arith.constant 7 : i32
      %dma_start3A_432 = arith.constant 0 : i32
      %dma_start3A_433 = tpu.memref_slice %arg21[%dma_start3A_431, %dma_start3A_432] : memref<16x85xf32, #tpu.memory_space<vmem>> -> memref<1x85xf32, #tpu.memory_space<vmem>>
      %dma_start3A_434 = tpu.memref_squeeze %dma_start3A_433 : memref<1x85xf32, #tpu.memory_space<vmem>> -> memref<85xf32, #tpu.memory_space<vmem>>
      %dma_start3A_435 = arith.constant 0 : i32
      %dma_start3A_436 = tpu.memref_slice %arg3[%squeeze3A_428, %squeeze3A_430, %dma_start3A_435] : memref<1824x38x85xf32, #tpu.memory_space<hbm>> -> memref<1x1x85xf32, #tpu.memory_space<hbm>>
      %dma_start3A_437 = tpu.memref_squeeze %dma_start3A_436 : memref<1x1x85xf32, #tpu.memory_space<hbm>> -> memref<85xf32, #tpu.memory_space<hbm>>
      %dma_start3A_438 = arith.constant 0 : i32
      %dma_start3A_439 = tpu.memref_slice %arg21[%dma_start3A_431, %dma_start3A_438] : memref<16x85xf32, #tpu.memory_space<vmem>> -> memref<1x85xf32, #tpu.memory_space<vmem>>
      %dma_start3A_440 = tpu.memref_squeeze %dma_start3A_439 : memref<1x85xf32, #tpu.memory_space<vmem>> -> memref<85xf32, #tpu.memory_space<vmem>>
      %dma_start3A_441 = arith.constant 0 : i32
      %dma_start3A_442 = tpu.memref_slice %arg3[%squeeze3A_428, %squeeze3A_430, %dma_start3A_441] : memref<1824x38x85xf32, #tpu.memory_space<hbm>> -> memref<1x1x85xf32, #tpu.memory_space<hbm>>
      %dma_start3A_443 = tpu.memref_squeeze %dma_start3A_442 : memref<1x1x85xf32, #tpu.memory_space<hbm>> -> memref<85xf32, #tpu.memory_space<hbm>>
      tpu.enqueue_dma source(%dma_start3A_443 : memref<85xf32, #tpu.memory_space<hbm>>) target(%dma_start3A_440 : memref<85xf32, #tpu.memory_space<vmem>>) target_semaphore(%arg24 : memref<!tpu.dma_semaphore, #tpu.memory_space<semaphore_mem>>)
      %slice3A_444 = vector.extract_strided_slice %get3A_304 {offsets = [8], sizes = [1], strides = [1]} : vector<16xi32> to vector<1xi32>
      %squeeze3A_445 = vector.extract %slice3A_444[0] : i32 from vector<1xi32>
      %slice3A_446 = vector.extract_strided_slice %get3A_307 {offsets = [8], sizes = [1], strides = [1]} : vector<16xi32> to vector<1xi32>
      %squeeze3A_447 = vector.extract %slice3A_446[0] : i32 from vector<1xi32>
      %dma_start3A_448 = arith.constant 8 : i32
      %dma_start3A_449 = arith.constant 0 : i32
      %dma_start3A_450 = tpu.memref_slice %arg21[%dma_start3A_448, %dma_start3A_449] : memref<16x85xf32, #tpu.memory_space<vmem>> -> memref<1x85xf32, #tpu.memory_space<vmem>>
      %dma_start3A_451 = tpu.memref_squeeze %dma_start3A_450 : memref<1x85xf32, #tpu.memory_space<vmem>> -> memref<85xf32, #tpu.memory_space<vmem>>
      %dma_start3A_452 = arith.constant 0 : i32
      %dma_start3A_453 = tpu.memref_slice %arg3[%squeeze3A_445, %squeeze3A_447, %dma_start3A_452] : memref<1824x38x85xf32, #tpu.memory_space<hbm>> -> memref<1x1x85xf32, #tpu.memory_space<hbm>>
      %dma_start3A_454 = tpu.memref_squeeze %dma_start3A_453 : memref<1x1x85xf32, #tpu.memory_space<hbm>> -> memref<85xf32, #tpu.memory_space<hbm>>
      %dma_start3A_455 = arith.constant 0 : i32
      %dma_start3A_456 = tpu.memref_slice %arg21[%dma_start3A_448, %dma_start3A_455] : memref<16x85xf32, #tpu.memory_space<vmem>> -> memref<1x85xf32, #tpu.memory_space<vmem>>
      %dma_start3A_457 = tpu.memref_squeeze %dma_start3A_456 : memref<1x85xf32, #tpu.memory_space<vmem>> -> memref<85xf32, #tpu.memory_space<vmem>>
      %dma_start3A_458 = arith.constant 0 : i32
      %dma_start3A_459 = tpu.memref_slice %arg3[%squeeze3A_445, %squeeze3A_447, %dma_start3A_458] : memref<1824x38x85xf32, #tpu.memory_space<hbm>> -> memref<1x1x85xf32, #tpu.memory_space<hbm>>
      %dma_start3A_460 = tpu.memref_squeeze %dma_start3A_459 : memref<1x1x85xf32, #tpu.memory_space<hbm>> -> memref<85xf32, #tpu.memory_space<hbm>>
      tpu.enqueue_dma source(%dma_start3A_460 : memref<85xf32, #tpu.memory_space<hbm>>) target(%dma_start3A_457 : memref<85xf32, #tpu.memory_space<vmem>>) target_semaphore(%arg24 : memref<!tpu.dma_semaphore, #tpu.memory_space<semaphore_mem>>)
      %slice3A_461 = vector.extract_strided_slice %get3A_304 {offsets = [9], sizes = [1], strides = [1]} : vector<16xi32> to vector<1xi32>
      %squeeze3A_462 = vector.extract %slice3A_461[0] : i32 from vector<1xi32>
      %slice3A_463 = vector.extract_strided_slice %get3A_307 {offsets = [9], sizes = [1], strides = [1]} : vector<16xi32> to vector<1xi32>
      %squeeze3A_464 = vector.extract %slice3A_463[0] : i32 from vector<1xi32>
      %dma_start3A_465 = arith.constant 9 : i32
      %dma_start3A_466 = arith.constant 0 : i32
      %dma_start3A_467 = tpu.memref_slice %arg21[%dma_start3A_465, %dma_start3A_466] : memref<16x85xf32, #tpu.memory_space<vmem>> -> memref<1x85xf32, #tpu.memory_space<vmem>>
      %dma_start3A_468 = tpu.memref_squeeze %dma_start3A_467 : memref<1x85xf32, #tpu.memory_space<vmem>> -> memref<85xf32, #tpu.memory_space<vmem>>
      %dma_start3A_469 = arith.constant 0 : i32
      %dma_start3A_470 = tpu.memref_slice %arg3[%squeeze3A_462, %squeeze3A_464, %dma_start3A_469] : memref<1824x38x85xf32, #tpu.memory_space<hbm>> -> memref<1x1x85xf32, #tpu.memory_space<hbm>>
      %dma_start3A_471 = tpu.memref_squeeze %dma_start3A_470 : memref<1x1x85xf32, #tpu.memory_space<hbm>> -> memref<85xf32, #tpu.memory_space<hbm>>
      %dma_start3A_472 = arith.constant 0 : i32
      %dma_start3A_473 = tpu.memref_slice %arg21[%dma_start3A_465, %dma_start3A_472] : memref<16x85xf32, #tpu.memory_space<vmem>> -> memref<1x85xf32, #tpu.memory_space<vmem>>
      %dma_start3A_474 = tpu.memref_squeeze %dma_start3A_473 : memref<1x85xf32, #tpu.memory_space<vmem>> -> memref<85xf32, #tpu.memory_space<vmem>>
      %dma_start3A_475 = arith.constant 0 : i32
      %dma_start3A_476 = tpu.memref_slice %arg3[%squeeze3A_462, %squeeze3A_464, %dma_start3A_475] : memref<1824x38x85xf32, #tpu.memory_space<hbm>> -> memref<1x1x85xf32, #tpu.memory_space<hbm>>
      %dma_start3A_477 = tpu.memref_squeeze %dma_start3A_476 : memref<1x1x85xf32, #tpu.memory_space<hbm>> -> memref<85xf32, #tpu.memory_space<hbm>>
      tpu.enqueue_dma source(%dma_start3A_477 : memref<85xf32, #tpu.memory_space<hbm>>) target(%dma_start3A_474 : memref<85xf32, #tpu.memory_space<vmem>>) target_semaphore(%arg24 : memref<!tpu.dma_semaphore, #tpu.memory_space<semaphore_mem>>)
      %slice3A_478 = vector.extract_strided_slice %get3A_304 {offsets = [10], sizes = [1], strides = [1]} : vector<16xi32> to vector<1xi32>
      %squeeze3A_479 = vector.extract %slice3A_478[0] : i32 from vector<1xi32>
      %slice3A_480 = vector.extract_strided_slice %get3A_307 {offsets = [10], sizes = [1], strides = [1]} : vector<16xi32> to vector<1xi32>
      %squeeze3A_481 = vector.extract %slice3A_480[0] : i32 from vector<1xi32>
      %dma_start3A_482 = arith.constant 10 : i32
      %dma_start3A_483 = arith.constant 0 : i32
      %dma_start3A_484 = tpu.memref_slice %arg21[%dma_start3A_482, %dma_start3A_483] : memref<16x85xf32, #tpu.memory_space<vmem>> -> memref<1x85xf32, #tpu.memory_space<vmem>>
      %dma_start3A_485 = tpu.memref_squeeze %dma_start3A_484 : memref<1x85xf32, #tpu.memory_space<vmem>> -> memref<85xf32, #tpu.memory_space<vmem>>
      %dma_start3A_486 = arith.constant 0 : i32
      %dma_start3A_487 = tpu.memref_slice %arg3[%squeeze3A_479, %squeeze3A_481, %dma_start3A_486] : memref<1824x38x85xf32, #tpu.memory_space<hbm>> -> memref<1x1x85xf32, #tpu.memory_space<hbm>>
      %dma_start3A_488 = tpu.memref_squeeze %dma_start3A_487 : memref<1x1x85xf32, #tpu.memory_space<hbm>> -> memref<85xf32, #tpu.memory_space<hbm>>
      %dma_start3A_489 = arith.constant 0 : i32
      %dma_start3A_490 = tpu.memref_slice %arg21[%dma_start3A_482, %dma_start3A_489] : memref<16x85xf32, #tpu.memory_space<vmem>> -> memref<1x85xf32, #tpu.memory_space<vmem>>
      %dma_start3A_491 = tpu.memref_squeeze %dma_start3A_490 : memref<1x85xf32, #tpu.memory_space<vmem>> -> memref<85xf32, #tpu.memory_space<vmem>>
      %dma_start3A_492 = arith.constant 0 : i32
      %dma_start3A_493 = tpu.memref_slice %arg3[%squeeze3A_479, %squeeze3A_481, %dma_start3A_492] : memref<1824x38x85xf32, #tpu.memory_space<hbm>> -> memref<1x1x85xf32, #tpu.memory_space<hbm>>
      %dma_start3A_494 = tpu.memref_squeeze %dma_start3A_493 : memref<1x1x85xf32, #tpu.memory_space<hbm>> -> memref<85xf32, #tpu.memory_space<hbm>>
      tpu.enqueue_dma source(%dma_start3A_494 : memref<85xf32, #tpu.memory_space<hbm>>) target(%dma_start3A_491 : memref<85xf32, #tpu.memory_space<vmem>>) target_semaphore(%arg24 : memref<!tpu.dma_semaphore, #tpu.memory_space<semaphore_mem>>)
      %slice3A_495 = vector.extract_strided_slice %get3A_304 {offsets = [11], sizes = [1], strides = [1]} : vector<16xi32> to vector<1xi32>
      %squeeze3A_496 = vector.extract %slice3A_495[0] : i32 from vector<1xi32>
      %slice3A_497 = vector.extract_strided_slice %get3A_307 {offsets = [11], sizes = [1], strides = [1]} : vector<16xi32> to vector<1xi32>
      %squeeze3A_498 = vector.extract %slice3A_497[0] : i32 from vector<1xi32>
      %dma_start3A_499 = arith.constant 11 : i32
      %dma_start3A_500 = arith.constant 0 : i32
      %dma_start3A_501 = tpu.memref_slice %arg21[%dma_start3A_499, %dma_start3A_500] : memref<16x85xf32, #tpu.memory_space<vmem>> -> memref<1x85xf32, #tpu.memory_space<vmem>>
      %dma_start3A_502 = tpu.memref_squeeze %dma_start3A_501 : memref<1x85xf32, #tpu.memory_space<vmem>> -> memref<85xf32, #tpu.memory_space<vmem>>
      %dma_start3A_503 = arith.constant 0 : i32
      %dma_start3A_504 = tpu.memref_slice %arg3[%squeeze3A_496, %squeeze3A_498, %dma_start3A_503] : memref<1824x38x85xf32, #tpu.memory_space<hbm>> -> memref<1x1x85xf32, #tpu.memory_space<hbm>>
      %dma_start3A_505 = tpu.memref_squeeze %dma_start3A_504 : memref<1x1x85xf32, #tpu.memory_space<hbm>> -> memref<85xf32, #tpu.memory_space<hbm>>
      %dma_start3A_506 = arith.constant 0 : i32
      %dma_start3A_507 = tpu.memref_slice %arg21[%dma_start3A_499, %dma_start3A_506] : memref<16x85xf32, #tpu.memory_space<vmem>> -> memref<1x85xf32, #tpu.memory_space<vmem>>
      %dma_start3A_508 = tpu.memref_squeeze %dma_start3A_507 : memref<1x85xf32, #tpu.memory_space<vmem>> -> memref<85xf32, #tpu.memory_space<vmem>>
      %dma_start3A_509 = arith.constant 0 : i32
      %dma_start3A_510 = tpu.memref_slice %arg3[%squeeze3A_496, %squeeze3A_498, %dma_start3A_509] : memref<1824x38x85xf32, #tpu.memory_space<hbm>> -> memref<1x1x85xf32, #tpu.memory_space<hbm>>
      %dma_start3A_511 = tpu.memref_squeeze %dma_start3A_510 : memref<1x1x85xf32, #tpu.memory_space<hbm>> -> memref<85xf32, #tpu.memory_space<hbm>>
      tpu.enqueue_dma source(%dma_start3A_511 : memref<85xf32, #tpu.memory_space<hbm>>) target(%dma_start3A_508 : memref<85xf32, #tpu.memory_space<vmem>>) target_semaphore(%arg24 : memref<!tpu.dma_semaphore, #tpu.memory_space<semaphore_mem>>)
      %slice3A_512 = vector.extract_strided_slice %get3A_304 {offsets = [12], sizes = [1], strides = [1]} : vector<16xi32> to vector<1xi32>
      %squeeze3A_513 = vector.extract %slice3A_512[0] : i32 from vector<1xi32>
      %slice3A_514 = vector.extract_strided_slice %get3A_307 {offsets = [12], sizes = [1], strides = [1]} : vector<16xi32> to vector<1xi32>
      %squeeze3A_515 = vector.extract %slice3A_514[0] : i32 from vector<1xi32>
      %dma_start3A_516 = arith.constant 12 : i32
      %dma_start3A_517 = arith.constant 0 : i32
      %dma_start3A_518 = tpu.memref_slice %arg21[%dma_start3A_516, %dma_start3A_517] : memref<16x85xf32, #tpu.memory_space<vmem>> -> memref<1x85xf32, #tpu.memory_space<vmem>>
      %dma_start3A_519 = tpu.memref_squeeze %dma_start3A_518 : memref<1x85xf32, #tpu.memory_space<vmem>> -> memref<85xf32, #tpu.memory_space<vmem>>
      %dma_start3A_520 = arith.constant 0 : i32
      %dma_start3A_521 = tpu.memref_slice %arg3[%squeeze3A_513, %squeeze3A_515, %dma_start3A_520] : memref<1824x38x85xf32, #tpu.memory_space<hbm>> -> memref<1x1x85xf32, #tpu.memory_space<hbm>>
      %dma_start3A_522 = tpu.memref_squeeze %dma_start3A_521 : memref<1x1x85xf32, #tpu.memory_space<hbm>> -> memref<85xf32, #tpu.memory_space<hbm>>
      %dma_start3A_523 = arith.constant 0 : i32
      %dma_start3A_524 = tpu.memref_slice %arg21[%dma_start3A_516, %dma_start3A_523] : memref<16x85xf32, #tpu.memory_space<vmem>> -> memref<1x85xf32, #tpu.memory_space<vmem>>
      %dma_start3A_525 = tpu.memref_squeeze %dma_start3A_524 : memref<1x85xf32, #tpu.memory_space<vmem>> -> memref<85xf32, #tpu.memory_space<vmem>>
      %dma_start3A_526 = arith.constant 0 : i32
      %dma_start3A_527 = tpu.memref_slice %arg3[%squeeze3A_513, %squeeze3A_515, %dma_start3A_526] : memref<1824x38x85xf32, #tpu.memory_space<hbm>> -> memref<1x1x85xf32, #tpu.memory_space<hbm>>
      %dma_start3A_528 = tpu.memref_squeeze %dma_start3A_527 : memref<1x1x85xf32, #tpu.memory_space<hbm>> -> memref<85xf32, #tpu.memory_space<hbm>>
      tpu.enqueue_dma source(%dma_start3A_528 : memref<85xf32, #tpu.memory_space<hbm>>) target(%dma_start3A_525 : memref<85xf32, #tpu.memory_space<vmem>>) target_semaphore(%arg24 : memref<!tpu.dma_semaphore, #tpu.memory_space<semaphore_mem>>)
      %slice3A_529 = vector.extract_strided_slice %get3A_304 {offsets = [13], sizes = [1], strides = [1]} : vector<16xi32> to vector<1xi32>
      %squeeze3A_530 = vector.extract %slice3A_529[0] : i32 from vector<1xi32>
      %slice3A_531 = vector.extract_strided_slice %get3A_307 {offsets = [13], sizes = [1], strides = [1]} : vector<16xi32> to vector<1xi32>
      %squeeze3A_532 = vector.extract %slice3A_531[0] : i32 from vector<1xi32>
      %dma_start3A_533 = arith.constant 13 : i32
      %dma_start3A_534 = arith.constant 0 : i32
      %dma_start3A_535 = tpu.memref_slice %arg21[%dma_start3A_533, %dma_start3A_534] : memref<16x85xf32, #tpu.memory_space<vmem>> -> memref<1x85xf32, #tpu.memory_space<vmem>>
      %dma_start3A_536 = tpu.memref_squeeze %dma_start3A_535 : memref<1x85xf32, #tpu.memory_space<vmem>> -> memref<85xf32, #tpu.memory_space<vmem>>
      %dma_start3A_537 = arith.constant 0 : i32
      %dma_start3A_538 = tpu.memref_slice %arg3[%squeeze3A_530, %squeeze3A_532, %dma_start3A_537] : memref<1824x38x85xf32, #tpu.memory_space<hbm>> -> memref<1x1x85xf32, #tpu.memory_space<hbm>>
      %dma_start3A_539 = tpu.memref_squeeze %dma_start3A_538 : memref<1x1x85xf32, #tpu.memory_space<hbm>> -> memref<85xf32, #tpu.memory_space<hbm>>
      %dma_start3A_540 = arith.constant 0 : i32
      %dma_start3A_541 = tpu.memref_slice %arg21[%dma_start3A_533, %dma_start3A_540] : memref<16x85xf32, #tpu.memory_space<vmem>> -> memref<1x85xf32, #tpu.memory_space<vmem>>
      %dma_start3A_542 = tpu.memref_squeeze %dma_start3A_541 : memref<1x85xf32, #tpu.memory_space<vmem>> -> memref<85xf32, #tpu.memory_space<vmem>>
      %dma_start3A_543 = arith.constant 0 : i32
      %dma_start3A_544 = tpu.memref_slice %arg3[%squeeze3A_530, %squeeze3A_532, %dma_start3A_543] : memref<1824x38x85xf32, #tpu.memory_space<hbm>> -> memref<1x1x85xf32, #tpu.memory_space<hbm>>
      %dma_start3A_545 = tpu.memref_squeeze %dma_start3A_544 : memref<1x1x85xf32, #tpu.memory_space<hbm>> -> memref<85xf32, #tpu.memory_space<hbm>>
      tpu.enqueue_dma source(%dma_start3A_545 : memref<85xf32, #tpu.memory_space<hbm>>) target(%dma_start3A_542 : memref<85xf32, #tpu.memory_space<vmem>>) target_semaphore(%arg24 : memref<!tpu.dma_semaphore, #tpu.memory_space<semaphore_mem>>)
      %slice3A_546 = vector.extract_strided_slice %get3A_304 {offsets = [14], sizes = [1], strides = [1]} : vector<16xi32> to vector<1xi32>
      %squeeze3A_547 = vector.extract %slice3A_546[0] : i32 from vector<1xi32>
      %slice3A_548 = vector.extract_strided_slice %get3A_307 {offsets = [14], sizes = [1], strides = [1]} : vector<16xi32> to vector<1xi32>
      %squeeze3A_549 = vector.extract %slice3A_548[0] : i32 from vector<1xi32>
      %dma_start3A_550 = arith.constant 14 : i32
      %dma_start3A_551 = arith.constant 0 : i32
      %dma_start3A_552 = tpu.memref_slice %arg21[%dma_start3A_550, %dma_start3A_551] : memref<16x85xf32, #tpu.memory_space<vmem>> -> memref<1x85xf32, #tpu.memory_space<vmem>>
      %dma_start3A_553 = tpu.memref_squeeze %dma_start3A_552 : memref<1x85xf32, #tpu.memory_space<vmem>> -> memref<85xf32, #tpu.memory_space<vmem>>
      %dma_start3A_554 = arith.constant 0 : i32
      %dma_start3A_555 = tpu.memref_slice %arg3[%squeeze3A_547, %squeeze3A_549, %dma_start3A_554] : memref<1824x38x85xf32, #tpu.memory_space<hbm>> -> memref<1x1x85xf32, #tpu.memory_space<hbm>>
      %dma_start3A_556 = tpu.memref_squeeze %dma_start3A_555 : memref<1x1x85xf32, #tpu.memory_space<hbm>> -> memref<85xf32, #tpu.memory_space<hbm>>
      %dma_start3A_557 = arith.constant 0 : i32
      %dma_start3A_558 = tpu.memref_slice %arg21[%dma_start3A_550, %dma_start3A_557] : memref<16x85xf32, #tpu.memory_space<vmem>> -> memref<1x85xf32, #tpu.memory_space<vmem>>
      %dma_start3A_559 = tpu.memref_squeeze %dma_start3A_558 : memref<1x85xf32, #tpu.memory_space<vmem>> -> memref<85xf32, #tpu.memory_space<vmem>>
      %dma_start3A_560 = arith.constant 0 : i32
      %dma_start3A_561 = tpu.memref_slice %arg3[%squeeze3A_547, %squeeze3A_549, %dma_start3A_560] : memref<1824x38x85xf32, #tpu.memory_space<hbm>> -> memref<1x1x85xf32, #tpu.memory_space<hbm>>
      %dma_start3A_562 = tpu.memref_squeeze %dma_start3A_561 : memref<1x1x85xf32, #tpu.memory_space<hbm>> -> memref<85xf32, #tpu.memory_space<hbm>>
      tpu.enqueue_dma source(%dma_start3A_562 : memref<85xf32, #tpu.memory_space<hbm>>) target(%dma_start3A_559 : memref<85xf32, #tpu.memory_space<vmem>>) target_semaphore(%arg24 : memref<!tpu.dma_semaphore, #tpu.memory_space<semaphore_mem>>)
      %slice3A_563 = vector.extract_strided_slice %get3A_304 {offsets = [15], sizes = [1], strides = [1]} : vector<16xi32> to vector<1xi32>
      %squeeze3A_564 = vector.extract %slice3A_563[0] : i32 from vector<1xi32>
      %slice3A_565 = vector.extract_strided_slice %get3A_307 {offsets = [15], sizes = [1], strides = [1]} : vector<16xi32> to vector<1xi32>
      %squeeze3A_566 = vector.extract %slice3A_565[0] : i32 from vector<1xi32>
      %dma_start3A_567 = arith.constant 15 : i32
      %dma_start3A_568 = arith.constant 0 : i32
      %dma_start3A_569 = tpu.memref_slice %arg21[%dma_start3A_567, %dma_start3A_568] : memref<16x85xf32, #tpu.memory_space<vmem>> -> memref<1x85xf32, #tpu.memory_space<vmem>>
      %dma_start3A_570 = tpu.memref_squeeze %dma_start3A_569 : memref<1x85xf32, #tpu.memory_space<vmem>> -> memref<85xf32, #tpu.memory_space<vmem>>
      %dma_start3A_571 = arith.constant 0 : i32
      %dma_start3A_572 = tpu.memref_slice %arg3[%squeeze3A_564, %squeeze3A_566, %dma_start3A_571] : memref<1824x38x85xf32, #tpu.memory_space<hbm>> -> memref<1x1x85xf32, #tpu.memory_space<hbm>>
      %dma_start3A_573 = tpu.memref_squeeze %dma_start3A_572 : memref<1x1x85xf32, #tpu.memory_space<hbm>> -> memref<85xf32, #tpu.memory_space<hbm>>
      %dma_start3A_574 = arith.constant 0 : i32
      %dma_start3A_575 = tpu.memref_slice %arg21[%dma_start3A_567, %dma_start3A_574] : memref<16x85xf32, #tpu.memory_space<vmem>> -> memref<1x85xf32, #tpu.memory_space<vmem>>
      %dma_start3A_576 = tpu.memref_squeeze %dma_start3A_575 : memref<1x85xf32, #tpu.memory_space<vmem>> -> memref<85xf32, #tpu.memory_space<vmem>>
      %dma_start3A_577 = arith.constant 0 : i32
      %dma_start3A_578 = tpu.memref_slice %arg3[%squeeze3A_564, %squeeze3A_566, %dma_start3A_577] : memref<1824x38x85xf32, #tpu.memory_space<hbm>> -> memref<1x1x85xf32, #tpu.memory_space<hbm>>
      %dma_start3A_579 = tpu.memref_squeeze %dma_start3A_578 : memref<1x1x85xf32, #tpu.memory_space<hbm>> -> memref<85xf32, #tpu.memory_space<hbm>>
      tpu.enqueue_dma source(%dma_start3A_579 : memref<85xf32, #tpu.memory_space<hbm>>) target(%dma_start3A_576 : memref<85xf32, #tpu.memory_space<vmem>>) target_semaphore(%arg24 : memref<!tpu.dma_semaphore, #tpu.memory_space<semaphore_mem>>)
      %get3A_580 = arith.constant 0 : index
      %get3A_581 = tpu.vector_load %arg16[%get3A_580] {strides = array<i32>} : memref<16xi32, #tpu.memory_space<vmem>>, vector<16xi32>,
      %get3A_582 = vector.shape_cast %get3A_581 : vector<16xi32> to vector<16xi32>
      %get3A_583 = arith.constant 0 : index
      %get3A_584 = tpu.vector_load %arg19[%get3A_583] {strides = array<i32>} : memref<16xi32, #tpu.memory_space<vmem>>, vector<16xi32>,
      %get3A_585 = vector.shape_cast %get3A_584 : vector<16xi32> to vector<16xi32>
      %slice3A_586 = vector.extract_strided_slice %get3A_582 {offsets = [0], sizes = [1], strides = [1]} : vector<16xi32> to vector<1xi32>
      %squeeze3A_587 = vector.extract %slice3A_586[0] : i32 from vector<1xi32>
      %slice3A_588 = vector.extract_strided_slice %get3A_585 {offsets = [0], sizes = [1], strides = [1]} : vector<16xi32> to vector<1xi32>
      %squeeze3A_589 = vector.extract %slice3A_588[0] : i32 from vector<1xi32>
      %dma_start3A_590 = arith.constant 0 : i32
      %dma_start3A_591 = arith.constant 0 : i32
      %dma_start3A_592 = tpu.memref_slice %arg22[%dma_start3A_590, %dma_start3A_591] : memref<16x85xf32, #tpu.memory_space<vmem>> -> memref<1x85xf32, #tpu.memory_space<vmem>>
      %dma_start3A_593 = tpu.memref_squeeze %dma_start3A_592 : memref<1x85xf32, #tpu.memory_space<vmem>> -> memref<85xf32, #tpu.memory_space<vmem>>
      %dma_start3A_594 = arith.constant 0 : i32
      %dma_start3A_595 = tpu.memref_slice %arg4[%squeeze3A_587, %squeeze3A_589, %dma_start3A_594] : memref<3648x76x85xf32, #tpu.memory_space<hbm>> -> memref<1x1x85xf32, #tpu.memory_space<hbm>>
      %dma_start3A_596 = tpu.memref_squeeze %dma_start3A_595 : memref<1x1x85xf32, #tpu.memory_space<hbm>> -> memref<85xf32, #tpu.memory_space<hbm>>
      %dma_start3A_597 = arith.constant 0 : i32
      %dma_start3A_598 = tpu.memref_slice %arg22[%dma_start3A_590, %dma_start3A_597] : memref<16x85xf32, #tpu.memory_space<vmem>> -> memref<1x85xf32, #tpu.memory_space<vmem>>
      %dma_start3A_599 = tpu.memref_squeeze %dma_start3A_598 : memref<1x85xf32, #tpu.memory_space<vmem>> -> memref<85xf32, #tpu.memory_space<vmem>>
      %dma_start3A_600 = arith.constant 0 : i32
      %dma_start3A_601 = tpu.memref_slice %arg4[%squeeze3A_587, %squeeze3A_589, %dma_start3A_600] : memref<3648x76x85xf32, #tpu.memory_space<hbm>> -> memref<1x1x85xf32, #tpu.memory_space<hbm>>
      %dma_start3A_602 = tpu.memref_squeeze %dma_start3A_601 : memref<1x1x85xf32, #tpu.memory_space<hbm>> -> memref<85xf32, #tpu.memory_space<hbm>>
      tpu.enqueue_dma source(%dma_start3A_602 : memref<85xf32, #tpu.memory_space<hbm>>) target(%dma_start3A_599 : memref<85xf32, #tpu.memory_space<vmem>>) target_semaphore(%arg24 : memref<!tpu.dma_semaphore, #tpu.memory_space<semaphore_mem>>)
      %slice3A_603 = vector.extract_strided_slice %get3A_582 {offsets = [1], sizes = [1], strides = [1]} : vector<16xi32> to vector<1xi32>
      %squeeze3A_604 = vector.extract %slice3A_603[0] : i32 from vector<1xi32>
      %slice3A_605 = vector.extract_strided_slice %get3A_585 {offsets = [1], sizes = [1], strides = [1]} : vector<16xi32> to vector<1xi32>
      %squeeze3A_606 = vector.extract %slice3A_605[0] : i32 from vector<1xi32>
      %dma_start3A_607 = arith.constant 1 : i32
      %dma_start3A_608 = arith.constant 0 : i32
      %dma_start3A_609 = tpu.memref_slice %arg22[%dma_start3A_607, %dma_start3A_608] : memref<16x85xf32, #tpu.memory_space<vmem>> -> memref<1x85xf32, #tpu.memory_space<vmem>>
      %dma_start3A_610 = tpu.memref_squeeze %dma_start3A_609 : memref<1x85xf32, #tpu.memory_space<vmem>> -> memref<85xf32, #tpu.memory_space<vmem>>
      %dma_start3A_611 = arith.constant 0 : i32
      %dma_start3A_612 = tpu.memref_slice %arg4[%squeeze3A_604, %squeeze3A_606, %dma_start3A_611] : memref<3648x76x85xf32, #tpu.memory_space<hbm>> -> memref<1x1x85xf32, #tpu.memory_space<hbm>>
      %dma_start3A_613 = tpu.memref_squeeze %dma_start3A_612 : memref<1x1x85xf32, #tpu.memory_space<hbm>> -> memref<85xf32, #tpu.memory_space<hbm>>
      %dma_start3A_614 = arith.constant 0 : i32
      %dma_start3A_615 = tpu.memref_slice %arg22[%dma_start3A_607, %dma_start3A_614] : memref<16x85xf32, #tpu.memory_space<vmem>> -> memref<1x85xf32, #tpu.memory_space<vmem>>
      %dma_start3A_616 = tpu.memref_squeeze %dma_start3A_615 : memref<1x85xf32, #tpu.memory_space<vmem>> -> memref<85xf32, #tpu.memory_space<vmem>>
      %dma_start3A_617 = arith.constant 0 : i32
      %dma_start3A_618 = tpu.memref_slice %arg4[%squeeze3A_604, %squeeze3A_606, %dma_start3A_617] : memref<3648x76x85xf32, #tpu.memory_space<hbm>> -> memref<1x1x85xf32, #tpu.memory_space<hbm>>
      %dma_start3A_619 = tpu.memref_squeeze %dma_start3A_618 : memref<1x1x85xf32, #tpu.memory_space<hbm>> -> memref<85xf32, #tpu.memory_space<hbm>>
      tpu.enqueue_dma source(%dma_start3A_619 : memref<85xf32, #tpu.memory_space<hbm>>) target(%dma_start3A_616 : memref<85xf32, #tpu.memory_space<vmem>>) target_semaphore(%arg24 : memref<!tpu.dma_semaphore, #tpu.memory_space<semaphore_mem>>)
      %slice3A_620 = vector.extract_strided_slice %get3A_582 {offsets = [2], sizes = [1], strides = [1]} : vector<16xi32> to vector<1xi32>
      %squeeze3A_621 = vector.extract %slice3A_620[0] : i32 from vector<1xi32>
      %slice3A_622 = vector.extract_strided_slice %get3A_585 {offsets = [2], sizes = [1], strides = [1]} : vector<16xi32> to vector<1xi32>
      %squeeze3A_623 = vector.extract %slice3A_622[0] : i32 from vector<1xi32>
      %dma_start3A_624 = arith.constant 2 : i32
      %dma_start3A_625 = arith.constant 0 : i32
      %dma_start3A_626 = tpu.memref_slice %arg22[%dma_start3A_624, %dma_start3A_625] : memref<16x85xf32, #tpu.memory_space<vmem>> -> memref<1x85xf32, #tpu.memory_space<vmem>>
      %dma_start3A_627 = tpu.memref_squeeze %dma_start3A_626 : memref<1x85xf32, #tpu.memory_space<vmem>> -> memref<85xf32, #tpu.memory_space<vmem>>
      %dma_start3A_628 = arith.constant 0 : i32
      %dma_start3A_629 = tpu.memref_slice %arg4[%squeeze3A_621, %squeeze3A_623, %dma_start3A_628] : memref<3648x76x85xf32, #tpu.memory_space<hbm>> -> memref<1x1x85xf32, #tpu.memory_space<hbm>>
      %dma_start3A_630 = tpu.memref_squeeze %dma_start3A_629 : memref<1x1x85xf32, #tpu.memory_space<hbm>> -> memref<85xf32, #tpu.memory_space<hbm>>
      %dma_start3A_631 = arith.constant 0 : i32
      %dma_start3A_632 = tpu.memref_slice %arg22[%dma_start3A_624, %dma_start3A_631] : memref<16x85xf32, #tpu.memory_space<vmem>> -> memref<1x85xf32, #tpu.memory_space<vmem>>
      %dma_start3A_633 = tpu.memref_squeeze %dma_start3A_632 : memref<1x85xf32, #tpu.memory_space<vmem>> -> memref<85xf32, #tpu.memory_space<vmem>>
      %dma_start3A_634 = arith.constant 0 : i32
      %dma_start3A_635 = tpu.memref_slice %arg4[%squeeze3A_621, %squeeze3A_623, %dma_start3A_634] : memref<3648x76x85xf32, #tpu.memory_space<hbm>> -> memref<1x1x85xf32, #tpu.memory_space<hbm>>
      %dma_start3A_636 = tpu.memref_squeeze %dma_start3A_635 : memref<1x1x85xf32, #tpu.memory_space<hbm>> -> memref<85xf32, #tpu.memory_space<hbm>>
      tpu.enqueue_dma source(%dma_start3A_636 : memref<85xf32, #tpu.memory_space<hbm>>) target(%dma_start3A_633 : memref<85xf32, #tpu.memory_space<vmem>>) target_semaphore(%arg24 : memref<!tpu.dma_semaphore, #tpu.memory_space<semaphore_mem>>)
      %slice3A_637 = vector.extract_strided_slice %get3A_582 {offsets = [3], sizes = [1], strides = [1]} : vector<16xi32> to vector<1xi32>
      %squeeze3A_638 = vector.extract %slice3A_637[0] : i32 from vector<1xi32>
      %slice3A_639 = vector.extract_strided_slice %get3A_585 {offsets = [3], sizes = [1], strides = [1]} : vector<16xi32> to vector<1xi32>
      %squeeze3A_640 = vector.extract %slice3A_639[0] : i32 from vector<1xi32>
      %dma_start3A_641 = arith.constant 3 : i32
      %dma_start3A_642 = arith.constant 0 : i32
      %dma_start3A_643 = tpu.memref_slice %arg22[%dma_start3A_641, %dma_start3A_642] : memref<16x85xf32, #tpu.memory_space<vmem>> -> memref<1x85xf32, #tpu.memory_space<vmem>>
      %dma_start3A_644 = tpu.memref_squeeze %dma_start3A_643 : memref<1x85xf32, #tpu.memory_space<vmem>> -> memref<85xf32, #tpu.memory_space<vmem>>
      %dma_start3A_645 = arith.constant 0 : i32
      %dma_start3A_646 = tpu.memref_slice %arg4[%squeeze3A_638, %squeeze3A_640, %dma_start3A_645] : memref<3648x76x85xf32, #tpu.memory_space<hbm>> -> memref<1x1x85xf32, #tpu.memory_space<hbm>>
      %dma_start3A_647 = tpu.memref_squeeze %dma_start3A_646 : memref<1x1x85xf32, #tpu.memory_space<hbm>> -> memref<85xf32, #tpu.memory_space<hbm>>
      %dma_start3A_648 = arith.constant 0 : i32
      %dma_start3A_649 = tpu.memref_slice %arg22[%dma_start3A_641, %dma_start3A_648] : memref<16x85xf32, #tpu.memory_space<vmem>> -> memref<1x85xf32, #tpu.memory_space<vmem>>
      %dma_start3A_650 = tpu.memref_squeeze %dma_start3A_649 : memref<1x85xf32, #tpu.memory_space<vmem>> -> memref<85xf32, #tpu.memory_space<vmem>>
      %dma_start3A_651 = arith.constant 0 : i32
      %dma_start3A_652 = tpu.memref_slice %arg4[%squeeze3A_638, %squeeze3A_640, %dma_start3A_651] : memref<3648x76x85xf32, #tpu.memory_space<hbm>> -> memref<1x1x85xf32, #tpu.memory_space<hbm>>
      %dma_start3A_653 = tpu.memref_squeeze %dma_start3A_652 : memref<1x1x85xf32, #tpu.memory_space<hbm>> -> memref<85xf32, #tpu.memory_space<hbm>>
      tpu.enqueue_dma source(%dma_start3A_653 : memref<85xf32, #tpu.memory_space<hbm>>) target(%dma_start3A_650 : memref<85xf32, #tpu.memory_space<vmem>>) target_semaphore(%arg24 : memref<!tpu.dma_semaphore, #tpu.memory_space<semaphore_mem>>)
      %slice3A_654 = vector.extract_strided_slice %get3A_582 {offsets = [4], sizes = [1], strides = [1]} : vector<16xi32> to vector<1xi32>
      %squeeze3A_655 = vector.extract %slice3A_654[0] : i32 from vector<1xi32>
      %slice3A_656 = vector.extract_strided_slice %get3A_585 {offsets = [4], sizes = [1], strides = [1]} : vector<16xi32> to vector<1xi32>
      %squeeze3A_657 = vector.extract %slice3A_656[0] : i32 from vector<1xi32>
      %dma_start3A_658 = arith.constant 4 : i32
      %dma_start3A_659 = arith.constant 0 : i32
      %dma_start3A_660 = tpu.memref_slice %arg22[%dma_start3A_658, %dma_start3A_659] : memref<16x85xf32, #tpu.memory_space<vmem>> -> memref<1x85xf32, #tpu.memory_space<vmem>>
      %dma_start3A_661 = tpu.memref_squeeze %dma_start3A_660 : memref<1x85xf32, #tpu.memory_space<vmem>> -> memref<85xf32, #tpu.memory_space<vmem>>
      %dma_start3A_662 = arith.constant 0 : i32
      %dma_start3A_663 = tpu.memref_slice %arg4[%squeeze3A_655, %squeeze3A_657, %dma_start3A_662] : memref<3648x76x85xf32, #tpu.memory_space<hbm>> -> memref<1x1x85xf32, #tpu.memory_space<hbm>>
      %dma_start3A_664 = tpu.memref_squeeze %dma_start3A_663 : memref<1x1x85xf32, #tpu.memory_space<hbm>> -> memref<85xf32, #tpu.memory_space<hbm>>
      %dma_start3A_665 = arith.constant 0 : i32
      %dma_start3A_666 = tpu.memref_slice %arg22[%dma_start3A_658, %dma_start3A_665] : memref<16x85xf32, #tpu.memory_space<vmem>> -> memref<1x85xf32, #tpu.memory_space<vmem>>
      %dma_start3A_667 = tpu.memref_squeeze %dma_start3A_666 : memref<1x85xf32, #tpu.memory_space<vmem>> -> memref<85xf32, #tpu.memory_space<vmem>>
      %dma_start3A_668 = arith.constant 0 : i32
      %dma_start3A_669 = tpu.memref_slice %arg4[%squeeze3A_655, %squeeze3A_657, %dma_start3A_668] : memref<3648x76x85xf32, #tpu.memory_space<hbm>> -> memref<1x1x85xf32, #tpu.memory_space<hbm>>
      %dma_start3A_670 = tpu.memref_squeeze %dma_start3A_669 : memref<1x1x85xf32, #tpu.memory_space<hbm>> -> memref<85xf32, #tpu.memory_space<hbm>>
      tpu.enqueue_dma source(%dma_start3A_670 : memref<85xf32, #tpu.memory_space<hbm>>) target(%dma_start3A_667 : memref<85xf32, #tpu.memory_space<vmem>>) target_semaphore(%arg24 : memref<!tpu.dma_semaphore, #tpu.memory_space<semaphore_mem>>)
      %slice3A_671 = vector.extract_strided_slice %get3A_582 {offsets = [5], sizes = [1], strides = [1]} : vector<16xi32> to vector<1xi32>
      %squeeze3A_672 = vector.extract %slice3A_671[0] : i32 from vector<1xi32>
      %slice3A_673 = vector.extract_strided_slice %get3A_585 {offsets = [5], sizes = [1], strides = [1]} : vector<16xi32> to vector<1xi32>
      %squeeze3A_674 = vector.extract %slice3A_673[0] : i32 from vector<1xi32>
      %dma_start3A_675 = arith.constant 5 : i32
      %dma_start3A_676 = arith.constant 0 : i32
      %dma_start3A_677 = tpu.memref_slice %arg22[%dma_start3A_675, %dma_start3A_676] : memref<16x85xf32, #tpu.memory_space<vmem>> -> memref<1x85xf32, #tpu.memory_space<vmem>>
      %dma_start3A_678 = tpu.memref_squeeze %dma_start3A_677 : memref<1x85xf32, #tpu.memory_space<vmem>> -> memref<85xf32, #tpu.memory_space<vmem>>
      %dma_start3A_679 = arith.constant 0 : i32
      %dma_start3A_680 = tpu.memref_slice %arg4[%squeeze3A_672, %squeeze3A_674, %dma_start3A_679] : memref<3648x76x85xf32, #tpu.memory_space<hbm>> -> memref<1x1x85xf32, #tpu.memory_space<hbm>>
      %dma_start3A_681 = tpu.memref_squeeze %dma_start3A_680 : memref<1x1x85xf32, #tpu.memory_space<hbm>> -> memref<85xf32, #tpu.memory_space<hbm>>
      %dma_start3A_682 = arith.constant 0 : i32
      %dma_start3A_683 = tpu.memref_slice %arg22[%dma_start3A_675, %dma_start3A_682] : memref<16x85xf32, #tpu.memory_space<vmem>> -> memref<1x85xf32, #tpu.memory_space<vmem>>
      %dma_start3A_684 = tpu.memref_squeeze %dma_start3A_683 : memref<1x85xf32, #tpu.memory_space<vmem>> -> memref<85xf32, #tpu.memory_space<vmem>>
      %dma_start3A_685 = arith.constant 0 : i32
      %dma_start3A_686 = tpu.memref_slice %arg4[%squeeze3A_672, %squeeze3A_674, %dma_start3A_685] : memref<3648x76x85xf32, #tpu.memory_space<hbm>> -> memref<1x1x85xf32, #tpu.memory_space<hbm>>
      %dma_start3A_687 = tpu.memref_squeeze %dma_start3A_686 : memref<1x1x85xf32, #tpu.memory_space<hbm>> -> memref<85xf32, #tpu.memory_space<hbm>>
      tpu.enqueue_dma source(%dma_start3A_687 : memref<85xf32, #tpu.memory_space<hbm>>) target(%dma_start3A_684 : memref<85xf32, #tpu.memory_space<vmem>>) target_semaphore(%arg24 : memref<!tpu.dma_semaphore, #tpu.memory_space<semaphore_mem>>)
      %slice3A_688 = vector.extract_strided_slice %get3A_582 {offsets = [6], sizes = [1], strides = [1]} : vector<16xi32> to vector<1xi32>
      %squeeze3A_689 = vector.extract %slice3A_688[0] : i32 from vector<1xi32>
      %slice3A_690 = vector.extract_strided_slice %get3A_585 {offsets = [6], sizes = [1], strides = [1]} : vector<16xi32> to vector<1xi32>
      %squeeze3A_691 = vector.extract %slice3A_690[0] : i32 from vector<1xi32>
      %dma_start3A_692 = arith.constant 6 : i32
      %dma_start3A_693 = arith.constant 0 : i32
      %dma_start3A_694 = tpu.memref_slice %arg22[%dma_start3A_692, %dma_start3A_693] : memref<16x85xf32, #tpu.memory_space<vmem>> -> memref<1x85xf32, #tpu.memory_space<vmem>>
      %dma_start3A_695 = tpu.memref_squeeze %dma_start3A_694 : memref<1x85xf32, #tpu.memory_space<vmem>> -> memref<85xf32, #tpu.memory_space<vmem>>
      %dma_start3A_696 = arith.constant 0 : i32
      %dma_start3A_697 = tpu.memref_slice %arg4[%squeeze3A_689, %squeeze3A_691, %dma_start3A_696] : memref<3648x76x85xf32, #tpu.memory_space<hbm>> -> memref<1x1x85xf32, #tpu.memory_space<hbm>>
      %dma_start3A_698 = tpu.memref_squeeze %dma_start3A_697 : memref<1x1x85xf32, #tpu.memory_space<hbm>> -> memref<85xf32, #tpu.memory_space<hbm>>
      %dma_start3A_699 = arith.constant 0 : i32
      %dma_start3A_700 = tpu.memref_slice %arg22[%dma_start3A_692, %dma_start3A_699] : memref<16x85xf32, #tpu.memory_space<vmem>> -> memref<1x85xf32, #tpu.memory_space<vmem>>
      %dma_start3A_701 = tpu.memref_squeeze %dma_start3A_700 : memref<1x85xf32, #tpu.memory_space<vmem>> -> memref<85xf32, #tpu.memory_space<vmem>>
      %dma_start3A_702 = arith.constant 0 : i32
      %dma_start3A_703 = tpu.memref_slice %arg4[%squeeze3A_689, %squeeze3A_691, %dma_start3A_702] : memref<3648x76x85xf32, #tpu.memory_space<hbm>> -> memref<1x1x85xf32, #tpu.memory_space<hbm>>
      %dma_start3A_704 = tpu.memref_squeeze %dma_start3A_703 : memref<1x1x85xf32, #tpu.memory_space<hbm>> -> memref<85xf32, #tpu.memory_space<hbm>>
      tpu.enqueue_dma source(%dma_start3A_704 : memref<85xf32, #tpu.memory_space<hbm>>) target(%dma_start3A_701 : memref<85xf32, #tpu.memory_space<vmem>>) target_semaphore(%arg24 : memref<!tpu.dma_semaphore, #tpu.memory_space<semaphore_mem>>)
      %slice3A_705 = vector.extract_strided_slice %get3A_582 {offsets = [7], sizes = [1], strides = [1]} : vector<16xi32> to vector<1xi32>
      %squeeze3A_706 = vector.extract %slice3A_705[0] : i32 from vector<1xi32>
      %slice3A_707 = vector.extract_strided_slice %get3A_585 {offsets = [7], sizes = [1], strides = [1]} : vector<16xi32> to vector<1xi32>
      %squeeze3A_708 = vector.extract %slice3A_707[0] : i32 from vector<1xi32>
      %dma_start3A_709 = arith.constant 7 : i32
      %dma_start3A_710 = arith.constant 0 : i32
      %dma_start3A_711 = tpu.memref_slice %arg22[%dma_start3A_709, %dma_start3A_710] : memref<16x85xf32, #tpu.memory_space<vmem>> -> memref<1x85xf32, #tpu.memory_space<vmem>>
      %dma_start3A_712 = tpu.memref_squeeze %dma_start3A_711 : memref<1x85xf32, #tpu.memory_space<vmem>> -> memref<85xf32, #tpu.memory_space<vmem>>
      %dma_start3A_713 = arith.constant 0 : i32
      %dma_start3A_714 = tpu.memref_slice %arg4[%squeeze3A_706, %squeeze3A_708, %dma_start3A_713] : memref<3648x76x85xf32, #tpu.memory_space<hbm>> -> memref<1x1x85xf32, #tpu.memory_space<hbm>>
      %dma_start3A_715 = tpu.memref_squeeze %dma_start3A_714 : memref<1x1x85xf32, #tpu.memory_space<hbm>> -> memref<85xf32, #tpu.memory_space<hbm>>
      %dma_start3A_716 = arith.constant 0 : i32
      %dma_start3A_717 = tpu.memref_slice %arg22[%dma_start3A_709, %dma_start3A_716] : memref<16x85xf32, #tpu.memory_space<vmem>> -> memref<1x85xf32, #tpu.memory_space<vmem>>
      %dma_start3A_718 = tpu.memref_squeeze %dma_start3A_717 : memref<1x85xf32, #tpu.memory_space<vmem>> -> memref<85xf32, #tpu.memory_space<vmem>>
      %dma_start3A_719 = arith.constant 0 : i32
      %dma_start3A_720 = tpu.memref_slice %arg4[%squeeze3A_706, %squeeze3A_708, %dma_start3A_719] : memref<3648x76x85xf32, #tpu.memory_space<hbm>> -> memref<1x1x85xf32, #tpu.memory_space<hbm>>
      %dma_start3A_721 = tpu.memref_squeeze %dma_start3A_720 : memref<1x1x85xf32, #tpu.memory_space<hbm>> -> memref<85xf32, #tpu.memory_space<hbm>>
      tpu.enqueue_dma source(%dma_start3A_721 : memref<85xf32, #tpu.memory_space<hbm>>) target(%dma_start3A_718 : memref<85xf32, #tpu.memory_space<vmem>>) target_semaphore(%arg24 : memref<!tpu.dma_semaphore, #tpu.memory_space<semaphore_mem>>)
      %slice3A_722 = vector.extract_strided_slice %get3A_582 {offsets = [8], sizes = [1], strides = [1]} : vector<16xi32> to vector<1xi32>
      %squeeze3A_723 = vector.extract %slice3A_722[0] : i32 from vector<1xi32>
      %slice3A_724 = vector.extract_strided_slice %get3A_585 {offsets = [8], sizes = [1], strides = [1]} : vector<16xi32> to vector<1xi32>
      %squeeze3A_725 = vector.extract %slice3A_724[0] : i32 from vector<1xi32>
      %dma_start3A_726 = arith.constant 8 : i32
      %dma_start3A_727 = arith.constant 0 : i32
      %dma_start3A_728 = tpu.memref_slice %arg22[%dma_start3A_726, %dma_start3A_727] : memref<16x85xf32, #tpu.memory_space<vmem>> -> memref<1x85xf32, #tpu.memory_space<vmem>>
      %dma_start3A_729 = tpu.memref_squeeze %dma_start3A_728 : memref<1x85xf32, #tpu.memory_space<vmem>> -> memref<85xf32, #tpu.memory_space<vmem>>
      %dma_start3A_730 = arith.constant 0 : i32
      %dma_start3A_731 = tpu.memref_slice %arg4[%squeeze3A_723, %squeeze3A_725, %dma_start3A_730] : memref<3648x76x85xf32, #tpu.memory_space<hbm>> -> memref<1x1x85xf32, #tpu.memory_space<hbm>>
      %dma_start3A_732 = tpu.memref_squeeze %dma_start3A_731 : memref<1x1x85xf32, #tpu.memory_space<hbm>> -> memref<85xf32, #tpu.memory_space<hbm>>
      %dma_start3A_733 = arith.constant 0 : i32
      %dma_start3A_734 = tpu.memref_slice %arg22[%dma_start3A_726, %dma_start3A_733] : memref<16x85xf32, #tpu.memory_space<vmem>> -> memref<1x85xf32, #tpu.memory_space<vmem>>
      %dma_start3A_735 = tpu.memref_squeeze %dma_start3A_734 : memref<1x85xf32, #tpu.memory_space<vmem>> -> memref<85xf32, #tpu.memory_space<vmem>>
      %dma_start3A_736 = arith.constant 0 : i32
      %dma_start3A_737 = tpu.memref_slice %arg4[%squeeze3A_723, %squeeze3A_725, %dma_start3A_736] : memref<3648x76x85xf32, #tpu.memory_space<hbm>> -> memref<1x1x85xf32, #tpu.memory_space<hbm>>
      %dma_start3A_738 = tpu.memref_squeeze %dma_start3A_737 : memref<1x1x85xf32, #tpu.memory_space<hbm>> -> memref<85xf32, #tpu.memory_space<hbm>>
      tpu.enqueue_dma source(%dma_start3A_738 : memref<85xf32, #tpu.memory_space<hbm>>) target(%dma_start3A_735 : memref<85xf32, #tpu.memory_space<vmem>>) target_semaphore(%arg24 : memref<!tpu.dma_semaphore, #tpu.memory_space<semaphore_mem>>)
      %slice3A_739 = vector.extract_strided_slice %get3A_582 {offsets = [9], sizes = [1], strides = [1]} : vector<16xi32> to vector<1xi32>
      %squeeze3A_740 = vector.extract %slice3A_739[0] : i32 from vector<1xi32>
      %slice3A_741 = vector.extract_strided_slice %get3A_585 {offsets = [9], sizes = [1], strides = [1]} : vector<16xi32> to vector<1xi32>
      %squeeze3A_742 = vector.extract %slice3A_741[0] : i32 from vector<1xi32>
      %dma_start3A_743 = arith.constant 9 : i32
      %dma_start3A_744 = arith.constant 0 : i32
      %dma_start3A_745 = tpu.memref_slice %arg22[%dma_start3A_743, %dma_start3A_744] : memref<16x85xf32, #tpu.memory_space<vmem>> -> memref<1x85xf32, #tpu.memory_space<vmem>>
      %dma_start3A_746 = tpu.memref_squeeze %dma_start3A_745 : memref<1x85xf32, #tpu.memory_space<vmem>> -> memref<85xf32, #tpu.memory_space<vmem>>
      %dma_start3A_747 = arith.constant 0 : i32
      %dma_start3A_748 = tpu.memref_slice %arg4[%squeeze3A_740, %squeeze3A_742, %dma_start3A_747] : memref<3648x76x85xf32, #tpu.memory_space<hbm>> -> memref<1x1x85xf32, #tpu.memory_space<hbm>>
      %dma_start3A_749 = tpu.memref_squeeze %dma_start3A_748 : memref<1x1x85xf32, #tpu.memory_space<hbm>> -> memref<85xf32, #tpu.memory_space<hbm>>
      %dma_start3A_750 = arith.constant 0 : i32
      %dma_start3A_751 = tpu.memref_slice %arg22[%dma_start3A_743, %dma_start3A_750] : memref<16x85xf32, #tpu.memory_space<vmem>> -> memref<1x85xf32, #tpu.memory_space<vmem>>
      %dma_start3A_752 = tpu.memref_squeeze %dma_start3A_751 : memref<1x85xf32, #tpu.memory_space<vmem>> -> memref<85xf32, #tpu.memory_space<vmem>>
      %dma_start3A_753 = arith.constant 0 : i32
      %dma_start3A_754 = tpu.memref_slice %arg4[%squeeze3A_740, %squeeze3A_742, %dma_start3A_753] : memref<3648x76x85xf32, #tpu.memory_space<hbm>> -> memref<1x1x85xf32, #tpu.memory_space<hbm>>
      %dma_start3A_755 = tpu.memref_squeeze %dma_start3A_754 : memref<1x1x85xf32, #tpu.memory_space<hbm>> -> memref<85xf32, #tpu.memory_space<hbm>>
      tpu.enqueue_dma source(%dma_start3A_755 : memref<85xf32, #tpu.memory_space<hbm>>) target(%dma_start3A_752 : memref<85xf32, #tpu.memory_space<vmem>>) target_semaphore(%arg24 : memref<!tpu.dma_semaphore, #tpu.memory_space<semaphore_mem>>)
      %slice3A_756 = vector.extract_strided_slice %get3A_582 {offsets = [10], sizes = [1], strides = [1]} : vector<16xi32> to vector<1xi32>
      %squeeze3A_757 = vector.extract %slice3A_756[0] : i32 from vector<1xi32>
      %slice3A_758 = vector.extract_strided_slice %get3A_585 {offsets = [10], sizes = [1], strides = [1]} : vector<16xi32> to vector<1xi32>
      %squeeze3A_759 = vector.extract %slice3A_758[0] : i32 from vector<1xi32>
      %dma_start3A_760 = arith.constant 10 : i32
      %dma_start3A_761 = arith.constant 0 : i32
      %dma_start3A_762 = tpu.memref_slice %arg22[%dma_start3A_760, %dma_start3A_761] : memref<16x85xf32, #tpu.memory_space<vmem>> -> memref<1x85xf32, #tpu.memory_space<vmem>>
      %dma_start3A_763 = tpu.memref_squeeze %dma_start3A_762 : memref<1x85xf32, #tpu.memory_space<vmem>> -> memref<85xf32, #tpu.memory_space<vmem>>
      %dma_start3A_764 = arith.constant 0 : i32
      %dma_start3A_765 = tpu.memref_slice %arg4[%squeeze3A_757, %squeeze3A_759, %dma_start3A_764] : memref<3648x76x85xf32, #tpu.memory_space<hbm>> -> memref<1x1x85xf32, #tpu.memory_space<hbm>>
      %dma_start3A_766 = tpu.memref_squeeze %dma_start3A_765 : memref<1x1x85xf32, #tpu.memory_space<hbm>> -> memref<85xf32, #tpu.memory_space<hbm>>
      %dma_start3A_767 = arith.constant 0 : i32
      %dma_start3A_768 = tpu.memref_slice %arg22[%dma_start3A_760, %dma_start3A_767] : memref<16x85xf32, #tpu.memory_space<vmem>> -> memref<1x85xf32, #tpu.memory_space<vmem>>
      %dma_start3A_769 = tpu.memref_squeeze %dma_start3A_768 : memref<1x85xf32, #tpu.memory_space<vmem>> -> memref<85xf32, #tpu.memory_space<vmem>>
      %dma_start3A_770 = arith.constant 0 : i32
      %dma_start3A_771 = tpu.memref_slice %arg4[%squeeze3A_757, %squeeze3A_759, %dma_start3A_770] : memref<3648x76x85xf32, #tpu.memory_space<hbm>> -> memref<1x1x85xf32, #tpu.memory_space<hbm>>
      %dma_start3A_772 = tpu.memref_squeeze %dma_start3A_771 : memref<1x1x85xf32, #tpu.memory_space<hbm>> -> memref<85xf32, #tpu.memory_space<hbm>>
      tpu.enqueue_dma source(%dma_start3A_772 : memref<85xf32, #tpu.memory_space<hbm>>) target(%dma_start3A_769 : memref<85xf32, #tpu.memory_space<vmem>>) target_semaphore(%arg24 : memref<!tpu.dma_semaphore, #tpu.memory_space<semaphore_mem>>)
      %slice3A_773 = vector.extract_strided_slice %get3A_582 {offsets = [11], sizes = [1], strides = [1]} : vector<16xi32> to vector<1xi32>
      %squeeze3A_774 = vector.extract %slice3A_773[0] : i32 from vector<1xi32>
      %slice3A_775 = vector.extract_strided_slice %get3A_585 {offsets = [11], sizes = [1], strides = [1]} : vector<16xi32> to vector<1xi32>
      %squeeze3A_776 = vector.extract %slice3A_775[0] : i32 from vector<1xi32>
      %dma_start3A_777 = arith.constant 11 : i32
      %dma_start3A_778 = arith.constant 0 : i32
      %dma_start3A_779 = tpu.memref_slice %arg22[%dma_start3A_777, %dma_start3A_778] : memref<16x85xf32, #tpu.memory_space<vmem>> -> memref<1x85xf32, #tpu.memory_space<vmem>>
      %dma_start3A_780 = tpu.memref_squeeze %dma_start3A_779 : memref<1x85xf32, #tpu.memory_space<vmem>> -> memref<85xf32, #tpu.memory_space<vmem>>
      %dma_start3A_781 = arith.constant 0 : i32
      %dma_start3A_782 = tpu.memref_slice %arg4[%squeeze3A_774, %squeeze3A_776, %dma_start3A_781] : memref<3648x76x85xf32, #tpu.memory_space<hbm>> -> memref<1x1x85xf32, #tpu.memory_space<hbm>>
      %dma_start3A_783 = tpu.memref_squeeze %dma_start3A_782 : memref<1x1x85xf32, #tpu.memory_space<hbm>> -> memref<85xf32, #tpu.memory_space<hbm>>
      %dma_start3A_784 = arith.constant 0 : i32
      %dma_start3A_785 = tpu.memref_slice %arg22[%dma_start3A_777, %dma_start3A_784] : memref<16x85xf32, #tpu.memory_space<vmem>> -> memref<1x85xf32, #tpu.memory_space<vmem>>
      %dma_start3A_786 = tpu.memref_squeeze %dma_start3A_785 : memref<1x85xf32, #tpu.memory_space<vmem>> -> memref<85xf32, #tpu.memory_space<vmem>>
      %dma_start3A_787 = arith.constant 0 : i32
      %dma_start3A_788 = tpu.memref_slice %arg4[%squeeze3A_774, %squeeze3A_776, %dma_start3A_787] : memref<3648x76x85xf32, #tpu.memory_space<hbm>> -> memref<1x1x85xf32, #tpu.memory_space<hbm>>
      %dma_start3A_789 = tpu.memref_squeeze %dma_start3A_788 : memref<1x1x85xf32, #tpu.memory_space<hbm>> -> memref<85xf32, #tpu.memory_space<hbm>>
      tpu.enqueue_dma source(%dma_start3A_789 : memref<85xf32, #tpu.memory_space<hbm>>) target(%dma_start3A_786 : memref<85xf32, #tpu.memory_space<vmem>>) target_semaphore(%arg24 : memref<!tpu.dma_semaphore, #tpu.memory_space<semaphore_mem>>)
      %slice3A_790 = vector.extract_strided_slice %get3A_582 {offsets = [12], sizes = [1], strides = [1]} : vector<16xi32> to vector<1xi32>
      %squeeze3A_791 = vector.extract %slice3A_790[0] : i32 from vector<1xi32>
      %slice3A_792 = vector.extract_strided_slice %get3A_585 {offsets = [12], sizes = [1], strides = [1]} : vector<16xi32> to vector<1xi32>
      %squeeze3A_793 = vector.extract %slice3A_792[0] : i32 from vector<1xi32>
      %dma_start3A_794 = arith.constant 12 : i32
      %dma_start3A_795 = arith.constant 0 : i32
      %dma_start3A_796 = tpu.memref_slice %arg22[%dma_start3A_794, %dma_start3A_795] : memref<16x85xf32, #tpu.memory_space<vmem>> -> memref<1x85xf32, #tpu.memory_space<vmem>>
      %dma_start3A_797 = tpu.memref_squeeze %dma_start3A_796 : memref<1x85xf32, #tpu.memory_space<vmem>> -> memref<85xf32, #tpu.memory_space<vmem>>
      %dma_start3A_798 = arith.constant 0 : i32
      %dma_start3A_799 = tpu.memref_slice %arg4[%squeeze3A_791, %squeeze3A_793, %dma_start3A_798] : memref<3648x76x85xf32, #tpu.memory_space<hbm>> -> memref<1x1x85xf32, #tpu.memory_space<hbm>>
      %dma_start3A_800 = tpu.memref_squeeze %dma_start3A_799 : memref<1x1x85xf32, #tpu.memory_space<hbm>> -> memref<85xf32, #tpu.memory_space<hbm>>
      %dma_start3A_801 = arith.constant 0 : i32
      %dma_start3A_802 = tpu.memref_slice %arg22[%dma_start3A_794, %dma_start3A_801] : memref<16x85xf32, #tpu.memory_space<vmem>> -> memref<1x85xf32, #tpu.memory_space<vmem>>
      %dma_start3A_803 = tpu.memref_squeeze %dma_start3A_802 : memref<1x85xf32, #tpu.memory_space<vmem>> -> memref<85xf32, #tpu.memory_space<vmem>>
      %dma_start3A_804 = arith.constant 0 : i32
      %dma_start3A_805 = tpu.memref_slice %arg4[%squeeze3A_791, %squeeze3A_793, %dma_start3A_804] : memref<3648x76x85xf32, #tpu.memory_space<hbm>> -> memref<1x1x85xf32, #tpu.memory_space<hbm>>
      %dma_start3A_806 = tpu.memref_squeeze %dma_start3A_805 : memref<1x1x85xf32, #tpu.memory_space<hbm>> -> memref<85xf32, #tpu.memory_space<hbm>>
      tpu.enqueue_dma source(%dma_start3A_806 : memref<85xf32, #tpu.memory_space<hbm>>) target(%dma_start3A_803 : memref<85xf32, #tpu.memory_space<vmem>>) target_semaphore(%arg24 : memref<!tpu.dma_semaphore, #tpu.memory_space<semaphore_mem>>)
      %slice3A_807 = vector.extract_strided_slice %get3A_582 {offsets = [13], sizes = [1], strides = [1]} : vector<16xi32> to vector<1xi32>
      %squeeze3A_808 = vector.extract %slice3A_807[0] : i32 from vector<1xi32>
      %slice3A_809 = vector.extract_strided_slice %get3A_585 {offsets = [13], sizes = [1], strides = [1]} : vector<16xi32> to vector<1xi32>
      %squeeze3A_810 = vector.extract %slice3A_809[0] : i32 from vector<1xi32>
      %dma_start3A_811 = arith.constant 13 : i32
      %dma_start3A_812 = arith.constant 0 : i32
      %dma_start3A_813 = tpu.memref_slice %arg22[%dma_start3A_811, %dma_start3A_812] : memref<16x85xf32, #tpu.memory_space<vmem>> -> memref<1x85xf32, #tpu.memory_space<vmem>>
      %dma_start3A_814 = tpu.memref_squeeze %dma_start3A_813 : memref<1x85xf32, #tpu.memory_space<vmem>> -> memref<85xf32, #tpu.memory_space<vmem>>
      %dma_start3A_815 = arith.constant 0 : i32
      %dma_start3A_816 = tpu.memref_slice %arg4[%squeeze3A_808, %squeeze3A_810, %dma_start3A_815] : memref<3648x76x85xf32, #tpu.memory_space<hbm>> -> memref<1x1x85xf32, #tpu.memory_space<hbm>>
      %dma_start3A_817 = tpu.memref_squeeze %dma_start3A_816 : memref<1x1x85xf32, #tpu.memory_space<hbm>> -> memref<85xf32, #tpu.memory_space<hbm>>
      %dma_start3A_818 = arith.constant 0 : i32
      %dma_start3A_819 = tpu.memref_slice %arg22[%dma_start3A_811, %dma_start3A_818] : memref<16x85xf32, #tpu.memory_space<vmem>> -> memref<1x85xf32, #tpu.memory_space<vmem>>
      %dma_start3A_820 = tpu.memref_squeeze %dma_start3A_819 : memref<1x85xf32, #tpu.memory_space<vmem>> -> memref<85xf32, #tpu.memory_space<vmem>>
      %dma_start3A_821 = arith.constant 0 : i32
      %dma_start3A_822 = tpu.memref_slice %arg4[%squeeze3A_808, %squeeze3A_810, %dma_start3A_821] : memref<3648x76x85xf32, #tpu.memory_space<hbm>> -> memref<1x1x85xf32, #tpu.memory_space<hbm>>
      %dma_start3A_823 = tpu.memref_squeeze %dma_start3A_822 : memref<1x1x85xf32, #tpu.memory_space<hbm>> -> memref<85xf32, #tpu.memory_space<hbm>>
      tpu.enqueue_dma source(%dma_start3A_823 : memref<85xf32, #tpu.memory_space<hbm>>) target(%dma_start3A_820 : memref<85xf32, #tpu.memory_space<vmem>>) target_semaphore(%arg24 : memref<!tpu.dma_semaphore, #tpu.memory_space<semaphore_mem>>)
      %slice3A_824 = vector.extract_strided_slice %get3A_582 {offsets = [14], sizes = [1], strides = [1]} : vector<16xi32> to vector<1xi32>
      %squeeze3A_825 = vector.extract %slice3A_824[0] : i32 from vector<1xi32>
      %slice3A_826 = vector.extract_strided_slice %get3A_585 {offsets = [14], sizes = [1], strides = [1]} : vector<16xi32> to vector<1xi32>
      %squeeze3A_827 = vector.extract %slice3A_826[0] : i32 from vector<1xi32>
      %dma_start3A_828 = arith.constant 14 : i32
      %dma_start3A_829 = arith.constant 0 : i32
      %dma_start3A_830 = tpu.memref_slice %arg22[%dma_start3A_828, %dma_start3A_829] : memref<16x85xf32, #tpu.memory_space<vmem>> -> memref<1x85xf32, #tpu.memory_space<vmem>>
      %dma_start3A_831 = tpu.memref_squeeze %dma_start3A_830 : memref<1x85xf32, #tpu.memory_space<vmem>> -> memref<85xf32, #tpu.memory_space<vmem>>
      %dma_start3A_832 = arith.constant 0 : i32
      %dma_start3A_833 = tpu.memref_slice %arg4[%squeeze3A_825, %squeeze3A_827, %dma_start3A_832] : memref<3648x76x85xf32, #tpu.memory_space<hbm>> -> memref<1x1x85xf32, #tpu.memory_space<hbm>>
      %dma_start3A_834 = tpu.memref_squeeze %dma_start3A_833 : memref<1x1x85xf32, #tpu.memory_space<hbm>> -> memref<85xf32, #tpu.memory_space<hbm>>
      %dma_start3A_835 = arith.constant 0 : i32
      %dma_start3A_836 = tpu.memref_slice %arg22[%dma_start3A_828, %dma_start3A_835] : memref<16x85xf32, #tpu.memory_space<vmem>> -> memref<1x85xf32, #tpu.memory_space<vmem>>
      %dma_start3A_837 = tpu.memref_squeeze %dma_start3A_836 : memref<1x85xf32, #tpu.memory_space<vmem>> -> memref<85xf32, #tpu.memory_space<vmem>>
      %dma_start3A_838 = arith.constant 0 : i32
      %dma_start3A_839 = tpu.memref_slice %arg4[%squeeze3A_825, %squeeze3A_827, %dma_start3A_838] : memref<3648x76x85xf32, #tpu.memory_space<hbm>> -> memref<1x1x85xf32, #tpu.memory_space<hbm>>
      %dma_start3A_840 = tpu.memref_squeeze %dma_start3A_839 : memref<1x1x85xf32, #tpu.memory_space<hbm>> -> memref<85xf32, #tpu.memory_space<hbm>>
      tpu.enqueue_dma source(%dma_start3A_840 : memref<85xf32, #tpu.memory_space<hbm>>) target(%dma_start3A_837 : memref<85xf32, #tpu.memory_space<vmem>>) target_semaphore(%arg24 : memref<!tpu.dma_semaphore, #tpu.memory_space<semaphore_mem>>)
      %slice3A_841 = vector.extract_strided_slice %get3A_582 {offsets = [15], sizes = [1], strides = [1]} : vector<16xi32> to vector<1xi32>
      %squeeze3A_842 = vector.extract %slice3A_841[0] : i32 from vector<1xi32>
      %slice3A_843 = vector.extract_strided_slice %get3A_585 {offsets = [15], sizes = [1], strides = [1]} : vector<16xi32> to vector<1xi32>
      %squeeze3A_844 = vector.extract %slice3A_843[0] : i32 from vector<1xi32>
      %dma_start3A_845 = arith.constant 15 : i32
      %dma_start3A_846 = arith.constant 0 : i32
      %dma_start3A_847 = tpu.memref_slice %arg22[%dma_start3A_845, %dma_start3A_846] : memref<16x85xf32, #tpu.memory_space<vmem>> -> memref<1x85xf32, #tpu.memory_space<vmem>>
      %dma_start3A_848 = tpu.memref_squeeze %dma_start3A_847 : memref<1x85xf32, #tpu.memory_space<vmem>> -> memref<85xf32, #tpu.memory_space<vmem>>
      %dma_start3A_849 = arith.constant 0 : i32
      %dma_start3A_850 = tpu.memref_slice %arg4[%squeeze3A_842, %squeeze3A_844, %dma_start3A_849] : memref<3648x76x85xf32, #tpu.memory_space<hbm>> -> memref<1x1x85xf32, #tpu.memory_space<hbm>>
      %dma_start3A_851 = tpu.memref_squeeze %dma_start3A_850 : memref<1x1x85xf32, #tpu.memory_space<hbm>> -> memref<85xf32, #tpu.memory_space<hbm>>
      %dma_start3A_852 = arith.constant 0 : i32
      %dma_start3A_853 = tpu.memref_slice %arg22[%dma_start3A_845, %dma_start3A_852] : memref<16x85xf32, #tpu.memory_space<vmem>> -> memref<1x85xf32, #tpu.memory_space<vmem>>
      %dma_start3A_854 = tpu.memref_squeeze %dma_start3A_853 : memref<1x85xf32, #tpu.memory_space<vmem>> -> memref<85xf32, #tpu.memory_space<vmem>>
      %dma_start3A_855 = arith.constant 0 : i32
      %dma_start3A_856 = tpu.memref_slice %arg4[%squeeze3A_842, %squeeze3A_844, %dma_start3A_855] : memref<3648x76x85xf32, #tpu.memory_space<hbm>> -> memref<1x1x85xf32, #tpu.memory_space<hbm>>
      %dma_start3A_857 = tpu.memref_squeeze %dma_start3A_856 : memref<1x1x85xf32, #tpu.memory_space<hbm>> -> memref<85xf32, #tpu.memory_space<hbm>>
      tpu.enqueue_dma source(%dma_start3A_857 : memref<85xf32, #tpu.memory_space<hbm>>) target(%dma_start3A_854 : memref<85xf32, #tpu.memory_space<vmem>>) target_semaphore(%arg24 : memref<!tpu.dma_semaphore, #tpu.memory_space<semaphore_mem>>)
      %dma_wait3A_858 = arith.constant 0 : i32
      %dma_wait3A_859 = arith.constant 0 : i32
      %dma_wait3A_860 = tpu.memref_slice %arg20[%dma_wait3A_858, %dma_wait3A_859] : memref<16x85xf32, #tpu.memory_space<vmem>> -> memref<1x85xf32, #tpu.memory_space<vmem>>
      %dma_wait3A_861 = tpu.memref_squeeze %dma_wait3A_860 : memref<1x85xf32, #tpu.memory_space<vmem>> -> memref<85xf32, #tpu.memory_space<vmem>>
      %dma_wait3A_862 = arith.constant 0 : i32
      %dma_wait3A_863 = tpu.memref_slice %arg2[%squeeze3A, %squeeze3A_33, %dma_wait3A_862] : memref<912x19x85xf32, #tpu.memory_space<hbm>> -> memref<1x1x85xf32, #tpu.memory_space<hbm>>
      %dma_wait3A_864 = tpu.memref_squeeze %dma_wait3A_863 : memref<1x1x85xf32, #tpu.memory_space<hbm>> -> memref<85xf32, #tpu.memory_space<hbm>>
      %dma_wait3A_865 = arith.constant 0 : i32
      %dma_wait3A_866 = tpu.memref_slice %arg20[%dma_wait3A_858, %dma_wait3A_865] : memref<16x85xf32, #tpu.memory_space<vmem>> -> memref<1x85xf32, #tpu.memory_space<vmem>>
      %dma_wait3A_867 = tpu.memref_squeeze %dma_wait3A_866 : memref<1x85xf32, #tpu.memory_space<vmem>> -> memref<85xf32, #tpu.memory_space<vmem>>
      %dma_wait3A_868 = arith.constant 0 : i32
      %dma_wait3A_869 = tpu.memref_slice %arg2[%squeeze3A, %squeeze3A_33, %dma_wait3A_868] : memref<912x19x85xf32, #tpu.memory_space<hbm>> -> memref<1x1x85xf32, #tpu.memory_space<hbm>>
      %dma_wait3A_870 = tpu.memref_squeeze %dma_wait3A_869 : memref<1x1x85xf32, #tpu.memory_space<hbm>> -> memref<85xf32, #tpu.memory_space<hbm>>
      tpu.wait_dma2 semaphore(%arg24 : memref<!tpu.dma_semaphore, #tpu.memory_space<semaphore_mem>>) src(%dma_wait3A_870 : memref<85xf32, #tpu.memory_space<hbm>>) dst(%dma_wait3A_867 : memref<85xf32, #tpu.memory_space<vmem>>)
      %dma_wait3A_871 = arith.constant 1 : i32
      %dma_wait3A_872 = arith.constant 0 : i32
      %dma_wait3A_873 = tpu.memref_slice %arg20[%dma_wait3A_871, %dma_wait3A_872] : memref<16x85xf32, #tpu.memory_space<vmem>> -> memref<1x85xf32, #tpu.memory_space<vmem>>
      %dma_wait3A_874 = tpu.memref_squeeze %dma_wait3A_873 : memref<1x85xf32, #tpu.memory_space<vmem>> -> memref<85xf32, #tpu.memory_space<vmem>>
      %dma_wait3A_875 = arith.constant 0 : i32
      %dma_wait3A_876 = tpu.memref_slice %arg2[%squeeze3A_48, %squeeze3A_50, %dma_wait3A_875] : memref<912x19x85xf32, #tpu.memory_space<hbm>> -> memref<1x1x85xf32, #tpu.memory_space<hbm>>
      %dma_wait3A_877 = tpu.memref_squeeze %dma_wait3A_876 : memref<1x1x85xf32, #tpu.memory_space<hbm>> -> memref<85xf32, #tpu.memory_space<hbm>>
      %dma_wait3A_878 = arith.constant 0 : i32
      %dma_wait3A_879 = tpu.memref_slice %arg20[%dma_wait3A_871, %dma_wait3A_878] : memref<16x85xf32, #tpu.memory_space<vmem>> -> memref<1x85xf32, #tpu.memory_space<vmem>>
      %dma_wait3A_880 = tpu.memref_squeeze %dma_wait3A_879 : memref<1x85xf32, #tpu.memory_space<vmem>> -> memref<85xf32, #tpu.memory_space<vmem>>
      %dma_wait3A_881 = arith.constant 0 : i32
      %dma_wait3A_882 = tpu.memref_slice %arg2[%squeeze3A_48, %squeeze3A_50, %dma_wait3A_881] : memref<912x19x85xf32, #tpu.memory_space<hbm>> -> memref<1x1x85xf32, #tpu.memory_space<hbm>>
      %dma_wait3A_883 = tpu.memref_squeeze %dma_wait3A_882 : memref<1x1x85xf32, #tpu.memory_space<hbm>> -> memref<85xf32, #tpu.memory_space<hbm>>
      tpu.wait_dma2 semaphore(%arg24 : memref<!tpu.dma_semaphore, #tpu.memory_space<semaphore_mem>>) src(%dma_wait3A_883 : memref<85xf32, #tpu.memory_space<hbm>>) dst(%dma_wait3A_880 : memref<85xf32, #tpu.memory_space<vmem>>)
      %dma_wait3A_884 = arith.constant 2 : i32
      %dma_wait3A_885 = arith.constant 0 : i32
      %dma_wait3A_886 = tpu.memref_slice %arg20[%dma_wait3A_884, %dma_wait3A_885] : memref<16x85xf32, #tpu.memory_space<vmem>> -> memref<1x85xf32, #tpu.memory_space<vmem>>
      %dma_wait3A_887 = tpu.memref_squeeze %dma_wait3A_886 : memref<1x85xf32, #tpu.memory_space<vmem>> -> memref<85xf32, #tpu.memory_space<vmem>>
      %dma_wait3A_888 = arith.constant 0 : i32
      %dma_wait3A_889 = tpu.memref_slice %arg2[%squeeze3A_65, %squeeze3A_67, %dma_wait3A_888] : memref<912x19x85xf32, #tpu.memory_space<hbm>> -> memref<1x1x85xf32, #tpu.memory_space<hbm>>
      %dma_wait3A_890 = tpu.memref_squeeze %dma_wait3A_889 : memref<1x1x85xf32, #tpu.memory_space<hbm>> -> memref<85xf32, #tpu.memory_space<hbm>>
      %dma_wait3A_891 = arith.constant 0 : i32
      %dma_wait3A_892 = tpu.memref_slice %arg20[%dma_wait3A_884, %dma_wait3A_891] : memref<16x85xf32, #tpu.memory_space<vmem>> -> memref<1x85xf32, #tpu.memory_space<vmem>>
      %dma_wait3A_893 = tpu.memref_squeeze %dma_wait3A_892 : memref<1x85xf32, #tpu.memory_space<vmem>> -> memref<85xf32, #tpu.memory_space<vmem>>
      %dma_wait3A_894 = arith.constant 0 : i32
      %dma_wait3A_895 = tpu.memref_slice %arg2[%squeeze3A_65, %squeeze3A_67, %dma_wait3A_894] : memref<912x19x85xf32, #tpu.memory_space<hbm>> -> memref<1x1x85xf32, #tpu.memory_space<hbm>>
      %dma_wait3A_896 = tpu.memref_squeeze %dma_wait3A_895 : memref<1x1x85xf32, #tpu.memory_space<hbm>> -> memref<85xf32, #tpu.memory_space<hbm>>
      tpu.wait_dma2 semaphore(%arg24 : memref<!tpu.dma_semaphore, #tpu.memory_space<semaphore_mem>>) src(%dma_wait3A_896 : memref<85xf32, #tpu.memory_space<hbm>>) dst(%dma_wait3A_893 : memref<85xf32, #tpu.memory_space<vmem>>)
      %dma_wait3A_897 = arith.constant 3 : i32
      %dma_wait3A_898 = arith.constant 0 : i32
      %dma_wait3A_899 = tpu.memref_slice %arg20[%dma_wait3A_897, %dma_wait3A_898] : memref<16x85xf32, #tpu.memory_space<vmem>> -> memref<1x85xf32, #tpu.memory_space<vmem>>
      %dma_wait3A_900 = tpu.memref_squeeze %dma_wait3A_899 : memref<1x85xf32, #tpu.memory_space<vmem>> -> memref<85xf32, #tpu.memory_space<vmem>>
      %dma_wait3A_901 = arith.constant 0 : i32
      %dma_wait3A_902 = tpu.memref_slice %arg2[%squeeze3A_82, %squeeze3A_84, %dma_wait3A_901] : memref<912x19x85xf32, #tpu.memory_space<hbm>> -> memref<1x1x85xf32, #tpu.memory_space<hbm>>
      %dma_wait3A_903 = tpu.memref_squeeze %dma_wait3A_902 : memref<1x1x85xf32, #tpu.memory_space<hbm>> -> memref<85xf32, #tpu.memory_space<hbm>>
      %dma_wait3A_904 = arith.constant 0 : i32
      %dma_wait3A_905 = tpu.memref_slice %arg20[%dma_wait3A_897, %dma_wait3A_904] : memref<16x85xf32, #tpu.memory_space<vmem>> -> memref<1x85xf32, #tpu.memory_space<vmem>>
      %dma_wait3A_906 = tpu.memref_squeeze %dma_wait3A_905 : memref<1x85xf32, #tpu.memory_space<vmem>> -> memref<85xf32, #tpu.memory_space<vmem>>
      %dma_wait3A_907 = arith.constant 0 : i32
      %dma_wait3A_908 = tpu.memref_slice %arg2[%squeeze3A_82, %squeeze3A_84, %dma_wait3A_907] : memref<912x19x85xf32, #tpu.memory_space<hbm>> -> memref<1x1x85xf32, #tpu.memory_space<hbm>>
      %dma_wait3A_909 = tpu.memref_squeeze %dma_wait3A_908 : memref<1x1x85xf32, #tpu.memory_space<hbm>> -> memref<85xf32, #tpu.memory_space<hbm>>
      tpu.wait_dma2 semaphore(%arg24 : memref<!tpu.dma_semaphore, #tpu.memory_space<semaphore_mem>>) src(%dma_wait3A_909 : memref<85xf32, #tpu.memory_space<hbm>>) dst(%dma_wait3A_906 : memref<85xf32, #tpu.memory_space<vmem>>)
      %dma_wait3A_910 = arith.constant 4 : i32
      %dma_wait3A_911 = arith.constant 0 : i32
      %dma_wait3A_912 = tpu.memref_slice %arg20[%dma_wait3A_910, %dma_wait3A_911] : memref<16x85xf32, #tpu.memory_space<vmem>> -> memref<1x85xf32, #tpu.memory_space<vmem>>
      %dma_wait3A_913 = tpu.memref_squeeze %dma_wait3A_912 : memref<1x85xf32, #tpu.memory_space<vmem>> -> memref<85xf32, #tpu.memory_space<vmem>>
      %dma_wait3A_914 = arith.constant 0 : i32
      %dma_wait3A_915 = tpu.memref_slice %arg2[%squeeze3A_99, %squeeze3A_101, %dma_wait3A_914] : memref<912x19x85xf32, #tpu.memory_space<hbm>> -> memref<1x1x85xf32, #tpu.memory_space<hbm>>
      %dma_wait3A_916 = tpu.memref_squeeze %dma_wait3A_915 : memref<1x1x85xf32, #tpu.memory_space<hbm>> -> memref<85xf32, #tpu.memory_space<hbm>>
      %dma_wait3A_917 = arith.constant 0 : i32
      %dma_wait3A_918 = tpu.memref_slice %arg20[%dma_wait3A_910, %dma_wait3A_917] : memref<16x85xf32, #tpu.memory_space<vmem>> -> memref<1x85xf32, #tpu.memory_space<vmem>>
      %dma_wait3A_919 = tpu.memref_squeeze %dma_wait3A_918 : memref<1x85xf32, #tpu.memory_space<vmem>> -> memref<85xf32, #tpu.memory_space<vmem>>
      %dma_wait3A_920 = arith.constant 0 : i32
      %dma_wait3A_921 = tpu.memref_slice %arg2[%squeeze3A_99, %squeeze3A_101, %dma_wait3A_920] : memref<912x19x85xf32, #tpu.memory_space<hbm>> -> memref<1x1x85xf32, #tpu.memory_space<hbm>>
      %dma_wait3A_922 = tpu.memref_squeeze %dma_wait3A_921 : memref<1x1x85xf32, #tpu.memory_space<hbm>> -> memref<85xf32, #tpu.memory_space<hbm>>
      tpu.wait_dma2 semaphore(%arg24 : memref<!tpu.dma_semaphore, #tpu.memory_space<semaphore_mem>>) src(%dma_wait3A_922 : memref<85xf32, #tpu.memory_space<hbm>>) dst(%dma_wait3A_919 : memref<85xf32, #tpu.memory_space<vmem>>)
      %dma_wait3A_923 = arith.constant 5 : i32
      %dma_wait3A_924 = arith.constant 0 : i32
      %dma_wait3A_925 = tpu.memref_slice %arg20[%dma_wait3A_923, %dma_wait3A_924] : memref<16x85xf32, #tpu.memory_space<vmem>> -> memref<1x85xf32, #tpu.memory_space<vmem>>
      %dma_wait3A_926 = tpu.memref_squeeze %dma_wait3A_925 : memref<1x85xf32, #tpu.memory_space<vmem>> -> memref<85xf32, #tpu.memory_space<vmem>>
      %dma_wait3A_927 = arith.constant 0 : i32
      %dma_wait3A_928 = tpu.memref_slice %arg2[%squeeze3A_116, %squeeze3A_118, %dma_wait3A_927] : memref<912x19x85xf32, #tpu.memory_space<hbm>> -> memref<1x1x85xf32, #tpu.memory_space<hbm>>
      %dma_wait3A_929 = tpu.memref_squeeze %dma_wait3A_928 : memref<1x1x85xf32, #tpu.memory_space<hbm>> -> memref<85xf32, #tpu.memory_space<hbm>>
      %dma_wait3A_930 = arith.constant 0 : i32
      %dma_wait3A_931 = tpu.memref_slice %arg20[%dma_wait3A_923, %dma_wait3A_930] : memref<16x85xf32, #tpu.memory_space<vmem>> -> memref<1x85xf32, #tpu.memory_space<vmem>>
      %dma_wait3A_932 = tpu.memref_squeeze %dma_wait3A_931 : memref<1x85xf32, #tpu.memory_space<vmem>> -> memref<85xf32, #tpu.memory_space<vmem>>
      %dma_wait3A_933 = arith.constant 0 : i32
      %dma_wait3A_934 = tpu.memref_slice %arg2[%squeeze3A_116, %squeeze3A_118, %dma_wait3A_933] : memref<912x19x85xf32, #tpu.memory_space<hbm>> -> memref<1x1x85xf32, #tpu.memory_space<hbm>>
      %dma_wait3A_935 = tpu.memref_squeeze %dma_wait3A_934 : memref<1x1x85xf32, #tpu.memory_space<hbm>> -> memref<85xf32, #tpu.memory_space<hbm>>
      tpu.wait_dma2 semaphore(%arg24 : memref<!tpu.dma_semaphore, #tpu.memory_space<semaphore_mem>>) src(%dma_wait3A_935 : memref<85xf32, #tpu.memory_space<hbm>>) dst(%dma_wait3A_932 : memref<85xf32, #tpu.memory_space<vmem>>)
      %dma_wait3A_936 = arith.constant 6 : i32
      %dma_wait3A_937 = arith.constant 0 : i32
      %dma_wait3A_938 = tpu.memref_slice %arg20[%dma_wait3A_936, %dma_wait3A_937] : memref<16x85xf32, #tpu.memory_space<vmem>> -> memref<1x85xf32, #tpu.memory_space<vmem>>
      %dma_wait3A_939 = tpu.memref_squeeze %dma_wait3A_938 : memref<1x85xf32, #tpu.memory_space<vmem>> -> memref<85xf32, #tpu.memory_space<vmem>>
      %dma_wait3A_940 = arith.constant 0 : i32
      %dma_wait3A_941 = tpu.memref_slice %arg2[%squeeze3A_133, %squeeze3A_135, %dma_wait3A_940] : memref<912x19x85xf32, #tpu.memory_space<hbm>> -> memref<1x1x85xf32, #tpu.memory_space<hbm>>
      %dma_wait3A_942 = tpu.memref_squeeze %dma_wait3A_941 : memref<1x1x85xf32, #tpu.memory_space<hbm>> -> memref<85xf32, #tpu.memory_space<hbm>>
      %dma_wait3A_943 = arith.constant 0 : i32
      %dma_wait3A_944 = tpu.memref_slice %arg20[%dma_wait3A_936, %dma_wait3A_943] : memref<16x85xf32, #tpu.memory_space<vmem>> -> memref<1x85xf32, #tpu.memory_space<vmem>>
      %dma_wait3A_945 = tpu.memref_squeeze %dma_wait3A_944 : memref<1x85xf32, #tpu.memory_space<vmem>> -> memref<85xf32, #tpu.memory_space<vmem>>
      %dma_wait3A_946 = arith.constant 0 : i32
      %dma_wait3A_947 = tpu.memref_slice %arg2[%squeeze3A_133, %squeeze3A_135, %dma_wait3A_946] : memref<912x19x85xf32, #tpu.memory_space<hbm>> -> memref<1x1x85xf32, #tpu.memory_space<hbm>>
      %dma_wait3A_948 = tpu.memref_squeeze %dma_wait3A_947 : memref<1x1x85xf32, #tpu.memory_space<hbm>> -> memref<85xf32, #tpu.memory_space<hbm>>
      tpu.wait_dma2 semaphore(%arg24 : memref<!tpu.dma_semaphore, #tpu.memory_space<semaphore_mem>>) src(%dma_wait3A_948 : memref<85xf32, #tpu.memory_space<hbm>>) dst(%dma_wait3A_945 : memref<85xf32, #tpu.memory_space<vmem>>)
      %dma_wait3A_949 = arith.constant 7 : i32
      %dma_wait3A_950 = arith.constant 0 : i32
      %dma_wait3A_951 = tpu.memref_slice %arg20[%dma_wait3A_949, %dma_wait3A_950] : memref<16x85xf32, #tpu.memory_space<vmem>> -> memref<1x85xf32, #tpu.memory_space<vmem>>
      %dma_wait3A_952 = tpu.memref_squeeze %dma_wait3A_951 : memref<1x85xf32, #tpu.memory_space<vmem>> -> memref<85xf32, #tpu.memory_space<vmem>>
      %dma_wait3A_953 = arith.constant 0 : i32
      %dma_wait3A_954 = tpu.memref_slice %arg2[%squeeze3A_150, %squeeze3A_152, %dma_wait3A_953] : memref<912x19x85xf32, #tpu.memory_space<hbm>> -> memref<1x1x85xf32, #tpu.memory_space<hbm>>
      %dma_wait3A_955 = tpu.memref_squeeze %dma_wait3A_954 : memref<1x1x85xf32, #tpu.memory_space<hbm>> -> memref<85xf32, #tpu.memory_space<hbm>>
      %dma_wait3A_956 = arith.constant 0 : i32
      %dma_wait3A_957 = tpu.memref_slice %arg20[%dma_wait3A_949, %dma_wait3A_956] : memref<16x85xf32, #tpu.memory_space<vmem>> -> memref<1x85xf32, #tpu.memory_space<vmem>>
      %dma_wait3A_958 = tpu.memref_squeeze %dma_wait3A_957 : memref<1x85xf32, #tpu.memory_space<vmem>> -> memref<85xf32, #tpu.memory_space<vmem>>
      %dma_wait3A_959 = arith.constant 0 : i32
      %dma_wait3A_960 = tpu.memref_slice %arg2[%squeeze3A_150, %squeeze3A_152, %dma_wait3A_959] : memref<912x19x85xf32, #tpu.memory_space<hbm>> -> memref<1x1x85xf32, #tpu.memory_space<hbm>>
      %dma_wait3A_961 = tpu.memref_squeeze %dma_wait3A_960 : memref<1x1x85xf32, #tpu.memory_space<hbm>> -> memref<85xf32, #tpu.memory_space<hbm>>
      tpu.wait_dma2 semaphore(%arg24 : memref<!tpu.dma_semaphore, #tpu.memory_space<semaphore_mem>>) src(%dma_wait3A_961 : memref<85xf32, #tpu.memory_space<hbm>>) dst(%dma_wait3A_958 : memref<85xf32, #tpu.memory_space<vmem>>)
      %dma_wait3A_962 = arith.constant 8 : i32
      %dma_wait3A_963 = arith.constant 0 : i32
      %dma_wait3A_964 = tpu.memref_slice %arg20[%dma_wait3A_962, %dma_wait3A_963] : memref<16x85xf32, #tpu.memory_space<vmem>> -> memref<1x85xf32, #tpu.memory_space<vmem>>
      %dma_wait3A_965 = tpu.memref_squeeze %dma_wait3A_964 : memref<1x85xf32, #tpu.memory_space<vmem>> -> memref<85xf32, #tpu.memory_space<vmem>>
      %dma_wait3A_966 = arith.constant 0 : i32
      %dma_wait3A_967 = tpu.memref_slice %arg2[%squeeze3A_167, %squeeze3A_169, %dma_wait3A_966] : memref<912x19x85xf32, #tpu.memory_space<hbm>> -> memref<1x1x85xf32, #tpu.memory_space<hbm>>
      %dma_wait3A_968 = tpu.memref_squeeze %dma_wait3A_967 : memref<1x1x85xf32, #tpu.memory_space<hbm>> -> memref<85xf32, #tpu.memory_space<hbm>>
      %dma_wait3A_969 = arith.constant 0 : i32
      %dma_wait3A_970 = tpu.memref_slice %arg20[%dma_wait3A_962, %dma_wait3A_969] : memref<16x85xf32, #tpu.memory_space<vmem>> -> memref<1x85xf32, #tpu.memory_space<vmem>>
      %dma_wait3A_971 = tpu.memref_squeeze %dma_wait3A_970 : memref<1x85xf32, #tpu.memory_space<vmem>> -> memref<85xf32, #tpu.memory_space<vmem>>
      %dma_wait3A_972 = arith.constant 0 : i32
      %dma_wait3A_973 = tpu.memref_slice %arg2[%squeeze3A_167, %squeeze3A_169, %dma_wait3A_972] : memref<912x19x85xf32, #tpu.memory_space<hbm>> -> memref<1x1x85xf32, #tpu.memory_space<hbm>>
      %dma_wait3A_974 = tpu.memref_squeeze %dma_wait3A_973 : memref<1x1x85xf32, #tpu.memory_space<hbm>> -> memref<85xf32, #tpu.memory_space<hbm>>
      tpu.wait_dma2 semaphore(%arg24 : memref<!tpu.dma_semaphore, #tpu.memory_space<semaphore_mem>>) src(%dma_wait3A_974 : memref<85xf32, #tpu.memory_space<hbm>>) dst(%dma_wait3A_971 : memref<85xf32, #tpu.memory_space<vmem>>)
      %dma_wait3A_975 = arith.constant 9 : i32
      %dma_wait3A_976 = arith.constant 0 : i32
      %dma_wait3A_977 = tpu.memref_slice %arg20[%dma_wait3A_975, %dma_wait3A_976] : memref<16x85xf32, #tpu.memory_space<vmem>> -> memref<1x85xf32, #tpu.memory_space<vmem>>
      %dma_wait3A_978 = tpu.memref_squeeze %dma_wait3A_977 : memref<1x85xf32, #tpu.memory_space<vmem>> -> memref<85xf32, #tpu.memory_space<vmem>>
      %dma_wait3A_979 = arith.constant 0 : i32
      %dma_wait3A_980 = tpu.memref_slice %arg2[%squeeze3A_184, %squeeze3A_186, %dma_wait3A_979] : memref<912x19x85xf32, #tpu.memory_space<hbm>> -> memref<1x1x85xf32, #tpu.memory_space<hbm>>
      %dma_wait3A_981 = tpu.memref_squeeze %dma_wait3A_980 : memref<1x1x85xf32, #tpu.memory_space<hbm>> -> memref<85xf32, #tpu.memory_space<hbm>>
      %dma_wait3A_982 = arith.constant 0 : i32
      %dma_wait3A_983 = tpu.memref_slice %arg20[%dma_wait3A_975, %dma_wait3A_982] : memref<16x85xf32, #tpu.memory_space<vmem>> -> memref<1x85xf32, #tpu.memory_space<vmem>>
      %dma_wait3A_984 = tpu.memref_squeeze %dma_wait3A_983 : memref<1x85xf32, #tpu.memory_space<vmem>> -> memref<85xf32, #tpu.memory_space<vmem>>
      %dma_wait3A_985 = arith.constant 0 : i32
      %dma_wait3A_986 = tpu.memref_slice %arg2[%squeeze3A_184, %squeeze3A_186, %dma_wait3A_985] : memref<912x19x85xf32, #tpu.memory_space<hbm>> -> memref<1x1x85xf32, #tpu.memory_space<hbm>>
      %dma_wait3A_987 = tpu.memref_squeeze %dma_wait3A_986 : memref<1x1x85xf32, #tpu.memory_space<hbm>> -> memref<85xf32, #tpu.memory_space<hbm>>
      tpu.wait_dma2 semaphore(%arg24 : memref<!tpu.dma_semaphore, #tpu.memory_space<semaphore_mem>>) src(%dma_wait3A_987 : memref<85xf32, #tpu.memory_space<hbm>>) dst(%dma_wait3A_984 : memref<85xf32, #tpu.memory_space<vmem>>)
      %dma_wait3A_988 = arith.constant 10 : i32
      %dma_wait3A_989 = arith.constant 0 : i32
      %dma_wait3A_990 = tpu.memref_slice %arg20[%dma_wait3A_988, %dma_wait3A_989] : memref<16x85xf32, #tpu.memory_space<vmem>> -> memref<1x85xf32, #tpu.memory_space<vmem>>
      %dma_wait3A_991 = tpu.memref_squeeze %dma_wait3A_990 : memref<1x85xf32, #tpu.memory_space<vmem>> -> memref<85xf32, #tpu.memory_space<vmem>>
      %dma_wait3A_992 = arith.constant 0 : i32
      %dma_wait3A_993 = tpu.memref_slice %arg2[%squeeze3A_201, %squeeze3A_203, %dma_wait3A_992] : memref<912x19x85xf32, #tpu.memory_space<hbm>> -> memref<1x1x85xf32, #tpu.memory_space<hbm>>
      %dma_wait3A_994 = tpu.memref_squeeze %dma_wait3A_993 : memref<1x1x85xf32, #tpu.memory_space<hbm>> -> memref<85xf32, #tpu.memory_space<hbm>>
      %dma_wait3A_995 = arith.constant 0 : i32
      %dma_wait3A_996 = tpu.memref_slice %arg20[%dma_wait3A_988, %dma_wait3A_995] : memref<16x85xf32, #tpu.memory_space<vmem>> -> memref<1x85xf32, #tpu.memory_space<vmem>>
      %dma_wait3A_997 = tpu.memref_squeeze %dma_wait3A_996 : memref<1x85xf32, #tpu.memory_space<vmem>> -> memref<85xf32, #tpu.memory_space<vmem>>
      %dma_wait3A_998 = arith.constant 0 : i32
      %dma_wait3A_999 = tpu.memref_slice %arg2[%squeeze3A_201, %squeeze3A_203, %dma_wait3A_998] : memref<912x19x85xf32, #tpu.memory_space<hbm>> -> memref<1x1x85xf32, #tpu.memory_space<hbm>>
      %dma_wait3A_1000 = tpu.memref_squeeze %dma_wait3A_999 : memref<1x1x85xf32, #tpu.memory_space<hbm>> -> memref<85xf32, #tpu.memory_space<hbm>>
      tpu.wait_dma2 semaphore(%arg24 : memref<!tpu.dma_semaphore, #tpu.memory_space<semaphore_mem>>) src(%dma_wait3A_1000 : memref<85xf32, #tpu.memory_space<hbm>>) dst(%dma_wait3A_997 : memref<85xf32, #tpu.memory_space<vmem>>)
      %dma_wait3A_1001 = arith.constant 11 : i32
      %dma_wait3A_1002 = arith.constant 0 : i32
      %dma_wait3A_1003 = tpu.memref_slice %arg20[%dma_wait3A_1001, %dma_wait3A_1002] : memref<16x85xf32, #tpu.memory_space<vmem>> -> memref<1x85xf32, #tpu.memory_space<vmem>>
      %dma_wait3A_1004 = tpu.memref_squeeze %dma_wait3A_1003 : memref<1x85xf32, #tpu.memory_space<vmem>> -> memref<85xf32, #tpu.memory_space<vmem>>
      %dma_wait3A_1005 = arith.constant 0 : i32
      %dma_wait3A_1006 = tpu.memref_slice %arg2[%squeeze3A_218, %squeeze3A_220, %dma_wait3A_1005] : memref<912x19x85xf32, #tpu.memory_space<hbm>> -> memref<1x1x85xf32, #tpu.memory_space<hbm>>
      %dma_wait3A_1007 = tpu.memref_squeeze %dma_wait3A_1006 : memref<1x1x85xf32, #tpu.memory_space<hbm>> -> memref<85xf32, #tpu.memory_space<hbm>>
      %dma_wait3A_1008 = arith.constant 0 : i32
      %dma_wait3A_1009 = tpu.memref_slice %arg20[%dma_wait3A_1001, %dma_wait3A_1008] : memref<16x85xf32, #tpu.memory_space<vmem>> -> memref<1x85xf32, #tpu.memory_space<vmem>>
      %dma_wait3A_1010 = tpu.memref_squeeze %dma_wait3A_1009 : memref<1x85xf32, #tpu.memory_space<vmem>> -> memref<85xf32, #tpu.memory_space<vmem>>
      %dma_wait3A_1011 = arith.constant 0 : i32
      %dma_wait3A_1012 = tpu.memref_slice %arg2[%squeeze3A_218, %squeeze3A_220, %dma_wait3A_1011] : memref<912x19x85xf32, #tpu.memory_space<hbm>> -> memref<1x1x85xf32, #tpu.memory_space<hbm>>
      %dma_wait3A_1013 = tpu.memref_squeeze %dma_wait3A_1012 : memref<1x1x85xf32, #tpu.memory_space<hbm>> -> memref<85xf32, #tpu.memory_space<hbm>>
      tpu.wait_dma2 semaphore(%arg24 : memref<!tpu.dma_semaphore, #tpu.memory_space<semaphore_mem>>) src(%dma_wait3A_1013 : memref<85xf32, #tpu.memory_space<hbm>>) dst(%dma_wait3A_1010 : memref<85xf32, #tpu.memory_space<vmem>>)
      %dma_wait3A_1014 = arith.constant 12 : i32
      %dma_wait3A_1015 = arith.constant 0 : i32
      %dma_wait3A_1016 = tpu.memref_slice %arg20[%dma_wait3A_1014, %dma_wait3A_1015] : memref<16x85xf32, #tpu.memory_space<vmem>> -> memref<1x85xf32, #tpu.memory_space<vmem>>
      %dma_wait3A_1017 = tpu.memref_squeeze %dma_wait3A_1016 : memref<1x85xf32, #tpu.memory_space<vmem>> -> memref<85xf32, #tpu.memory_space<vmem>>
      %dma_wait3A_1018 = arith.constant 0 : i32
      %dma_wait3A_1019 = tpu.memref_slice %arg2[%squeeze3A_235, %squeeze3A_237, %dma_wait3A_1018] : memref<912x19x85xf32, #tpu.memory_space<hbm>> -> memref<1x1x85xf32, #tpu.memory_space<hbm>>
      %dma_wait3A_1020 = tpu.memref_squeeze %dma_wait3A_1019 : memref<1x1x85xf32, #tpu.memory_space<hbm>> -> memref<85xf32, #tpu.memory_space<hbm>>
      %dma_wait3A_1021 = arith.constant 0 : i32
      %dma_wait3A_1022 = tpu.memref_slice %arg20[%dma_wait3A_1014, %dma_wait3A_1021] : memref<16x85xf32, #tpu.memory_space<vmem>> -> memref<1x85xf32, #tpu.memory_space<vmem>>
      %dma_wait3A_1023 = tpu.memref_squeeze %dma_wait3A_1022 : memref<1x85xf32, #tpu.memory_space<vmem>> -> memref<85xf32, #tpu.memory_space<vmem>>
      %dma_wait3A_1024 = arith.constant 0 : i32
      %dma_wait3A_1025 = tpu.memref_slice %arg2[%squeeze3A_235, %squeeze3A_237, %dma_wait3A_1024] : memref<912x19x85xf32, #tpu.memory_space<hbm>> -> memref<1x1x85xf32, #tpu.memory_space<hbm>>
      %dma_wait3A_1026 = tpu.memref_squeeze %dma_wait3A_1025 : memref<1x1x85xf32, #tpu.memory_space<hbm>> -> memref<85xf32, #tpu.memory_space<hbm>>
      tpu.wait_dma2 semaphore(%arg24 : memref<!tpu.dma_semaphore, #tpu.memory_space<semaphore_mem>>) src(%dma_wait3A_1026 : memref<85xf32, #tpu.memory_space<hbm>>) dst(%dma_wait3A_1023 : memref<85xf32, #tpu.memory_space<vmem>>)
      %dma_wait3A_1027 = arith.constant 13 : i32
      %dma_wait3A_1028 = arith.constant 0 : i32
      %dma_wait3A_1029 = tpu.memref_slice %arg20[%dma_wait3A_1027, %dma_wait3A_1028] : memref<16x85xf32, #tpu.memory_space<vmem>> -> memref<1x85xf32, #tpu.memory_space<vmem>>
      %dma_wait3A_1030 = tpu.memref_squeeze %dma_wait3A_1029 : memref<1x85xf32, #tpu.memory_space<vmem>> -> memref<85xf32, #tpu.memory_space<vmem>>
      %dma_wait3A_1031 = arith.constant 0 : i32
      %dma_wait3A_1032 = tpu.memref_slice %arg2[%squeeze3A_252, %squeeze3A_254, %dma_wait3A_1031] : memref<912x19x85xf32, #tpu.memory_space<hbm>> -> memref<1x1x85xf32, #tpu.memory_space<hbm>>
      %dma_wait3A_1033 = tpu.memref_squeeze %dma_wait3A_1032 : memref<1x1x85xf32, #tpu.memory_space<hbm>> -> memref<85xf32, #tpu.memory_space<hbm>>
      %dma_wait3A_1034 = arith.constant 0 : i32
      %dma_wait3A_1035 = tpu.memref_slice %arg20[%dma_wait3A_1027, %dma_wait3A_1034] : memref<16x85xf32, #tpu.memory_space<vmem>> -> memref<1x85xf32, #tpu.memory_space<vmem>>
      %dma_wait3A_1036 = tpu.memref_squeeze %dma_wait3A_1035 : memref<1x85xf32, #tpu.memory_space<vmem>> -> memref<85xf32, #tpu.memory_space<vmem>>
      %dma_wait3A_1037 = arith.constant 0 : i32
      %dma_wait3A_1038 = tpu.memref_slice %arg2[%squeeze3A_252, %squeeze3A_254, %dma_wait3A_1037] : memref<912x19x85xf32, #tpu.memory_space<hbm>> -> memref<1x1x85xf32, #tpu.memory_space<hbm>>
      %dma_wait3A_1039 = tpu.memref_squeeze %dma_wait3A_1038 : memref<1x1x85xf32, #tpu.memory_space<hbm>> -> memref<85xf32, #tpu.memory_space<hbm>>
      tpu.wait_dma2 semaphore(%arg24 : memref<!tpu.dma_semaphore, #tpu.memory_space<semaphore_mem>>) src(%dma_wait3A_1039 : memref<85xf32, #tpu.memory_space<hbm>>) dst(%dma_wait3A_1036 : memref<85xf32, #tpu.memory_space<vmem>>)
      %dma_wait3A_1040 = arith.constant 14 : i32
      %dma_wait3A_1041 = arith.constant 0 : i32
      %dma_wait3A_1042 = tpu.memref_slice %arg20[%dma_wait3A_1040, %dma_wait3A_1041] : memref<16x85xf32, #tpu.memory_space<vmem>> -> memref<1x85xf32, #tpu.memory_space<vmem>>
      %dma_wait3A_1043 = tpu.memref_squeeze %dma_wait3A_1042 : memref<1x85xf32, #tpu.memory_space<vmem>> -> memref<85xf32, #tpu.memory_space<vmem>>
      %dma_wait3A_1044 = arith.constant 0 : i32
      %dma_wait3A_1045 = tpu.memref_slice %arg2[%squeeze3A_269, %squeeze3A_271, %dma_wait3A_1044] : memref<912x19x85xf32, #tpu.memory_space<hbm>> -> memref<1x1x85xf32, #tpu.memory_space<hbm>>
      %dma_wait3A_1046 = tpu.memref_squeeze %dma_wait3A_1045 : memref<1x1x85xf32, #tpu.memory_space<hbm>> -> memref<85xf32, #tpu.memory_space<hbm>>
      %dma_wait3A_1047 = arith.constant 0 : i32
      %dma_wait3A_1048 = tpu.memref_slice %arg20[%dma_wait3A_1040, %dma_wait3A_1047] : memref<16x85xf32, #tpu.memory_space<vmem>> -> memref<1x85xf32, #tpu.memory_space<vmem>>
      %dma_wait3A_1049 = tpu.memref_squeeze %dma_wait3A_1048 : memref<1x85xf32, #tpu.memory_space<vmem>> -> memref<85xf32, #tpu.memory_space<vmem>>
      %dma_wait3A_1050 = arith.constant 0 : i32
      %dma_wait3A_1051 = tpu.memref_slice %arg2[%squeeze3A_269, %squeeze3A_271, %dma_wait3A_1050] : memref<912x19x85xf32, #tpu.memory_space<hbm>> -> memref<1x1x85xf32, #tpu.memory_space<hbm>>
      %dma_wait3A_1052 = tpu.memref_squeeze %dma_wait3A_1051 : memref<1x1x85xf32, #tpu.memory_space<hbm>> -> memref<85xf32, #tpu.memory_space<hbm>>
      tpu.wait_dma2 semaphore(%arg24 : memref<!tpu.dma_semaphore, #tpu.memory_space<semaphore_mem>>) src(%dma_wait3A_1052 : memref<85xf32, #tpu.memory_space<hbm>>) dst(%dma_wait3A_1049 : memref<85xf32, #tpu.memory_space<vmem>>)
      %dma_wait3A_1053 = arith.constant 15 : i32
      %dma_wait3A_1054 = arith.constant 0 : i32
      %dma_wait3A_1055 = tpu.memref_slice %arg20[%dma_wait3A_1053, %dma_wait3A_1054] : memref<16x85xf32, #tpu.memory_space<vmem>> -> memref<1x85xf32, #tpu.memory_space<vmem>>
      %dma_wait3A_1056 = tpu.memref_squeeze %dma_wait3A_1055 : memref<1x85xf32, #tpu.memory_space<vmem>> -> memref<85xf32, #tpu.memory_space<vmem>>
      %dma_wait3A_1057 = arith.constant 0 : i32
      %dma_wait3A_1058 = tpu.memref_slice %arg2[%squeeze3A_286, %squeeze3A_288, %dma_wait3A_1057] : memref<912x19x85xf32, #tpu.memory_space<hbm>> -> memref<1x1x85xf32, #tpu.memory_space<hbm>>
      %dma_wait3A_1059 = tpu.memref_squeeze %dma_wait3A_1058 : memref<1x1x85xf32, #tpu.memory_space<hbm>> -> memref<85xf32, #tpu.memory_space<hbm>>
      %dma_wait3A_1060 = arith.constant 0 : i32
      %dma_wait3A_1061 = tpu.memref_slice %arg20[%dma_wait3A_1053, %dma_wait3A_1060] : memref<16x85xf32, #tpu.memory_space<vmem>> -> memref<1x85xf32, #tpu.memory_space<vmem>>
      %dma_wait3A_1062 = tpu.memref_squeeze %dma_wait3A_1061 : memref<1x85xf32, #tpu.memory_space<vmem>> -> memref<85xf32, #tpu.memory_space<vmem>>
      %dma_wait3A_1063 = arith.constant 0 : i32
      %dma_wait3A_1064 = tpu.memref_slice %arg2[%squeeze3A_286, %squeeze3A_288, %dma_wait3A_1063] : memref<912x19x85xf32, #tpu.memory_space<hbm>> -> memref<1x1x85xf32, #tpu.memory_space<hbm>>
      %dma_wait3A_1065 = tpu.memref_squeeze %dma_wait3A_1064 : memref<1x1x85xf32, #tpu.memory_space<hbm>> -> memref<85xf32, #tpu.memory_space<hbm>>
      tpu.wait_dma2 semaphore(%arg24 : memref<!tpu.dma_semaphore, #tpu.memory_space<semaphore_mem>>) src(%dma_wait3A_1065 : memref<85xf32, #tpu.memory_space<hbm>>) dst(%dma_wait3A_1062 : memref<85xf32, #tpu.memory_space<vmem>>)
      %dma_wait3A_1066 = arith.constant 0 : i32
      %dma_wait3A_1067 = arith.constant 0 : i32
      %dma_wait3A_1068 = tpu.memref_slice %arg21[%dma_wait3A_1066, %dma_wait3A_1067] : memref<16x85xf32, #tpu.memory_space<vmem>> -> memref<1x85xf32, #tpu.memory_space<vmem>>
      %dma_wait3A_1069 = tpu.memref_squeeze %dma_wait3A_1068 : memref<1x85xf32, #tpu.memory_space<vmem>> -> memref<85xf32, #tpu.memory_space<vmem>>
      %dma_wait3A_1070 = arith.constant 0 : i32
      %dma_wait3A_1071 = tpu.memref_slice %arg3[%squeeze3A_309, %squeeze3A_311, %dma_wait3A_1070] : memref<1824x38x85xf32, #tpu.memory_space<hbm>> -> memref<1x1x85xf32, #tpu.memory_space<hbm>>
      %dma_wait3A_1072 = tpu.memref_squeeze %dma_wait3A_1071 : memref<1x1x85xf32, #tpu.memory_space<hbm>> -> memref<85xf32, #tpu.memory_space<hbm>>
      %dma_wait3A_1073 = arith.constant 0 : i32
      %dma_wait3A_1074 = tpu.memref_slice %arg21[%dma_wait3A_1066, %dma_wait3A_1073] : memref<16x85xf32, #tpu.memory_space<vmem>> -> memref<1x85xf32, #tpu.memory_space<vmem>>
      %dma_wait3A_1075 = tpu.memref_squeeze %dma_wait3A_1074 : memref<1x85xf32, #tpu.memory_space<vmem>> -> memref<85xf32, #tpu.memory_space<vmem>>
      %dma_wait3A_1076 = arith.constant 0 : i32
      %dma_wait3A_1077 = tpu.memref_slice %arg3[%squeeze3A_309, %squeeze3A_311, %dma_wait3A_1076] : memref<1824x38x85xf32, #tpu.memory_space<hbm>> -> memref<1x1x85xf32, #tpu.memory_space<hbm>>
      %dma_wait3A_1078 = tpu.memref_squeeze %dma_wait3A_1077 : memref<1x1x85xf32, #tpu.memory_space<hbm>> -> memref<85xf32, #tpu.memory_space<hbm>>
      tpu.wait_dma2 semaphore(%arg24 : memref<!tpu.dma_semaphore, #tpu.memory_space<semaphore_mem>>) src(%dma_wait3A_1078 : memref<85xf32, #tpu.memory_space<hbm>>) dst(%dma_wait3A_1075 : memref<85xf32, #tpu.memory_space<vmem>>)
      %dma_wait3A_1079 = arith.constant 1 : i32
      %dma_wait3A_1080 = arith.constant 0 : i32
      %dma_wait3A_1081 = tpu.memref_slice %arg21[%dma_wait3A_1079, %dma_wait3A_1080] : memref<16x85xf32, #tpu.memory_space<vmem>> -> memref<1x85xf32, #tpu.memory_space<vmem>>
      %dma_wait3A_1082 = tpu.memref_squeeze %dma_wait3A_1081 : memref<1x85xf32, #tpu.memory_space<vmem>> -> memref<85xf32, #tpu.memory_space<vmem>>
      %dma_wait3A_1083 = arith.constant 0 : i32
      %dma_wait3A_1084 = tpu.memref_slice %arg3[%squeeze3A_326, %squeeze3A_328, %dma_wait3A_1083] : memref<1824x38x85xf32, #tpu.memory_space<hbm>> -> memref<1x1x85xf32, #tpu.memory_space<hbm>>
      %dma_wait3A_1085 = tpu.memref_squeeze %dma_wait3A_1084 : memref<1x1x85xf32, #tpu.memory_space<hbm>> -> memref<85xf32, #tpu.memory_space<hbm>>
      %dma_wait3A_1086 = arith.constant 0 : i32
      %dma_wait3A_1087 = tpu.memref_slice %arg21[%dma_wait3A_1079, %dma_wait3A_1086] : memref<16x85xf32, #tpu.memory_space<vmem>> -> memref<1x85xf32, #tpu.memory_space<vmem>>
      %dma_wait3A_1088 = tpu.memref_squeeze %dma_wait3A_1087 : memref<1x85xf32, #tpu.memory_space<vmem>> -> memref<85xf32, #tpu.memory_space<vmem>>
      %dma_wait3A_1089 = arith.constant 0 : i32
      %dma_wait3A_1090 = tpu.memref_slice %arg3[%squeeze3A_326, %squeeze3A_328, %dma_wait3A_1089] : memref<1824x38x85xf32, #tpu.memory_space<hbm>> -> memref<1x1x85xf32, #tpu.memory_space<hbm>>
      %dma_wait3A_1091 = tpu.memref_squeeze %dma_wait3A_1090 : memref<1x1x85xf32, #tpu.memory_space<hbm>> -> memref<85xf32, #tpu.memory_space<hbm>>
      tpu.wait_dma2 semaphore(%arg24 : memref<!tpu.dma_semaphore, #tpu.memory_space<semaphore_mem>>) src(%dma_wait3A_1091 : memref<85xf32, #tpu.memory_space<hbm>>) dst(%dma_wait3A_1088 : memref<85xf32, #tpu.memory_space<vmem>>)
      %dma_wait3A_1092 = arith.constant 2 : i32
      %dma_wait3A_1093 = arith.constant 0 : i32
      %dma_wait3A_1094 = tpu.memref_slice %arg21[%dma_wait3A_1092, %dma_wait3A_1093] : memref<16x85xf32, #tpu.memory_space<vmem>> -> memref<1x85xf32, #tpu.memory_space<vmem>>
      %dma_wait3A_1095 = tpu.memref_squeeze %dma_wait3A_1094 : memref<1x85xf32, #tpu.memory_space<vmem>> -> memref<85xf32, #tpu.memory_space<vmem>>
      %dma_wait3A_1096 = arith.constant 0 : i32
      %dma_wait3A_1097 = tpu.memref_slice %arg3[%squeeze3A_343, %squeeze3A_345, %dma_wait3A_1096] : memref<1824x38x85xf32, #tpu.memory_space<hbm>> -> memref<1x1x85xf32, #tpu.memory_space<hbm>>
      %dma_wait3A_1098 = tpu.memref_squeeze %dma_wait3A_1097 : memref<1x1x85xf32, #tpu.memory_space<hbm>> -> memref<85xf32, #tpu.memory_space<hbm>>
      %dma_wait3A_1099 = arith.constant 0 : i32
      %dma_wait3A_1100 = tpu.memref_slice %arg21[%dma_wait3A_1092, %dma_wait3A_1099] : memref<16x85xf32, #tpu.memory_space<vmem>> -> memref<1x85xf32, #tpu.memory_space<vmem>>
      %dma_wait3A_1101 = tpu.memref_squeeze %dma_wait3A_1100 : memref<1x85xf32, #tpu.memory_space<vmem>> -> memref<85xf32, #tpu.memory_space<vmem>>
      %dma_wait3A_1102 = arith.constant 0 : i32
      %dma_wait3A_1103 = tpu.memref_slice %arg3[%squeeze3A_343, %squeeze3A_345, %dma_wait3A_1102] : memref<1824x38x85xf32, #tpu.memory_space<hbm>> -> memref<1x1x85xf32, #tpu.memory_space<hbm>>
      %dma_wait3A_1104 = tpu.memref_squeeze %dma_wait3A_1103 : memref<1x1x85xf32, #tpu.memory_space<hbm>> -> memref<85xf32, #tpu.memory_space<hbm>>
      tpu.wait_dma2 semaphore(%arg24 : memref<!tpu.dma_semaphore, #tpu.memory_space<semaphore_mem>>) src(%dma_wait3A_1104 : memref<85xf32, #tpu.memory_space<hbm>>) dst(%dma_wait3A_1101 : memref<85xf32, #tpu.memory_space<vmem>>)
      %dma_wait3A_1105 = arith.constant 3 : i32
      %dma_wait3A_1106 = arith.constant 0 : i32
      %dma_wait3A_1107 = tpu.memref_slice %arg21[%dma_wait3A_1105, %dma_wait3A_1106] : memref<16x85xf32, #tpu.memory_space<vmem>> -> memref<1x85xf32, #tpu.memory_space<vmem>>
      %dma_wait3A_1108 = tpu.memref_squeeze %dma_wait3A_1107 : memref<1x85xf32, #tpu.memory_space<vmem>> -> memref<85xf32, #tpu.memory_space<vmem>>
      %dma_wait3A_1109 = arith.constant 0 : i32
      %dma_wait3A_1110 = tpu.memref_slice %arg3[%squeeze3A_360, %squeeze3A_362, %dma_wait3A_1109] : memref<1824x38x85xf32, #tpu.memory_space<hbm>> -> memref<1x1x85xf32, #tpu.memory_space<hbm>>
      %dma_wait3A_1111 = tpu.memref_squeeze %dma_wait3A_1110 : memref<1x1x85xf32, #tpu.memory_space<hbm>> -> memref<85xf32, #tpu.memory_space<hbm>>
      %dma_wait3A_1112 = arith.constant 0 : i32
      %dma_wait3A_1113 = tpu.memref_slice %arg21[%dma_wait3A_1105, %dma_wait3A_1112] : memref<16x85xf32, #tpu.memory_space<vmem>> -> memref<1x85xf32, #tpu.memory_space<vmem>>
      %dma_wait3A_1114 = tpu.memref_squeeze %dma_wait3A_1113 : memref<1x85xf32, #tpu.memory_space<vmem>> -> memref<85xf32, #tpu.memory_space<vmem>>
      %dma_wait3A_1115 = arith.constant 0 : i32
      %dma_wait3A_1116 = tpu.memref_slice %arg3[%squeeze3A_360, %squeeze3A_362, %dma_wait3A_1115] : memref<1824x38x85xf32, #tpu.memory_space<hbm>> -> memref<1x1x85xf32, #tpu.memory_space<hbm>>
      %dma_wait3A_1117 = tpu.memref_squeeze %dma_wait3A_1116 : memref<1x1x85xf32, #tpu.memory_space<hbm>> -> memref<85xf32, #tpu.memory_space<hbm>>
      tpu.wait_dma2 semaphore(%arg24 : memref<!tpu.dma_semaphore, #tpu.memory_space<semaphore_mem>>) src(%dma_wait3A_1117 : memref<85xf32, #tpu.memory_space<hbm>>) dst(%dma_wait3A_1114 : memref<85xf32, #tpu.memory_space<vmem>>)
      %dma_wait3A_1118 = arith.constant 4 : i32
      %dma_wait3A_1119 = arith.constant 0 : i32
      %dma_wait3A_1120 = tpu.memref_slice %arg21[%dma_wait3A_1118, %dma_wait3A_1119] : memref<16x85xf32, #tpu.memory_space<vmem>> -> memref<1x85xf32, #tpu.memory_space<vmem>>
      %dma_wait3A_1121 = tpu.memref_squeeze %dma_wait3A_1120 : memref<1x85xf32, #tpu.memory_space<vmem>> -> memref<85xf32, #tpu.memory_space<vmem>>
      %dma_wait3A_1122 = arith.constant 0 : i32
      %dma_wait3A_1123 = tpu.memref_slice %arg3[%squeeze3A_377, %squeeze3A_379, %dma_wait3A_1122] : memref<1824x38x85xf32, #tpu.memory_space<hbm>> -> memref<1x1x85xf32, #tpu.memory_space<hbm>>
      %dma_wait3A_1124 = tpu.memref_squeeze %dma_wait3A_1123 : memref<1x1x85xf32, #tpu.memory_space<hbm>> -> memref<85xf32, #tpu.memory_space<hbm>>
      %dma_wait3A_1125 = arith.constant 0 : i32
      %dma_wait3A_1126 = tpu.memref_slice %arg21[%dma_wait3A_1118, %dma_wait3A_1125] : memref<16x85xf32, #tpu.memory_space<vmem>> -> memref<1x85xf32, #tpu.memory_space<vmem>>
      %dma_wait3A_1127 = tpu.memref_squeeze %dma_wait3A_1126 : memref<1x85xf32, #tpu.memory_space<vmem>> -> memref<85xf32, #tpu.memory_space<vmem>>
      %dma_wait3A_1128 = arith.constant 0 : i32
      %dma_wait3A_1129 = tpu.memref_slice %arg3[%squeeze3A_377, %squeeze3A_379, %dma_wait3A_1128] : memref<1824x38x85xf32, #tpu.memory_space<hbm>> -> memref<1x1x85xf32, #tpu.memory_space<hbm>>
      %dma_wait3A_1130 = tpu.memref_squeeze %dma_wait3A_1129 : memref<1x1x85xf32, #tpu.memory_space<hbm>> -> memref<85xf32, #tpu.memory_space<hbm>>
      tpu.wait_dma2 semaphore(%arg24 : memref<!tpu.dma_semaphore, #tpu.memory_space<semaphore_mem>>) src(%dma_wait3A_1130 : memref<85xf32, #tpu.memory_space<hbm>>) dst(%dma_wait3A_1127 : memref<85xf32, #tpu.memory_space<vmem>>)
      %dma_wait3A_1131 = arith.constant 5 : i32
      %dma_wait3A_1132 = arith.constant 0 : i32
      %dma_wait3A_1133 = tpu.memref_slice %arg21[%dma_wait3A_1131, %dma_wait3A_1132] : memref<16x85xf32, #tpu.memory_space<vmem>> -> memref<1x85xf32, #tpu.memory_space<vmem>>
      %dma_wait3A_1134 = tpu.memref_squeeze %dma_wait3A_1133 : memref<1x85xf32, #tpu.memory_space<vmem>> -> memref<85xf32, #tpu.memory_space<vmem>>
      %dma_wait3A_1135 = arith.constant 0 : i32
      %dma_wait3A_1136 = tpu.memref_slice %arg3[%squeeze3A_394, %squeeze3A_396, %dma_wait3A_1135] : memref<1824x38x85xf32, #tpu.memory_space<hbm>> -> memref<1x1x85xf32, #tpu.memory_space<hbm>>
      %dma_wait3A_1137 = tpu.memref_squeeze %dma_wait3A_1136 : memref<1x1x85xf32, #tpu.memory_space<hbm>> -> memref<85xf32, #tpu.memory_space<hbm>>
      %dma_wait3A_1138 = arith.constant 0 : i32
      %dma_wait3A_1139 = tpu.memref_slice %arg21[%dma_wait3A_1131, %dma_wait3A_1138] : memref<16x85xf32, #tpu.memory_space<vmem>> -> memref<1x85xf32, #tpu.memory_space<vmem>>
      %dma_wait3A_1140 = tpu.memref_squeeze %dma_wait3A_1139 : memref<1x85xf32, #tpu.memory_space<vmem>> -> memref<85xf32, #tpu.memory_space<vmem>>
      %dma_wait3A_1141 = arith.constant 0 : i32
      %dma_wait3A_1142 = tpu.memref_slice %arg3[%squeeze3A_394, %squeeze3A_396, %dma_wait3A_1141] : memref<1824x38x85xf32, #tpu.memory_space<hbm>> -> memref<1x1x85xf32, #tpu.memory_space<hbm>>
      %dma_wait3A_1143 = tpu.memref_squeeze %dma_wait3A_1142 : memref<1x1x85xf32, #tpu.memory_space<hbm>> -> memref<85xf32, #tpu.memory_space<hbm>>
      tpu.wait_dma2 semaphore(%arg24 : memref<!tpu.dma_semaphore, #tpu.memory_space<semaphore_mem>>) src(%dma_wait3A_1143 : memref<85xf32, #tpu.memory_space<hbm>>) dst(%dma_wait3A_1140 : memref<85xf32, #tpu.memory_space<vmem>>)
      %dma_wait3A_1144 = arith.constant 6 : i32
      %dma_wait3A_1145 = arith.constant 0 : i32
      %dma_wait3A_1146 = tpu.memref_slice %arg21[%dma_wait3A_1144, %dma_wait3A_1145] : memref<16x85xf32, #tpu.memory_space<vmem>> -> memref<1x85xf32, #tpu.memory_space<vmem>>
      %dma_wait3A_1147 = tpu.memref_squeeze %dma_wait3A_1146 : memref<1x85xf32, #tpu.memory_space<vmem>> -> memref<85xf32, #tpu.memory_space<vmem>>
      %dma_wait3A_1148 = arith.constant 0 : i32
      %dma_wait3A_1149 = tpu.memref_slice %arg3[%squeeze3A_411, %squeeze3A_413, %dma_wait3A_1148] : memref<1824x38x85xf32, #tpu.memory_space<hbm>> -> memref<1x1x85xf32, #tpu.memory_space<hbm>>
      %dma_wait3A_1150 = tpu.memref_squeeze %dma_wait3A_1149 : memref<1x1x85xf32, #tpu.memory_space<hbm>> -> memref<85xf32, #tpu.memory_space<hbm>>
      %dma_wait3A_1151 = arith.constant 0 : i32
      %dma_wait3A_1152 = tpu.memref_slice %arg21[%dma_wait3A_1144, %dma_wait3A_1151] : memref<16x85xf32, #tpu.memory_space<vmem>> -> memref<1x85xf32, #tpu.memory_space<vmem>>
      %dma_wait3A_1153 = tpu.memref_squeeze %dma_wait3A_1152 : memref<1x85xf32, #tpu.memory_space<vmem>> -> memref<85xf32, #tpu.memory_space<vmem>>
      %dma_wait3A_1154 = arith.constant 0 : i32
      %dma_wait3A_1155 = tpu.memref_slice %arg3[%squeeze3A_411, %squeeze3A_413, %dma_wait3A_1154] : memref<1824x38x85xf32, #tpu.memory_space<hbm>> -> memref<1x1x85xf32, #tpu.memory_space<hbm>>
      %dma_wait3A_1156 = tpu.memref_squeeze %dma_wait3A_1155 : memref<1x1x85xf32, #tpu.memory_space<hbm>> -> memref<85xf32, #tpu.memory_space<hbm>>
      tpu.wait_dma2 semaphore(%arg24 : memref<!tpu.dma_semaphore, #tpu.memory_space<semaphore_mem>>) src(%dma_wait3A_1156 : memref<85xf32, #tpu.memory_space<hbm>>) dst(%dma_wait3A_1153 : memref<85xf32, #tpu.memory_space<vmem>>)
      %dma_wait3A_1157 = arith.constant 7 : i32
      %dma_wait3A_1158 = arith.constant 0 : i32
      %dma_wait3A_1159 = tpu.memref_slice %arg21[%dma_wait3A_1157, %dma_wait3A_1158] : memref<16x85xf32, #tpu.memory_space<vmem>> -> memref<1x85xf32, #tpu.memory_space<vmem>>
      %dma_wait3A_1160 = tpu.memref_squeeze %dma_wait3A_1159 : memref<1x85xf32, #tpu.memory_space<vmem>> -> memref<85xf32, #tpu.memory_space<vmem>>
      %dma_wait3A_1161 = arith.constant 0 : i32
      %dma_wait3A_1162 = tpu.memref_slice %arg3[%squeeze3A_428, %squeeze3A_430, %dma_wait3A_1161] : memref<1824x38x85xf32, #tpu.memory_space<hbm>> -> memref<1x1x85xf32, #tpu.memory_space<hbm>>
      %dma_wait3A_1163 = tpu.memref_squeeze %dma_wait3A_1162 : memref<1x1x85xf32, #tpu.memory_space<hbm>> -> memref<85xf32, #tpu.memory_space<hbm>>
      %dma_wait3A_1164 = arith.constant 0 : i32
      %dma_wait3A_1165 = tpu.memref_slice %arg21[%dma_wait3A_1157, %dma_wait3A_1164] : memref<16x85xf32, #tpu.memory_space<vmem>> -> memref<1x85xf32, #tpu.memory_space<vmem>>
      %dma_wait3A_1166 = tpu.memref_squeeze %dma_wait3A_1165 : memref<1x85xf32, #tpu.memory_space<vmem>> -> memref<85xf32, #tpu.memory_space<vmem>>
      %dma_wait3A_1167 = arith.constant 0 : i32
      %dma_wait3A_1168 = tpu.memref_slice %arg3[%squeeze3A_428, %squeeze3A_430, %dma_wait3A_1167] : memref<1824x38x85xf32, #tpu.memory_space<hbm>> -> memref<1x1x85xf32, #tpu.memory_space<hbm>>
      %dma_wait3A_1169 = tpu.memref_squeeze %dma_wait3A_1168 : memref<1x1x85xf32, #tpu.memory_space<hbm>> -> memref<85xf32, #tpu.memory_space<hbm>>
      tpu.wait_dma2 semaphore(%arg24 : memref<!tpu.dma_semaphore, #tpu.memory_space<semaphore_mem>>) src(%dma_wait3A_1169 : memref<85xf32, #tpu.memory_space<hbm>>) dst(%dma_wait3A_1166 : memref<85xf32, #tpu.memory_space<vmem>>)
      %dma_wait3A_1170 = arith.constant 8 : i32
      %dma_wait3A_1171 = arith.constant 0 : i32
      %dma_wait3A_1172 = tpu.memref_slice %arg21[%dma_wait3A_1170, %dma_wait3A_1171] : memref<16x85xf32, #tpu.memory_space<vmem>> -> memref<1x85xf32, #tpu.memory_space<vmem>>
      %dma_wait3A_1173 = tpu.memref_squeeze %dma_wait3A_1172 : memref<1x85xf32, #tpu.memory_space<vmem>> -> memref<85xf32, #tpu.memory_space<vmem>>
      %dma_wait3A_1174 = arith.constant 0 : i32
      %dma_wait3A_1175 = tpu.memref_slice %arg3[%squeeze3A_445, %squeeze3A_447, %dma_wait3A_1174] : memref<1824x38x85xf32, #tpu.memory_space<hbm>> -> memref<1x1x85xf32, #tpu.memory_space<hbm>>
      %dma_wait3A_1176 = tpu.memref_squeeze %dma_wait3A_1175 : memref<1x1x85xf32, #tpu.memory_space<hbm>> -> memref<85xf32, #tpu.memory_space<hbm>>
      %dma_wait3A_1177 = arith.constant 0 : i32
      %dma_wait3A_1178 = tpu.memref_slice %arg21[%dma_wait3A_1170, %dma_wait3A_1177] : memref<16x85xf32, #tpu.memory_space<vmem>> -> memref<1x85xf32, #tpu.memory_space<vmem>>
      %dma_wait3A_1179 = tpu.memref_squeeze %dma_wait3A_1178 : memref<1x85xf32, #tpu.memory_space<vmem>> -> memref<85xf32, #tpu.memory_space<vmem>>
      %dma_wait3A_1180 = arith.constant 0 : i32
      %dma_wait3A_1181 = tpu.memref_slice %arg3[%squeeze3A_445, %squeeze3A_447, %dma_wait3A_1180] : memref<1824x38x85xf32, #tpu.memory_space<hbm>> -> memref<1x1x85xf32, #tpu.memory_space<hbm>>
      %dma_wait3A_1182 = tpu.memref_squeeze %dma_wait3A_1181 : memref<1x1x85xf32, #tpu.memory_space<hbm>> -> memref<85xf32, #tpu.memory_space<hbm>>
      tpu.wait_dma2 semaphore(%arg24 : memref<!tpu.dma_semaphore, #tpu.memory_space<semaphore_mem>>) src(%dma_wait3A_1182 : memref<85xf32, #tpu.memory_space<hbm>>) dst(%dma_wait3A_1179 : memref<85xf32, #tpu.memory_space<vmem>>)
      %dma_wait3A_1183 = arith.constant 9 : i32
      %dma_wait3A_1184 = arith.constant 0 : i32
      %dma_wait3A_1185 = tpu.memref_slice %arg21[%dma_wait3A_1183, %dma_wait3A_1184] : memref<16x85xf32, #tpu.memory_space<vmem>> -> memref<1x85xf32, #tpu.memory_space<vmem>>
      %dma_wait3A_1186 = tpu.memref_squeeze %dma_wait3A_1185 : memref<1x85xf32, #tpu.memory_space<vmem>> -> memref<85xf32, #tpu.memory_space<vmem>>
      %dma_wait3A_1187 = arith.constant 0 : i32
      %dma_wait3A_1188 = tpu.memref_slice %arg3[%squeeze3A_462, %squeeze3A_464, %dma_wait3A_1187] : memref<1824x38x85xf32, #tpu.memory_space<hbm>> -> memref<1x1x85xf32, #tpu.memory_space<hbm>>
      %dma_wait3A_1189 = tpu.memref_squeeze %dma_wait3A_1188 : memref<1x1x85xf32, #tpu.memory_space<hbm>> -> memref<85xf32, #tpu.memory_space<hbm>>
      %dma_wait3A_1190 = arith.constant 0 : i32
      %dma_wait3A_1191 = tpu.memref_slice %arg21[%dma_wait3A_1183, %dma_wait3A_1190] : memref<16x85xf32, #tpu.memory_space<vmem>> -> memref<1x85xf32, #tpu.memory_space<vmem>>
      %dma_wait3A_1192 = tpu.memref_squeeze %dma_wait3A_1191 : memref<1x85xf32, #tpu.memory_space<vmem>> -> memref<85xf32, #tpu.memory_space<vmem>>
      %dma_wait3A_1193 = arith.constant 0 : i32
      %dma_wait3A_1194 = tpu.memref_slice %arg3[%squeeze3A_462, %squeeze3A_464, %dma_wait3A_1193] : memref<1824x38x85xf32, #tpu.memory_space<hbm>> -> memref<1x1x85xf32, #tpu.memory_space<hbm>>
      %dma_wait3A_1195 = tpu.memref_squeeze %dma_wait3A_1194 : memref<1x1x85xf32, #tpu.memory_space<hbm>> -> memref<85xf32, #tpu.memory_space<hbm>>
      tpu.wait_dma2 semaphore(%arg24 : memref<!tpu.dma_semaphore, #tpu.memory_space<semaphore_mem>>) src(%dma_wait3A_1195 : memref<85xf32, #tpu.memory_space<hbm>>) dst(%dma_wait3A_1192 : memref<85xf32, #tpu.memory_space<vmem>>)
      %dma_wait3A_1196 = arith.constant 10 : i32
      %dma_wait3A_1197 = arith.constant 0 : i32
      %dma_wait3A_1198 = tpu.memref_slice %arg21[%dma_wait3A_1196, %dma_wait3A_1197] : memref<16x85xf32, #tpu.memory_space<vmem>> -> memref<1x85xf32, #tpu.memory_space<vmem>>
      %dma_wait3A_1199 = tpu.memref_squeeze %dma_wait3A_1198 : memref<1x85xf32, #tpu.memory_space<vmem>> -> memref<85xf32, #tpu.memory_space<vmem>>
      %dma_wait3A_1200 = arith.constant 0 : i32
      %dma_wait3A_1201 = tpu.memref_slice %arg3[%squeeze3A_479, %squeeze3A_481, %dma_wait3A_1200] : memref<1824x38x85xf32, #tpu.memory_space<hbm>> -> memref<1x1x85xf32, #tpu.memory_space<hbm>>
      %dma_wait3A_1202 = tpu.memref_squeeze %dma_wait3A_1201 : memref<1x1x85xf32, #tpu.memory_space<hbm>> -> memref<85xf32, #tpu.memory_space<hbm>>
      %dma_wait3A_1203 = arith.constant 0 : i32
      %dma_wait3A_1204 = tpu.memref_slice %arg21[%dma_wait3A_1196, %dma_wait3A_1203] : memref<16x85xf32, #tpu.memory_space<vmem>> -> memref<1x85xf32, #tpu.memory_space<vmem>>
      %dma_wait3A_1205 = tpu.memref_squeeze %dma_wait3A_1204 : memref<1x85xf32, #tpu.memory_space<vmem>> -> memref<85xf32, #tpu.memory_space<vmem>>
      %dma_wait3A_1206 = arith.constant 0 : i32
      %dma_wait3A_1207 = tpu.memref_slice %arg3[%squeeze3A_479, %squeeze3A_481, %dma_wait3A_1206] : memref<1824x38x85xf32, #tpu.memory_space<hbm>> -> memref<1x1x85xf32, #tpu.memory_space<hbm>>
      %dma_wait3A_1208 = tpu.memref_squeeze %dma_wait3A_1207 : memref<1x1x85xf32, #tpu.memory_space<hbm>> -> memref<85xf32, #tpu.memory_space<hbm>>
      tpu.wait_dma2 semaphore(%arg24 : memref<!tpu.dma_semaphore, #tpu.memory_space<semaphore_mem>>) src(%dma_wait3A_1208 : memref<85xf32, #tpu.memory_space<hbm>>) dst(%dma_wait3A_1205 : memref<85xf32, #tpu.memory_space<vmem>>)
      %dma_wait3A_1209 = arith.constant 11 : i32
      %dma_wait3A_1210 = arith.constant 0 : i32
      %dma_wait3A_1211 = tpu.memref_slice %arg21[%dma_wait3A_1209, %dma_wait3A_1210] : memref<16x85xf32, #tpu.memory_space<vmem>> -> memref<1x85xf32, #tpu.memory_space<vmem>>
      %dma_wait3A_1212 = tpu.memref_squeeze %dma_wait3A_1211 : memref<1x85xf32, #tpu.memory_space<vmem>> -> memref<85xf32, #tpu.memory_space<vmem>>
      %dma_wait3A_1213 = arith.constant 0 : i32
      %dma_wait3A_1214 = tpu.memref_slice %arg3[%squeeze3A_496, %squeeze3A_498, %dma_wait3A_1213] : memref<1824x38x85xf32, #tpu.memory_space<hbm>> -> memref<1x1x85xf32, #tpu.memory_space<hbm>>
      %dma_wait3A_1215 = tpu.memref_squeeze %dma_wait3A_1214 : memref<1x1x85xf32, #tpu.memory_space<hbm>> -> memref<85xf32, #tpu.memory_space<hbm>>
      %dma_wait3A_1216 = arith.constant 0 : i32
      %dma_wait3A_1217 = tpu.memref_slice %arg21[%dma_wait3A_1209, %dma_wait3A_1216] : memref<16x85xf32, #tpu.memory_space<vmem>> -> memref<1x85xf32, #tpu.memory_space<vmem>>
      %dma_wait3A_1218 = tpu.memref_squeeze %dma_wait3A_1217 : memref<1x85xf32, #tpu.memory_space<vmem>> -> memref<85xf32, #tpu.memory_space<vmem>>
      %dma_wait3A_1219 = arith.constant 0 : i32
      %dma_wait3A_1220 = tpu.memref_slice %arg3[%squeeze3A_496, %squeeze3A_498, %dma_wait3A_1219] : memref<1824x38x85xf32, #tpu.memory_space<hbm>> -> memref<1x1x85xf32, #tpu.memory_space<hbm>>
      %dma_wait3A_1221 = tpu.memref_squeeze %dma_wait3A_1220 : memref<1x1x85xf32, #tpu.memory_space<hbm>> -> memref<85xf32, #tpu.memory_space<hbm>>
      tpu.wait_dma2 semaphore(%arg24 : memref<!tpu.dma_semaphore, #tpu.memory_space<semaphore_mem>>) src(%dma_wait3A_1221 : memref<85xf32, #tpu.memory_space<hbm>>) dst(%dma_wait3A_1218 : memref<85xf32, #tpu.memory_space<vmem>>)
      %dma_wait3A_1222 = arith.constant 12 : i32
      %dma_wait3A_1223 = arith.constant 0 : i32
      %dma_wait3A_1224 = tpu.memref_slice %arg21[%dma_wait3A_1222, %dma_wait3A_1223] : memref<16x85xf32, #tpu.memory_space<vmem>> -> memref<1x85xf32, #tpu.memory_space<vmem>>
      %dma_wait3A_1225 = tpu.memref_squeeze %dma_wait3A_1224 : memref<1x85xf32, #tpu.memory_space<vmem>> -> memref<85xf32, #tpu.memory_space<vmem>>
      %dma_wait3A_1226 = arith.constant 0 : i32
      %dma_wait3A_1227 = tpu.memref_slice %arg3[%squeeze3A_513, %squeeze3A_515, %dma_wait3A_1226] : memref<1824x38x85xf32, #tpu.memory_space<hbm>> -> memref<1x1x85xf32, #tpu.memory_space<hbm>>
      %dma_wait3A_1228 = tpu.memref_squeeze %dma_wait3A_1227 : memref<1x1x85xf32, #tpu.memory_space<hbm>> -> memref<85xf32, #tpu.memory_space<hbm>>
      %dma_wait3A_1229 = arith.constant 0 : i32
      %dma_wait3A_1230 = tpu.memref_slice %arg21[%dma_wait3A_1222, %dma_wait3A_1229] : memref<16x85xf32, #tpu.memory_space<vmem>> -> memref<1x85xf32, #tpu.memory_space<vmem>>
      %dma_wait3A_1231 = tpu.memref_squeeze %dma_wait3A_1230 : memref<1x85xf32, #tpu.memory_space<vmem>> -> memref<85xf32, #tpu.memory_space<vmem>>
      %dma_wait3A_1232 = arith.constant 0 : i32
      %dma_wait3A_1233 = tpu.memref_slice %arg3[%squeeze3A_513, %squeeze3A_515, %dma_wait3A_1232] : memref<1824x38x85xf32, #tpu.memory_space<hbm>> -> memref<1x1x85xf32, #tpu.memory_space<hbm>>
      %dma_wait3A_1234 = tpu.memref_squeeze %dma_wait3A_1233 : memref<1x1x85xf32, #tpu.memory_space<hbm>> -> memref<85xf32, #tpu.memory_space<hbm>>
      tpu.wait_dma2 semaphore(%arg24 : memref<!tpu.dma_semaphore, #tpu.memory_space<semaphore_mem>>) src(%dma_wait3A_1234 : memref<85xf32, #tpu.memory_space<hbm>>) dst(%dma_wait3A_1231 : memref<85xf32, #tpu.memory_space<vmem>>)
      %dma_wait3A_1235 = arith.constant 13 : i32
      %dma_wait3A_1236 = arith.constant 0 : i32
      %dma_wait3A_1237 = tpu.memref_slice %arg21[%dma_wait3A_1235, %dma_wait3A_1236] : memref<16x85xf32, #tpu.memory_space<vmem>> -> memref<1x85xf32, #tpu.memory_space<vmem>>
      %dma_wait3A_1238 = tpu.memref_squeeze %dma_wait3A_1237 : memref<1x85xf32, #tpu.memory_space<vmem>> -> memref<85xf32, #tpu.memory_space<vmem>>
      %dma_wait3A_1239 = arith.constant 0 : i32
      %dma_wait3A_1240 = tpu.memref_slice %arg3[%squeeze3A_530, %squeeze3A_532, %dma_wait3A_1239] : memref<1824x38x85xf32, #tpu.memory_space<hbm>> -> memref<1x1x85xf32, #tpu.memory_space<hbm>>
      %dma_wait3A_1241 = tpu.memref_squeeze %dma_wait3A_1240 : memref<1x1x85xf32, #tpu.memory_space<hbm>> -> memref<85xf32, #tpu.memory_space<hbm>>
      %dma_wait3A_1242 = arith.constant 0 : i32
      %dma_wait3A_1243 = tpu.memref_slice %arg21[%dma_wait3A_1235, %dma_wait3A_1242] : memref<16x85xf32, #tpu.memory_space<vmem>> -> memref<1x85xf32, #tpu.memory_space<vmem>>
      %dma_wait3A_1244 = tpu.memref_squeeze %dma_wait3A_1243 : memref<1x85xf32, #tpu.memory_space<vmem>> -> memref<85xf32, #tpu.memory_space<vmem>>
      %dma_wait3A_1245 = arith.constant 0 : i32
      %dma_wait3A_1246 = tpu.memref_slice %arg3[%squeeze3A_530, %squeeze3A_532, %dma_wait3A_1245] : memref<1824x38x85xf32, #tpu.memory_space<hbm>> -> memref<1x1x85xf32, #tpu.memory_space<hbm>>
      %dma_wait3A_1247 = tpu.memref_squeeze %dma_wait3A_1246 : memref<1x1x85xf32, #tpu.memory_space<hbm>> -> memref<85xf32, #tpu.memory_space<hbm>>
      tpu.wait_dma2 semaphore(%arg24 : memref<!tpu.dma_semaphore, #tpu.memory_space<semaphore_mem>>) src(%dma_wait3A_1247 : memref<85xf32, #tpu.memory_space<hbm>>) dst(%dma_wait3A_1244 : memref<85xf32, #tpu.memory_space<vmem>>)
      %dma_wait3A_1248 = arith.constant 14 : i32
      %dma_wait3A_1249 = arith.constant 0 : i32
      %dma_wait3A_1250 = tpu.memref_slice %arg21[%dma_wait3A_1248, %dma_wait3A_1249] : memref<16x85xf32, #tpu.memory_space<vmem>> -> memref<1x85xf32, #tpu.memory_space<vmem>>
      %dma_wait3A_1251 = tpu.memref_squeeze %dma_wait3A_1250 : memref<1x85xf32, #tpu.memory_space<vmem>> -> memref<85xf32, #tpu.memory_space<vmem>>
      %dma_wait3A_1252 = arith.constant 0 : i32
      %dma_wait3A_1253 = tpu.memref_slice %arg3[%squeeze3A_547, %squeeze3A_549, %dma_wait3A_1252] : memref<1824x38x85xf32, #tpu.memory_space<hbm>> -> memref<1x1x85xf32, #tpu.memory_space<hbm>>
      %dma_wait3A_1254 = tpu.memref_squeeze %dma_wait3A_1253 : memref<1x1x85xf32, #tpu.memory_space<hbm>> -> memref<85xf32, #tpu.memory_space<hbm>>
      %dma_wait3A_1255 = arith.constant 0 : i32
      %dma_wait3A_1256 = tpu.memref_slice %arg21[%dma_wait3A_1248, %dma_wait3A_1255] : memref<16x85xf32, #tpu.memory_space<vmem>> -> memref<1x85xf32, #tpu.memory_space<vmem>>
      %dma_wait3A_1257 = tpu.memref_squeeze %dma_wait3A_1256 : memref<1x85xf32, #tpu.memory_space<vmem>> -> memref<85xf32, #tpu.memory_space<vmem>>
      %dma_wait3A_1258 = arith.constant 0 : i32
      %dma_wait3A_1259 = tpu.memref_slice %arg3[%squeeze3A_547, %squeeze3A_549, %dma_wait3A_1258] : memref<1824x38x85xf32, #tpu.memory_space<hbm>> -> memref<1x1x85xf32, #tpu.memory_space<hbm>>
      %dma_wait3A_1260 = tpu.memref_squeeze %dma_wait3A_1259 : memref<1x1x85xf32, #tpu.memory_space<hbm>> -> memref<85xf32, #tpu.memory_space<hbm>>
      tpu.wait_dma2 semaphore(%arg24 : memref<!tpu.dma_semaphore, #tpu.memory_space<semaphore_mem>>) src(%dma_wait3A_1260 : memref<85xf32, #tpu.memory_space<hbm>>) dst(%dma_wait3A_1257 : memref<85xf32, #tpu.memory_space<vmem>>)
      %dma_wait3A_1261 = arith.constant 15 : i32
      %dma_wait3A_1262 = arith.constant 0 : i32
      %dma_wait3A_1263 = tpu.memref_slice %arg21[%dma_wait3A_1261, %dma_wait3A_1262] : memref<16x85xf32, #tpu.memory_space<vmem>> -> memref<1x85xf32, #tpu.memory_space<vmem>>
      %dma_wait3A_1264 = tpu.memref_squeeze %dma_wait3A_1263 : memref<1x85xf32, #tpu.memory_space<vmem>> -> memref<85xf32, #tpu.memory_space<vmem>>
      %dma_wait3A_1265 = arith.constant 0 : i32
      %dma_wait3A_1266 = tpu.memref_slice %arg3[%squeeze3A_564, %squeeze3A_566, %dma_wait3A_1265] : memref<1824x38x85xf32, #tpu.memory_space<hbm>> -> memref<1x1x85xf32, #tpu.memory_space<hbm>>
      %dma_wait3A_1267 = tpu.memref_squeeze %dma_wait3A_1266 : memref<1x1x85xf32, #tpu.memory_space<hbm>> -> memref<85xf32, #tpu.memory_space<hbm>>
      %dma_wait3A_1268 = arith.constant 0 : i32
      %dma_wait3A_1269 = tpu.memref_slice %arg21[%dma_wait3A_1261, %dma_wait3A_1268] : memref<16x85xf32, #tpu.memory_space<vmem>> -> memref<1x85xf32, #tpu.memory_space<vmem>>
      %dma_wait3A_1270 = tpu.memref_squeeze %dma_wait3A_1269 : memref<1x85xf32, #tpu.memory_space<vmem>> -> memref<85xf32, #tpu.memory_space<vmem>>
      %dma_wait3A_1271 = arith.constant 0 : i32
      %dma_wait3A_1272 = tpu.memref_slice %arg3[%squeeze3A_564, %squeeze3A_566, %dma_wait3A_1271] : memref<1824x38x85xf32, #tpu.memory_space<hbm>> -> memref<1x1x85xf32, #tpu.memory_space<hbm>>
      %dma_wait3A_1273 = tpu.memref_squeeze %dma_wait3A_1272 : memref<1x1x85xf32, #tpu.memory_space<hbm>> -> memref<85xf32, #tpu.memory_space<hbm>>
      tpu.wait_dma2 semaphore(%arg24 : memref<!tpu.dma_semaphore, #tpu.memory_space<semaphore_mem>>) src(%dma_wait3A_1273 : memref<85xf32, #tpu.memory_space<hbm>>) dst(%dma_wait3A_1270 : memref<85xf32, #tpu.memory_space<vmem>>)
      %dma_wait3A_1274 = arith.constant 0 : i32
      %dma_wait3A_1275 = arith.constant 0 : i32
      %dma_wait3A_1276 = tpu.memref_slice %arg22[%dma_wait3A_1274, %dma_wait3A_1275] : memref<16x85xf32, #tpu.memory_space<vmem>> -> memref<1x85xf32, #tpu.memory_space<vmem>>
      %dma_wait3A_1277 = tpu.memref_squeeze %dma_wait3A_1276 : memref<1x85xf32, #tpu.memory_space<vmem>> -> memref<85xf32, #tpu.memory_space<vmem>>
      %dma_wait3A_1278 = arith.constant 0 : i32
      %dma_wait3A_1279 = tpu.memref_slice %arg4[%squeeze3A_587, %squeeze3A_589, %dma_wait3A_1278] : memref<3648x76x85xf32, #tpu.memory_space<hbm>> -> memref<1x1x85xf32, #tpu.memory_space<hbm>>
      %dma_wait3A_1280 = tpu.memref_squeeze %dma_wait3A_1279 : memref<1x1x85xf32, #tpu.memory_space<hbm>> -> memref<85xf32, #tpu.memory_space<hbm>>
      %dma_wait3A_1281 = arith.constant 0 : i32
      %dma_wait3A_1282 = tpu.memref_slice %arg22[%dma_wait3A_1274, %dma_wait3A_1281] : memref<16x85xf32, #tpu.memory_space<vmem>> -> memref<1x85xf32, #tpu.memory_space<vmem>>
      %dma_wait3A_1283 = tpu.memref_squeeze %dma_wait3A_1282 : memref<1x85xf32, #tpu.memory_space<vmem>> -> memref<85xf32, #tpu.memory_space<vmem>>
      %dma_wait3A_1284 = arith.constant 0 : i32
      %dma_wait3A_1285 = tpu.memref_slice %arg4[%squeeze3A_587, %squeeze3A_589, %dma_wait3A_1284] : memref<3648x76x85xf32, #tpu.memory_space<hbm>> -> memref<1x1x85xf32, #tpu.memory_space<hbm>>
      %dma_wait3A_1286 = tpu.memref_squeeze %dma_wait3A_1285 : memref<1x1x85xf32, #tpu.memory_space<hbm>> -> memref<85xf32, #tpu.memory_space<hbm>>
      tpu.wait_dma2 semaphore(%arg24 : memref<!tpu.dma_semaphore, #tpu.memory_space<semaphore_mem>>) src(%dma_wait3A_1286 : memref<85xf32, #tpu.memory_space<hbm>>) dst(%dma_wait3A_1283 : memref<85xf32, #tpu.memory_space<vmem>>)
      %dma_wait3A_1287 = arith.constant 1 : i32
      %dma_wait3A_1288 = arith.constant 0 : i32
      %dma_wait3A_1289 = tpu.memref_slice %arg22[%dma_wait3A_1287, %dma_wait3A_1288] : memref<16x85xf32, #tpu.memory_space<vmem>> -> memref<1x85xf32, #tpu.memory_space<vmem>>
      %dma_wait3A_1290 = tpu.memref_squeeze %dma_wait3A_1289 : memref<1x85xf32, #tpu.memory_space<vmem>> -> memref<85xf32, #tpu.memory_space<vmem>>
      %dma_wait3A_1291 = arith.constant 0 : i32
      %dma_wait3A_1292 = tpu.memref_slice %arg4[%squeeze3A_604, %squeeze3A_606, %dma_wait3A_1291] : memref<3648x76x85xf32, #tpu.memory_space<hbm>> -> memref<1x1x85xf32, #tpu.memory_space<hbm>>
      %dma_wait3A_1293 = tpu.memref_squeeze %dma_wait3A_1292 : memref<1x1x85xf32, #tpu.memory_space<hbm>> -> memref<85xf32, #tpu.memory_space<hbm>>
      %dma_wait3A_1294 = arith.constant 0 : i32
      %dma_wait3A_1295 = tpu.memref_slice %arg22[%dma_wait3A_1287, %dma_wait3A_1294] : memref<16x85xf32, #tpu.memory_space<vmem>> -> memref<1x85xf32, #tpu.memory_space<vmem>>
      %dma_wait3A_1296 = tpu.memref_squeeze %dma_wait3A_1295 : memref<1x85xf32, #tpu.memory_space<vmem>> -> memref<85xf32, #tpu.memory_space<vmem>>
      %dma_wait3A_1297 = arith.constant 0 : i32
      %dma_wait3A_1298 = tpu.memref_slice %arg4[%squeeze3A_604, %squeeze3A_606, %dma_wait3A_1297] : memref<3648x76x85xf32, #tpu.memory_space<hbm>> -> memref<1x1x85xf32, #tpu.memory_space<hbm>>
      %dma_wait3A_1299 = tpu.memref_squeeze %dma_wait3A_1298 : memref<1x1x85xf32, #tpu.memory_space<hbm>> -> memref<85xf32, #tpu.memory_space<hbm>>
      tpu.wait_dma2 semaphore(%arg24 : memref<!tpu.dma_semaphore, #tpu.memory_space<semaphore_mem>>) src(%dma_wait3A_1299 : memref<85xf32, #tpu.memory_space<hbm>>) dst(%dma_wait3A_1296 : memref<85xf32, #tpu.memory_space<vmem>>)
      %dma_wait3A_1300 = arith.constant 2 : i32
      %dma_wait3A_1301 = arith.constant 0 : i32
      %dma_wait3A_1302 = tpu.memref_slice %arg22[%dma_wait3A_1300, %dma_wait3A_1301] : memref<16x85xf32, #tpu.memory_space<vmem>> -> memref<1x85xf32, #tpu.memory_space<vmem>>
      %dma_wait3A_1303 = tpu.memref_squeeze %dma_wait3A_1302 : memref<1x85xf32, #tpu.memory_space<vmem>> -> memref<85xf32, #tpu.memory_space<vmem>>
      %dma_wait3A_1304 = arith.constant 0 : i32
      %dma_wait3A_1305 = tpu.memref_slice %arg4[%squeeze3A_621, %squeeze3A_623, %dma_wait3A_1304] : memref<3648x76x85xf32, #tpu.memory_space<hbm>> -> memref<1x1x85xf32, #tpu.memory_space<hbm>>
      %dma_wait3A_1306 = tpu.memref_squeeze %dma_wait3A_1305 : memref<1x1x85xf32, #tpu.memory_space<hbm>> -> memref<85xf32, #tpu.memory_space<hbm>>
      %dma_wait3A_1307 = arith.constant 0 : i32
      %dma_wait3A_1308 = tpu.memref_slice %arg22[%dma_wait3A_1300, %dma_wait3A_1307] : memref<16x85xf32, #tpu.memory_space<vmem>> -> memref<1x85xf32, #tpu.memory_space<vmem>>
      %dma_wait3A_1309 = tpu.memref_squeeze %dma_wait3A_1308 : memref<1x85xf32, #tpu.memory_space<vmem>> -> memref<85xf32, #tpu.memory_space<vmem>>
      %dma_wait3A_1310 = arith.constant 0 : i32
      %dma_wait3A_1311 = tpu.memref_slice %arg4[%squeeze3A_621, %squeeze3A_623, %dma_wait3A_1310] : memref<3648x76x85xf32, #tpu.memory_space<hbm>> -> memref<1x1x85xf32, #tpu.memory_space<hbm>>
      %dma_wait3A_1312 = tpu.memref_squeeze %dma_wait3A_1311 : memref<1x1x85xf32, #tpu.memory_space<hbm>> -> memref<85xf32, #tpu.memory_space<hbm>>
      tpu.wait_dma2 semaphore(%arg24 : memref<!tpu.dma_semaphore, #tpu.memory_space<semaphore_mem>>) src(%dma_wait3A_1312 : memref<85xf32, #tpu.memory_space<hbm>>) dst(%dma_wait3A_1309 : memref<85xf32, #tpu.memory_space<vmem>>)
      %dma_wait3A_1313 = arith.constant 3 : i32
      %dma_wait3A_1314 = arith.constant 0 : i32
      %dma_wait3A_1315 = tpu.memref_slice %arg22[%dma_wait3A_1313, %dma_wait3A_1314] : memref<16x85xf32, #tpu.memory_space<vmem>> -> memref<1x85xf32, #tpu.memory_space<vmem>>
      %dma_wait3A_1316 = tpu.memref_squeeze %dma_wait3A_1315 : memref<1x85xf32, #tpu.memory_space<vmem>> -> memref<85xf32, #tpu.memory_space<vmem>>
      %dma_wait3A_1317 = arith.constant 0 : i32
      %dma_wait3A_1318 = tpu.memref_slice %arg4[%squeeze3A_638, %squeeze3A_640, %dma_wait3A_1317] : memref<3648x76x85xf32, #tpu.memory_space<hbm>> -> memref<1x1x85xf32, #tpu.memory_space<hbm>>
      %dma_wait3A_1319 = tpu.memref_squeeze %dma_wait3A_1318 : memref<1x1x85xf32, #tpu.memory_space<hbm>> -> memref<85xf32, #tpu.memory_space<hbm>>
      %dma_wait3A_1320 = arith.constant 0 : i32
      %dma_wait3A_1321 = tpu.memref_slice %arg22[%dma_wait3A_1313, %dma_wait3A_1320] : memref<16x85xf32, #tpu.memory_space<vmem>> -> memref<1x85xf32, #tpu.memory_space<vmem>>
      %dma_wait3A_1322 = tpu.memref_squeeze %dma_wait3A_1321 : memref<1x85xf32, #tpu.memory_space<vmem>> -> memref<85xf32, #tpu.memory_space<vmem>>
      %dma_wait3A_1323 = arith.constant 0 : i32
      %dma_wait3A_1324 = tpu.memref_slice %arg4[%squeeze3A_638, %squeeze3A_640, %dma_wait3A_1323] : memref<3648x76x85xf32, #tpu.memory_space<hbm>> -> memref<1x1x85xf32, #tpu.memory_space<hbm>>
      %dma_wait3A_1325 = tpu.memref_squeeze %dma_wait3A_1324 : memref<1x1x85xf32, #tpu.memory_space<hbm>> -> memref<85xf32, #tpu.memory_space<hbm>>
      tpu.wait_dma2 semaphore(%arg24 : memref<!tpu.dma_semaphore, #tpu.memory_space<semaphore_mem>>) src(%dma_wait3A_1325 : memref<85xf32, #tpu.memory_space<hbm>>) dst(%dma_wait3A_1322 : memref<85xf32, #tpu.memory_space<vmem>>)
      %dma_wait3A_1326 = arith.constant 4 : i32
      %dma_wait3A_1327 = arith.constant 0 : i32
      %dma_wait3A_1328 = tpu.memref_slice %arg22[%dma_wait3A_1326, %dma_wait3A_1327] : memref<16x85xf32, #tpu.memory_space<vmem>> -> memref<1x85xf32, #tpu.memory_space<vmem>>
      %dma_wait3A_1329 = tpu.memref_squeeze %dma_wait3A_1328 : memref<1x85xf32, #tpu.memory_space<vmem>> -> memref<85xf32, #tpu.memory_space<vmem>>
      %dma_wait3A_1330 = arith.constant 0 : i32
      %dma_wait3A_1331 = tpu.memref_slice %arg4[%squeeze3A_655, %squeeze3A_657, %dma_wait3A_1330] : memref<3648x76x85xf32, #tpu.memory_space<hbm>> -> memref<1x1x85xf32, #tpu.memory_space<hbm>>
      %dma_wait3A_1332 = tpu.memref_squeeze %dma_wait3A_1331 : memref<1x1x85xf32, #tpu.memory_space<hbm>> -> memref<85xf32, #tpu.memory_space<hbm>>
      %dma_wait3A_1333 = arith.constant 0 : i32
      %dma_wait3A_1334 = tpu.memref_slice %arg22[%dma_wait3A_1326, %dma_wait3A_1333] : memref<16x85xf32, #tpu.memory_space<vmem>> -> memref<1x85xf32, #tpu.memory_space<vmem>>
      %dma_wait3A_1335 = tpu.memref_squeeze %dma_wait3A_1334 : memref<1x85xf32, #tpu.memory_space<vmem>> -> memref<85xf32, #tpu.memory_space<vmem>>
      %dma_wait3A_1336 = arith.constant 0 : i32
      %dma_wait3A_1337 = tpu.memref_slice %arg4[%squeeze3A_655, %squeeze3A_657, %dma_wait3A_1336] : memref<3648x76x85xf32, #tpu.memory_space<hbm>> -> memref<1x1x85xf32, #tpu.memory_space<hbm>>
      %dma_wait3A_1338 = tpu.memref_squeeze %dma_wait3A_1337 : memref<1x1x85xf32, #tpu.memory_space<hbm>> -> memref<85xf32, #tpu.memory_space<hbm>>
      tpu.wait_dma2 semaphore(%arg24 : memref<!tpu.dma_semaphore, #tpu.memory_space<semaphore_mem>>) src(%dma_wait3A_1338 : memref<85xf32, #tpu.memory_space<hbm>>) dst(%dma_wait3A_1335 : memref<85xf32, #tpu.memory_space<vmem>>)
      %dma_wait3A_1339 = arith.constant 5 : i32
      %dma_wait3A_1340 = arith.constant 0 : i32
      %dma_wait3A_1341 = tpu.memref_slice %arg22[%dma_wait3A_1339, %dma_wait3A_1340] : memref<16x85xf32, #tpu.memory_space<vmem>> -> memref<1x85xf32, #tpu.memory_space<vmem>>
      %dma_wait3A_1342 = tpu.memref_squeeze %dma_wait3A_1341 : memref<1x85xf32, #tpu.memory_space<vmem>> -> memref<85xf32, #tpu.memory_space<vmem>>
      %dma_wait3A_1343 = arith.constant 0 : i32
      %dma_wait3A_1344 = tpu.memref_slice %arg4[%squeeze3A_672, %squeeze3A_674, %dma_wait3A_1343] : memref<3648x76x85xf32, #tpu.memory_space<hbm>> -> memref<1x1x85xf32, #tpu.memory_space<hbm>>
      %dma_wait3A_1345 = tpu.memref_squeeze %dma_wait3A_1344 : memref<1x1x85xf32, #tpu.memory_space<hbm>> -> memref<85xf32, #tpu.memory_space<hbm>>
      %dma_wait3A_1346 = arith.constant 0 : i32
      %dma_wait3A_1347 = tpu.memref_slice %arg22[%dma_wait3A_1339, %dma_wait3A_1346] : memref<16x85xf32, #tpu.memory_space<vmem>> -> memref<1x85xf32, #tpu.memory_space<vmem>>
      %dma_wait3A_1348 = tpu.memref_squeeze %dma_wait3A_1347 : memref<1x85xf32, #tpu.memory_space<vmem>> -> memref<85xf32, #tpu.memory_space<vmem>>
      %dma_wait3A_1349 = arith.constant 0 : i32
      %dma_wait3A_1350 = tpu.memref_slice %arg4[%squeeze3A_672, %squeeze3A_674, %dma_wait3A_1349] : memref<3648x76x85xf32, #tpu.memory_space<hbm>> -> memref<1x1x85xf32, #tpu.memory_space<hbm>>
      %dma_wait3A_1351 = tpu.memref_squeeze %dma_wait3A_1350 : memref<1x1x85xf32, #tpu.memory_space<hbm>> -> memref<85xf32, #tpu.memory_space<hbm>>
      tpu.wait_dma2 semaphore(%arg24 : memref<!tpu.dma_semaphore, #tpu.memory_space<semaphore_mem>>) src(%dma_wait3A_1351 : memref<85xf32, #tpu.memory_space<hbm>>) dst(%dma_wait3A_1348 : memref<85xf32, #tpu.memory_space<vmem>>)
      %dma_wait3A_1352 = arith.constant 6 : i32
      %dma_wait3A_1353 = arith.constant 0 : i32
      %dma_wait3A_1354 = tpu.memref_slice %arg22[%dma_wait3A_1352, %dma_wait3A_1353] : memref<16x85xf32, #tpu.memory_space<vmem>> -> memref<1x85xf32, #tpu.memory_space<vmem>>
      %dma_wait3A_1355 = tpu.memref_squeeze %dma_wait3A_1354 : memref<1x85xf32, #tpu.memory_space<vmem>> -> memref<85xf32, #tpu.memory_space<vmem>>
      %dma_wait3A_1356 = arith.constant 0 : i32
      %dma_wait3A_1357 = tpu.memref_slice %arg4[%squeeze3A_689, %squeeze3A_691, %dma_wait3A_1356] : memref<3648x76x85xf32, #tpu.memory_space<hbm>> -> memref<1x1x85xf32, #tpu.memory_space<hbm>>
      %dma_wait3A_1358 = tpu.memref_squeeze %dma_wait3A_1357 : memref<1x1x85xf32, #tpu.memory_space<hbm>> -> memref<85xf32, #tpu.memory_space<hbm>>
      %dma_wait3A_1359 = arith.constant 0 : i32
      %dma_wait3A_1360 = tpu.memref_slice %arg22[%dma_wait3A_1352, %dma_wait3A_1359] : memref<16x85xf32, #tpu.memory_space<vmem>> -> memref<1x85xf32, #tpu.memory_space<vmem>>
      %dma_wait3A_1361 = tpu.memref_squeeze %dma_wait3A_1360 : memref<1x85xf32, #tpu.memory_space<vmem>> -> memref<85xf32, #tpu.memory_space<vmem>>
      %dma_wait3A_1362 = arith.constant 0 : i32
      %dma_wait3A_1363 = tpu.memref_slice %arg4[%squeeze3A_689, %squeeze3A_691, %dma_wait3A_1362] : memref<3648x76x85xf32, #tpu.memory_space<hbm>> -> memref<1x1x85xf32, #tpu.memory_space<hbm>>
      %dma_wait3A_1364 = tpu.memref_squeeze %dma_wait3A_1363 : memref<1x1x85xf32, #tpu.memory_space<hbm>> -> memref<85xf32, #tpu.memory_space<hbm>>
      tpu.wait_dma2 semaphore(%arg24 : memref<!tpu.dma_semaphore, #tpu.memory_space<semaphore_mem>>) src(%dma_wait3A_1364 : memref<85xf32, #tpu.memory_space<hbm>>) dst(%dma_wait3A_1361 : memref<85xf32, #tpu.memory_space<vmem>>)
      %dma_wait3A_1365 = arith.constant 7 : i32
      %dma_wait3A_1366 = arith.constant 0 : i32
      %dma_wait3A_1367 = tpu.memref_slice %arg22[%dma_wait3A_1365, %dma_wait3A_1366] : memref<16x85xf32, #tpu.memory_space<vmem>> -> memref<1x85xf32, #tpu.memory_space<vmem>>
      %dma_wait3A_1368 = tpu.memref_squeeze %dma_wait3A_1367 : memref<1x85xf32, #tpu.memory_space<vmem>> -> memref<85xf32, #tpu.memory_space<vmem>>
      %dma_wait3A_1369 = arith.constant 0 : i32
      %dma_wait3A_1370 = tpu.memref_slice %arg4[%squeeze3A_706, %squeeze3A_708, %dma_wait3A_1369] : memref<3648x76x85xf32, #tpu.memory_space<hbm>> -> memref<1x1x85xf32, #tpu.memory_space<hbm>>
      %dma_wait3A_1371 = tpu.memref_squeeze %dma_wait3A_1370 : memref<1x1x85xf32, #tpu.memory_space<hbm>> -> memref<85xf32, #tpu.memory_space<hbm>>
      %dma_wait3A_1372 = arith.constant 0 : i32
      %dma_wait3A_1373 = tpu.memref_slice %arg22[%dma_wait3A_1365, %dma_wait3A_1372] : memref<16x85xf32, #tpu.memory_space<vmem>> -> memref<1x85xf32, #tpu.memory_space<vmem>>
      %dma_wait3A_1374 = tpu.memref_squeeze %dma_wait3A_1373 : memref<1x85xf32, #tpu.memory_space<vmem>> -> memref<85xf32, #tpu.memory_space<vmem>>
      %dma_wait3A_1375 = arith.constant 0 : i32
      %dma_wait3A_1376 = tpu.memref_slice %arg4[%squeeze3A_706, %squeeze3A_708, %dma_wait3A_1375] : memref<3648x76x85xf32, #tpu.memory_space<hbm>> -> memref<1x1x85xf32, #tpu.memory_space<hbm>>
      %dma_wait3A_1377 = tpu.memref_squeeze %dma_wait3A_1376 : memref<1x1x85xf32, #tpu.memory_space<hbm>> -> memref<85xf32, #tpu.memory_space<hbm>>
      tpu.wait_dma2 semaphore(%arg24 : memref<!tpu.dma_semaphore, #tpu.memory_space<semaphore_mem>>) src(%dma_wait3A_1377 : memref<85xf32, #tpu.memory_space<hbm>>) dst(%dma_wait3A_1374 : memref<85xf32, #tpu.memory_space<vmem>>)
      %dma_wait3A_1378 = arith.constant 8 : i32
      %dma_wait3A_1379 = arith.constant 0 : i32
      %dma_wait3A_1380 = tpu.memref_slice %arg22[%dma_wait3A_1378, %dma_wait3A_1379] : memref<16x85xf32, #tpu.memory_space<vmem>> -> memref<1x85xf32, #tpu.memory_space<vmem>>
      %dma_wait3A_1381 = tpu.memref_squeeze %dma_wait3A_1380 : memref<1x85xf32, #tpu.memory_space<vmem>> -> memref<85xf32, #tpu.memory_space<vmem>>
      %dma_wait3A_1382 = arith.constant 0 : i32
      %dma_wait3A_1383 = tpu.memref_slice %arg4[%squeeze3A_723, %squeeze3A_725, %dma_wait3A_1382] : memref<3648x76x85xf32, #tpu.memory_space<hbm>> -> memref<1x1x85xf32, #tpu.memory_space<hbm>>
      %dma_wait3A_1384 = tpu.memref_squeeze %dma_wait3A_1383 : memref<1x1x85xf32, #tpu.memory_space<hbm>> -> memref<85xf32, #tpu.memory_space<hbm>>
      %dma_wait3A_1385 = arith.constant 0 : i32
      %dma_wait3A_1386 = tpu.memref_slice %arg22[%dma_wait3A_1378, %dma_wait3A_1385] : memref<16x85xf32, #tpu.memory_space<vmem>> -> memref<1x85xf32, #tpu.memory_space<vmem>>
      %dma_wait3A_1387 = tpu.memref_squeeze %dma_wait3A_1386 : memref<1x85xf32, #tpu.memory_space<vmem>> -> memref<85xf32, #tpu.memory_space<vmem>>
      %dma_wait3A_1388 = arith.constant 0 : i32
      %dma_wait3A_1389 = tpu.memref_slice %arg4[%squeeze3A_723, %squeeze3A_725, %dma_wait3A_1388] : memref<3648x76x85xf32, #tpu.memory_space<hbm>> -> memref<1x1x85xf32, #tpu.memory_space<hbm>>
      %dma_wait3A_1390 = tpu.memref_squeeze %dma_wait3A_1389 : memref<1x1x85xf32, #tpu.memory_space<hbm>> -> memref<85xf32, #tpu.memory_space<hbm>>
      tpu.wait_dma2 semaphore(%arg24 : memref<!tpu.dma_semaphore, #tpu.memory_space<semaphore_mem>>) src(%dma_wait3A_1390 : memref<85xf32, #tpu.memory_space<hbm>>) dst(%dma_wait3A_1387 : memref<85xf32, #tpu.memory_space<vmem>>)
      %dma_wait3A_1391 = arith.constant 9 : i32
      %dma_wait3A_1392 = arith.constant 0 : i32
      %dma_wait3A_1393 = tpu.memref_slice %arg22[%dma_wait3A_1391, %dma_wait3A_1392] : memref<16x85xf32, #tpu.memory_space<vmem>> -> memref<1x85xf32, #tpu.memory_space<vmem>>
      %dma_wait3A_1394 = tpu.memref_squeeze %dma_wait3A_1393 : memref<1x85xf32, #tpu.memory_space<vmem>> -> memref<85xf32, #tpu.memory_space<vmem>>
      %dma_wait3A_1395 = arith.constant 0 : i32
      %dma_wait3A_1396 = tpu.memref_slice %arg4[%squeeze3A_740, %squeeze3A_742, %dma_wait3A_1395] : memref<3648x76x85xf32, #tpu.memory_space<hbm>> -> memref<1x1x85xf32, #tpu.memory_space<hbm>>
      %dma_wait3A_1397 = tpu.memref_squeeze %dma_wait3A_1396 : memref<1x1x85xf32, #tpu.memory_space<hbm>> -> memref<85xf32, #tpu.memory_space<hbm>>
      %dma_wait3A_1398 = arith.constant 0 : i32
      %dma_wait3A_1399 = tpu.memref_slice %arg22[%dma_wait3A_1391, %dma_wait3A_1398] : memref<16x85xf32, #tpu.memory_space<vmem>> -> memref<1x85xf32, #tpu.memory_space<vmem>>
      %dma_wait3A_1400 = tpu.memref_squeeze %dma_wait3A_1399 : memref<1x85xf32, #tpu.memory_space<vmem>> -> memref<85xf32, #tpu.memory_space<vmem>>
      %dma_wait3A_1401 = arith.constant 0 : i32
      %dma_wait3A_1402 = tpu.memref_slice %arg4[%squeeze3A_740, %squeeze3A_742, %dma_wait3A_1401] : memref<3648x76x85xf32, #tpu.memory_space<hbm>> -> memref<1x1x85xf32, #tpu.memory_space<hbm>>
      %dma_wait3A_1403 = tpu.memref_squeeze %dma_wait3A_1402 : memref<1x1x85xf32, #tpu.memory_space<hbm>> -> memref<85xf32, #tpu.memory_space<hbm>>
      tpu.wait_dma2 semaphore(%arg24 : memref<!tpu.dma_semaphore, #tpu.memory_space<semaphore_mem>>) src(%dma_wait3A_1403 : memref<85xf32, #tpu.memory_space<hbm>>) dst(%dma_wait3A_1400 : memref<85xf32, #tpu.memory_space<vmem>>)
      %dma_wait3A_1404 = arith.constant 10 : i32
      %dma_wait3A_1405 = arith.constant 0 : i32
      %dma_wait3A_1406 = tpu.memref_slice %arg22[%dma_wait3A_1404, %dma_wait3A_1405] : memref<16x85xf32, #tpu.memory_space<vmem>> -> memref<1x85xf32, #tpu.memory_space<vmem>>
      %dma_wait3A_1407 = tpu.memref_squeeze %dma_wait3A_1406 : memref<1x85xf32, #tpu.memory_space<vmem>> -> memref<85xf32, #tpu.memory_space<vmem>>
      %dma_wait3A_1408 = arith.constant 0 : i32
      %dma_wait3A_1409 = tpu.memref_slice %arg4[%squeeze3A_757, %squeeze3A_759, %dma_wait3A_1408] : memref<3648x76x85xf32, #tpu.memory_space<hbm>> -> memref<1x1x85xf32, #tpu.memory_space<hbm>>
      %dma_wait3A_1410 = tpu.memref_squeeze %dma_wait3A_1409 : memref<1x1x85xf32, #tpu.memory_space<hbm>> -> memref<85xf32, #tpu.memory_space<hbm>>
      %dma_wait3A_1411 = arith.constant 0 : i32
      %dma_wait3A_1412 = tpu.memref_slice %arg22[%dma_wait3A_1404, %dma_wait3A_1411] : memref<16x85xf32, #tpu.memory_space<vmem>> -> memref<1x85xf32, #tpu.memory_space<vmem>>
      %dma_wait3A_1413 = tpu.memref_squeeze %dma_wait3A_1412 : memref<1x85xf32, #tpu.memory_space<vmem>> -> memref<85xf32, #tpu.memory_space<vmem>>
      %dma_wait3A_1414 = arith.constant 0 : i32
      %dma_wait3A_1415 = tpu.memref_slice %arg4[%squeeze3A_757, %squeeze3A_759, %dma_wait3A_1414] : memref<3648x76x85xf32, #tpu.memory_space<hbm>> -> memref<1x1x85xf32, #tpu.memory_space<hbm>>
      %dma_wait3A_1416 = tpu.memref_squeeze %dma_wait3A_1415 : memref<1x1x85xf32, #tpu.memory_space<hbm>> -> memref<85xf32, #tpu.memory_space<hbm>>
      tpu.wait_dma2 semaphore(%arg24 : memref<!tpu.dma_semaphore, #tpu.memory_space<semaphore_mem>>) src(%dma_wait3A_1416 : memref<85xf32, #tpu.memory_space<hbm>>) dst(%dma_wait3A_1413 : memref<85xf32, #tpu.memory_space<vmem>>)
      %dma_wait3A_1417 = arith.constant 11 : i32
      %dma_wait3A_1418 = arith.constant 0 : i32
      %dma_wait3A_1419 = tpu.memref_slice %arg22[%dma_wait3A_1417, %dma_wait3A_1418] : memref<16x85xf32, #tpu.memory_space<vmem>> -> memref<1x85xf32, #tpu.memory_space<vmem>>
      %dma_wait3A_1420 = tpu.memref_squeeze %dma_wait3A_1419 : memref<1x85xf32, #tpu.memory_space<vmem>> -> memref<85xf32, #tpu.memory_space<vmem>>
      %dma_wait3A_1421 = arith.constant 0 : i32
      %dma_wait3A_1422 = tpu.memref_slice %arg4[%squeeze3A_774, %squeeze3A_776, %dma_wait3A_1421] : memref<3648x76x85xf32, #tpu.memory_space<hbm>> -> memref<1x1x85xf32, #tpu.memory_space<hbm>>
      %dma_wait3A_1423 = tpu.memref_squeeze %dma_wait3A_1422 : memref<1x1x85xf32, #tpu.memory_space<hbm>> -> memref<85xf32, #tpu.memory_space<hbm>>
      %dma_wait3A_1424 = arith.constant 0 : i32
      %dma_wait3A_1425 = tpu.memref_slice %arg22[%dma_wait3A_1417, %dma_wait3A_1424] : memref<16x85xf32, #tpu.memory_space<vmem>> -> memref<1x85xf32, #tpu.memory_space<vmem>>
      %dma_wait3A_1426 = tpu.memref_squeeze %dma_wait3A_1425 : memref<1x85xf32, #tpu.memory_space<vmem>> -> memref<85xf32, #tpu.memory_space<vmem>>
      %dma_wait3A_1427 = arith.constant 0 : i32
      %dma_wait3A_1428 = tpu.memref_slice %arg4[%squeeze3A_774, %squeeze3A_776, %dma_wait3A_1427] : memref<3648x76x85xf32, #tpu.memory_space<hbm>> -> memref<1x1x85xf32, #tpu.memory_space<hbm>>
      %dma_wait3A_1429 = tpu.memref_squeeze %dma_wait3A_1428 : memref<1x1x85xf32, #tpu.memory_space<hbm>> -> memref<85xf32, #tpu.memory_space<hbm>>
      tpu.wait_dma2 semaphore(%arg24 : memref<!tpu.dma_semaphore, #tpu.memory_space<semaphore_mem>>) src(%dma_wait3A_1429 : memref<85xf32, #tpu.memory_space<hbm>>) dst(%dma_wait3A_1426 : memref<85xf32, #tpu.memory_space<vmem>>)
      %dma_wait3A_1430 = arith.constant 12 : i32
      %dma_wait3A_1431 = arith.constant 0 : i32
      %dma_wait3A_1432 = tpu.memref_slice %arg22[%dma_wait3A_1430, %dma_wait3A_1431] : memref<16x85xf32, #tpu.memory_space<vmem>> -> memref<1x85xf32, #tpu.memory_space<vmem>>
      %dma_wait3A_1433 = tpu.memref_squeeze %dma_wait3A_1432 : memref<1x85xf32, #tpu.memory_space<vmem>> -> memref<85xf32, #tpu.memory_space<vmem>>
      %dma_wait3A_1434 = arith.constant 0 : i32
      %dma_wait3A_1435 = tpu.memref_slice %arg4[%squeeze3A_791, %squeeze3A_793, %dma_wait3A_1434] : memref<3648x76x85xf32, #tpu.memory_space<hbm>> -> memref<1x1x85xf32, #tpu.memory_space<hbm>>
      %dma_wait3A_1436 = tpu.memref_squeeze %dma_wait3A_1435 : memref<1x1x85xf32, #tpu.memory_space<hbm>> -> memref<85xf32, #tpu.memory_space<hbm>>
      %dma_wait3A_1437 = arith.constant 0 : i32
      %dma_wait3A_1438 = tpu.memref_slice %arg22[%dma_wait3A_1430, %dma_wait3A_1437] : memref<16x85xf32, #tpu.memory_space<vmem>> -> memref<1x85xf32, #tpu.memory_space<vmem>>
      %dma_wait3A_1439 = tpu.memref_squeeze %dma_wait3A_1438 : memref<1x85xf32, #tpu.memory_space<vmem>> -> memref<85xf32, #tpu.memory_space<vmem>>
      %dma_wait3A_1440 = arith.constant 0 : i32
      %dma_wait3A_1441 = tpu.memref_slice %arg4[%squeeze3A_791, %squeeze3A_793, %dma_wait3A_1440] : memref<3648x76x85xf32, #tpu.memory_space<hbm>> -> memref<1x1x85xf32, #tpu.memory_space<hbm>>
      %dma_wait3A_1442 = tpu.memref_squeeze %dma_wait3A_1441 : memref<1x1x85xf32, #tpu.memory_space<hbm>> -> memref<85xf32, #tpu.memory_space<hbm>>
      tpu.wait_dma2 semaphore(%arg24 : memref<!tpu.dma_semaphore, #tpu.memory_space<semaphore_mem>>) src(%dma_wait3A_1442 : memref<85xf32, #tpu.memory_space<hbm>>) dst(%dma_wait3A_1439 : memref<85xf32, #tpu.memory_space<vmem>>)
      %dma_wait3A_1443 = arith.constant 13 : i32
      %dma_wait3A_1444 = arith.constant 0 : i32
      %dma_wait3A_1445 = tpu.memref_slice %arg22[%dma_wait3A_1443, %dma_wait3A_1444] : memref<16x85xf32, #tpu.memory_space<vmem>> -> memref<1x85xf32, #tpu.memory_space<vmem>>
      %dma_wait3A_1446 = tpu.memref_squeeze %dma_wait3A_1445 : memref<1x85xf32, #tpu.memory_space<vmem>> -> memref<85xf32, #tpu.memory_space<vmem>>
      %dma_wait3A_1447 = arith.constant 0 : i32
      %dma_wait3A_1448 = tpu.memref_slice %arg4[%squeeze3A_808, %squeeze3A_810, %dma_wait3A_1447] : memref<3648x76x85xf32, #tpu.memory_space<hbm>> -> memref<1x1x85xf32, #tpu.memory_space<hbm>>
      %dma_wait3A_1449 = tpu.memref_squeeze %dma_wait3A_1448 : memref<1x1x85xf32, #tpu.memory_space<hbm>> -> memref<85xf32, #tpu.memory_space<hbm>>
      %dma_wait3A_1450 = arith.constant 0 : i32
      %dma_wait3A_1451 = tpu.memref_slice %arg22[%dma_wait3A_1443, %dma_wait3A_1450] : memref<16x85xf32, #tpu.memory_space<vmem>> -> memref<1x85xf32, #tpu.memory_space<vmem>>
      %dma_wait3A_1452 = tpu.memref_squeeze %dma_wait3A_1451 : memref<1x85xf32, #tpu.memory_space<vmem>> -> memref<85xf32, #tpu.memory_space<vmem>>
      %dma_wait3A_1453 = arith.constant 0 : i32
      %dma_wait3A_1454 = tpu.memref_slice %arg4[%squeeze3A_808, %squeeze3A_810, %dma_wait3A_1453] : memref<3648x76x85xf32, #tpu.memory_space<hbm>> -> memref<1x1x85xf32, #tpu.memory_space<hbm>>
      %dma_wait3A_1455 = tpu.memref_squeeze %dma_wait3A_1454 : memref<1x1x85xf32, #tpu.memory_space<hbm>> -> memref<85xf32, #tpu.memory_space<hbm>>
      tpu.wait_dma2 semaphore(%arg24 : memref<!tpu.dma_semaphore, #tpu.memory_space<semaphore_mem>>) src(%dma_wait3A_1455 : memref<85xf32, #tpu.memory_space<hbm>>) dst(%dma_wait3A_1452 : memref<85xf32, #tpu.memory_space<vmem>>)
      %dma_wait3A_1456 = arith.constant 14 : i32
      %dma_wait3A_1457 = arith.constant 0 : i32
      %dma_wait3A_1458 = tpu.memref_slice %arg22[%dma_wait3A_1456, %dma_wait3A_1457] : memref<16x85xf32, #tpu.memory_space<vmem>> -> memref<1x85xf32, #tpu.memory_space<vmem>>
      %dma_wait3A_1459 = tpu.memref_squeeze %dma_wait3A_1458 : memref<1x85xf32, #tpu.memory_space<vmem>> -> memref<85xf32, #tpu.memory_space<vmem>>
      %dma_wait3A_1460 = arith.constant 0 : i32
      %dma_wait3A_1461 = tpu.memref_slice %arg4[%squeeze3A_825, %squeeze3A_827, %dma_wait3A_1460] : memref<3648x76x85xf32, #tpu.memory_space<hbm>> -> memref<1x1x85xf32, #tpu.memory_space<hbm>>
      %dma_wait3A_1462 = tpu.memref_squeeze %dma_wait3A_1461 : memref<1x1x85xf32, #tpu.memory_space<hbm>> -> memref<85xf32, #tpu.memory_space<hbm>>
      %dma_wait3A_1463 = arith.constant 0 : i32
      %dma_wait3A_1464 = tpu.memref_slice %arg22[%dma_wait3A_1456, %dma_wait3A_1463] : memref<16x85xf32, #tpu.memory_space<vmem>> -> memref<1x85xf32, #tpu.memory_space<vmem>>
      %dma_wait3A_1465 = tpu.memref_squeeze %dma_wait3A_1464 : memref<1x85xf32, #tpu.memory_space<vmem>> -> memref<85xf32, #tpu.memory_space<vmem>>
      %dma_wait3A_1466 = arith.constant 0 : i32
      %dma_wait3A_1467 = tpu.memref_slice %arg4[%squeeze3A_825, %squeeze3A_827, %dma_wait3A_1466] : memref<3648x76x85xf32, #tpu.memory_space<hbm>> -> memref<1x1x85xf32, #tpu.memory_space<hbm>>
      %dma_wait3A_1468 = tpu.memref_squeeze %dma_wait3A_1467 : memref<1x1x85xf32, #tpu.memory_space<hbm>> -> memref<85xf32, #tpu.memory_space<hbm>>
      tpu.wait_dma2 semaphore(%arg24 : memref<!tpu.dma_semaphore, #tpu.memory_space<semaphore_mem>>) src(%dma_wait3A_1468 : memref<85xf32, #tpu.memory_space<hbm>>) dst(%dma_wait3A_1465 : memref<85xf32, #tpu.memory_space<vmem>>)
      %dma_wait3A_1469 = arith.constant 15 : i32
      %dma_wait3A_1470 = arith.constant 0 : i32
      %dma_wait3A_1471 = tpu.memref_slice %arg22[%dma_wait3A_1469, %dma_wait3A_1470] : memref<16x85xf32, #tpu.memory_space<vmem>> -> memref<1x85xf32, #tpu.memory_space<vmem>>
      %dma_wait3A_1472 = tpu.memref_squeeze %dma_wait3A_1471 : memref<1x85xf32, #tpu.memory_space<vmem>> -> memref<85xf32, #tpu.memory_space<vmem>>
      %dma_wait3A_1473 = arith.constant 0 : i32
      %dma_wait3A_1474 = tpu.memref_slice %arg4[%squeeze3A_842, %squeeze3A_844, %dma_wait3A_1473] : memref<3648x76x85xf32, #tpu.memory_space<hbm>> -> memref<1x1x85xf32, #tpu.memory_space<hbm>>
      %dma_wait3A_1475 = tpu.memref_squeeze %dma_wait3A_1474 : memref<1x1x85xf32, #tpu.memory_space<hbm>> -> memref<85xf32, #tpu.memory_space<hbm>>
      %dma_wait3A_1476 = arith.constant 0 : i32
      %dma_wait3A_1477 = tpu.memref_slice %arg22[%dma_wait3A_1469, %dma_wait3A_1476] : memref<16x85xf32, #tpu.memory_space<vmem>> -> memref<1x85xf32, #tpu.memory_space<vmem>>
      %dma_wait3A_1478 = tpu.memref_squeeze %dma_wait3A_1477 : memref<1x85xf32, #tpu.memory_space<vmem>> -> memref<85xf32, #tpu.memory_space<vmem>>
      %dma_wait3A_1479 = arith.constant 0 : i32
      %dma_wait3A_1480 = tpu.memref_slice %arg4[%squeeze3A_842, %squeeze3A_844, %dma_wait3A_1479] : memref<3648x76x85xf32, #tpu.memory_space<hbm>> -> memref<1x1x85xf32, #tpu.memory_space<hbm>>
      %dma_wait3A_1481 = tpu.memref_squeeze %dma_wait3A_1480 : memref<1x1x85xf32, #tpu.memory_space<hbm>> -> memref<85xf32, #tpu.memory_space<hbm>>
      tpu.wait_dma2 semaphore(%arg24 : memref<!tpu.dma_semaphore, #tpu.memory_space<semaphore_mem>>) src(%dma_wait3A_1481 : memref<85xf32, #tpu.memory_space<hbm>>) dst(%dma_wait3A_1478 : memref<85xf32, #tpu.memory_space<vmem>>)
      %dma_start3A_1482 = arith.constant 0 : i32
      %dma_start3A_1483 = tpu.memref_slice %arg11[%mul3A_2, %dma_start3A_1482] : memref<512x85xf32, #tpu.memory_space<hbm>> -> memref<16x85xf32, #tpu.memory_space<hbm>>
      %dma_start3A_1484 = arith.constant 0 : i32
      %dma_start3A_1485 = tpu.memref_slice %arg11[%mul3A_2, %dma_start3A_1484] : memref<512x85xf32, #tpu.memory_space<hbm>> -> memref<16x85xf32, #tpu.memory_space<hbm>>
      tpu.enqueue_dma source(%arg20 : memref<16x85xf32, #tpu.memory_space<vmem>>) target(%dma_start3A_1485 : memref<16x85xf32, #tpu.memory_space<hbm>>) target_semaphore(%arg25 : memref<!tpu.dma_semaphore, #tpu.memory_space<semaphore_mem>>)
      %dma_start3A_1486 = arith.constant 0 : i32
      %dma_start3A_1487 = tpu.memref_slice %arg12[%mul3A_2, %dma_start3A_1486] : memref<512x85xf32, #tpu.memory_space<hbm>> -> memref<16x85xf32, #tpu.memory_space<hbm>>
      %dma_start3A_1488 = arith.constant 0 : i32
      %dma_start3A_1489 = tpu.memref_slice %arg12[%mul3A_2, %dma_start3A_1488] : memref<512x85xf32, #tpu.memory_space<hbm>> -> memref<16x85xf32, #tpu.memory_space<hbm>>
      tpu.enqueue_dma source(%arg21 : memref<16x85xf32, #tpu.memory_space<vmem>>) target(%dma_start3A_1489 : memref<16x85xf32, #tpu.memory_space<hbm>>) target_semaphore(%arg25 : memref<!tpu.dma_semaphore, #tpu.memory_space<semaphore_mem>>)
      %dma_start3A_1490 = arith.constant 0 : i32
      %dma_start3A_1491 = tpu.memref_slice %arg13[%mul3A_2, %dma_start3A_1490] : memref<512x85xf32, #tpu.memory_space<hbm>> -> memref<16x85xf32, #tpu.memory_space<hbm>>
      %dma_start3A_1492 = arith.constant 0 : i32
      %dma_start3A_1493 = tpu.memref_slice %arg13[%mul3A_2, %dma_start3A_1492] : memref<512x85xf32, #tpu.memory_space<hbm>> -> memref<16x85xf32, #tpu.memory_space<hbm>>
      tpu.enqueue_dma source(%arg22 : memref<16x85xf32, #tpu.memory_space<vmem>>) target(%dma_start3A_1493 : memref<16x85xf32, #tpu.memory_space<hbm>>) target_semaphore(%arg25 : memref<!tpu.dma_semaphore, #tpu.memory_space<semaphore_mem>>)
      %dma_wait3A_1494 = arith.constant 0 : i32
      %dma_wait3A_1495 = tpu.memref_slice %arg11[%mul3A_2, %dma_wait3A_1494] : memref<512x85xf32, #tpu.memory_space<hbm>> -> memref<16x85xf32, #tpu.memory_space<hbm>>
      %dma_wait3A_1496 = arith.constant 0 : i32
      %dma_wait3A_1497 = tpu.memref_slice %arg11[%mul3A_2, %dma_wait3A_1496] : memref<512x85xf32, #tpu.memory_space<hbm>> -> memref<16x85xf32, #tpu.memory_space<hbm>>
      tpu.wait_dma2 semaphore(%arg25 : memref<!tpu.dma_semaphore, #tpu.memory_space<semaphore_mem>>) src(%arg20 : memref<16x85xf32, #tpu.memory_space<vmem>>) dst(%dma_wait3A_1497 : memref<16x85xf32, #tpu.memory_space<hbm>>)
      %dma_wait3A_1498 = arith.constant 0 : i32
      %dma_wait3A_1499 = tpu.memref_slice %arg12[%mul3A_2, %dma_wait3A_1498] : memref<512x85xf32, #tpu.memory_space<hbm>> -> memref<16x85xf32, #tpu.memory_space<hbm>>
      %dma_wait3A_1500 = arith.constant 0 : i32
      %dma_wait3A_1501 = tpu.memref_slice %arg12[%mul3A_2, %dma_wait3A_1500] : memref<512x85xf32, #tpu.memory_space<hbm>> -> memref<16x85xf32, #tpu.memory_space<hbm>>
      tpu.wait_dma2 semaphore(%arg25 : memref<!tpu.dma_semaphore, #tpu.memory_space<semaphore_mem>>) src(%arg21 : memref<16x85xf32, #tpu.memory_space<vmem>>) dst(%dma_wait3A_1501 : memref<16x85xf32, #tpu.memory_space<hbm>>)
      %dma_wait3A_1502 = arith.constant 0 : i32
      %dma_wait3A_1503 = tpu.memref_slice %arg13[%mul3A_2, %dma_wait3A_1502] : memref<512x85xf32, #tpu.memory_space<hbm>> -> memref<16x85xf32, #tpu.memory_space<hbm>>
      %dma_wait3A_1504 = arith.constant 0 : i32
      %dma_wait3A_1505 = tpu.memref_slice %arg13[%mul3A_2, %dma_wait3A_1504] : memref<512x85xf32, #tpu.memory_space<hbm>> -> memref<16x85xf32, #tpu.memory_space<hbm>>
      tpu.wait_dma2 semaphore(%arg25 : memref<!tpu.dma_semaphore, #tpu.memory_space<semaphore_mem>>) src(%arg22 : memref<16x85xf32, #tpu.memory_space<vmem>>) dst(%dma_wait3A_1505 : memref<16x85xf32, #tpu.memory_space<hbm>>)
    } else {
    }
    return
  }
}

module attributes {stable_mosaic.version = 14 : i64} {
  func.func @_prep_body(%arg0: memref<128x6xf32, #tpu.memory_space<vmem>>, %arg1: memref<512x1xi32, #tpu.memory_space<vmem>>, %arg2: memref<512x1xi32, #tpu.memory_space<vmem>>, %arg3: memref<512x1xi32, #tpu.memory_space<vmem>>, %arg4: memref<512x1xi32, #tpu.memory_space<vmem>>, %arg5: memref<512x1xi32, #tpu.memory_space<vmem>>, %arg6: memref<512x1xi32, #tpu.memory_space<vmem>>) attributes {dimension_semantics = [], scalar_prefetch = 0 : i64, scratch_operands = 0 : i64, tpu.core_type = #tpu.core_type<tc>} {
    %get3A = arith.constant 0 : index
    %get3A_0 = arith.constant 0 : index
    %get3A_1 = vector.load %arg0[%get3A, %get3A_0] : memref<128x6xf32, #tpu.memory_space<vmem>>, vector<128x6xf32>
    %broadcast_in_dim3A = arith.constant 0.000000e+00 : f32
    %broadcast_in_dim3A_2 = vector.broadcast %broadcast_in_dim3A : f32 to vector<128x1xf32>
    %slice3A = vector.extract_strided_slice %get3A_1 {offsets = [0, 0], sizes = [128, 1], strides = [1, 1]} : vector<128x6xf32> to vector<128x1xf32>
    %slice3A_3 = vector.extract_strided_slice %get3A_1 {offsets = [0, 2], sizes = [128, 1], strides = [1, 1]} : vector<128x6xf32> to vector<128x1xf32>
    %mul3A = arith.constant 1.900000e+01 : f32
    %mul3A_4 = vector.broadcast %mul3A : f32 to vector<128x1xf32>
    %mul3A_5 = arith.mulf %slice3A_3, %mul3A_4 : vector<128x1xf32>
    %slice3A_6 = vector.extract_strided_slice %get3A_1 {offsets = [0, 3], sizes = [128, 1], strides = [1, 1]} : vector<128x6xf32> to vector<128x1xf32>
    %mul3A_7 = arith.constant 1.900000e+01 : f32
    %mul3A_8 = vector.broadcast %mul3A_7 : f32 to vector<128x1xf32>
    %mul3A_9 = arith.mulf %slice3A_6, %mul3A_8 : vector<128x1xf32>
    %floor3A = math.floor %mul3A_5 : vector<128x1xf32>
    %floor3A_10 = math.floor %mul3A_9 : vector<128x1xf32>
    %jit3A = arith.constant 0.000000e+00 : f32
    %jit3A_11 = arith.constant 1.800000e+01 : f32
    %max3A = vector.broadcast %jit3A : f32 to vector<128x1xf32>
    %max3A_12 = arith.maximumf %max3A, %floor3A : vector<128x1xf32>
    %min3A = vector.broadcast %jit3A_11 : f32 to vector<128x1xf32>
    %min3A_13 = arith.minimumf %min3A, %max3A_12 : vector<128x1xf32>
    %jit3A_14 = arith.constant 0.000000e+00 : f32
    %jit3A_15 = arith.constant 1.800000e+01 : f32
    %max3A_16 = vector.broadcast %jit3A_14 : f32 to vector<128x1xf32>
    %max3A_17 = arith.maximumf %max3A_16, %floor3A_10 : vector<128x1xf32>
    %min3A_18 = vector.broadcast %jit3A_15 : f32 to vector<128x1xf32>
    %min3A_19 = arith.minimumf %min3A_18, %max3A_17 : vector<128x1xf32>
    %broadcast_in_dim3A_20 = arith.constant 1.000000e+00 : f32
    %broadcast_in_dim3A_21 = vector.broadcast %broadcast_in_dim3A_20 : f32 to vector<128x1xf32>
    %mul3A_22 = arith.constant 0.000000e+00 : f32
    %mul3A_23 = vector.broadcast %mul3A_22 : f32 to vector<128x1xf32>
    %mul3A_24 = arith.mulf %mul3A_23, %broadcast_in_dim3A_21 : vector<128x1xf32>
    %mul3A_25 = arith.constant 1.000000e+00 : f32
    %mul3A_26 = vector.broadcast %mul3A_25 : f32 to vector<128x1xf32>
    %mul3A_27 = arith.mulf %mul3A_26, %broadcast_in_dim3A_21 : vector<128x1xf32>
    %mul3A_28 = arith.constant 2.000000e+00 : f32
    %mul3A_29 = vector.broadcast %mul3A_28 : f32 to vector<128x1xf32>
    %mul3A_30 = arith.mulf %mul3A_29, %broadcast_in_dim3A_21 : vector<128x1xf32>
    %concatenate3A = tpu.concatenate %slice3A, %slice3A, %slice3A in 0 : vector<128x1xf32>, vector<128x1xf32>, vector<128x1xf32> -> vector<384x1xf32>
    %concatenate3A_31 = tpu.concatenate %mul3A_24, %mul3A_27, %mul3A_30 in 0 : vector<128x1xf32>, vector<128x1xf32>, vector<128x1xf32> -> vector<384x1xf32>
    %concatenate3A_32 = tpu.concatenate %min3A_19, %min3A_19, %min3A_19 in 0 : vector<128x1xf32>, vector<128x1xf32>, vector<128x1xf32> -> vector<384x1xf32>
    %concatenate3A_33 = tpu.concatenate %min3A_13, %min3A_13, %min3A_13 in 0 : vector<128x1xf32>, vector<128x1xf32>, vector<128x1xf32> -> vector<384x1xf32>
    %mul3A_34 = arith.constant 3.000000e+00 : f32
    %mul3A_35 = vector.broadcast %mul3A_34 : f32 to vector<384x1xf32>
    %mul3A_36 = arith.mulf %concatenate3A, %mul3A_35 : vector<384x1xf32>
    %add3A = arith.addf %mul3A_36, %concatenate3A_31 : vector<384x1xf32>
    %mul3A_37 = arith.constant 1.900000e+01 : f32
    %mul3A_38 = vector.broadcast %mul3A_37 : f32 to vector<384x1xf32>
    %mul3A_39 = arith.mulf %add3A, %mul3A_38 : vector<384x1xf32>
    %add3A_40 = arith.addf %mul3A_39, %concatenate3A_32 : vector<384x1xf32>
    %concatenate3A_41 = tpu.concatenate %add3A_40, %broadcast_in_dim3A_2 in 0 : vector<384x1xf32>, vector<128x1xf32> -> vector<512x1xf32>
    %convert_element_type3A = arith.fptosi %concatenate3A_41 : vector<512x1xf32> to vector<512x1xi32>
    %swap3A = arith.constant 0 : index
    %swap3A_42 = arith.constant 0 : index
    %swap3A_43 = vector.load %arg1[%swap3A, %swap3A_42] : memref<512x1xi32, #tpu.memory_space<vmem>>, vector<512x1xi32>
    tpu.vector_store %arg1[%swap3A, %swap3A_42], %convert_element_type3A {strides = array<i32>} : memref<512x1xi32, #tpu.memory_space<vmem>>, vector<512x1xi32>,
    %concatenate3A_44 = tpu.concatenate %concatenate3A_33, %broadcast_in_dim3A_2 in 0 : vector<384x1xf32>, vector<128x1xf32> -> vector<512x1xf32>
    %convert_element_type3A_45 = arith.fptosi %concatenate3A_44 : vector<512x1xf32> to vector<512x1xi32>
    %swap3A_46 = arith.constant 0 : index
    %swap3A_47 = arith.constant 0 : index
    %swap3A_48 = vector.load %arg2[%swap3A_46, %swap3A_47] : memref<512x1xi32, #tpu.memory_space<vmem>>, vector<512x1xi32>
    tpu.vector_store %arg2[%swap3A_46, %swap3A_47], %convert_element_type3A_45 {strides = array<i32>} : memref<512x1xi32, #tpu.memory_space<vmem>>, vector<512x1xi32>,
    %slice3A_49 = vector.extract_strided_slice %get3A_1 {offsets = [0, 0], sizes = [128, 1], strides = [1, 1]} : vector<128x6xf32> to vector<128x1xf32>
    %slice3A_50 = vector.extract_strided_slice %get3A_1 {offsets = [0, 2], sizes = [128, 1], strides = [1, 1]} : vector<128x6xf32> to vector<128x1xf32>
    %mul3A_51 = arith.constant 3.800000e+01 : f32
    %mul3A_52 = vector.broadcast %mul3A_51 : f32 to vector<128x1xf32>
    %mul3A_53 = arith.mulf %slice3A_50, %mul3A_52 : vector<128x1xf32>
    %slice3A_54 = vector.extract_strided_slice %get3A_1 {offsets = [0, 3], sizes = [128, 1], strides = [1, 1]} : vector<128x6xf32> to vector<128x1xf32>
    %mul3A_55 = arith.constant 3.800000e+01 : f32
    %mul3A_56 = vector.broadcast %mul3A_55 : f32 to vector<128x1xf32>
    %mul3A_57 = arith.mulf %slice3A_54, %mul3A_56 : vector<128x1xf32>
    %floor3A_58 = math.floor %mul3A_53 : vector<128x1xf32>
    %floor3A_59 = math.floor %mul3A_57 : vector<128x1xf32>
    %jit3A_60 = arith.constant 0.000000e+00 : f32
    %jit3A_61 = arith.constant 3.700000e+01 : f32
    %max3A_62 = vector.broadcast %jit3A_60 : f32 to vector<128x1xf32>
    %max3A_63 = arith.maximumf %max3A_62, %floor3A_58 : vector<128x1xf32>
    %min3A_64 = vector.broadcast %jit3A_61 : f32 to vector<128x1xf32>
    %min3A_65 = arith.minimumf %min3A_64, %max3A_63 : vector<128x1xf32>
    %jit3A_66 = arith.constant 0.000000e+00 : f32
    %jit3A_67 = arith.constant 3.700000e+01 : f32
    %max3A_68 = vector.broadcast %jit3A_66 : f32 to vector<128x1xf32>
    %max3A_69 = arith.maximumf %max3A_68, %floor3A_59 : vector<128x1xf32>
    %min3A_70 = vector.broadcast %jit3A_67 : f32 to vector<128x1xf32>
    %min3A_71 = arith.minimumf %min3A_70, %max3A_69 : vector<128x1xf32>
    %broadcast_in_dim3A_72 = arith.constant 1.000000e+00 : f32
    %broadcast_in_dim3A_73 = vector.broadcast %broadcast_in_dim3A_72 : f32 to vector<128x1xf32>
    %mul3A_74 = arith.constant 0.000000e+00 : f32
    %mul3A_75 = vector.broadcast %mul3A_74 : f32 to vector<128x1xf32>
    %mul3A_76 = arith.mulf %mul3A_75, %broadcast_in_dim3A_73 : vector<128x1xf32>
    %mul3A_77 = arith.constant 1.000000e+00 : f32
    %mul3A_78 = vector.broadcast %mul3A_77 : f32 to vector<128x1xf32>
    %mul3A_79 = arith.mulf %mul3A_78, %broadcast_in_dim3A_73 : vector<128x1xf32>
    %mul3A_80 = arith.constant 2.000000e+00 : f32
    %mul3A_81 = vector.broadcast %mul3A_80 : f32 to vector<128x1xf32>
    %mul3A_82 = arith.mulf %mul3A_81, %broadcast_in_dim3A_73 : vector<128x1xf32>
    %concatenate3A_83 = tpu.concatenate %slice3A_49, %slice3A_49, %slice3A_49 in 0 : vector<128x1xf32>, vector<128x1xf32>, vector<128x1xf32> -> vector<384x1xf32>
    %concatenate3A_84 = tpu.concatenate %mul3A_76, %mul3A_79, %mul3A_82 in 0 : vector<128x1xf32>, vector<128x1xf32>, vector<128x1xf32> -> vector<384x1xf32>
    %concatenate3A_85 = tpu.concatenate %min3A_71, %min3A_71, %min3A_71 in 0 : vector<128x1xf32>, vector<128x1xf32>, vector<128x1xf32> -> vector<384x1xf32>
    %concatenate3A_86 = tpu.concatenate %min3A_65, %min3A_65, %min3A_65 in 0 : vector<128x1xf32>, vector<128x1xf32>, vector<128x1xf32> -> vector<384x1xf32>
    %mul3A_87 = arith.constant 3.000000e+00 : f32
    %mul3A_88 = vector.broadcast %mul3A_87 : f32 to vector<384x1xf32>
    %mul3A_89 = arith.mulf %concatenate3A_83, %mul3A_88 : vector<384x1xf32>
    %add3A_90 = arith.addf %mul3A_89, %concatenate3A_84 : vector<384x1xf32>
    %mul3A_91 = arith.constant 3.800000e+01 : f32
    %mul3A_92 = vector.broadcast %mul3A_91 : f32 to vector<384x1xf32>
    %mul3A_93 = arith.mulf %add3A_90, %mul3A_92 : vector<384x1xf32>
    %add3A_94 = arith.addf %mul3A_93, %concatenate3A_85 : vector<384x1xf32>
    %concatenate3A_95 = tpu.concatenate %add3A_94, %broadcast_in_dim3A_2 in 0 : vector<384x1xf32>, vector<128x1xf32> -> vector<512x1xf32>
    %convert_element_type3A_96 = arith.fptosi %concatenate3A_95 : vector<512x1xf32> to vector<512x1xi32>
    %swap3A_97 = arith.constant 0 : index
    %swap3A_98 = arith.constant 0 : index
    %swap3A_99 = vector.load %arg3[%swap3A_97, %swap3A_98] : memref<512x1xi32, #tpu.memory_space<vmem>>, vector<512x1xi32>
    tpu.vector_store %arg3[%swap3A_97, %swap3A_98], %convert_element_type3A_96 {strides = array<i32>} : memref<512x1xi32, #tpu.memory_space<vmem>>, vector<512x1xi32>,
    %concatenate3A_100 = tpu.concatenate %concatenate3A_86, %broadcast_in_dim3A_2 in 0 : vector<384x1xf32>, vector<128x1xf32> -> vector<512x1xf32>
    %convert_element_type3A_101 = arith.fptosi %concatenate3A_100 : vector<512x1xf32> to vector<512x1xi32>
    %swap3A_102 = arith.constant 0 : index
    %swap3A_103 = arith.constant 0 : index
    %swap3A_104 = vector.load %arg4[%swap3A_102, %swap3A_103] : memref<512x1xi32, #tpu.memory_space<vmem>>, vector<512x1xi32>
    tpu.vector_store %arg4[%swap3A_102, %swap3A_103], %convert_element_type3A_101 {strides = array<i32>} : memref<512x1xi32, #tpu.memory_space<vmem>>, vector<512x1xi32>,
    %slice3A_105 = vector.extract_strided_slice %get3A_1 {offsets = [0, 0], sizes = [128, 1], strides = [1, 1]} : vector<128x6xf32> to vector<128x1xf32>
    %slice3A_106 = vector.extract_strided_slice %get3A_1 {offsets = [0, 2], sizes = [128, 1], strides = [1, 1]} : vector<128x6xf32> to vector<128x1xf32>
    %mul3A_107 = arith.constant 7.600000e+01 : f32
    %mul3A_108 = vector.broadcast %mul3A_107 : f32 to vector<128x1xf32>
    %mul3A_109 = arith.mulf %slice3A_106, %mul3A_108 : vector<128x1xf32>
    %slice3A_110 = vector.extract_strided_slice %get3A_1 {offsets = [0, 3], sizes = [128, 1], strides = [1, 1]} : vector<128x6xf32> to vector<128x1xf32>
    %mul3A_111 = arith.constant 7.600000e+01 : f32
    %mul3A_112 = vector.broadcast %mul3A_111 : f32 to vector<128x1xf32>
    %mul3A_113 = arith.mulf %slice3A_110, %mul3A_112 : vector<128x1xf32>
    %floor3A_114 = math.floor %mul3A_109 : vector<128x1xf32>
    %floor3A_115 = math.floor %mul3A_113 : vector<128x1xf32>
    %jit3A_116 = arith.constant 0.000000e+00 : f32
    %jit3A_117 = arith.constant 7.500000e+01 : f32
    %max3A_118 = vector.broadcast %jit3A_116 : f32 to vector<128x1xf32>
    %max3A_119 = arith.maximumf %max3A_118, %floor3A_114 : vector<128x1xf32>
    %min3A_120 = vector.broadcast %jit3A_117 : f32 to vector<128x1xf32>
    %min3A_121 = arith.minimumf %min3A_120, %max3A_119 : vector<128x1xf32>
    %jit3A_122 = arith.constant 0.000000e+00 : f32
    %jit3A_123 = arith.constant 7.500000e+01 : f32
    %max3A_124 = vector.broadcast %jit3A_122 : f32 to vector<128x1xf32>
    %max3A_125 = arith.maximumf %max3A_124, %floor3A_115 : vector<128x1xf32>
    %min3A_126 = vector.broadcast %jit3A_123 : f32 to vector<128x1xf32>
    %min3A_127 = arith.minimumf %min3A_126, %max3A_125 : vector<128x1xf32>
    %broadcast_in_dim3A_128 = arith.constant 1.000000e+00 : f32
    %broadcast_in_dim3A_129 = vector.broadcast %broadcast_in_dim3A_128 : f32 to vector<128x1xf32>
    %mul3A_130 = arith.constant 0.000000e+00 : f32
    %mul3A_131 = vector.broadcast %mul3A_130 : f32 to vector<128x1xf32>
    %mul3A_132 = arith.mulf %mul3A_131, %broadcast_in_dim3A_129 : vector<128x1xf32>
    %mul3A_133 = arith.constant 1.000000e+00 : f32
    %mul3A_134 = vector.broadcast %mul3A_133 : f32 to vector<128x1xf32>
    %mul3A_135 = arith.mulf %mul3A_134, %broadcast_in_dim3A_129 : vector<128x1xf32>
    %mul3A_136 = arith.constant 2.000000e+00 : f32
    %mul3A_137 = vector.broadcast %mul3A_136 : f32 to vector<128x1xf32>
    %mul3A_138 = arith.mulf %mul3A_137, %broadcast_in_dim3A_129 : vector<128x1xf32>
    %concatenate3A_139 = tpu.concatenate %slice3A_105, %slice3A_105, %slice3A_105 in 0 : vector<128x1xf32>, vector<128x1xf32>, vector<128x1xf32> -> vector<384x1xf32>
    %concatenate3A_140 = tpu.concatenate %mul3A_132, %mul3A_135, %mul3A_138 in 0 : vector<128x1xf32>, vector<128x1xf32>, vector<128x1xf32> -> vector<384x1xf32>
    %concatenate3A_141 = tpu.concatenate %min3A_127, %min3A_127, %min3A_127 in 0 : vector<128x1xf32>, vector<128x1xf32>, vector<128x1xf32> -> vector<384x1xf32>
    %concatenate3A_142 = tpu.concatenate %min3A_121, %min3A_121, %min3A_121 in 0 : vector<128x1xf32>, vector<128x1xf32>, vector<128x1xf32> -> vector<384x1xf32>
    %mul3A_143 = arith.constant 3.000000e+00 : f32
    %mul3A_144 = vector.broadcast %mul3A_143 : f32 to vector<384x1xf32>
    %mul3A_145 = arith.mulf %concatenate3A_139, %mul3A_144 : vector<384x1xf32>
    %add3A_146 = arith.addf %mul3A_145, %concatenate3A_140 : vector<384x1xf32>
    %mul3A_147 = arith.constant 7.600000e+01 : f32
    %mul3A_148 = vector.broadcast %mul3A_147 : f32 to vector<384x1xf32>
    %mul3A_149 = arith.mulf %add3A_146, %mul3A_148 : vector<384x1xf32>
    %add3A_150 = arith.addf %mul3A_149, %concatenate3A_141 : vector<384x1xf32>
    %concatenate3A_151 = tpu.concatenate %add3A_150, %broadcast_in_dim3A_2 in 0 : vector<384x1xf32>, vector<128x1xf32> -> vector<512x1xf32>
    %convert_element_type3A_152 = arith.fptosi %concatenate3A_151 : vector<512x1xf32> to vector<512x1xi32>
    %swap3A_153 = arith.constant 0 : index
    %swap3A_154 = arith.constant 0 : index
    %swap3A_155 = vector.load %arg5[%swap3A_153, %swap3A_154] : memref<512x1xi32, #tpu.memory_space<vmem>>, vector<512x1xi32>
    tpu.vector_store %arg5[%swap3A_153, %swap3A_154], %convert_element_type3A_152 {strides = array<i32>} : memref<512x1xi32, #tpu.memory_space<vmem>>, vector<512x1xi32>,
    %concatenate3A_156 = tpu.concatenate %concatenate3A_142, %broadcast_in_dim3A_2 in 0 : vector<384x1xf32>, vector<128x1xf32> -> vector<512x1xf32>
    %convert_element_type3A_157 = arith.fptosi %concatenate3A_156 : vector<512x1xf32> to vector<512x1xi32>
    %swap3A_158 = arith.constant 0 : index
    %swap3A_159 = arith.constant 0 : index
    %swap3A_160 = vector.load %arg6[%swap3A_158, %swap3A_159] : memref<512x1xi32, #tpu.memory_space<vmem>>, vector<512x1xi32>
    tpu.vector_store %arg6[%swap3A_158, %swap3A_159], %convert_element_type3A_157 {strides = array<i32>} : memref<512x1xi32, #tpu.memory_space<vmem>>, vector<512x1xi32>,
    return
  }
}

module attributes {stable_mosaic.version = 14 : i64} {
  func.func @_obj_body(%arg0: i32, %arg1: memref<1x3x19x19x85xf32, #tpu.memory_space<vmem>>, %arg2: memref<1x1x38x38x85xf32, #tpu.memory_space<vmem>>, %arg3: memref<1x1x38x38x85xf32, #tpu.memory_space<vmem>>, %arg4: memref<1x1x38x38x85xf32, #tpu.memory_space<vmem>>, %arg5: memref<1x1x76x76x85xf32, #tpu.memory_space<vmem>>, %arg6: memref<1x1x76x76x85xf32, #tpu.memory_space<vmem>>, %arg7: memref<1x1x76x76x85xf32, #tpu.memory_space<vmem>>, %arg8: memref<1x1xf32, #tpu.memory_space<vmem>>, %arg9: memref<1x1xf32, #tpu.memory_space<vmem>>, %arg10: memref<1x1xf32, #tpu.memory_space<vmem>>) attributes {dimension_semantics = [#tpu.dimension_semantics<arbitrary>], iteration_bounds = array<i64: 16>, scalar_prefetch = 0 : i64, scratch_operands = 0 : i64, tpu.core_type = #tpu.core_type<tc>, window_params = [{transform_indices = @transform_0, window_bounds = array<i64: 1, 3, 19, 19, 85>}, {transform_indices = @transform_1, window_bounds = array<i64: 1, 1, 38, 38, 85>}, {transform_indices = @transform_2, window_bounds = array<i64: 1, 1, 38, 38, 85>}, {transform_indices = @transform_3, window_bounds = array<i64: 1, 1, 38, 38, 85>}, {transform_indices = @transform_4, window_bounds = array<i64: 1, 1, 76, 76, 85>}, {transform_indices = @transform_5, window_bounds = array<i64: 1, 1, 76, 76, 85>}, {transform_indices = @transform_6, window_bounds = array<i64: 1, 1, 76, 76, 85>}, {pipeline_mode = #tpu.pipeline_mode<synchronous>, transform_indices = @transform_7, window_bounds = array<i64: 1, 1>}, {pipeline_mode = #tpu.pipeline_mode<synchronous>, transform_indices = @transform_8, window_bounds = array<i64: 1, 1>}, {pipeline_mode = #tpu.pipeline_mode<synchronous>, transform_indices = @transform_9, window_bounds = array<i64: 1, 1>}]} {
    %get3A = arith.constant 0 : index
    %get3A_0 = arith.constant 0 : index
    %get3A_1 = arith.constant 0 : index
    %get3A_2 = arith.constant 0 : index
    %get3A_3 = arith.constant 0 : index
    %get3A_4 = vector.load %arg1[%get3A, %get3A_0, %get3A_1, %get3A_2, %get3A_3] : memref<1x3x19x19x85xf32, #tpu.memory_space<vmem>>, vector<1x3x19x19x85xf32>
    %get3A_5 = vector.shape_cast %get3A_4 : vector<1x3x19x19x85xf32> to vector<3x19x19x85xf32>
    %transpose3A = tpu.transpose %get3A_5, [0, 1, 3, 2] : vector<3x19x19x85xf32> -> vector<3x19x85x19xf32>
    %slice3A = vector.extract_strided_slice %transpose3A {offsets = [0, 0, 4, 0], sizes = [3, 19, 1, 19], strides = [1, 1, 1, 1]} : vector<3x19x85x19xf32> to vector<3x19x1x19xf32>
    %squeeze3A = vector.shape_cast %slice3A : vector<3x19x1x19xf32> to vector<3x19x19xf32>
    %max3A = arith.constant 0.000000e+00 : f32
    %max3A_6 = vector.broadcast %max3A : f32 to vector<3x19x19xf32>
    %max3A_7 = arith.maximumf %squeeze3A, %max3A_6 : vector<3x19x19xf32>
    %abs3A = math.absf %squeeze3A : vector<3x19x19xf32>
    %neg3A = arith.constant 0.000000e+00 : f32
    %neg3A_8 = vector.broadcast %neg3A : f32 to vector<3x19x19xf32>
    %neg3A_9 = arith.subf %neg3A_8, %abs3A : vector<3x19x19xf32>
    %exp3A = math.exp %neg3A_9 : vector<3x19x19xf32>
    %log1p3A = math.log1p %exp3A : vector<3x19x19xf32>
    %add3A = arith.addf %max3A_7, %log1p3A : vector<3x19x19xf32>
    %reduce_sum3A = vector.shape_cast %add3A : vector<3x19x19xf32> to vector<1x3x19x19xf32>
    %reduce_sum3A_10 = arith.constant dense<0.000000e+00> : vector<1xf32>
    %reduce_sum3A_11 = vector.multi_reduction <add>, %reduce_sum3A, %reduce_sum3A_10 [1, 2, 3] : vector<1x3x19x19xf32> to vector<1xf32>
    %reduce_sum3A_12 = vector.shape_cast %reduce_sum3A_11 : vector<1xf32> to vector<1x1x1x1xf32>
    %reduce_sum3A_13 = vector.extract %reduce_sum3A_12[0, 0, 0, 0] : f32 from vector<1x1x1x1xf32>
    %get3A_14 = arith.constant 0 : index
    %get3A_15 = arith.constant 0 : index
    %get3A_16 = arith.constant 0 : index
    %get3A_17 = arith.constant 0 : index
    %get3A_18 = arith.constant 0 : index
    %get3A_19 = vector.load %arg2[%get3A_14, %get3A_15, %get3A_16, %get3A_17, %get3A_18] : memref<1x1x38x38x85xf32, #tpu.memory_space<vmem>>, vector<1x1x38x38x85xf32>
    %get3A_20 = vector.shape_cast %get3A_19 : vector<1x1x38x38x85xf32> to vector<38x38x85xf32>
    %transpose3A_21 = tpu.transpose %get3A_20, [0, 2, 1] : vector<38x38x85xf32> -> vector<38x85x38xf32>
    %slice3A_22 = vector.extract_strided_slice %transpose3A_21 {offsets = [0, 4, 0], sizes = [38, 1, 38], strides = [1, 1, 1]} : vector<38x85x38xf32> to vector<38x1x38xf32>
    %squeeze3A_23 = vector.shape_cast %slice3A_22 : vector<38x1x38xf32> to vector<38x38xf32>
    %max3A_24 = arith.constant 0.000000e+00 : f32
    %max3A_25 = vector.broadcast %max3A_24 : f32 to vector<38x38xf32>
    %max3A_26 = arith.maximumf %squeeze3A_23, %max3A_25 : vector<38x38xf32>
    %abs3A_27 = math.absf %squeeze3A_23 : vector<38x38xf32>
    %neg3A_28 = arith.constant 0.000000e+00 : f32
    %neg3A_29 = vector.broadcast %neg3A_28 : f32 to vector<38x38xf32>
    %neg3A_30 = arith.subf %neg3A_29, %abs3A_27 : vector<38x38xf32>
    %exp3A_31 = math.exp %neg3A_30 : vector<38x38xf32>
    %log1p3A_32 = math.log1p %exp3A_31 : vector<38x38xf32>
    %add3A_33 = arith.addf %max3A_26, %log1p3A_32 : vector<38x38xf32>
    %reduce_sum3A_34 = vector.shape_cast %add3A_33 : vector<38x38xf32> to vector<1x38x38xf32>
    %reduce_sum3A_35 = arith.constant dense<0.000000e+00> : vector<1xf32>
    %reduce_sum3A_36 = vector.multi_reduction <add>, %reduce_sum3A_34, %reduce_sum3A_35 [1, 2] : vector<1x38x38xf32> to vector<1xf32>
    %reduce_sum3A_37 = vector.shape_cast %reduce_sum3A_36 : vector<1xf32> to vector<1x1x1xf32>
    %reduce_sum3A_38 = vector.extract %reduce_sum3A_37[0, 0, 0] : f32 from vector<1x1x1xf32>
    %add3A_39 = arith.constant 0.000000e+00 : f32
    %add3A_40 = arith.addf %add3A_39, %reduce_sum3A_38 : f32
    %get3A_41 = arith.constant 0 : index
    %get3A_42 = arith.constant 0 : index
    %get3A_43 = arith.constant 0 : index
    %get3A_44 = arith.constant 0 : index
    %get3A_45 = arith.constant 0 : index
    %get3A_46 = vector.load %arg3[%get3A_41, %get3A_42, %get3A_43, %get3A_44, %get3A_45] : memref<1x1x38x38x85xf32, #tpu.memory_space<vmem>>, vector<1x1x38x38x85xf32>
    %get3A_47 = vector.shape_cast %get3A_46 : vector<1x1x38x38x85xf32> to vector<38x38x85xf32>
    %transpose3A_48 = tpu.transpose %get3A_47, [0, 2, 1] : vector<38x38x85xf32> -> vector<38x85x38xf32>
    %slice3A_49 = vector.extract_strided_slice %transpose3A_48 {offsets = [0, 4, 0], sizes = [38, 1, 38], strides = [1, 1, 1]} : vector<38x85x38xf32> to vector<38x1x38xf32>
    %squeeze3A_50 = vector.shape_cast %slice3A_49 : vector<38x1x38xf32> to vector<38x38xf32>
    %max3A_51 = arith.constant 0.000000e+00 : f32
    %max3A_52 = vector.broadcast %max3A_51 : f32 to vector<38x38xf32>
    %max3A_53 = arith.maximumf %squeeze3A_50, %max3A_52 : vector<38x38xf32>
    %abs3A_54 = math.absf %squeeze3A_50 : vector<38x38xf32>
    %neg3A_55 = arith.constant 0.000000e+00 : f32
    %neg3A_56 = vector.broadcast %neg3A_55 : f32 to vector<38x38xf32>
    %neg3A_57 = arith.subf %neg3A_56, %abs3A_54 : vector<38x38xf32>
    %exp3A_58 = math.exp %neg3A_57 : vector<38x38xf32>
    %log1p3A_59 = math.log1p %exp3A_58 : vector<38x38xf32>
    %add3A_60 = arith.addf %max3A_53, %log1p3A_59 : vector<38x38xf32>
    %reduce_sum3A_61 = vector.shape_cast %add3A_60 : vector<38x38xf32> to vector<1x38x38xf32>
    %reduce_sum3A_62 = arith.constant dense<0.000000e+00> : vector<1xf32>
    %reduce_sum3A_63 = vector.multi_reduction <add>, %reduce_sum3A_61, %reduce_sum3A_62 [1, 2] : vector<1x38x38xf32> to vector<1xf32>
    %reduce_sum3A_64 = vector.shape_cast %reduce_sum3A_63 : vector<1xf32> to vector<1x1x1xf32>
    %reduce_sum3A_65 = vector.extract %reduce_sum3A_64[0, 0, 0] : f32 from vector<1x1x1xf32>
    %add3A_66 = arith.addf %add3A_40, %reduce_sum3A_65 : f32
    %get3A_67 = arith.constant 0 : index
    %get3A_68 = arith.constant 0 : index
    %get3A_69 = arith.constant 0 : index
    %get3A_70 = arith.constant 0 : index
    %get3A_71 = arith.constant 0 : index
    %get3A_72 = vector.load %arg4[%get3A_67, %get3A_68, %get3A_69, %get3A_70, %get3A_71] : memref<1x1x38x38x85xf32, #tpu.memory_space<vmem>>, vector<1x1x38x38x85xf32>
    %get3A_73 = vector.shape_cast %get3A_72 : vector<1x1x38x38x85xf32> to vector<38x38x85xf32>
    %transpose3A_74 = tpu.transpose %get3A_73, [0, 2, 1] : vector<38x38x85xf32> -> vector<38x85x38xf32>
    %slice3A_75 = vector.extract_strided_slice %transpose3A_74 {offsets = [0, 4, 0], sizes = [38, 1, 38], strides = [1, 1, 1]} : vector<38x85x38xf32> to vector<38x1x38xf32>
    %squeeze3A_76 = vector.shape_cast %slice3A_75 : vector<38x1x38xf32> to vector<38x38xf32>
    %max3A_77 = arith.constant 0.000000e+00 : f32
    %max3A_78 = vector.broadcast %max3A_77 : f32 to vector<38x38xf32>
    %max3A_79 = arith.maximumf %squeeze3A_76, %max3A_78 : vector<38x38xf32>
    %abs3A_80 = math.absf %squeeze3A_76 : vector<38x38xf32>
    %neg3A_81 = arith.constant 0.000000e+00 : f32
    %neg3A_82 = vector.broadcast %neg3A_81 : f32 to vector<38x38xf32>
    %neg3A_83 = arith.subf %neg3A_82, %abs3A_80 : vector<38x38xf32>
    %exp3A_84 = math.exp %neg3A_83 : vector<38x38xf32>
    %log1p3A_85 = math.log1p %exp3A_84 : vector<38x38xf32>
    %add3A_86 = arith.addf %max3A_79, %log1p3A_85 : vector<38x38xf32>
    %reduce_sum3A_87 = vector.shape_cast %add3A_86 : vector<38x38xf32> to vector<1x38x38xf32>
    %reduce_sum3A_88 = arith.constant dense<0.000000e+00> : vector<1xf32>
    %reduce_sum3A_89 = vector.multi_reduction <add>, %reduce_sum3A_87, %reduce_sum3A_88 [1, 2] : vector<1x38x38xf32> to vector<1xf32>
    %reduce_sum3A_90 = vector.shape_cast %reduce_sum3A_89 : vector<1xf32> to vector<1x1x1xf32>
    %reduce_sum3A_91 = vector.extract %reduce_sum3A_90[0, 0, 0] : f32 from vector<1x1x1xf32>
    %add3A_92 = arith.addf %add3A_66, %reduce_sum3A_91 : f32
    %get3A_93 = arith.constant 0 : index
    %get3A_94 = arith.constant 0 : index
    %get3A_95 = arith.constant 0 : index
    %get3A_96 = arith.constant 0 : index
    %get3A_97 = arith.constant 0 : index
    %get3A_98 = vector.load %arg5[%get3A_93, %get3A_94, %get3A_95, %get3A_96, %get3A_97] : memref<1x1x76x76x85xf32, #tpu.memory_space<vmem>>, vector<1x1x76x76x85xf32>
    %get3A_99 = vector.shape_cast %get3A_98 : vector<1x1x76x76x85xf32> to vector<76x76x85xf32>
    %transpose3A_100 = tpu.transpose %get3A_99, [0, 2, 1] : vector<76x76x85xf32> -> vector<76x85x76xf32>
    %slice3A_101 = vector.extract_strided_slice %transpose3A_100 {offsets = [0, 4, 0], sizes = [76, 1, 76], strides = [1, 1, 1]} : vector<76x85x76xf32> to vector<76x1x76xf32>
    %squeeze3A_102 = vector.shape_cast %slice3A_101 : vector<76x1x76xf32> to vector<76x76xf32>
    %max3A_103 = arith.constant 0.000000e+00 : f32
    %max3A_104 = vector.broadcast %max3A_103 : f32 to vector<76x76xf32>
    %max3A_105 = arith.maximumf %squeeze3A_102, %max3A_104 : vector<76x76xf32>
    %abs3A_106 = math.absf %squeeze3A_102 : vector<76x76xf32>
    %neg3A_107 = arith.constant 0.000000e+00 : f32
    %neg3A_108 = vector.broadcast %neg3A_107 : f32 to vector<76x76xf32>
    %neg3A_109 = arith.subf %neg3A_108, %abs3A_106 : vector<76x76xf32>
    %exp3A_110 = math.exp %neg3A_109 : vector<76x76xf32>
    %log1p3A_111 = math.log1p %exp3A_110 : vector<76x76xf32>
    %add3A_112 = arith.addf %max3A_105, %log1p3A_111 : vector<76x76xf32>
    %reduce_sum3A_113 = vector.shape_cast %add3A_112 : vector<76x76xf32> to vector<1x76x76xf32>
    %reduce_sum3A_114 = arith.constant dense<0.000000e+00> : vector<1xf32>
    %reduce_sum3A_115 = vector.multi_reduction <add>, %reduce_sum3A_113, %reduce_sum3A_114 [1, 2] : vector<1x76x76xf32> to vector<1xf32>
    %reduce_sum3A_116 = vector.shape_cast %reduce_sum3A_115 : vector<1xf32> to vector<1x1x1xf32>
    %reduce_sum3A_117 = vector.extract %reduce_sum3A_116[0, 0, 0] : f32 from vector<1x1x1xf32>
    %add3A_118 = arith.constant 0.000000e+00 : f32
    %add3A_119 = arith.addf %add3A_118, %reduce_sum3A_117 : f32
    %get3A_120 = arith.constant 0 : index
    %get3A_121 = arith.constant 0 : index
    %get3A_122 = arith.constant 0 : index
    %get3A_123 = arith.constant 0 : index
    %get3A_124 = arith.constant 0 : index
    %get3A_125 = vector.load %arg6[%get3A_120, %get3A_121, %get3A_122, %get3A_123, %get3A_124] : memref<1x1x76x76x85xf32, #tpu.memory_space<vmem>>, vector<1x1x76x76x85xf32>
    %get3A_126 = vector.shape_cast %get3A_125 : vector<1x1x76x76x85xf32> to vector<76x76x85xf32>
    %transpose3A_127 = tpu.transpose %get3A_126, [0, 2, 1] : vector<76x76x85xf32> -> vector<76x85x76xf32>
    %slice3A_128 = vector.extract_strided_slice %transpose3A_127 {offsets = [0, 4, 0], sizes = [76, 1, 76], strides = [1, 1, 1]} : vector<76x85x76xf32> to vector<76x1x76xf32>
    %squeeze3A_129 = vector.shape_cast %slice3A_128 : vector<76x1x76xf32> to vector<76x76xf32>
    %max3A_130 = arith.constant 0.000000e+00 : f32
    %max3A_131 = vector.broadcast %max3A_130 : f32 to vector<76x76xf32>
    %max3A_132 = arith.maximumf %squeeze3A_129, %max3A_131 : vector<76x76xf32>
    %abs3A_133 = math.absf %squeeze3A_129 : vector<76x76xf32>
    %neg3A_134 = arith.constant 0.000000e+00 : f32
    %neg3A_135 = vector.broadcast %neg3A_134 : f32 to vector<76x76xf32>
    %neg3A_136 = arith.subf %neg3A_135, %abs3A_133 : vector<76x76xf32>
    %exp3A_137 = math.exp %neg3A_136 : vector<76x76xf32>
    %log1p3A_138 = math.log1p %exp3A_137 : vector<76x76xf32>
    %add3A_139 = arith.addf %max3A_132, %log1p3A_138 : vector<76x76xf32>
    %reduce_sum3A_140 = vector.shape_cast %add3A_139 : vector<76x76xf32> to vector<1x76x76xf32>
    %reduce_sum3A_141 = arith.constant dense<0.000000e+00> : vector<1xf32>
    %reduce_sum3A_142 = vector.multi_reduction <add>, %reduce_sum3A_140, %reduce_sum3A_141 [1, 2] : vector<1x76x76xf32> to vector<1xf32>
    %reduce_sum3A_143 = vector.shape_cast %reduce_sum3A_142 : vector<1xf32> to vector<1x1x1xf32>
    %reduce_sum3A_144 = vector.extract %reduce_sum3A_143[0, 0, 0] : f32 from vector<1x1x1xf32>
    %add3A_145 = arith.addf %add3A_119, %reduce_sum3A_144 : f32
    %get3A_146 = arith.constant 0 : index
    %get3A_147 = arith.constant 0 : index
    %get3A_148 = arith.constant 0 : index
    %get3A_149 = arith.constant 0 : index
    %get3A_150 = arith.constant 0 : index
    %get3A_151 = vector.load %arg7[%get3A_146, %get3A_147, %get3A_148, %get3A_149, %get3A_150] : memref<1x1x76x76x85xf32, #tpu.memory_space<vmem>>, vector<1x1x76x76x85xf32>
    %get3A_152 = vector.shape_cast %get3A_151 : vector<1x1x76x76x85xf32> to vector<76x76x85xf32>
    %transpose3A_153 = tpu.transpose %get3A_152, [0, 2, 1] : vector<76x76x85xf32> -> vector<76x85x76xf32>
    %slice3A_154 = vector.extract_strided_slice %transpose3A_153 {offsets = [0, 4, 0], sizes = [76, 1, 76], strides = [1, 1, 1]} : vector<76x85x76xf32> to vector<76x1x76xf32>
    %squeeze3A_155 = vector.shape_cast %slice3A_154 : vector<76x1x76xf32> to vector<76x76xf32>
    %max3A_156 = arith.constant 0.000000e+00 : f32
    %max3A_157 = vector.broadcast %max3A_156 : f32 to vector<76x76xf32>
    %max3A_158 = arith.maximumf %squeeze3A_155, %max3A_157 : vector<76x76xf32>
    %abs3A_159 = math.absf %squeeze3A_155 : vector<76x76xf32>
    %neg3A_160 = arith.constant 0.000000e+00 : f32
    %neg3A_161 = vector.broadcast %neg3A_160 : f32 to vector<76x76xf32>
    %neg3A_162 = arith.subf %neg3A_161, %abs3A_159 : vector<76x76xf32>
    %exp3A_163 = math.exp %neg3A_162 : vector<76x76xf32>
    %log1p3A_164 = math.log1p %exp3A_163 : vector<76x76xf32>
    %add3A_165 = arith.addf %max3A_158, %log1p3A_164 : vector<76x76xf32>
    %reduce_sum3A_166 = vector.shape_cast %add3A_165 : vector<76x76xf32> to vector<1x76x76xf32>
    %reduce_sum3A_167 = arith.constant dense<0.000000e+00> : vector<1xf32>
    %reduce_sum3A_168 = vector.multi_reduction <add>, %reduce_sum3A_166, %reduce_sum3A_167 [1, 2] : vector<1x76x76xf32> to vector<1xf32>
    %reduce_sum3A_169 = vector.shape_cast %reduce_sum3A_168 : vector<1xf32> to vector<1x1x1xf32>
    %reduce_sum3A_170 = vector.extract %reduce_sum3A_169[0, 0, 0] : f32 from vector<1x1x1xf32>
    %add3A_171 = arith.addf %add3A_145, %reduce_sum3A_170 : f32
    %broadcast_in_dim3A = vector.broadcast %reduce_sum3A_13 : f32 to vector<1x1xf32>
    %eq3A = arith.constant 0 : i32
    %eq3A_172 = arith.cmpi eq, %arg0, %eq3A : i32
    %convert_element_type3A = arith.extui %eq3A_172 : i1 to i32
    %cond3A = arith.constant 0 : i32
    %cond3A_173 = arith.cmpi ne, %convert_element_type3A, %cond3A : i32
    scf.if %cond3A_173 {
      %swap3A = arith.constant 0 : index
      %swap3A_200 = arith.constant 0 : index
      %swap3A_201 = vector.load %arg8[%swap3A, %swap3A_200] : memref<1x1xf32, #tpu.memory_space<vmem>>, vector<1x1xf32>
      tpu.vector_store %arg8[%swap3A, %swap3A_200], %broadcast_in_dim3A {strides = array<i32>} : memref<1x1xf32, #tpu.memory_space<vmem>>, vector<1x1xf32>,
    } else {
    }
    %ne3A = arith.constant 0 : i32
    %ne3A_174 = arith.cmpi ne, %arg0, %ne3A : i32
    %convert_element_type3A_175 = arith.extui %ne3A_174 : i1 to i32
    %cond3A_176 = arith.constant 0 : i32
    %cond3A_177 = arith.cmpi ne, %convert_element_type3A_175, %cond3A_176 : i32
    scf.if %cond3A_177 {
      %get3A_200 = arith.constant 0 : index
      %get3A_201 = arith.constant 0 : index
      %get3A_202 = vector.load %arg8[%get3A_200, %get3A_201] : memref<1x1xf32, #tpu.memory_space<vmem>>, vector<1x1xf32>
      %add3A_203 = arith.addf %get3A_202, %broadcast_in_dim3A : vector<1x1xf32>
      %swap3A = arith.constant 0 : index
      %swap3A_204 = arith.constant 0 : index
      %swap3A_205 = vector.load %arg8[%swap3A, %swap3A_204] : memref<1x1xf32, #tpu.memory_space<vmem>>, vector<1x1xf32>
      tpu.vector_store %arg8[%swap3A, %swap3A_204], %add3A_203 {strides = array<i32>} : memref<1x1xf32, #tpu.memory_space<vmem>>, vector<1x1xf32>,
    } else {
    }
    %broadcast_in_dim3A_178 = vector.broadcast %add3A_92 : f32 to vector<1x1xf32>
    %eq3A_179 = arith.constant 0 : i32
    %eq3A_180 = arith.cmpi eq, %arg0, %eq3A_179 : i32
    %convert_element_type3A_181 = arith.extui %eq3A_180 : i1 to i32
    %cond3A_182 = arith.constant 0 : i32
    %cond3A_183 = arith.cmpi ne, %convert_element_type3A_181, %cond3A_182 : i32
    scf.if %cond3A_183 {
      %swap3A = arith.constant 0 : index
      %swap3A_200 = arith.constant 0 : index
      %swap3A_201 = vector.load %arg9[%swap3A, %swap3A_200] : memref<1x1xf32, #tpu.memory_space<vmem>>, vector<1x1xf32>
      tpu.vector_store %arg9[%swap3A, %swap3A_200], %broadcast_in_dim3A_178 {strides = array<i32>} : memref<1x1xf32, #tpu.memory_space<vmem>>, vector<1x1xf32>,
    } else {
    }
    %ne3A_184 = arith.constant 0 : i32
    %ne3A_185 = arith.cmpi ne, %arg0, %ne3A_184 : i32
    %convert_element_type3A_186 = arith.extui %ne3A_185 : i1 to i32
    %cond3A_187 = arith.constant 0 : i32
    %cond3A_188 = arith.cmpi ne, %convert_element_type3A_186, %cond3A_187 : i32
    scf.if %cond3A_188 {
      %get3A_200 = arith.constant 0 : index
      %get3A_201 = arith.constant 0 : index
      %get3A_202 = vector.load %arg9[%get3A_200, %get3A_201] : memref<1x1xf32, #tpu.memory_space<vmem>>, vector<1x1xf32>
      %add3A_203 = arith.addf %get3A_202, %broadcast_in_dim3A_178 : vector<1x1xf32>
      %swap3A = arith.constant 0 : index
      %swap3A_204 = arith.constant 0 : index
      %swap3A_205 = vector.load %arg9[%swap3A, %swap3A_204] : memref<1x1xf32, #tpu.memory_space<vmem>>, vector<1x1xf32>
      tpu.vector_store %arg9[%swap3A, %swap3A_204], %add3A_203 {strides = array<i32>} : memref<1x1xf32, #tpu.memory_space<vmem>>, vector<1x1xf32>,
    } else {
    }
    %broadcast_in_dim3A_189 = vector.broadcast %add3A_171 : f32 to vector<1x1xf32>
    %eq3A_190 = arith.constant 0 : i32
    %eq3A_191 = arith.cmpi eq, %arg0, %eq3A_190 : i32
    %convert_element_type3A_192 = arith.extui %eq3A_191 : i1 to i32
    %cond3A_193 = arith.constant 0 : i32
    %cond3A_194 = arith.cmpi ne, %convert_element_type3A_192, %cond3A_193 : i32
    scf.if %cond3A_194 {
      %swap3A = arith.constant 0 : index
      %swap3A_200 = arith.constant 0 : index
      %swap3A_201 = vector.load %arg10[%swap3A, %swap3A_200] : memref<1x1xf32, #tpu.memory_space<vmem>>, vector<1x1xf32>
      tpu.vector_store %arg10[%swap3A, %swap3A_200], %broadcast_in_dim3A_189 {strides = array<i32>} : memref<1x1xf32, #tpu.memory_space<vmem>>, vector<1x1xf32>,
    } else {
    }
    %ne3A_195 = arith.constant 0 : i32
    %ne3A_196 = arith.cmpi ne, %arg0, %ne3A_195 : i32
    %convert_element_type3A_197 = arith.extui %ne3A_196 : i1 to i32
    %cond3A_198 = arith.constant 0 : i32
    %cond3A_199 = arith.cmpi ne, %convert_element_type3A_197, %cond3A_198 : i32
    scf.if %cond3A_199 {
      %get3A_200 = arith.constant 0 : index
      %get3A_201 = arith.constant 0 : index
      %get3A_202 = vector.load %arg10[%get3A_200, %get3A_201] : memref<1x1xf32, #tpu.memory_space<vmem>>, vector<1x1xf32>
      %add3A_203 = arith.addf %get3A_202, %broadcast_in_dim3A_189 : vector<1x1xf32>
      %swap3A = arith.constant 0 : index
      %swap3A_204 = arith.constant 0 : index
      %swap3A_205 = vector.load %arg10[%swap3A, %swap3A_204] : memref<1x1xf32, #tpu.memory_space<vmem>>, vector<1x1xf32>
      tpu.vector_store %arg10[%swap3A, %swap3A_204], %add3A_203 {strides = array<i32>} : memref<1x1xf32, #tpu.memory_space<vmem>>, vector<1x1xf32>,
    } else {
    }
    return
  }
  func.func @transform_0(%arg0: i32) -> (i32, i32, i32, i32, i32) {
    %c0_i32 = arith.constant 0 : i32
    %c0_i32_0 = arith.constant 0 : i32
    %c0_i32_1 = arith.constant 0 : i32
    %c0_i32_2 = arith.constant 0 : i32
    %c0_i32_3 = arith.constant 0 : i32
    return %arg0, %c0_i32, %c0_i32_0, %c0_i32_1, %c0_i32_2 : i32, i32, i32, i32, i32
  }
  func.func @transform_1(%arg0: i32) -> (i32, i32, i32, i32, i32) {
    %c0_i32 = arith.constant 0 : i32
    %c0_i32_0 = arith.constant 0 : i32
    %c0_i32_1 = arith.constant 0 : i32
    %c0_i32_2 = arith.constant 0 : i32
    %c0_i32_3 = arith.constant 0 : i32
    return %arg0, %c0_i32, %c0_i32_0, %c0_i32_1, %c0_i32_2 : i32, i32, i32, i32, i32
  }
  func.func @transform_2(%arg0: i32) -> (i32, i32, i32, i32, i32) {
    %c1_i32 = arith.constant 1 : i32
    %c0_i32 = arith.constant 0 : i32
    %c0_i32_0 = arith.constant 0 : i32
    %c0_i32_1 = arith.constant 0 : i32
    %c0_i32_2 = arith.constant 0 : i32
    return %arg0, %c1_i32, %c0_i32, %c0_i32_0, %c0_i32_1 : i32, i32, i32, i32, i32
  }
  func.func @transform_3(%arg0: i32) -> (i32, i32, i32, i32, i32) {
    %c2_i32 = arith.constant 2 : i32
    %c0_i32 = arith.constant 0 : i32
    %c0_i32_0 = arith.constant 0 : i32
    %c0_i32_1 = arith.constant 0 : i32
    %c0_i32_2 = arith.constant 0 : i32
    return %arg0, %c2_i32, %c0_i32, %c0_i32_0, %c0_i32_1 : i32, i32, i32, i32, i32
  }
  func.func @transform_4(%arg0: i32) -> (i32, i32, i32, i32, i32) {
    %c0_i32 = arith.constant 0 : i32
    %c0_i32_0 = arith.constant 0 : i32
    %c0_i32_1 = arith.constant 0 : i32
    %c0_i32_2 = arith.constant 0 : i32
    %c0_i32_3 = arith.constant 0 : i32
    return %arg0, %c0_i32, %c0_i32_0, %c0_i32_1, %c0_i32_2 : i32, i32, i32, i32, i32
  }
  func.func @transform_5(%arg0: i32) -> (i32, i32, i32, i32, i32) {
    %c1_i32 = arith.constant 1 : i32
    %c0_i32 = arith.constant 0 : i32
    %c0_i32_0 = arith.constant 0 : i32
    %c0_i32_1 = arith.constant 0 : i32
    %c0_i32_2 = arith.constant 0 : i32
    return %arg0, %c1_i32, %c0_i32, %c0_i32_0, %c0_i32_1 : i32, i32, i32, i32, i32
  }
  func.func @transform_6(%arg0: i32) -> (i32, i32, i32, i32, i32) {
    %c2_i32 = arith.constant 2 : i32
    %c0_i32 = arith.constant 0 : i32
    %c0_i32_0 = arith.constant 0 : i32
    %c0_i32_1 = arith.constant 0 : i32
    %c0_i32_2 = arith.constant 0 : i32
    return %arg0, %c2_i32, %c0_i32, %c0_i32_0, %c0_i32_1 : i32, i32, i32, i32, i32
  }
  func.func @transform_7(%arg0: i32) -> (i32, i32) {
    %c0_i32 = arith.constant 0 : i32
    %c0_i32_0 = arith.constant 0 : i32
    %c0_i32_1 = arith.constant 0 : i32
    return %c0_i32, %c0_i32_0 : i32, i32
  }
  func.func @transform_8(%arg0: i32) -> (i32, i32) {
    %c0_i32 = arith.constant 0 : i32
    %c0_i32_0 = arith.constant 0 : i32
    %c0_i32_1 = arith.constant 0 : i32
    return %c0_i32, %c0_i32_0 : i32, i32
  }
  func.func @transform_9(%arg0: i32) -> (i32, i32) {
    %c0_i32 = arith.constant 0 : i32
    %c0_i32_0 = arith.constant 0 : i32
    %c0_i32_1 = arith.constant 0 : i32
    return %c0_i32, %c0_i32_0 : i32, i32
  }
}

module attributes {stable_mosaic.version = 14 : i64} {
  func.func @_final_body(%arg0: memref<128x6xf32, #tpu.memory_space<vmem>>, %arg1: memref<1x1xf32, #tpu.memory_space<vmem>>, %arg2: memref<1x1xf32, #tpu.memory_space<vmem>>, %arg3: memref<1x1xf32, #tpu.memory_space<vmem>>, %arg4: memref<512x85xf32, #tpu.memory_space<vmem>>, %arg5: memref<512x85xf32, #tpu.memory_space<vmem>>, %arg6: memref<512x85xf32, #tpu.memory_space<vmem>>, %arg7: memref<1x1xf32, #tpu.memory_space<vmem>>) attributes {dimension_semantics = [], scalar_prefetch = 0 : i64, scratch_operands = 0 : i64, tpu.core_type = #tpu.core_type<tc>} {
    %get3A = arith.constant 0 : index
    %get3A_0 = arith.constant 0 : index
    %get3A_1 = vector.load %arg0[%get3A, %get3A_0] : memref<128x6xf32, #tpu.memory_space<vmem>>, vector<128x6xf32>
    %slice3A = vector.extract_strided_slice %get3A_1 {offsets = [0, 0], sizes = [128, 1], strides = [1, 1]} : vector<128x6xf32> to vector<128x1xf32>
    %slice3A_2 = vector.extract_strided_slice %get3A_1 {offsets = [0, 1], sizes = [128, 1], strides = [1, 1]} : vector<128x6xf32> to vector<128x1xf32>
    %slice3A_3 = vector.extract_strided_slice %get3A_1 {offsets = [0, 2], sizes = [128, 1], strides = [1, 1]} : vector<128x6xf32> to vector<128x1xf32>
    %mul3A = arith.constant 1.900000e+01 : f32
    %mul3A_4 = vector.broadcast %mul3A : f32 to vector<128x1xf32>
    %mul3A_5 = arith.mulf %slice3A_3, %mul3A_4 : vector<128x1xf32>
    %slice3A_6 = vector.extract_strided_slice %get3A_1 {offsets = [0, 3], sizes = [128, 1], strides = [1, 1]} : vector<128x6xf32> to vector<128x1xf32>
    %mul3A_7 = arith.constant 1.900000e+01 : f32
    %mul3A_8 = vector.broadcast %mul3A_7 : f32 to vector<128x1xf32>
    %mul3A_9 = arith.mulf %slice3A_6, %mul3A_8 : vector<128x1xf32>
    %slice3A_10 = vector.extract_strided_slice %get3A_1 {offsets = [0, 4], sizes = [128, 1], strides = [1, 1]} : vector<128x6xf32> to vector<128x1xf32>
    %mul3A_11 = arith.constant 1.900000e+01 : f32
    %mul3A_12 = vector.broadcast %mul3A_11 : f32 to vector<128x1xf32>
    %mul3A_13 = arith.mulf %slice3A_10, %mul3A_12 : vector<128x1xf32>
    %slice3A_14 = vector.extract_strided_slice %get3A_1 {offsets = [0, 5], sizes = [128, 1], strides = [1, 1]} : vector<128x6xf32> to vector<128x1xf32>
    %mul3A_15 = arith.constant 1.900000e+01 : f32
    %mul3A_16 = vector.broadcast %mul3A_15 : f32 to vector<128x1xf32>
    %mul3A_17 = arith.mulf %slice3A_14, %mul3A_16 : vector<128x1xf32>
    %floor3A = math.floor %mul3A_5 : vector<128x1xf32>
    %floor3A_18 = math.floor %mul3A_9 : vector<128x1xf32>
    %jit3A = arith.constant 0.000000e+00 : f32
    %jit3A_19 = arith.constant 1.800000e+01 : f32
    %max3A = vector.broadcast %jit3A : f32 to vector<128x1xf32>
    %max3A_20 = arith.maximumf %max3A, %floor3A : vector<128x1xf32>
    %min3A = vector.broadcast %jit3A_19 : f32 to vector<128x1xf32>
    %min3A_21 = arith.minimumf %min3A, %max3A_20 : vector<128x1xf32>
    %jit3A_22 = arith.constant 0.000000e+00 : f32
    %jit3A_23 = arith.constant 1.800000e+01 : f32
    %max3A_24 = vector.broadcast %jit3A_22 : f32 to vector<128x1xf32>
    %max3A_25 = arith.maximumf %max3A_24, %floor3A_18 : vector<128x1xf32>
    %min3A_26 = vector.broadcast %jit3A_23 : f32 to vector<128x1xf32>
    %min3A_27 = arith.minimumf %min3A_26, %max3A_25 : vector<128x1xf32>
    %sub3A = arith.subf %mul3A_5, %floor3A : vector<128x1xf32>
    %sub3A_28 = arith.subf %mul3A_9, %floor3A_18 : vector<128x1xf32>
    %broadcast_in_dim3A = arith.constant 1.000000e+00 : f32
    %broadcast_in_dim3A_29 = vector.broadcast %broadcast_in_dim3A : f32 to vector<128x1xf32>
    %div3A = arith.constant 3.625000e+00 : f32
    %div3A_30 = vector.broadcast %div3A : f32 to vector<128x1xf32>
    %div3A_31 = arith.divf %mul3A_13, %div3A_30 : vector<128x1xf32>
    %div3A_32 = arith.constant 2.812500e+00 : f32
    %div3A_33 = vector.broadcast %div3A_32 : f32 to vector<128x1xf32>
    %div3A_34 = arith.divf %mul3A_17, %div3A_33 : vector<128x1xf32>
    %div3A_35 = arith.constant 1.000000e+00 : f32
    %div3A_36 = vector.broadcast %div3A_35 : f32 to vector<128x1xf32>
    %div3A_37 = arith.divf %div3A_36, %div3A_31 : vector<128x1xf32>
    %max3A_38 = arith.maximumf %div3A_31, %div3A_37 : vector<128x1xf32>
    %div3A_39 = arith.constant 1.000000e+00 : f32
    %div3A_40 = vector.broadcast %div3A_39 : f32 to vector<128x1xf32>
    %div3A_41 = arith.divf %div3A_40, %div3A_34 : vector<128x1xf32>
    %max3A_42 = arith.maximumf %div3A_34, %div3A_41 : vector<128x1xf32>
    %max3A_43 = arith.maximumf %max3A_38, %max3A_42 : vector<128x1xf32>
    %lt3A = arith.constant 4.000000e+00 : f32
    %lt3A_44 = vector.broadcast %lt3A : f32 to vector<128x1xf32>
    %lt3A_45 = arith.cmpf olt, %max3A_43, %lt3A_44 : vector<128x1xf32>
    %convert_element_type3A = arith.extui %lt3A_45 : vector<128x1xi1> to vector<128x1xi32>
    %convert_element_type3A_46 = arith.sitofp %convert_element_type3A : vector<128x1xi32> to vector<128x1xf32>
    %mul3A_47 = arith.constant 3.000000e+00 : f32
    %mul3A_48 = vector.broadcast %mul3A_47 : f32 to vector<128x1xf32>
    %mul3A_49 = arith.mulf %slice3A, %mul3A_48 : vector<128x1xf32>
    %add3A = arith.constant 0.000000e+00 : f32
    %add3A_50 = vector.broadcast %add3A : f32 to vector<128x1xf32>
    %add3A_51 = arith.addf %mul3A_49, %add3A_50 : vector<128x1xf32>
    %mul3A_52 = arith.constant 1.900000e+01 : f32
    %mul3A_53 = vector.broadcast %mul3A_52 : f32 to vector<128x1xf32>
    %mul3A_54 = arith.mulf %add3A_51, %mul3A_53 : vector<128x1xf32>
    %add3A_55 = arith.addf %mul3A_54, %min3A_27 : vector<128x1xf32>
    %mul3A_56 = arith.constant 1.900000e+01 : f32
    %mul3A_57 = vector.broadcast %mul3A_56 : f32 to vector<128x1xf32>
    %mul3A_58 = arith.mulf %add3A_55, %mul3A_57 : vector<128x1xf32>
    %add3A_59 = arith.addf %mul3A_58, %min3A_21 : vector<128x1xf32>
    %mul3A_60 = arith.constant 3.625000e+00 : f32
    %mul3A_61 = vector.broadcast %mul3A_60 : f32 to vector<128x1xf32>
    %mul3A_62 = arith.mulf %mul3A_61, %broadcast_in_dim3A_29 : vector<128x1xf32>
    %mul3A_63 = arith.constant 2.812500e+00 : f32
    %mul3A_64 = vector.broadcast %mul3A_63 : f32 to vector<128x1xf32>
    %mul3A_65 = arith.mulf %mul3A_64, %broadcast_in_dim3A_29 : vector<128x1xf32>
    %div3A_66 = arith.constant 4.875000e+00 : f32
    %div3A_67 = vector.broadcast %div3A_66 : f32 to vector<128x1xf32>
    %div3A_68 = arith.divf %mul3A_13, %div3A_67 : vector<128x1xf32>
    %div3A_69 = arith.constant 6.187500e+00 : f32
    %div3A_70 = vector.broadcast %div3A_69 : f32 to vector<128x1xf32>
    %div3A_71 = arith.divf %mul3A_17, %div3A_70 : vector<128x1xf32>
    %div3A_72 = arith.constant 1.000000e+00 : f32
    %div3A_73 = vector.broadcast %div3A_72 : f32 to vector<128x1xf32>
    %div3A_74 = arith.divf %div3A_73, %div3A_68 : vector<128x1xf32>
    %max3A_75 = arith.maximumf %div3A_68, %div3A_74 : vector<128x1xf32>
    %div3A_76 = arith.constant 1.000000e+00 : f32
    %div3A_77 = vector.broadcast %div3A_76 : f32 to vector<128x1xf32>
    %div3A_78 = arith.divf %div3A_77, %div3A_71 : vector<128x1xf32>
    %max3A_79 = arith.maximumf %div3A_71, %div3A_78 : vector<128x1xf32>
    %max3A_80 = arith.maximumf %max3A_75, %max3A_79 : vector<128x1xf32>
    %lt3A_81 = arith.constant 4.000000e+00 : f32
    %lt3A_82 = vector.broadcast %lt3A_81 : f32 to vector<128x1xf32>
    %lt3A_83 = arith.cmpf olt, %max3A_80, %lt3A_82 : vector<128x1xf32>
    %convert_element_type3A_84 = arith.extui %lt3A_83 : vector<128x1xi1> to vector<128x1xi32>
    %convert_element_type3A_85 = arith.sitofp %convert_element_type3A_84 : vector<128x1xi32> to vector<128x1xf32>
    %mul3A_86 = arith.constant 3.000000e+00 : f32
    %mul3A_87 = vector.broadcast %mul3A_86 : f32 to vector<128x1xf32>
    %mul3A_88 = arith.mulf %slice3A, %mul3A_87 : vector<128x1xf32>
    %add3A_89 = arith.constant 1.000000e+00 : f32
    %add3A_90 = vector.broadcast %add3A_89 : f32 to vector<128x1xf32>
    %add3A_91 = arith.addf %mul3A_88, %add3A_90 : vector<128x1xf32>
    %mul3A_92 = arith.constant 1.900000e+01 : f32
    %mul3A_93 = vector.broadcast %mul3A_92 : f32 to vector<128x1xf32>
    %mul3A_94 = arith.mulf %add3A_91, %mul3A_93 : vector<128x1xf32>
    %add3A_95 = arith.addf %mul3A_94, %min3A_27 : vector<128x1xf32>
    %mul3A_96 = arith.constant 1.900000e+01 : f32
    %mul3A_97 = vector.broadcast %mul3A_96 : f32 to vector<128x1xf32>
    %mul3A_98 = arith.mulf %add3A_95, %mul3A_97 : vector<128x1xf32>
    %add3A_99 = arith.addf %mul3A_98, %min3A_21 : vector<128x1xf32>
    %mul3A_100 = arith.constant 4.875000e+00 : f32
    %mul3A_101 = vector.broadcast %mul3A_100 : f32 to vector<128x1xf32>
    %mul3A_102 = arith.mulf %mul3A_101, %broadcast_in_dim3A_29 : vector<128x1xf32>
    %mul3A_103 = arith.constant 6.187500e+00 : f32
    %mul3A_104 = vector.broadcast %mul3A_103 : f32 to vector<128x1xf32>
    %mul3A_105 = arith.mulf %mul3A_104, %broadcast_in_dim3A_29 : vector<128x1xf32>
    %div3A_106 = arith.constant 11.65625 : f32
    %div3A_107 = vector.broadcast %div3A_106 : f32 to vector<128x1xf32>
    %div3A_108 = arith.divf %mul3A_13, %div3A_107 : vector<128x1xf32>
    %div3A_109 = arith.constant 1.018750e+01 : f32
    %div3A_110 = vector.broadcast %div3A_109 : f32 to vector<128x1xf32>
    %div3A_111 = arith.divf %mul3A_17, %div3A_110 : vector<128x1xf32>
    %div3A_112 = arith.constant 1.000000e+00 : f32
    %div3A_113 = vector.broadcast %div3A_112 : f32 to vector<128x1xf32>
    %div3A_114 = arith.divf %div3A_113, %div3A_108 : vector<128x1xf32>
    %max3A_115 = arith.maximumf %div3A_108, %div3A_114 : vector<128x1xf32>
    %div3A_116 = arith.constant 1.000000e+00 : f32
    %div3A_117 = vector.broadcast %div3A_116 : f32 to vector<128x1xf32>
    %div3A_118 = arith.divf %div3A_117, %div3A_111 : vector<128x1xf32>
    %max3A_119 = arith.maximumf %div3A_111, %div3A_118 : vector<128x1xf32>
    %max3A_120 = arith.maximumf %max3A_115, %max3A_119 : vector<128x1xf32>
    %lt3A_121 = arith.constant 4.000000e+00 : f32
    %lt3A_122 = vector.broadcast %lt3A_121 : f32 to vector<128x1xf32>
    %lt3A_123 = arith.cmpf olt, %max3A_120, %lt3A_122 : vector<128x1xf32>
    %convert_element_type3A_124 = arith.extui %lt3A_123 : vector<128x1xi1> to vector<128x1xi32>
    %convert_element_type3A_125 = arith.sitofp %convert_element_type3A_124 : vector<128x1xi32> to vector<128x1xf32>
    %mul3A_126 = arith.constant 3.000000e+00 : f32
    %mul3A_127 = vector.broadcast %mul3A_126 : f32 to vector<128x1xf32>
    %mul3A_128 = arith.mulf %slice3A, %mul3A_127 : vector<128x1xf32>
    %add3A_129 = arith.constant 2.000000e+00 : f32
    %add3A_130 = vector.broadcast %add3A_129 : f32 to vector<128x1xf32>
    %add3A_131 = arith.addf %mul3A_128, %add3A_130 : vector<128x1xf32>
    %mul3A_132 = arith.constant 1.900000e+01 : f32
    %mul3A_133 = vector.broadcast %mul3A_132 : f32 to vector<128x1xf32>
    %mul3A_134 = arith.mulf %add3A_131, %mul3A_133 : vector<128x1xf32>
    %add3A_135 = arith.addf %mul3A_134, %min3A_27 : vector<128x1xf32>
    %mul3A_136 = arith.constant 1.900000e+01 : f32
    %mul3A_137 = vector.broadcast %mul3A_136 : f32 to vector<128x1xf32>
    %mul3A_138 = arith.mulf %add3A_135, %mul3A_137 : vector<128x1xf32>
    %add3A_139 = arith.addf %mul3A_138, %min3A_21 : vector<128x1xf32>
    %mul3A_140 = arith.constant 11.65625 : f32
    %mul3A_141 = vector.broadcast %mul3A_140 : f32 to vector<128x1xf32>
    %mul3A_142 = arith.mulf %mul3A_141, %broadcast_in_dim3A_29 : vector<128x1xf32>
    %mul3A_143 = arith.constant 1.018750e+01 : f32
    %mul3A_144 = vector.broadcast %mul3A_143 : f32 to vector<128x1xf32>
    %mul3A_145 = arith.mulf %mul3A_144, %broadcast_in_dim3A_29 : vector<128x1xf32>
    %concatenate3A = tpu.concatenate %convert_element_type3A_46, %convert_element_type3A_85, %convert_element_type3A_125 in 0 : vector<128x1xf32>, vector<128x1xf32>, vector<128x1xf32> -> vector<384x1xf32>
    %concatenate3A_146 = tpu.concatenate %add3A_59, %add3A_99, %add3A_139 in 0 : vector<128x1xf32>, vector<128x1xf32>, vector<128x1xf32> -> vector<384x1xf32>
    %concatenate3A_147 = tpu.concatenate %sub3A, %sub3A, %sub3A in 0 : vector<128x1xf32>, vector<128x1xf32>, vector<128x1xf32> -> vector<384x1xf32>
    %concatenate3A_148 = tpu.concatenate %sub3A_28, %sub3A_28, %sub3A_28 in 0 : vector<128x1xf32>, vector<128x1xf32>, vector<128x1xf32> -> vector<384x1xf32>
    %concatenate3A_149 = tpu.concatenate %mul3A_13, %mul3A_13, %mul3A_13 in 0 : vector<128x1xf32>, vector<128x1xf32>, vector<128x1xf32> -> vector<384x1xf32>
    %concatenate3A_150 = tpu.concatenate %mul3A_17, %mul3A_17, %mul3A_17 in 0 : vector<128x1xf32>, vector<128x1xf32>, vector<128x1xf32> -> vector<384x1xf32>
    %concatenate3A_151 = tpu.concatenate %mul3A_62, %mul3A_102, %mul3A_142 in 0 : vector<128x1xf32>, vector<128x1xf32>, vector<128x1xf32> -> vector<384x1xf32>
    %concatenate3A_152 = tpu.concatenate %mul3A_65, %mul3A_105, %mul3A_145 in 0 : vector<128x1xf32>, vector<128x1xf32>, vector<128x1xf32> -> vector<384x1xf32>
    %concatenate3A_153 = tpu.concatenate %slice3A_2, %slice3A_2, %slice3A_2 in 0 : vector<128x1xf32>, vector<128x1xf32>, vector<128x1xf32> -> vector<384x1xf32>
    %get3A_154 = arith.constant 0 : index
    %get3A_155 = arith.constant 0 : index
    %get3A_156 = vector.load %arg4[%get3A_154, %get3A_155] : memref<512x85xf32, #tpu.memory_space<vmem>>, vector<384x85xf32>
    %reduce_sum3A = vector.shape_cast %concatenate3A : vector<384x1xf32> to vector<1x384x1xf32>
    %reduce_sum3A_157 = arith.constant dense<0.000000e+00> : vector<1xf32>
    %reduce_sum3A_158 = vector.multi_reduction <add>, %reduce_sum3A, %reduce_sum3A_157 [1, 2] : vector<1x384x1xf32> to vector<1xf32>
    %reduce_sum3A_159 = vector.shape_cast %reduce_sum3A_158 : vector<1xf32> to vector<1x1x1xf32>
    %reduce_sum3A_160 = vector.extract %reduce_sum3A_159[0, 0, 0] : f32 from vector<1x1x1xf32>
    %max3A_161 = arith.constant 1.000000e+00 : f32
    %max3A_162 = arith.maximumf %reduce_sum3A_160, %max3A_161 : f32
    %slice3A_163 = vector.extract_strided_slice %get3A_156 {offsets = [0, 0], sizes = [384, 1], strides = [1, 1]} : vector<384x85xf32> to vector<384x1xf32>
    %logistic3A = arith.negf %slice3A_163 : vector<384x1xf32>
    %logistic3A_164 = math.exp %logistic3A : vector<384x1xf32>
    %logistic3A_165 = arith.constant 1.000000e+00 : f32
    %logistic3A_166 = vector.broadcast %logistic3A_165 : f32 to vector<384x1xf32>
    %logistic3A_167 = arith.addf %logistic3A_166, %logistic3A_164 : vector<384x1xf32>
    %logistic3A_168 = arith.divf %logistic3A_166, %logistic3A_167 : vector<384x1xf32>
    %slice3A_169 = vector.extract_strided_slice %get3A_156 {offsets = [0, 1], sizes = [384, 1], strides = [1, 1]} : vector<384x85xf32> to vector<384x1xf32>
    %logistic3A_170 = arith.negf %slice3A_169 : vector<384x1xf32>
    %logistic3A_171 = math.exp %logistic3A_170 : vector<384x1xf32>
    %logistic3A_172 = arith.constant 1.000000e+00 : f32
    %logistic3A_173 = vector.broadcast %logistic3A_172 : f32 to vector<384x1xf32>
    %logistic3A_174 = arith.addf %logistic3A_173, %logistic3A_171 : vector<384x1xf32>
    %logistic3A_175 = arith.divf %logistic3A_173, %logistic3A_174 : vector<384x1xf32>
    %slice3A_176 = vector.extract_strided_slice %get3A_156 {offsets = [0, 2], sizes = [384, 1], strides = [1, 1]} : vector<384x85xf32> to vector<384x1xf32>
    %exp3A = math.exp %slice3A_176 : vector<384x1xf32>
    %mul3A_177 = arith.mulf %exp3A, %concatenate3A_151 : vector<384x1xf32>
    %slice3A_178 = vector.extract_strided_slice %get3A_156 {offsets = [0, 3], sizes = [384, 1], strides = [1, 1]} : vector<384x85xf32> to vector<384x1xf32>
    %exp3A_179 = math.exp %slice3A_178 : vector<384x1xf32>
    %mul3A_180 = arith.mulf %exp3A_179, %concatenate3A_152 : vector<384x1xf32>
    %mul3A_181 = arith.constant 5.000000e-01 : f32
    %mul3A_182 = vector.broadcast %mul3A_181 : f32 to vector<384x1xf32>
    %mul3A_183 = arith.mulf %mul3A_177, %mul3A_182 : vector<384x1xf32>
    %sub3A_184 = arith.subf %logistic3A_168, %mul3A_183 : vector<384x1xf32>
    %mul3A_185 = arith.constant 5.000000e-01 : f32
    %mul3A_186 = vector.broadcast %mul3A_185 : f32 to vector<384x1xf32>
    %mul3A_187 = arith.mulf %mul3A_177, %mul3A_186 : vector<384x1xf32>
    %add3A_188 = arith.addf %logistic3A_168, %mul3A_187 : vector<384x1xf32>
    %mul3A_189 = arith.constant 5.000000e-01 : f32
    %mul3A_190 = vector.broadcast %mul3A_189 : f32 to vector<384x1xf32>
    %mul3A_191 = arith.mulf %mul3A_180, %mul3A_190 : vector<384x1xf32>
    %sub3A_192 = arith.subf %logistic3A_175, %mul3A_191 : vector<384x1xf32>
    %mul3A_193 = arith.constant 5.000000e-01 : f32
    %mul3A_194 = vector.broadcast %mul3A_193 : f32 to vector<384x1xf32>
    %mul3A_195 = arith.mulf %mul3A_180, %mul3A_194 : vector<384x1xf32>
    %add3A_196 = arith.addf %logistic3A_175, %mul3A_195 : vector<384x1xf32>
    %mul3A_197 = arith.constant 5.000000e-01 : f32
    %mul3A_198 = vector.broadcast %mul3A_197 : f32 to vector<384x1xf32>
    %mul3A_199 = arith.mulf %concatenate3A_149, %mul3A_198 : vector<384x1xf32>
    %sub3A_200 = arith.subf %concatenate3A_147, %mul3A_199 : vector<384x1xf32>
    %mul3A_201 = arith.constant 5.000000e-01 : f32
    %mul3A_202 = vector.broadcast %mul3A_201 : f32 to vector<384x1xf32>
    %mul3A_203 = arith.mulf %concatenate3A_149, %mul3A_202 : vector<384x1xf32>
    %add3A_204 = arith.addf %concatenate3A_147, %mul3A_203 : vector<384x1xf32>
    %mul3A_205 = arith.constant 5.000000e-01 : f32
    %mul3A_206 = vector.broadcast %mul3A_205 : f32 to vector<384x1xf32>
    %mul3A_207 = arith.mulf %concatenate3A_150, %mul3A_206 : vector<384x1xf32>
    %sub3A_208 = arith.subf %concatenate3A_148, %mul3A_207 : vector<384x1xf32>
    %mul3A_209 = arith.constant 5.000000e-01 : f32
    %mul3A_210 = vector.broadcast %mul3A_209 : f32 to vector<384x1xf32>
    %mul3A_211 = arith.mulf %concatenate3A_150, %mul3A_210 : vector<384x1xf32>
    %add3A_212 = arith.addf %concatenate3A_148, %mul3A_211 : vector<384x1xf32>
    %min3A_213 = arith.minimumf %add3A_188, %add3A_204 : vector<384x1xf32>
    %max3A_214 = arith.maximumf %sub3A_184, %sub3A_200 : vector<384x1xf32>
    %sub3A_215 = arith.subf %min3A_213, %max3A_214 : vector<384x1xf32>
    %max3A_216 = arith.constant 0.000000e+00 : f32
    %max3A_217 = vector.broadcast %max3A_216 : f32 to vector<384x1xf32>
    %max3A_218 = arith.maximumf %sub3A_215, %max3A_217 : vector<384x1xf32>
    %min3A_219 = arith.minimumf %add3A_196, %add3A_212 : vector<384x1xf32>
    %max3A_220 = arith.maximumf %sub3A_192, %sub3A_208 : vector<384x1xf32>
    %sub3A_221 = arith.subf %min3A_219, %max3A_220 : vector<384x1xf32>
    %max3A_222 = arith.constant 0.000000e+00 : f32
    %max3A_223 = vector.broadcast %max3A_222 : f32 to vector<384x1xf32>
    %max3A_224 = arith.maximumf %sub3A_221, %max3A_223 : vector<384x1xf32>
    %mul3A_225 = arith.mulf %max3A_218, %max3A_224 : vector<384x1xf32>
    %sub3A_226 = arith.subf %add3A_188, %sub3A_184 : vector<384x1xf32>
    %sub3A_227 = arith.subf %add3A_196, %sub3A_192 : vector<384x1xf32>
    %sub3A_228 = arith.subf %add3A_204, %sub3A_200 : vector<384x1xf32>
    %sub3A_229 = arith.subf %add3A_212, %sub3A_208 : vector<384x1xf32>
    %mul3A_230 = arith.mulf %sub3A_226, %sub3A_227 : vector<384x1xf32>
    %mul3A_231 = arith.mulf %sub3A_228, %sub3A_229 : vector<384x1xf32>
    %add3A_232 = arith.addf %mul3A_230, %mul3A_231 : vector<384x1xf32>
    %sub3A_233 = arith.subf %add3A_232, %mul3A_225 : vector<384x1xf32>
    %add3A_234 = arith.constant 9.99999971E-10 : f32
    %add3A_235 = vector.broadcast %add3A_234 : f32 to vector<384x1xf32>
    %add3A_236 = arith.addf %sub3A_233, %add3A_235 : vector<384x1xf32>
    %div3A_237 = arith.divf %mul3A_225, %add3A_236 : vector<384x1xf32>
    %sub3A_238 = arith.constant 1.000000e+00 : f32
    %sub3A_239 = vector.broadcast %sub3A_238 : f32 to vector<384x1xf32>
    %sub3A_240 = arith.subf %sub3A_239, %div3A_237 : vector<384x1xf32>
    %mul3A_241 = arith.mulf %concatenate3A, %sub3A_240 : vector<384x1xf32>
    %reduce_sum3A_242 = vector.shape_cast %mul3A_241 : vector<384x1xf32> to vector<1x384x1xf32>
    %reduce_sum3A_243 = arith.constant dense<0.000000e+00> : vector<1xf32>
    %reduce_sum3A_244 = vector.multi_reduction <add>, %reduce_sum3A_242, %reduce_sum3A_243 [1, 2] : vector<1x384x1xf32> to vector<1xf32>
    %reduce_sum3A_245 = vector.shape_cast %reduce_sum3A_244 : vector<1xf32> to vector<1x1x1xf32>
    %reduce_sum3A_246 = vector.extract %reduce_sum3A_245[0, 0, 0] : f32 from vector<1x1x1xf32>
    %div3A_247 = arith.divf %reduce_sum3A_246, %max3A_162 : f32
    %add3A_248 = arith.constant 0.000000e+00 : f32
    %add3A_249 = arith.addf %add3A_248, %div3A_247 : f32
    %slice3A_250 = vector.extract_strided_slice %get3A_156 {offsets = [0, 5], sizes = [384, 80], strides = [1, 1]} : vector<384x85xf32> to vector<384x80xf32>
    %iota3A = tpu.iota {dimensions = array<i32: 1>} : vector<384x80xi32>
    %convert_element_type3A_251 = arith.sitofp %iota3A : vector<384x80xi32> to vector<384x80xf32>
    %eq3A = vector.broadcast %concatenate3A_153 : vector<384x1xf32> to vector<384x80xf32>
    %eq3A_252 = arith.cmpf oeq, %convert_element_type3A_251, %eq3A : vector<384x80xf32>
    %convert_element_type3A_253 = arith.extui %eq3A_252 : vector<384x80xi1> to vector<384x80xi32>
    %convert_element_type3A_254 = arith.sitofp %convert_element_type3A_253 : vector<384x80xi32> to vector<384x80xf32>
    %max3A_255 = arith.constant 0.000000e+00 : f32
    %max3A_256 = vector.broadcast %max3A_255 : f32 to vector<384x80xf32>
    %max3A_257 = arith.maximumf %slice3A_250, %max3A_256 : vector<384x80xf32>
    %mul3A_258 = arith.mulf %slice3A_250, %convert_element_type3A_254 : vector<384x80xf32>
    %sub3A_259 = arith.subf %max3A_257, %mul3A_258 : vector<384x80xf32>
    %abs3A = math.absf %slice3A_250 : vector<384x80xf32>
    %neg3A = arith.constant 0.000000e+00 : f32
    %neg3A_260 = vector.broadcast %neg3A : f32 to vector<384x80xf32>
    %neg3A_261 = arith.subf %neg3A_260, %abs3A : vector<384x80xf32>
    %exp3A_262 = math.exp %neg3A_261 : vector<384x80xf32>
    %log1p3A = math.log1p %exp3A_262 : vector<384x80xf32>
    %add3A_263 = arith.addf %sub3A_259, %log1p3A : vector<384x80xf32>
    %mul3A_264 = vector.broadcast %concatenate3A : vector<384x1xf32> to vector<384x80xf32>
    %mul3A_265 = arith.mulf %mul3A_264, %add3A_263 : vector<384x80xf32>
    %reduce_sum3A_266 = vector.shape_cast %mul3A_265 : vector<384x80xf32> to vector<1x384x80xf32>
    %reduce_sum3A_267 = arith.constant dense<0.000000e+00> : vector<1xf32>
    %reduce_sum3A_268 = vector.multi_reduction <add>, %reduce_sum3A_266, %reduce_sum3A_267 [1, 2] : vector<1x384x80xf32> to vector<1xf32>
    %reduce_sum3A_269 = vector.shape_cast %reduce_sum3A_268 : vector<1xf32> to vector<1x1x1xf32>
    %reduce_sum3A_270 = vector.extract %reduce_sum3A_269[0, 0, 0] : f32 from vector<1x1x1xf32>
    %mul3A_271 = arith.constant 8.000000e+01 : f32
    %mul3A_272 = arith.mulf %max3A_162, %mul3A_271 : f32
    %div3A_273 = arith.divf %reduce_sum3A_270, %mul3A_272 : f32
    %add3A_274 = arith.constant 0.000000e+00 : f32
    %add3A_275 = arith.addf %add3A_274, %div3A_273 : f32
    %iota3A_276 = tpu.iota {dimensions = array<i32: 0>} : vector<384x1xi32>
    %convert_element_type3A_277 = arith.sitofp %iota3A_276 : vector<384x1xi32> to vector<384x1xf32>
    %gt3A = arith.constant 0.000000e+00 : f32
    %gt3A_278 = vector.broadcast %gt3A : f32 to vector<384x1xf32>
    %gt3A_279 = arith.cmpf ogt, %concatenate3A, %gt3A_278 : vector<384x1xf32>
    %add3A_280 = arith.constant 1.000000e+00 : f32
    %add3A_281 = vector.broadcast %add3A_280 : f32 to vector<384x1xf32>
    %add3A_282 = arith.addf %convert_element_type3A_277, %add3A_281 : vector<384x1xf32>
    %neg3A_283 = arith.constant 0.000000e+00 : f32
    %neg3A_284 = vector.broadcast %neg3A_283 : f32 to vector<384x1xf32>
    %neg3A_285 = arith.subf %neg3A_284, %add3A_282 : vector<384x1xf32>
    %select_n3A = arith.select %gt3A_279, %concatenate3A_146, %neg3A_285 : vector<384x1xi1>, vector<384x1xf32>
    %broadcast_in_dim3A_286 = arith.constant 1.000000e+00 : f32
    %broadcast_in_dim3A_287 = vector.broadcast %broadcast_in_dim3A_286 : f32 to vector<384x1xf32>
    %dot_general3A = arith.constant dense<0.000000e+00> : vector<384x384xf32>
    %dot_general3A_288 = tpu.matmul %broadcast_in_dim3A_287, %select_n3A, %dot_general3A {dimension_numbers = #tpu.dot_dimension_numbers<[1], [1], [0], [0], [0, 0, 1, 0], [], []>, precision = #tpu.contract_precision<fp32>, transpose_lhs_hint = false} : vector<384x1xf32>, vector<384x1xf32>, vector<384x384xf32> -> vector<384x384xf32>
    %iota3A_289 = tpu.iota {dimensions = array<i32: 0>} : vector<384x384xi32>
    %iota3A_290 = tpu.iota {dimensions = array<i32: 1>} : vector<384x384xi32>
    %eq3A_291 = vector.broadcast %select_n3A : vector<384x1xf32> to vector<384x384xf32>
    %eq3A_292 = arith.cmpf oeq, %dot_general3A_288, %eq3A_291 : vector<384x384xf32>
    %gt3A_293 = arith.cmpi sgt, %iota3A_290, %iota3A_289 : vector<384x384xi32>
    %and3A = arith.andi %eq3A_292, %gt3A_293 : vector<384x384xi1>
    %jit3A_294 = arith.constant 1.000000e+00 : f32
    %jit3A_295 = arith.constant 0.000000e+00 : f32
    %broadcast_in_dim3A_296 = vector.broadcast %jit3A_294 : f32 to vector<384x384xf32>
    %broadcast_in_dim3A_297 = vector.broadcast %jit3A_295 : f32 to vector<384x384xf32>
    %select_n3A_298 = arith.select %and3A, %broadcast_in_dim3A_296, %broadcast_in_dim3A_297 : vector<384x384xi1>, vector<384x384xf32>
    %reduce_max3A = arith.constant dense<0xFF800000> : vector<384xf32>
    %reduce_max3A_299 = vector.multi_reduction <maximumf>, %select_n3A_298, %reduce_max3A [1] : vector<384x384xf32> to vector<384xf32>
    %broadcast_in_dim3A_300 = vector.shape_cast %reduce_max3A_299 : vector<384xf32> to vector<384x1xf32>
    %max3A_301 = arith.constant 0.000000e+00 : f32
    %max3A_302 = vector.broadcast %max3A_301 : f32 to vector<384x1xf32>
    %max3A_303 = arith.maximumf %div3A_237, %max3A_302 : vector<384x1xf32>
    %sub3A_304 = arith.constant 1.000000e+00 : f32
    %sub3A_305 = vector.broadcast %sub3A_304 : f32 to vector<384x1xf32>
    %sub3A_306 = arith.subf %sub3A_305, %broadcast_in_dim3A_300 : vector<384x1xf32>
    %mul3A_307 = arith.mulf %concatenate3A, %sub3A_306 : vector<384x1xf32>
    %slice3A_308 = vector.extract_strided_slice %get3A_156 {offsets = [0, 4], sizes = [384, 1], strides = [1, 1]} : vector<384x85xf32> to vector<384x1xf32>
    %mul3A_309 = arith.mulf %mul3A_307, %slice3A_308 : vector<384x1xf32>
    %mul3A_310 = arith.mulf %mul3A_309, %max3A_303 : vector<384x1xf32>
    %reduce_sum3A_311 = vector.shape_cast %mul3A_310 : vector<384x1xf32> to vector<1x384x1xf32>
    %reduce_sum3A_312 = arith.constant dense<0.000000e+00> : vector<1xf32>
    %reduce_sum3A_313 = vector.multi_reduction <add>, %reduce_sum3A_311, %reduce_sum3A_312 [1, 2] : vector<1x384x1xf32> to vector<1xf32>
    %reduce_sum3A_314 = vector.shape_cast %reduce_sum3A_313 : vector<1xf32> to vector<1x1x1xf32>
    %reduce_sum3A_315 = vector.extract %reduce_sum3A_314[0, 0, 0] : f32 from vector<1x1x1xf32>
    %get3A_316 = arith.constant 0 : index
    %get3A_317 = arith.constant 0 : index
    %get3A_318 = vector.load %arg1[%get3A_316, %get3A_317] : memref<1x1xf32, #tpu.memory_space<vmem>>, vector<1x1xf32>
    %get3A_319 = vector.extract %get3A_318[0, 0] : f32 from vector<1x1xf32>
    %sub3A_320 = arith.subf %get3A_319, %reduce_sum3A_315 : f32
    %div3A_321 = arith.constant 1.732800e+04 : f32
    %div3A_322 = arith.divf %sub3A_320, %div3A_321 : f32
    %add3A_323 = arith.constant 0.000000e+00 : f32
    %add3A_324 = arith.addf %add3A_323, %div3A_322 : f32
    %slice3A_325 = vector.extract_strided_slice %get3A_1 {offsets = [0, 0], sizes = [128, 1], strides = [1, 1]} : vector<128x6xf32> to vector<128x1xf32>
    %slice3A_326 = vector.extract_strided_slice %get3A_1 {offsets = [0, 1], sizes = [128, 1], strides = [1, 1]} : vector<128x6xf32> to vector<128x1xf32>
    %slice3A_327 = vector.extract_strided_slice %get3A_1 {offsets = [0, 2], sizes = [128, 1], strides = [1, 1]} : vector<128x6xf32> to vector<128x1xf32>
    %mul3A_328 = arith.constant 3.800000e+01 : f32
    %mul3A_329 = vector.broadcast %mul3A_328 : f32 to vector<128x1xf32>
    %mul3A_330 = arith.mulf %slice3A_327, %mul3A_329 : vector<128x1xf32>
    %slice3A_331 = vector.extract_strided_slice %get3A_1 {offsets = [0, 3], sizes = [128, 1], strides = [1, 1]} : vector<128x6xf32> to vector<128x1xf32>
    %mul3A_332 = arith.constant 3.800000e+01 : f32
    %mul3A_333 = vector.broadcast %mul3A_332 : f32 to vector<128x1xf32>
    %mul3A_334 = arith.mulf %slice3A_331, %mul3A_333 : vector<128x1xf32>
    %slice3A_335 = vector.extract_strided_slice %get3A_1 {offsets = [0, 4], sizes = [128, 1], strides = [1, 1]} : vector<128x6xf32> to vector<128x1xf32>
    %mul3A_336 = arith.constant 3.800000e+01 : f32
    %mul3A_337 = vector.broadcast %mul3A_336 : f32 to vector<128x1xf32>
    %mul3A_338 = arith.mulf %slice3A_335, %mul3A_337 : vector<128x1xf32>
    %slice3A_339 = vector.extract_strided_slice %get3A_1 {offsets = [0, 5], sizes = [128, 1], strides = [1, 1]} : vector<128x6xf32> to vector<128x1xf32>
    %mul3A_340 = arith.constant 3.800000e+01 : f32
    %mul3A_341 = vector.broadcast %mul3A_340 : f32 to vector<128x1xf32>
    %mul3A_342 = arith.mulf %slice3A_339, %mul3A_341 : vector<128x1xf32>
    %floor3A_343 = math.floor %mul3A_330 : vector<128x1xf32>
    %floor3A_344 = math.floor %mul3A_334 : vector<128x1xf32>
    %jit3A_345 = arith.constant 0.000000e+00 : f32
    %jit3A_346 = arith.constant 3.700000e+01 : f32
    %max3A_347 = vector.broadcast %jit3A_345 : f32 to vector<128x1xf32>
    %max3A_348 = arith.maximumf %max3A_347, %floor3A_343 : vector<128x1xf32>
    %min3A_349 = vector.broadcast %jit3A_346 : f32 to vector<128x1xf32>
    %min3A_350 = arith.minimumf %min3A_349, %max3A_348 : vector<128x1xf32>
    %jit3A_351 = arith.constant 0.000000e+00 : f32
    %jit3A_352 = arith.constant 3.700000e+01 : f32
    %max3A_353 = vector.broadcast %jit3A_351 : f32 to vector<128x1xf32>
    %max3A_354 = arith.maximumf %max3A_353, %floor3A_344 : vector<128x1xf32>
    %min3A_355 = vector.broadcast %jit3A_352 : f32 to vector<128x1xf32>
    %min3A_356 = arith.minimumf %min3A_355, %max3A_354 : vector<128x1xf32>
    %sub3A_357 = arith.subf %mul3A_330, %floor3A_343 : vector<128x1xf32>
    %sub3A_358 = arith.subf %mul3A_334, %floor3A_344 : vector<128x1xf32>
    %broadcast_in_dim3A_359 = arith.constant 1.000000e+00 : f32
    %broadcast_in_dim3A_360 = vector.broadcast %broadcast_in_dim3A_359 : f32 to vector<128x1xf32>
    %div3A_361 = arith.constant 1.875000e+00 : f32
    %div3A_362 = vector.broadcast %div3A_361 : f32 to vector<128x1xf32>
    %div3A_363 = arith.divf %mul3A_338, %div3A_362 : vector<128x1xf32>
    %div3A_364 = arith.constant 3.812500e+00 : f32
    %div3A_365 = vector.broadcast %div3A_364 : f32 to vector<128x1xf32>
    %div3A_366 = arith.divf %mul3A_342, %div3A_365 : vector<128x1xf32>
    %div3A_367 = arith.constant 1.000000e+00 : f32
    %div3A_368 = vector.broadcast %div3A_367 : f32 to vector<128x1xf32>
    %div3A_369 = arith.divf %div3A_368, %div3A_363 : vector<128x1xf32>
    %max3A_370 = arith.maximumf %div3A_363, %div3A_369 : vector<128x1xf32>
    %div3A_371 = arith.constant 1.000000e+00 : f32
    %div3A_372 = vector.broadcast %div3A_371 : f32 to vector<128x1xf32>
    %div3A_373 = arith.divf %div3A_372, %div3A_366 : vector<128x1xf32>
    %max3A_374 = arith.maximumf %div3A_366, %div3A_373 : vector<128x1xf32>
    %max3A_375 = arith.maximumf %max3A_370, %max3A_374 : vector<128x1xf32>
    %lt3A_376 = arith.constant 4.000000e+00 : f32
    %lt3A_377 = vector.broadcast %lt3A_376 : f32 to vector<128x1xf32>
    %lt3A_378 = arith.cmpf olt, %max3A_375, %lt3A_377 : vector<128x1xf32>
    %convert_element_type3A_379 = arith.extui %lt3A_378 : vector<128x1xi1> to vector<128x1xi32>
    %convert_element_type3A_380 = arith.sitofp %convert_element_type3A_379 : vector<128x1xi32> to vector<128x1xf32>
    %mul3A_381 = arith.constant 3.000000e+00 : f32
    %mul3A_382 = vector.broadcast %mul3A_381 : f32 to vector<128x1xf32>
    %mul3A_383 = arith.mulf %slice3A_325, %mul3A_382 : vector<128x1xf32>
    %add3A_384 = arith.constant 0.000000e+00 : f32
    %add3A_385 = vector.broadcast %add3A_384 : f32 to vector<128x1xf32>
    %add3A_386 = arith.addf %mul3A_383, %add3A_385 : vector<128x1xf32>
    %mul3A_387 = arith.constant 3.800000e+01 : f32
    %mul3A_388 = vector.broadcast %mul3A_387 : f32 to vector<128x1xf32>
    %mul3A_389 = arith.mulf %add3A_386, %mul3A_388 : vector<128x1xf32>
    %add3A_390 = arith.addf %mul3A_389, %min3A_356 : vector<128x1xf32>
    %mul3A_391 = arith.constant 3.800000e+01 : f32
    %mul3A_392 = vector.broadcast %mul3A_391 : f32 to vector<128x1xf32>
    %mul3A_393 = arith.mulf %add3A_390, %mul3A_392 : vector<128x1xf32>
    %add3A_394 = arith.addf %mul3A_393, %min3A_350 : vector<128x1xf32>
    %mul3A_395 = arith.constant 1.875000e+00 : f32
    %mul3A_396 = vector.broadcast %mul3A_395 : f32 to vector<128x1xf32>
    %mul3A_397 = arith.mulf %mul3A_396, %broadcast_in_dim3A_360 : vector<128x1xf32>
    %mul3A_398 = arith.constant 3.812500e+00 : f32
    %mul3A_399 = vector.broadcast %mul3A_398 : f32 to vector<128x1xf32>
    %mul3A_400 = arith.mulf %mul3A_399, %broadcast_in_dim3A_360 : vector<128x1xf32>
    %div3A_401 = arith.constant 3.875000e+00 : f32
    %div3A_402 = vector.broadcast %div3A_401 : f32 to vector<128x1xf32>
    %div3A_403 = arith.divf %mul3A_338, %div3A_402 : vector<128x1xf32>
    %div3A_404 = arith.constant 2.812500e+00 : f32
    %div3A_405 = vector.broadcast %div3A_404 : f32 to vector<128x1xf32>
    %div3A_406 = arith.divf %mul3A_342, %div3A_405 : vector<128x1xf32>
    %div3A_407 = arith.constant 1.000000e+00 : f32
    %div3A_408 = vector.broadcast %div3A_407 : f32 to vector<128x1xf32>
    %div3A_409 = arith.divf %div3A_408, %div3A_403 : vector<128x1xf32>
    %max3A_410 = arith.maximumf %div3A_403, %div3A_409 : vector<128x1xf32>
    %div3A_411 = arith.constant 1.000000e+00 : f32
    %div3A_412 = vector.broadcast %div3A_411 : f32 to vector<128x1xf32>
    %div3A_413 = arith.divf %div3A_412, %div3A_406 : vector<128x1xf32>
    %max3A_414 = arith.maximumf %div3A_406, %div3A_413 : vector<128x1xf32>
    %max3A_415 = arith.maximumf %max3A_410, %max3A_414 : vector<128x1xf32>
    %lt3A_416 = arith.constant 4.000000e+00 : f32
    %lt3A_417 = vector.broadcast %lt3A_416 : f32 to vector<128x1xf32>
    %lt3A_418 = arith.cmpf olt, %max3A_415, %lt3A_417 : vector<128x1xf32>
    %convert_element_type3A_419 = arith.extui %lt3A_418 : vector<128x1xi1> to vector<128x1xi32>
    %convert_element_type3A_420 = arith.sitofp %convert_element_type3A_419 : vector<128x1xi32> to vector<128x1xf32>
    %mul3A_421 = arith.constant 3.000000e+00 : f32
    %mul3A_422 = vector.broadcast %mul3A_421 : f32 to vector<128x1xf32>
    %mul3A_423 = arith.mulf %slice3A_325, %mul3A_422 : vector<128x1xf32>
    %add3A_424 = arith.constant 1.000000e+00 : f32
    %add3A_425 = vector.broadcast %add3A_424 : f32 to vector<128x1xf32>
    %add3A_426 = arith.addf %mul3A_423, %add3A_425 : vector<128x1xf32>
    %mul3A_427 = arith.constant 3.800000e+01 : f32
    %mul3A_428 = vector.broadcast %mul3A_427 : f32 to vector<128x1xf32>
    %mul3A_429 = arith.mulf %add3A_426, %mul3A_428 : vector<128x1xf32>
    %add3A_430 = arith.addf %mul3A_429, %min3A_356 : vector<128x1xf32>
    %mul3A_431 = arith.constant 3.800000e+01 : f32
    %mul3A_432 = vector.broadcast %mul3A_431 : f32 to vector<128x1xf32>
    %mul3A_433 = arith.mulf %add3A_430, %mul3A_432 : vector<128x1xf32>
    %add3A_434 = arith.addf %mul3A_433, %min3A_350 : vector<128x1xf32>
    %mul3A_435 = arith.constant 3.875000e+00 : f32
    %mul3A_436 = vector.broadcast %mul3A_435 : f32 to vector<128x1xf32>
    %mul3A_437 = arith.mulf %mul3A_436, %broadcast_in_dim3A_360 : vector<128x1xf32>
    %mul3A_438 = arith.constant 2.812500e+00 : f32
    %mul3A_439 = vector.broadcast %mul3A_438 : f32 to vector<128x1xf32>
    %mul3A_440 = arith.mulf %mul3A_439, %broadcast_in_dim3A_360 : vector<128x1xf32>
    %div3A_441 = arith.constant 3.687500e+00 : f32
    %div3A_442 = vector.broadcast %div3A_441 : f32 to vector<128x1xf32>
    %div3A_443 = arith.divf %mul3A_338, %div3A_442 : vector<128x1xf32>
    %div3A_444 = arith.constant 7.437500e+00 : f32
    %div3A_445 = vector.broadcast %div3A_444 : f32 to vector<128x1xf32>
    %div3A_446 = arith.divf %mul3A_342, %div3A_445 : vector<128x1xf32>
    %div3A_447 = arith.constant 1.000000e+00 : f32
    %div3A_448 = vector.broadcast %div3A_447 : f32 to vector<128x1xf32>
    %div3A_449 = arith.divf %div3A_448, %div3A_443 : vector<128x1xf32>
    %max3A_450 = arith.maximumf %div3A_443, %div3A_449 : vector<128x1xf32>
    %div3A_451 = arith.constant 1.000000e+00 : f32
    %div3A_452 = vector.broadcast %div3A_451 : f32 to vector<128x1xf32>
    %div3A_453 = arith.divf %div3A_452, %div3A_446 : vector<128x1xf32>
    %max3A_454 = arith.maximumf %div3A_446, %div3A_453 : vector<128x1xf32>
    %max3A_455 = arith.maximumf %max3A_450, %max3A_454 : vector<128x1xf32>
    %lt3A_456 = arith.constant 4.000000e+00 : f32
    %lt3A_457 = vector.broadcast %lt3A_456 : f32 to vector<128x1xf32>
    %lt3A_458 = arith.cmpf olt, %max3A_455, %lt3A_457 : vector<128x1xf32>
    %convert_element_type3A_459 = arith.extui %lt3A_458 : vector<128x1xi1> to vector<128x1xi32>
    %convert_element_type3A_460 = arith.sitofp %convert_element_type3A_459 : vector<128x1xi32> to vector<128x1xf32>
    %mul3A_461 = arith.constant 3.000000e+00 : f32
    %mul3A_462 = vector.broadcast %mul3A_461 : f32 to vector<128x1xf32>
    %mul3A_463 = arith.mulf %slice3A_325, %mul3A_462 : vector<128x1xf32>
    %add3A_464 = arith.constant 2.000000e+00 : f32
    %add3A_465 = vector.broadcast %add3A_464 : f32 to vector<128x1xf32>
    %add3A_466 = arith.addf %mul3A_463, %add3A_465 : vector<128x1xf32>
    %mul3A_467 = arith.constant 3.800000e+01 : f32
    %mul3A_468 = vector.broadcast %mul3A_467 : f32 to vector<128x1xf32>
    %mul3A_469 = arith.mulf %add3A_466, %mul3A_468 : vector<128x1xf32>
    %add3A_470 = arith.addf %mul3A_469, %min3A_356 : vector<128x1xf32>
    %mul3A_471 = arith.constant 3.800000e+01 : f32
    %mul3A_472 = vector.broadcast %mul3A_471 : f32 to vector<128x1xf32>
    %mul3A_473 = arith.mulf %add3A_470, %mul3A_472 : vector<128x1xf32>
    %add3A_474 = arith.addf %mul3A_473, %min3A_350 : vector<128x1xf32>
    %mul3A_475 = arith.constant 3.687500e+00 : f32
    %mul3A_476 = vector.broadcast %mul3A_475 : f32 to vector<128x1xf32>
    %mul3A_477 = arith.mulf %mul3A_476, %broadcast_in_dim3A_360 : vector<128x1xf32>
    %mul3A_478 = arith.constant 7.437500e+00 : f32
    %mul3A_479 = vector.broadcast %mul3A_478 : f32 to vector<128x1xf32>
    %mul3A_480 = arith.mulf %mul3A_479, %broadcast_in_dim3A_360 : vector<128x1xf32>
    %concatenate3A_481 = tpu.concatenate %convert_element_type3A_380, %convert_element_type3A_420, %convert_element_type3A_460 in 0 : vector<128x1xf32>, vector<128x1xf32>, vector<128x1xf32> -> vector<384x1xf32>
    %concatenate3A_482 = tpu.concatenate %add3A_394, %add3A_434, %add3A_474 in 0 : vector<128x1xf32>, vector<128x1xf32>, vector<128x1xf32> -> vector<384x1xf32>
    %concatenate3A_483 = tpu.concatenate %sub3A_357, %sub3A_357, %sub3A_357 in 0 : vector<128x1xf32>, vector<128x1xf32>, vector<128x1xf32> -> vector<384x1xf32>
    %concatenate3A_484 = tpu.concatenate %sub3A_358, %sub3A_358, %sub3A_358 in 0 : vector<128x1xf32>, vector<128x1xf32>, vector<128x1xf32> -> vector<384x1xf32>
    %concatenate3A_485 = tpu.concatenate %mul3A_338, %mul3A_338, %mul3A_338 in 0 : vector<128x1xf32>, vector<128x1xf32>, vector<128x1xf32> -> vector<384x1xf32>
    %concatenate3A_486 = tpu.concatenate %mul3A_342, %mul3A_342, %mul3A_342 in 0 : vector<128x1xf32>, vector<128x1xf32>, vector<128x1xf32> -> vector<384x1xf32>
    %concatenate3A_487 = tpu.concatenate %mul3A_397, %mul3A_437, %mul3A_477 in 0 : vector<128x1xf32>, vector<128x1xf32>, vector<128x1xf32> -> vector<384x1xf32>
    %concatenate3A_488 = tpu.concatenate %mul3A_400, %mul3A_440, %mul3A_480 in 0 : vector<128x1xf32>, vector<128x1xf32>, vector<128x1xf32> -> vector<384x1xf32>
    %concatenate3A_489 = tpu.concatenate %slice3A_326, %slice3A_326, %slice3A_326 in 0 : vector<128x1xf32>, vector<128x1xf32>, vector<128x1xf32> -> vector<384x1xf32>
    %get3A_490 = arith.constant 0 : index
    %get3A_491 = arith.constant 0 : index
    %get3A_492 = vector.load %arg5[%get3A_490, %get3A_491] : memref<512x85xf32, #tpu.memory_space<vmem>>, vector<384x85xf32>
    %reduce_sum3A_493 = vector.shape_cast %concatenate3A_481 : vector<384x1xf32> to vector<1x384x1xf32>
    %reduce_sum3A_494 = arith.constant dense<0.000000e+00> : vector<1xf32>
    %reduce_sum3A_495 = vector.multi_reduction <add>, %reduce_sum3A_493, %reduce_sum3A_494 [1, 2] : vector<1x384x1xf32> to vector<1xf32>
    %reduce_sum3A_496 = vector.shape_cast %reduce_sum3A_495 : vector<1xf32> to vector<1x1x1xf32>
    %reduce_sum3A_497 = vector.extract %reduce_sum3A_496[0, 0, 0] : f32 from vector<1x1x1xf32>
    %max3A_498 = arith.constant 1.000000e+00 : f32
    %max3A_499 = arith.maximumf %reduce_sum3A_497, %max3A_498 : f32
    %slice3A_500 = vector.extract_strided_slice %get3A_492 {offsets = [0, 0], sizes = [384, 1], strides = [1, 1]} : vector<384x85xf32> to vector<384x1xf32>
    %logistic3A_501 = arith.negf %slice3A_500 : vector<384x1xf32>
    %logistic3A_502 = math.exp %logistic3A_501 : vector<384x1xf32>
    %logistic3A_503 = arith.constant 1.000000e+00 : f32
    %logistic3A_504 = vector.broadcast %logistic3A_503 : f32 to vector<384x1xf32>
    %logistic3A_505 = arith.addf %logistic3A_504, %logistic3A_502 : vector<384x1xf32>
    %logistic3A_506 = arith.divf %logistic3A_504, %logistic3A_505 : vector<384x1xf32>
    %slice3A_507 = vector.extract_strided_slice %get3A_492 {offsets = [0, 1], sizes = [384, 1], strides = [1, 1]} : vector<384x85xf32> to vector<384x1xf32>
    %logistic3A_508 = arith.negf %slice3A_507 : vector<384x1xf32>
    %logistic3A_509 = math.exp %logistic3A_508 : vector<384x1xf32>
    %logistic3A_510 = arith.constant 1.000000e+00 : f32
    %logistic3A_511 = vector.broadcast %logistic3A_510 : f32 to vector<384x1xf32>
    %logistic3A_512 = arith.addf %logistic3A_511, %logistic3A_509 : vector<384x1xf32>
    %logistic3A_513 = arith.divf %logistic3A_511, %logistic3A_512 : vector<384x1xf32>
    %slice3A_514 = vector.extract_strided_slice %get3A_492 {offsets = [0, 2], sizes = [384, 1], strides = [1, 1]} : vector<384x85xf32> to vector<384x1xf32>
    %exp3A_515 = math.exp %slice3A_514 : vector<384x1xf32>
    %mul3A_516 = arith.mulf %exp3A_515, %concatenate3A_487 : vector<384x1xf32>
    %slice3A_517 = vector.extract_strided_slice %get3A_492 {offsets = [0, 3], sizes = [384, 1], strides = [1, 1]} : vector<384x85xf32> to vector<384x1xf32>
    %exp3A_518 = math.exp %slice3A_517 : vector<384x1xf32>
    %mul3A_519 = arith.mulf %exp3A_518, %concatenate3A_488 : vector<384x1xf32>
    %mul3A_520 = arith.constant 5.000000e-01 : f32
    %mul3A_521 = vector.broadcast %mul3A_520 : f32 to vector<384x1xf32>
    %mul3A_522 = arith.mulf %mul3A_516, %mul3A_521 : vector<384x1xf32>
    %sub3A_523 = arith.subf %logistic3A_506, %mul3A_522 : vector<384x1xf32>
    %mul3A_524 = arith.constant 5.000000e-01 : f32
    %mul3A_525 = vector.broadcast %mul3A_524 : f32 to vector<384x1xf32>
    %mul3A_526 = arith.mulf %mul3A_516, %mul3A_525 : vector<384x1xf32>
    %add3A_527 = arith.addf %logistic3A_506, %mul3A_526 : vector<384x1xf32>
    %mul3A_528 = arith.constant 5.000000e-01 : f32
    %mul3A_529 = vector.broadcast %mul3A_528 : f32 to vector<384x1xf32>
    %mul3A_530 = arith.mulf %mul3A_519, %mul3A_529 : vector<384x1xf32>
    %sub3A_531 = arith.subf %logistic3A_513, %mul3A_530 : vector<384x1xf32>
    %mul3A_532 = arith.constant 5.000000e-01 : f32
    %mul3A_533 = vector.broadcast %mul3A_532 : f32 to vector<384x1xf32>
    %mul3A_534 = arith.mulf %mul3A_519, %mul3A_533 : vector<384x1xf32>
    %add3A_535 = arith.addf %logistic3A_513, %mul3A_534 : vector<384x1xf32>
    %mul3A_536 = arith.constant 5.000000e-01 : f32
    %mul3A_537 = vector.broadcast %mul3A_536 : f32 to vector<384x1xf32>
    %mul3A_538 = arith.mulf %concatenate3A_485, %mul3A_537 : vector<384x1xf32>
    %sub3A_539 = arith.subf %concatenate3A_483, %mul3A_538 : vector<384x1xf32>
    %mul3A_540 = arith.constant 5.000000e-01 : f32
    %mul3A_541 = vector.broadcast %mul3A_540 : f32 to vector<384x1xf32>
    %mul3A_542 = arith.mulf %concatenate3A_485, %mul3A_541 : vector<384x1xf32>
    %add3A_543 = arith.addf %concatenate3A_483, %mul3A_542 : vector<384x1xf32>
    %mul3A_544 = arith.constant 5.000000e-01 : f32
    %mul3A_545 = vector.broadcast %mul3A_544 : f32 to vector<384x1xf32>
    %mul3A_546 = arith.mulf %concatenate3A_486, %mul3A_545 : vector<384x1xf32>
    %sub3A_547 = arith.subf %concatenate3A_484, %mul3A_546 : vector<384x1xf32>
    %mul3A_548 = arith.constant 5.000000e-01 : f32
    %mul3A_549 = vector.broadcast %mul3A_548 : f32 to vector<384x1xf32>
    %mul3A_550 = arith.mulf %concatenate3A_486, %mul3A_549 : vector<384x1xf32>
    %add3A_551 = arith.addf %concatenate3A_484, %mul3A_550 : vector<384x1xf32>
    %min3A_552 = arith.minimumf %add3A_527, %add3A_543 : vector<384x1xf32>
    %max3A_553 = arith.maximumf %sub3A_523, %sub3A_539 : vector<384x1xf32>
    %sub3A_554 = arith.subf %min3A_552, %max3A_553 : vector<384x1xf32>
    %max3A_555 = arith.constant 0.000000e+00 : f32
    %max3A_556 = vector.broadcast %max3A_555 : f32 to vector<384x1xf32>
    %max3A_557 = arith.maximumf %sub3A_554, %max3A_556 : vector<384x1xf32>
    %min3A_558 = arith.minimumf %add3A_535, %add3A_551 : vector<384x1xf32>
    %max3A_559 = arith.maximumf %sub3A_531, %sub3A_547 : vector<384x1xf32>
    %sub3A_560 = arith.subf %min3A_558, %max3A_559 : vector<384x1xf32>
    %max3A_561 = arith.constant 0.000000e+00 : f32
    %max3A_562 = vector.broadcast %max3A_561 : f32 to vector<384x1xf32>
    %max3A_563 = arith.maximumf %sub3A_560, %max3A_562 : vector<384x1xf32>
    %mul3A_564 = arith.mulf %max3A_557, %max3A_563 : vector<384x1xf32>
    %sub3A_565 = arith.subf %add3A_527, %sub3A_523 : vector<384x1xf32>
    %sub3A_566 = arith.subf %add3A_535, %sub3A_531 : vector<384x1xf32>
    %sub3A_567 = arith.subf %add3A_543, %sub3A_539 : vector<384x1xf32>
    %sub3A_568 = arith.subf %add3A_551, %sub3A_547 : vector<384x1xf32>
    %mul3A_569 = arith.mulf %sub3A_565, %sub3A_566 : vector<384x1xf32>
    %mul3A_570 = arith.mulf %sub3A_567, %sub3A_568 : vector<384x1xf32>
    %add3A_571 = arith.addf %mul3A_569, %mul3A_570 : vector<384x1xf32>
    %sub3A_572 = arith.subf %add3A_571, %mul3A_564 : vector<384x1xf32>
    %add3A_573 = arith.constant 9.99999971E-10 : f32
    %add3A_574 = vector.broadcast %add3A_573 : f32 to vector<384x1xf32>
    %add3A_575 = arith.addf %sub3A_572, %add3A_574 : vector<384x1xf32>
    %div3A_576 = arith.divf %mul3A_564, %add3A_575 : vector<384x1xf32>
    %sub3A_577 = arith.constant 1.000000e+00 : f32
    %sub3A_578 = vector.broadcast %sub3A_577 : f32 to vector<384x1xf32>
    %sub3A_579 = arith.subf %sub3A_578, %div3A_576 : vector<384x1xf32>
    %mul3A_580 = arith.mulf %concatenate3A_481, %sub3A_579 : vector<384x1xf32>
    %reduce_sum3A_581 = vector.shape_cast %mul3A_580 : vector<384x1xf32> to vector<1x384x1xf32>
    %reduce_sum3A_582 = arith.constant dense<0.000000e+00> : vector<1xf32>
    %reduce_sum3A_583 = vector.multi_reduction <add>, %reduce_sum3A_581, %reduce_sum3A_582 [1, 2] : vector<1x384x1xf32> to vector<1xf32>
    %reduce_sum3A_584 = vector.shape_cast %reduce_sum3A_583 : vector<1xf32> to vector<1x1x1xf32>
    %reduce_sum3A_585 = vector.extract %reduce_sum3A_584[0, 0, 0] : f32 from vector<1x1x1xf32>
    %div3A_586 = arith.divf %reduce_sum3A_585, %max3A_499 : f32
    %add3A_587 = arith.addf %add3A_249, %div3A_586 : f32
    %slice3A_588 = vector.extract_strided_slice %get3A_492 {offsets = [0, 5], sizes = [384, 80], strides = [1, 1]} : vector<384x85xf32> to vector<384x80xf32>
    %iota3A_589 = tpu.iota {dimensions = array<i32: 1>} : vector<384x80xi32>
    %convert_element_type3A_590 = arith.sitofp %iota3A_589 : vector<384x80xi32> to vector<384x80xf32>
    %eq3A_591 = vector.broadcast %concatenate3A_489 : vector<384x1xf32> to vector<384x80xf32>
    %eq3A_592 = arith.cmpf oeq, %convert_element_type3A_590, %eq3A_591 : vector<384x80xf32>
    %convert_element_type3A_593 = arith.extui %eq3A_592 : vector<384x80xi1> to vector<384x80xi32>
    %convert_element_type3A_594 = arith.sitofp %convert_element_type3A_593 : vector<384x80xi32> to vector<384x80xf32>
    %max3A_595 = arith.constant 0.000000e+00 : f32
    %max3A_596 = vector.broadcast %max3A_595 : f32 to vector<384x80xf32>
    %max3A_597 = arith.maximumf %slice3A_588, %max3A_596 : vector<384x80xf32>
    %mul3A_598 = arith.mulf %slice3A_588, %convert_element_type3A_594 : vector<384x80xf32>
    %sub3A_599 = arith.subf %max3A_597, %mul3A_598 : vector<384x80xf32>
    %abs3A_600 = math.absf %slice3A_588 : vector<384x80xf32>
    %neg3A_601 = arith.constant 0.000000e+00 : f32
    %neg3A_602 = vector.broadcast %neg3A_601 : f32 to vector<384x80xf32>
    %neg3A_603 = arith.subf %neg3A_602, %abs3A_600 : vector<384x80xf32>
    %exp3A_604 = math.exp %neg3A_603 : vector<384x80xf32>
    %log1p3A_605 = math.log1p %exp3A_604 : vector<384x80xf32>
    %add3A_606 = arith.addf %sub3A_599, %log1p3A_605 : vector<384x80xf32>
    %mul3A_607 = vector.broadcast %concatenate3A_481 : vector<384x1xf32> to vector<384x80xf32>
    %mul3A_608 = arith.mulf %mul3A_607, %add3A_606 : vector<384x80xf32>
    %reduce_sum3A_609 = vector.shape_cast %mul3A_608 : vector<384x80xf32> to vector<1x384x80xf32>
    %reduce_sum3A_610 = arith.constant dense<0.000000e+00> : vector<1xf32>
    %reduce_sum3A_611 = vector.multi_reduction <add>, %reduce_sum3A_609, %reduce_sum3A_610 [1, 2] : vector<1x384x80xf32> to vector<1xf32>
    %reduce_sum3A_612 = vector.shape_cast %reduce_sum3A_611 : vector<1xf32> to vector<1x1x1xf32>
    %reduce_sum3A_613 = vector.extract %reduce_sum3A_612[0, 0, 0] : f32 from vector<1x1x1xf32>
    %mul3A_614 = arith.constant 8.000000e+01 : f32
    %mul3A_615 = arith.mulf %max3A_499, %mul3A_614 : f32
    %div3A_616 = arith.divf %reduce_sum3A_613, %mul3A_615 : f32
    %add3A_617 = arith.addf %add3A_275, %div3A_616 : f32
    %iota3A_618 = tpu.iota {dimensions = array<i32: 0>} : vector<384x1xi32>
    %convert_element_type3A_619 = arith.sitofp %iota3A_618 : vector<384x1xi32> to vector<384x1xf32>
    %gt3A_620 = arith.constant 0.000000e+00 : f32
    %gt3A_621 = vector.broadcast %gt3A_620 : f32 to vector<384x1xf32>
    %gt3A_622 = arith.cmpf ogt, %concatenate3A_481, %gt3A_621 : vector<384x1xf32>
    %add3A_623 = arith.constant 1.000000e+00 : f32
    %add3A_624 = vector.broadcast %add3A_623 : f32 to vector<384x1xf32>
    %add3A_625 = arith.addf %convert_element_type3A_619, %add3A_624 : vector<384x1xf32>
    %neg3A_626 = arith.constant 0.000000e+00 : f32
    %neg3A_627 = vector.broadcast %neg3A_626 : f32 to vector<384x1xf32>
    %neg3A_628 = arith.subf %neg3A_627, %add3A_625 : vector<384x1xf32>
    %select_n3A_629 = arith.select %gt3A_622, %concatenate3A_482, %neg3A_628 : vector<384x1xi1>, vector<384x1xf32>
    %broadcast_in_dim3A_630 = arith.constant 1.000000e+00 : f32
    %broadcast_in_dim3A_631 = vector.broadcast %broadcast_in_dim3A_630 : f32 to vector<384x1xf32>
    %dot_general3A_632 = arith.constant dense<0.000000e+00> : vector<384x384xf32>
    %dot_general3A_633 = tpu.matmul %broadcast_in_dim3A_631, %select_n3A_629, %dot_general3A_632 {dimension_numbers = #tpu.dot_dimension_numbers<[1], [1], [0], [0], [0, 0, 1, 0], [], []>, precision = #tpu.contract_precision<fp32>, transpose_lhs_hint = false} : vector<384x1xf32>, vector<384x1xf32>, vector<384x384xf32> -> vector<384x384xf32>
    %iota3A_634 = tpu.iota {dimensions = array<i32: 0>} : vector<384x384xi32>
    %iota3A_635 = tpu.iota {dimensions = array<i32: 1>} : vector<384x384xi32>
    %eq3A_636 = vector.broadcast %select_n3A_629 : vector<384x1xf32> to vector<384x384xf32>
    %eq3A_637 = arith.cmpf oeq, %dot_general3A_633, %eq3A_636 : vector<384x384xf32>
    %gt3A_638 = arith.cmpi sgt, %iota3A_635, %iota3A_634 : vector<384x384xi32>
    %and3A_639 = arith.andi %eq3A_637, %gt3A_638 : vector<384x384xi1>
    %jit3A_640 = arith.constant 1.000000e+00 : f32
    %jit3A_641 = arith.constant 0.000000e+00 : f32
    %broadcast_in_dim3A_642 = vector.broadcast %jit3A_640 : f32 to vector<384x384xf32>
    %broadcast_in_dim3A_643 = vector.broadcast %jit3A_641 : f32 to vector<384x384xf32>
    %select_n3A_644 = arith.select %and3A_639, %broadcast_in_dim3A_642, %broadcast_in_dim3A_643 : vector<384x384xi1>, vector<384x384xf32>
    %reduce_max3A_645 = arith.constant dense<0xFF800000> : vector<384xf32>
    %reduce_max3A_646 = vector.multi_reduction <maximumf>, %select_n3A_644, %reduce_max3A_645 [1] : vector<384x384xf32> to vector<384xf32>
    %broadcast_in_dim3A_647 = vector.shape_cast %reduce_max3A_646 : vector<384xf32> to vector<384x1xf32>
    %max3A_648 = arith.constant 0.000000e+00 : f32
    %max3A_649 = vector.broadcast %max3A_648 : f32 to vector<384x1xf32>
    %max3A_650 = arith.maximumf %div3A_576, %max3A_649 : vector<384x1xf32>
    %sub3A_651 = arith.constant 1.000000e+00 : f32
    %sub3A_652 = vector.broadcast %sub3A_651 : f32 to vector<384x1xf32>
    %sub3A_653 = arith.subf %sub3A_652, %broadcast_in_dim3A_647 : vector<384x1xf32>
    %mul3A_654 = arith.mulf %concatenate3A_481, %sub3A_653 : vector<384x1xf32>
    %slice3A_655 = vector.extract_strided_slice %get3A_492 {offsets = [0, 4], sizes = [384, 1], strides = [1, 1]} : vector<384x85xf32> to vector<384x1xf32>
    %mul3A_656 = arith.mulf %mul3A_654, %slice3A_655 : vector<384x1xf32>
    %mul3A_657 = arith.mulf %mul3A_656, %max3A_650 : vector<384x1xf32>
    %reduce_sum3A_658 = vector.shape_cast %mul3A_657 : vector<384x1xf32> to vector<1x384x1xf32>
    %reduce_sum3A_659 = arith.constant dense<0.000000e+00> : vector<1xf32>
    %reduce_sum3A_660 = vector.multi_reduction <add>, %reduce_sum3A_658, %reduce_sum3A_659 [1, 2] : vector<1x384x1xf32> to vector<1xf32>
    %reduce_sum3A_661 = vector.shape_cast %reduce_sum3A_660 : vector<1xf32> to vector<1x1x1xf32>
    %reduce_sum3A_662 = vector.extract %reduce_sum3A_661[0, 0, 0] : f32 from vector<1x1x1xf32>
    %get3A_663 = arith.constant 0 : index
    %get3A_664 = arith.constant 0 : index
    %get3A_665 = vector.load %arg2[%get3A_663, %get3A_664] : memref<1x1xf32, #tpu.memory_space<vmem>>, vector<1x1xf32>
    %get3A_666 = vector.extract %get3A_665[0, 0] : f32 from vector<1x1xf32>
    %sub3A_667 = arith.subf %get3A_666, %reduce_sum3A_662 : f32
    %div3A_668 = arith.constant 6.931200e+04 : f32
    %div3A_669 = arith.divf %sub3A_667, %div3A_668 : f32
    %add3A_670 = arith.addf %add3A_324, %div3A_669 : f32
    %slice3A_671 = vector.extract_strided_slice %get3A_1 {offsets = [0, 0], sizes = [128, 1], strides = [1, 1]} : vector<128x6xf32> to vector<128x1xf32>
    %slice3A_672 = vector.extract_strided_slice %get3A_1 {offsets = [0, 1], sizes = [128, 1], strides = [1, 1]} : vector<128x6xf32> to vector<128x1xf32>
    %slice3A_673 = vector.extract_strided_slice %get3A_1 {offsets = [0, 2], sizes = [128, 1], strides = [1, 1]} : vector<128x6xf32> to vector<128x1xf32>
    %mul3A_674 = arith.constant 7.600000e+01 : f32
    %mul3A_675 = vector.broadcast %mul3A_674 : f32 to vector<128x1xf32>
    %mul3A_676 = arith.mulf %slice3A_673, %mul3A_675 : vector<128x1xf32>
    %slice3A_677 = vector.extract_strided_slice %get3A_1 {offsets = [0, 3], sizes = [128, 1], strides = [1, 1]} : vector<128x6xf32> to vector<128x1xf32>
    %mul3A_678 = arith.constant 7.600000e+01 : f32
    %mul3A_679 = vector.broadcast %mul3A_678 : f32 to vector<128x1xf32>
    %mul3A_680 = arith.mulf %slice3A_677, %mul3A_679 : vector<128x1xf32>
    %slice3A_681 = vector.extract_strided_slice %get3A_1 {offsets = [0, 4], sizes = [128, 1], strides = [1, 1]} : vector<128x6xf32> to vector<128x1xf32>
    %mul3A_682 = arith.constant 7.600000e+01 : f32
    %mul3A_683 = vector.broadcast %mul3A_682 : f32 to vector<128x1xf32>
    %mul3A_684 = arith.mulf %slice3A_681, %mul3A_683 : vector<128x1xf32>
    %slice3A_685 = vector.extract_strided_slice %get3A_1 {offsets = [0, 5], sizes = [128, 1], strides = [1, 1]} : vector<128x6xf32> to vector<128x1xf32>
    %mul3A_686 = arith.constant 7.600000e+01 : f32
    %mul3A_687 = vector.broadcast %mul3A_686 : f32 to vector<128x1xf32>
    %mul3A_688 = arith.mulf %slice3A_685, %mul3A_687 : vector<128x1xf32>
    %floor3A_689 = math.floor %mul3A_676 : vector<128x1xf32>
    %floor3A_690 = math.floor %mul3A_680 : vector<128x1xf32>
    %jit3A_691 = arith.constant 0.000000e+00 : f32
    %jit3A_692 = arith.constant 7.500000e+01 : f32
    %max3A_693 = vector.broadcast %jit3A_691 : f32 to vector<128x1xf32>
    %max3A_694 = arith.maximumf %max3A_693, %floor3A_689 : vector<128x1xf32>
    %min3A_695 = vector.broadcast %jit3A_692 : f32 to vector<128x1xf32>
    %min3A_696 = arith.minimumf %min3A_695, %max3A_694 : vector<128x1xf32>
    %jit3A_697 = arith.constant 0.000000e+00 : f32
    %jit3A_698 = arith.constant 7.500000e+01 : f32
    %max3A_699 = vector.broadcast %jit3A_697 : f32 to vector<128x1xf32>
    %max3A_700 = arith.maximumf %max3A_699, %floor3A_690 : vector<128x1xf32>
    %min3A_701 = vector.broadcast %jit3A_698 : f32 to vector<128x1xf32>
    %min3A_702 = arith.minimumf %min3A_701, %max3A_700 : vector<128x1xf32>
    %sub3A_703 = arith.subf %mul3A_676, %floor3A_689 : vector<128x1xf32>
    %sub3A_704 = arith.subf %mul3A_680, %floor3A_690 : vector<128x1xf32>
    %broadcast_in_dim3A_705 = arith.constant 1.000000e+00 : f32
    %broadcast_in_dim3A_706 = vector.broadcast %broadcast_in_dim3A_705 : f32 to vector<128x1xf32>
    %div3A_707 = arith.constant 1.250000e+00 : f32
    %div3A_708 = vector.broadcast %div3A_707 : f32 to vector<128x1xf32>
    %div3A_709 = arith.divf %mul3A_684, %div3A_708 : vector<128x1xf32>
    %div3A_710 = arith.constant 1.625000e+00 : f32
    %div3A_711 = vector.broadcast %div3A_710 : f32 to vector<128x1xf32>
    %div3A_712 = arith.divf %mul3A_688, %div3A_711 : vector<128x1xf32>
    %div3A_713 = arith.constant 1.000000e+00 : f32
    %div3A_714 = vector.broadcast %div3A_713 : f32 to vector<128x1xf32>
    %div3A_715 = arith.divf %div3A_714, %div3A_709 : vector<128x1xf32>
    %max3A_716 = arith.maximumf %div3A_709, %div3A_715 : vector<128x1xf32>
    %div3A_717 = arith.constant 1.000000e+00 : f32
    %div3A_718 = vector.broadcast %div3A_717 : f32 to vector<128x1xf32>
    %div3A_719 = arith.divf %div3A_718, %div3A_712 : vector<128x1xf32>
    %max3A_720 = arith.maximumf %div3A_712, %div3A_719 : vector<128x1xf32>
    %max3A_721 = arith.maximumf %max3A_716, %max3A_720 : vector<128x1xf32>
    %lt3A_722 = arith.constant 4.000000e+00 : f32
    %lt3A_723 = vector.broadcast %lt3A_722 : f32 to vector<128x1xf32>
    %lt3A_724 = arith.cmpf olt, %max3A_721, %lt3A_723 : vector<128x1xf32>
    %convert_element_type3A_725 = arith.extui %lt3A_724 : vector<128x1xi1> to vector<128x1xi32>
    %convert_element_type3A_726 = arith.sitofp %convert_element_type3A_725 : vector<128x1xi32> to vector<128x1xf32>
    %mul3A_727 = arith.constant 3.000000e+00 : f32
    %mul3A_728 = vector.broadcast %mul3A_727 : f32 to vector<128x1xf32>
    %mul3A_729 = arith.mulf %slice3A_671, %mul3A_728 : vector<128x1xf32>
    %add3A_730 = arith.constant 0.000000e+00 : f32
    %add3A_731 = vector.broadcast %add3A_730 : f32 to vector<128x1xf32>
    %add3A_732 = arith.addf %mul3A_729, %add3A_731 : vector<128x1xf32>
    %mul3A_733 = arith.constant 7.600000e+01 : f32
    %mul3A_734 = vector.broadcast %mul3A_733 : f32 to vector<128x1xf32>
    %mul3A_735 = arith.mulf %add3A_732, %mul3A_734 : vector<128x1xf32>
    %add3A_736 = arith.addf %mul3A_735, %min3A_702 : vector<128x1xf32>
    %mul3A_737 = arith.constant 7.600000e+01 : f32
    %mul3A_738 = vector.broadcast %mul3A_737 : f32 to vector<128x1xf32>
    %mul3A_739 = arith.mulf %add3A_736, %mul3A_738 : vector<128x1xf32>
    %add3A_740 = arith.addf %mul3A_739, %min3A_696 : vector<128x1xf32>
    %mul3A_741 = arith.constant 1.250000e+00 : f32
    %mul3A_742 = vector.broadcast %mul3A_741 : f32 to vector<128x1xf32>
    %mul3A_743 = arith.mulf %mul3A_742, %broadcast_in_dim3A_706 : vector<128x1xf32>
    %mul3A_744 = arith.constant 1.625000e+00 : f32
    %mul3A_745 = vector.broadcast %mul3A_744 : f32 to vector<128x1xf32>
    %mul3A_746 = arith.mulf %mul3A_745, %broadcast_in_dim3A_706 : vector<128x1xf32>
    %div3A_747 = arith.constant 2.000000e+00 : f32
    %div3A_748 = vector.broadcast %div3A_747 : f32 to vector<128x1xf32>
    %div3A_749 = arith.divf %mul3A_684, %div3A_748 : vector<128x1xf32>
    %div3A_750 = arith.constant 3.750000e+00 : f32
    %div3A_751 = vector.broadcast %div3A_750 : f32 to vector<128x1xf32>
    %div3A_752 = arith.divf %mul3A_688, %div3A_751 : vector<128x1xf32>
    %div3A_753 = arith.constant 1.000000e+00 : f32
    %div3A_754 = vector.broadcast %div3A_753 : f32 to vector<128x1xf32>
    %div3A_755 = arith.divf %div3A_754, %div3A_749 : vector<128x1xf32>
    %max3A_756 = arith.maximumf %div3A_749, %div3A_755 : vector<128x1xf32>
    %div3A_757 = arith.constant 1.000000e+00 : f32
    %div3A_758 = vector.broadcast %div3A_757 : f32 to vector<128x1xf32>
    %div3A_759 = arith.divf %div3A_758, %div3A_752 : vector<128x1xf32>
    %max3A_760 = arith.maximumf %div3A_752, %div3A_759 : vector<128x1xf32>
    %max3A_761 = arith.maximumf %max3A_756, %max3A_760 : vector<128x1xf32>
    %lt3A_762 = arith.constant 4.000000e+00 : f32
    %lt3A_763 = vector.broadcast %lt3A_762 : f32 to vector<128x1xf32>
    %lt3A_764 = arith.cmpf olt, %max3A_761, %lt3A_763 : vector<128x1xf32>
    %convert_element_type3A_765 = arith.extui %lt3A_764 : vector<128x1xi1> to vector<128x1xi32>
    %convert_element_type3A_766 = arith.sitofp %convert_element_type3A_765 : vector<128x1xi32> to vector<128x1xf32>
    %mul3A_767 = arith.constant 3.000000e+00 : f32
    %mul3A_768 = vector.broadcast %mul3A_767 : f32 to vector<128x1xf32>
    %mul3A_769 = arith.mulf %slice3A_671, %mul3A_768 : vector<128x1xf32>
    %add3A_770 = arith.constant 1.000000e+00 : f32
    %add3A_771 = vector.broadcast %add3A_770 : f32 to vector<128x1xf32>
    %add3A_772 = arith.addf %mul3A_769, %add3A_771 : vector<128x1xf32>
    %mul3A_773 = arith.constant 7.600000e+01 : f32
    %mul3A_774 = vector.broadcast %mul3A_773 : f32 to vector<128x1xf32>
    %mul3A_775 = arith.mulf %add3A_772, %mul3A_774 : vector<128x1xf32>
    %add3A_776 = arith.addf %mul3A_775, %min3A_702 : vector<128x1xf32>
    %mul3A_777 = arith.constant 7.600000e+01 : f32
    %mul3A_778 = vector.broadcast %mul3A_777 : f32 to vector<128x1xf32>
    %mul3A_779 = arith.mulf %add3A_776, %mul3A_778 : vector<128x1xf32>
    %add3A_780 = arith.addf %mul3A_779, %min3A_696 : vector<128x1xf32>
    %mul3A_781 = arith.constant 2.000000e+00 : f32
    %mul3A_782 = vector.broadcast %mul3A_781 : f32 to vector<128x1xf32>
    %mul3A_783 = arith.mulf %mul3A_782, %broadcast_in_dim3A_706 : vector<128x1xf32>
    %mul3A_784 = arith.constant 3.750000e+00 : f32
    %mul3A_785 = vector.broadcast %mul3A_784 : f32 to vector<128x1xf32>
    %mul3A_786 = arith.mulf %mul3A_785, %broadcast_in_dim3A_706 : vector<128x1xf32>
    %div3A_787 = arith.constant 4.125000e+00 : f32
    %div3A_788 = vector.broadcast %div3A_787 : f32 to vector<128x1xf32>
    %div3A_789 = arith.divf %mul3A_684, %div3A_788 : vector<128x1xf32>
    %div3A_790 = arith.constant 2.875000e+00 : f32
    %div3A_791 = vector.broadcast %div3A_790 : f32 to vector<128x1xf32>
    %div3A_792 = arith.divf %mul3A_688, %div3A_791 : vector<128x1xf32>
    %div3A_793 = arith.constant 1.000000e+00 : f32
    %div3A_794 = vector.broadcast %div3A_793 : f32 to vector<128x1xf32>
    %div3A_795 = arith.divf %div3A_794, %div3A_789 : vector<128x1xf32>
    %max3A_796 = arith.maximumf %div3A_789, %div3A_795 : vector<128x1xf32>
    %div3A_797 = arith.constant 1.000000e+00 : f32
    %div3A_798 = vector.broadcast %div3A_797 : f32 to vector<128x1xf32>
    %div3A_799 = arith.divf %div3A_798, %div3A_792 : vector<128x1xf32>
    %max3A_800 = arith.maximumf %div3A_792, %div3A_799 : vector<128x1xf32>
    %max3A_801 = arith.maximumf %max3A_796, %max3A_800 : vector<128x1xf32>
    %lt3A_802 = arith.constant 4.000000e+00 : f32
    %lt3A_803 = vector.broadcast %lt3A_802 : f32 to vector<128x1xf32>
    %lt3A_804 = arith.cmpf olt, %max3A_801, %lt3A_803 : vector<128x1xf32>
    %convert_element_type3A_805 = arith.extui %lt3A_804 : vector<128x1xi1> to vector<128x1xi32>
    %convert_element_type3A_806 = arith.sitofp %convert_element_type3A_805 : vector<128x1xi32> to vector<128x1xf32>
    %mul3A_807 = arith.constant 3.000000e+00 : f32
    %mul3A_808 = vector.broadcast %mul3A_807 : f32 to vector<128x1xf32>
    %mul3A_809 = arith.mulf %slice3A_671, %mul3A_808 : vector<128x1xf32>
    %add3A_810 = arith.constant 2.000000e+00 : f32
    %add3A_811 = vector.broadcast %add3A_810 : f32 to vector<128x1xf32>
    %add3A_812 = arith.addf %mul3A_809, %add3A_811 : vector<128x1xf32>
    %mul3A_813 = arith.constant 7.600000e+01 : f32
    %mul3A_814 = vector.broadcast %mul3A_813 : f32 to vector<128x1xf32>
    %mul3A_815 = arith.mulf %add3A_812, %mul3A_814 : vector<128x1xf32>
    %add3A_816 = arith.addf %mul3A_815, %min3A_702 : vector<128x1xf32>
    %mul3A_817 = arith.constant 7.600000e+01 : f32
    %mul3A_818 = vector.broadcast %mul3A_817 : f32 to vector<128x1xf32>
    %mul3A_819 = arith.mulf %add3A_816, %mul3A_818 : vector<128x1xf32>
    %add3A_820 = arith.addf %mul3A_819, %min3A_696 : vector<128x1xf32>
    %mul3A_821 = arith.constant 4.125000e+00 : f32
    %mul3A_822 = vector.broadcast %mul3A_821 : f32 to vector<128x1xf32>
    %mul3A_823 = arith.mulf %mul3A_822, %broadcast_in_dim3A_706 : vector<128x1xf32>
    %mul3A_824 = arith.constant 2.875000e+00 : f32
    %mul3A_825 = vector.broadcast %mul3A_824 : f32 to vector<128x1xf32>
    %mul3A_826 = arith.mulf %mul3A_825, %broadcast_in_dim3A_706 : vector<128x1xf32>
    %concatenate3A_827 = tpu.concatenate %convert_element_type3A_726, %convert_element_type3A_766, %convert_element_type3A_806 in 0 : vector<128x1xf32>, vector<128x1xf32>, vector<128x1xf32> -> vector<384x1xf32>
    %concatenate3A_828 = tpu.concatenate %add3A_740, %add3A_780, %add3A_820 in 0 : vector<128x1xf32>, vector<128x1xf32>, vector<128x1xf32> -> vector<384x1xf32>
    %concatenate3A_829 = tpu.concatenate %sub3A_703, %sub3A_703, %sub3A_703 in 0 : vector<128x1xf32>, vector<128x1xf32>, vector<128x1xf32> -> vector<384x1xf32>
    %concatenate3A_830 = tpu.concatenate %sub3A_704, %sub3A_704, %sub3A_704 in 0 : vector<128x1xf32>, vector<128x1xf32>, vector<128x1xf32> -> vector<384x1xf32>
    %concatenate3A_831 = tpu.concatenate %mul3A_684, %mul3A_684, %mul3A_684 in 0 : vector<128x1xf32>, vector<128x1xf32>, vector<128x1xf32> -> vector<384x1xf32>
    %concatenate3A_832 = tpu.concatenate %mul3A_688, %mul3A_688, %mul3A_688 in 0 : vector<128x1xf32>, vector<128x1xf32>, vector<128x1xf32> -> vector<384x1xf32>
    %concatenate3A_833 = tpu.concatenate %mul3A_743, %mul3A_783, %mul3A_823 in 0 : vector<128x1xf32>, vector<128x1xf32>, vector<128x1xf32> -> vector<384x1xf32>
    %concatenate3A_834 = tpu.concatenate %mul3A_746, %mul3A_786, %mul3A_826 in 0 : vector<128x1xf32>, vector<128x1xf32>, vector<128x1xf32> -> vector<384x1xf32>
    %concatenate3A_835 = tpu.concatenate %slice3A_672, %slice3A_672, %slice3A_672 in 0 : vector<128x1xf32>, vector<128x1xf32>, vector<128x1xf32> -> vector<384x1xf32>
    %get3A_836 = arith.constant 0 : index
    %get3A_837 = arith.constant 0 : index
    %get3A_838 = vector.load %arg6[%get3A_836, %get3A_837] : memref<512x85xf32, #tpu.memory_space<vmem>>, vector<384x85xf32>
    %reduce_sum3A_839 = vector.shape_cast %concatenate3A_827 : vector<384x1xf32> to vector<1x384x1xf32>
    %reduce_sum3A_840 = arith.constant dense<0.000000e+00> : vector<1xf32>
    %reduce_sum3A_841 = vector.multi_reduction <add>, %reduce_sum3A_839, %reduce_sum3A_840 [1, 2] : vector<1x384x1xf32> to vector<1xf32>
    %reduce_sum3A_842 = vector.shape_cast %reduce_sum3A_841 : vector<1xf32> to vector<1x1x1xf32>
    %reduce_sum3A_843 = vector.extract %reduce_sum3A_842[0, 0, 0] : f32 from vector<1x1x1xf32>
    %max3A_844 = arith.constant 1.000000e+00 : f32
    %max3A_845 = arith.maximumf %reduce_sum3A_843, %max3A_844 : f32
    %slice3A_846 = vector.extract_strided_slice %get3A_838 {offsets = [0, 0], sizes = [384, 1], strides = [1, 1]} : vector<384x85xf32> to vector<384x1xf32>
    %logistic3A_847 = arith.negf %slice3A_846 : vector<384x1xf32>
    %logistic3A_848 = math.exp %logistic3A_847 : vector<384x1xf32>
    %logistic3A_849 = arith.constant 1.000000e+00 : f32
    %logistic3A_850 = vector.broadcast %logistic3A_849 : f32 to vector<384x1xf32>
    %logistic3A_851 = arith.addf %logistic3A_850, %logistic3A_848 : vector<384x1xf32>
    %logistic3A_852 = arith.divf %logistic3A_850, %logistic3A_851 : vector<384x1xf32>
    %slice3A_853 = vector.extract_strided_slice %get3A_838 {offsets = [0, 1], sizes = [384, 1], strides = [1, 1]} : vector<384x85xf32> to vector<384x1xf32>
    %logistic3A_854 = arith.negf %slice3A_853 : vector<384x1xf32>
    %logistic3A_855 = math.exp %logistic3A_854 : vector<384x1xf32>
    %logistic3A_856 = arith.constant 1.000000e+00 : f32
    %logistic3A_857 = vector.broadcast %logistic3A_856 : f32 to vector<384x1xf32>
    %logistic3A_858 = arith.addf %logistic3A_857, %logistic3A_855 : vector<384x1xf32>
    %logistic3A_859 = arith.divf %logistic3A_857, %logistic3A_858 : vector<384x1xf32>
    %slice3A_860 = vector.extract_strided_slice %get3A_838 {offsets = [0, 2], sizes = [384, 1], strides = [1, 1]} : vector<384x85xf32> to vector<384x1xf32>
    %exp3A_861 = math.exp %slice3A_860 : vector<384x1xf32>
    %mul3A_862 = arith.mulf %exp3A_861, %concatenate3A_833 : vector<384x1xf32>
    %slice3A_863 = vector.extract_strided_slice %get3A_838 {offsets = [0, 3], sizes = [384, 1], strides = [1, 1]} : vector<384x85xf32> to vector<384x1xf32>
    %exp3A_864 = math.exp %slice3A_863 : vector<384x1xf32>
    %mul3A_865 = arith.mulf %exp3A_864, %concatenate3A_834 : vector<384x1xf32>
    %mul3A_866 = arith.constant 5.000000e-01 : f32
    %mul3A_867 = vector.broadcast %mul3A_866 : f32 to vector<384x1xf32>
    %mul3A_868 = arith.mulf %mul3A_862, %mul3A_867 : vector<384x1xf32>
    %sub3A_869 = arith.subf %logistic3A_852, %mul3A_868 : vector<384x1xf32>
    %mul3A_870 = arith.constant 5.000000e-01 : f32
    %mul3A_871 = vector.broadcast %mul3A_870 : f32 to vector<384x1xf32>
    %mul3A_872 = arith.mulf %mul3A_862, %mul3A_871 : vector<384x1xf32>
    %add3A_873 = arith.addf %logistic3A_852, %mul3A_872 : vector<384x1xf32>
    %mul3A_874 = arith.constant 5.000000e-01 : f32
    %mul3A_875 = vector.broadcast %mul3A_874 : f32 to vector<384x1xf32>
    %mul3A_876 = arith.mulf %mul3A_865, %mul3A_875 : vector<384x1xf32>
    %sub3A_877 = arith.subf %logistic3A_859, %mul3A_876 : vector<384x1xf32>
    %mul3A_878 = arith.constant 5.000000e-01 : f32
    %mul3A_879 = vector.broadcast %mul3A_878 : f32 to vector<384x1xf32>
    %mul3A_880 = arith.mulf %mul3A_865, %mul3A_879 : vector<384x1xf32>
    %add3A_881 = arith.addf %logistic3A_859, %mul3A_880 : vector<384x1xf32>
    %mul3A_882 = arith.constant 5.000000e-01 : f32
    %mul3A_883 = vector.broadcast %mul3A_882 : f32 to vector<384x1xf32>
    %mul3A_884 = arith.mulf %concatenate3A_831, %mul3A_883 : vector<384x1xf32>
    %sub3A_885 = arith.subf %concatenate3A_829, %mul3A_884 : vector<384x1xf32>
    %mul3A_886 = arith.constant 5.000000e-01 : f32
    %mul3A_887 = vector.broadcast %mul3A_886 : f32 to vector<384x1xf32>
    %mul3A_888 = arith.mulf %concatenate3A_831, %mul3A_887 : vector<384x1xf32>
    %add3A_889 = arith.addf %concatenate3A_829, %mul3A_888 : vector<384x1xf32>
    %mul3A_890 = arith.constant 5.000000e-01 : f32
    %mul3A_891 = vector.broadcast %mul3A_890 : f32 to vector<384x1xf32>
    %mul3A_892 = arith.mulf %concatenate3A_832, %mul3A_891 : vector<384x1xf32>
    %sub3A_893 = arith.subf %concatenate3A_830, %mul3A_892 : vector<384x1xf32>
    %mul3A_894 = arith.constant 5.000000e-01 : f32
    %mul3A_895 = vector.broadcast %mul3A_894 : f32 to vector<384x1xf32>
    %mul3A_896 = arith.mulf %concatenate3A_832, %mul3A_895 : vector<384x1xf32>
    %add3A_897 = arith.addf %concatenate3A_830, %mul3A_896 : vector<384x1xf32>
    %min3A_898 = arith.minimumf %add3A_873, %add3A_889 : vector<384x1xf32>
    %max3A_899 = arith.maximumf %sub3A_869, %sub3A_885 : vector<384x1xf32>
    %sub3A_900 = arith.subf %min3A_898, %max3A_899 : vector<384x1xf32>
    %max3A_901 = arith.constant 0.000000e+00 : f32
    %max3A_902 = vector.broadcast %max3A_901 : f32 to vector<384x1xf32>
    %max3A_903 = arith.maximumf %sub3A_900, %max3A_902 : vector<384x1xf32>
    %min3A_904 = arith.minimumf %add3A_881, %add3A_897 : vector<384x1xf32>
    %max3A_905 = arith.maximumf %sub3A_877, %sub3A_893 : vector<384x1xf32>
    %sub3A_906 = arith.subf %min3A_904, %max3A_905 : vector<384x1xf32>
    %max3A_907 = arith.constant 0.000000e+00 : f32
    %max3A_908 = vector.broadcast %max3A_907 : f32 to vector<384x1xf32>
    %max3A_909 = arith.maximumf %sub3A_906, %max3A_908 : vector<384x1xf32>
    %mul3A_910 = arith.mulf %max3A_903, %max3A_909 : vector<384x1xf32>
    %sub3A_911 = arith.subf %add3A_873, %sub3A_869 : vector<384x1xf32>
    %sub3A_912 = arith.subf %add3A_881, %sub3A_877 : vector<384x1xf32>
    %sub3A_913 = arith.subf %add3A_889, %sub3A_885 : vector<384x1xf32>
    %sub3A_914 = arith.subf %add3A_897, %sub3A_893 : vector<384x1xf32>
    %mul3A_915 = arith.mulf %sub3A_911, %sub3A_912 : vector<384x1xf32>
    %mul3A_916 = arith.mulf %sub3A_913, %sub3A_914 : vector<384x1xf32>
    %add3A_917 = arith.addf %mul3A_915, %mul3A_916 : vector<384x1xf32>
    %sub3A_918 = arith.subf %add3A_917, %mul3A_910 : vector<384x1xf32>
    %add3A_919 = arith.constant 9.99999971E-10 : f32
    %add3A_920 = vector.broadcast %add3A_919 : f32 to vector<384x1xf32>
    %add3A_921 = arith.addf %sub3A_918, %add3A_920 : vector<384x1xf32>
    %div3A_922 = arith.divf %mul3A_910, %add3A_921 : vector<384x1xf32>
    %sub3A_923 = arith.constant 1.000000e+00 : f32
    %sub3A_924 = vector.broadcast %sub3A_923 : f32 to vector<384x1xf32>
    %sub3A_925 = arith.subf %sub3A_924, %div3A_922 : vector<384x1xf32>
    %mul3A_926 = arith.mulf %concatenate3A_827, %sub3A_925 : vector<384x1xf32>
    %reduce_sum3A_927 = vector.shape_cast %mul3A_926 : vector<384x1xf32> to vector<1x384x1xf32>
    %reduce_sum3A_928 = arith.constant dense<0.000000e+00> : vector<1xf32>
    %reduce_sum3A_929 = vector.multi_reduction <add>, %reduce_sum3A_927, %reduce_sum3A_928 [1, 2] : vector<1x384x1xf32> to vector<1xf32>
    %reduce_sum3A_930 = vector.shape_cast %reduce_sum3A_929 : vector<1xf32> to vector<1x1x1xf32>
    %reduce_sum3A_931 = vector.extract %reduce_sum3A_930[0, 0, 0] : f32 from vector<1x1x1xf32>
    %div3A_932 = arith.divf %reduce_sum3A_931, %max3A_845 : f32
    %add3A_933 = arith.addf %add3A_587, %div3A_932 : f32
    %slice3A_934 = vector.extract_strided_slice %get3A_838 {offsets = [0, 5], sizes = [384, 80], strides = [1, 1]} : vector<384x85xf32> to vector<384x80xf32>
    %iota3A_935 = tpu.iota {dimensions = array<i32: 1>} : vector<384x80xi32>
    %convert_element_type3A_936 = arith.sitofp %iota3A_935 : vector<384x80xi32> to vector<384x80xf32>
    %eq3A_937 = vector.broadcast %concatenate3A_835 : vector<384x1xf32> to vector<384x80xf32>
    %eq3A_938 = arith.cmpf oeq, %convert_element_type3A_936, %eq3A_937 : vector<384x80xf32>
    %convert_element_type3A_939 = arith.extui %eq3A_938 : vector<384x80xi1> to vector<384x80xi32>
    %convert_element_type3A_940 = arith.sitofp %convert_element_type3A_939 : vector<384x80xi32> to vector<384x80xf32>
    %max3A_941 = arith.constant 0.000000e+00 : f32
    %max3A_942 = vector.broadcast %max3A_941 : f32 to vector<384x80xf32>
    %max3A_943 = arith.maximumf %slice3A_934, %max3A_942 : vector<384x80xf32>
    %mul3A_944 = arith.mulf %slice3A_934, %convert_element_type3A_940 : vector<384x80xf32>
    %sub3A_945 = arith.subf %max3A_943, %mul3A_944 : vector<384x80xf32>
    %abs3A_946 = math.absf %slice3A_934 : vector<384x80xf32>
    %neg3A_947 = arith.constant 0.000000e+00 : f32
    %neg3A_948 = vector.broadcast %neg3A_947 : f32 to vector<384x80xf32>
    %neg3A_949 = arith.subf %neg3A_948, %abs3A_946 : vector<384x80xf32>
    %exp3A_950 = math.exp %neg3A_949 : vector<384x80xf32>
    %log1p3A_951 = math.log1p %exp3A_950 : vector<384x80xf32>
    %add3A_952 = arith.addf %sub3A_945, %log1p3A_951 : vector<384x80xf32>
    %mul3A_953 = vector.broadcast %concatenate3A_827 : vector<384x1xf32> to vector<384x80xf32>
    %mul3A_954 = arith.mulf %mul3A_953, %add3A_952 : vector<384x80xf32>
    %reduce_sum3A_955 = vector.shape_cast %mul3A_954 : vector<384x80xf32> to vector<1x384x80xf32>
    %reduce_sum3A_956 = arith.constant dense<0.000000e+00> : vector<1xf32>
    %reduce_sum3A_957 = vector.multi_reduction <add>, %reduce_sum3A_955, %reduce_sum3A_956 [1, 2] : vector<1x384x80xf32> to vector<1xf32>
    %reduce_sum3A_958 = vector.shape_cast %reduce_sum3A_957 : vector<1xf32> to vector<1x1x1xf32>
    %reduce_sum3A_959 = vector.extract %reduce_sum3A_958[0, 0, 0] : f32 from vector<1x1x1xf32>
    %mul3A_960 = arith.constant 8.000000e+01 : f32
    %mul3A_961 = arith.mulf %max3A_845, %mul3A_960 : f32
    %div3A_962 = arith.divf %reduce_sum3A_959, %mul3A_961 : f32
    %add3A_963 = arith.addf %add3A_617, %div3A_962 : f32
    %iota3A_964 = tpu.iota {dimensions = array<i32: 0>} : vector<384x1xi32>
    %convert_element_type3A_965 = arith.sitofp %iota3A_964 : vector<384x1xi32> to vector<384x1xf32>
    %gt3A_966 = arith.constant 0.000000e+00 : f32
    %gt3A_967 = vector.broadcast %gt3A_966 : f32 to vector<384x1xf32>
    %gt3A_968 = arith.cmpf ogt, %concatenate3A_827, %gt3A_967 : vector<384x1xf32>
    %add3A_969 = arith.constant 1.000000e+00 : f32
    %add3A_970 = vector.broadcast %add3A_969 : f32 to vector<384x1xf32>
    %add3A_971 = arith.addf %convert_element_type3A_965, %add3A_970 : vector<384x1xf32>
    %neg3A_972 = arith.constant 0.000000e+00 : f32
    %neg3A_973 = vector.broadcast %neg3A_972 : f32 to vector<384x1xf32>
    %neg3A_974 = arith.subf %neg3A_973, %add3A_971 : vector<384x1xf32>
    %select_n3A_975 = arith.select %gt3A_968, %concatenate3A_828, %neg3A_974 : vector<384x1xi1>, vector<384x1xf32>
    %broadcast_in_dim3A_976 = arith.constant 1.000000e+00 : f32
    %broadcast_in_dim3A_977 = vector.broadcast %broadcast_in_dim3A_976 : f32 to vector<384x1xf32>
    %dot_general3A_978 = arith.constant dense<0.000000e+00> : vector<384x384xf32>
    %dot_general3A_979 = tpu.matmul %broadcast_in_dim3A_977, %select_n3A_975, %dot_general3A_978 {dimension_numbers = #tpu.dot_dimension_numbers<[1], [1], [0], [0], [0, 0, 1, 0], [], []>, precision = #tpu.contract_precision<fp32>, transpose_lhs_hint = false} : vector<384x1xf32>, vector<384x1xf32>, vector<384x384xf32> -> vector<384x384xf32>
    %iota3A_980 = tpu.iota {dimensions = array<i32: 0>} : vector<384x384xi32>
    %iota3A_981 = tpu.iota {dimensions = array<i32: 1>} : vector<384x384xi32>
    %eq3A_982 = vector.broadcast %select_n3A_975 : vector<384x1xf32> to vector<384x384xf32>
    %eq3A_983 = arith.cmpf oeq, %dot_general3A_979, %eq3A_982 : vector<384x384xf32>
    %gt3A_984 = arith.cmpi sgt, %iota3A_981, %iota3A_980 : vector<384x384xi32>
    %and3A_985 = arith.andi %eq3A_983, %gt3A_984 : vector<384x384xi1>
    %jit3A_986 = arith.constant 1.000000e+00 : f32
    %jit3A_987 = arith.constant 0.000000e+00 : f32
    %broadcast_in_dim3A_988 = vector.broadcast %jit3A_986 : f32 to vector<384x384xf32>
    %broadcast_in_dim3A_989 = vector.broadcast %jit3A_987 : f32 to vector<384x384xf32>
    %select_n3A_990 = arith.select %and3A_985, %broadcast_in_dim3A_988, %broadcast_in_dim3A_989 : vector<384x384xi1>, vector<384x384xf32>
    %reduce_max3A_991 = arith.constant dense<0xFF800000> : vector<384xf32>
    %reduce_max3A_992 = vector.multi_reduction <maximumf>, %select_n3A_990, %reduce_max3A_991 [1] : vector<384x384xf32> to vector<384xf32>
    %broadcast_in_dim3A_993 = vector.shape_cast %reduce_max3A_992 : vector<384xf32> to vector<384x1xf32>
    %max3A_994 = arith.constant 0.000000e+00 : f32
    %max3A_995 = vector.broadcast %max3A_994 : f32 to vector<384x1xf32>
    %max3A_996 = arith.maximumf %div3A_922, %max3A_995 : vector<384x1xf32>
    %sub3A_997 = arith.constant 1.000000e+00 : f32
    %sub3A_998 = vector.broadcast %sub3A_997 : f32 to vector<384x1xf32>
    %sub3A_999 = arith.subf %sub3A_998, %broadcast_in_dim3A_993 : vector<384x1xf32>
    %mul3A_1000 = arith.mulf %concatenate3A_827, %sub3A_999 : vector<384x1xf32>
    %slice3A_1001 = vector.extract_strided_slice %get3A_838 {offsets = [0, 4], sizes = [384, 1], strides = [1, 1]} : vector<384x85xf32> to vector<384x1xf32>
    %mul3A_1002 = arith.mulf %mul3A_1000, %slice3A_1001 : vector<384x1xf32>
    %mul3A_1003 = arith.mulf %mul3A_1002, %max3A_996 : vector<384x1xf32>
    %reduce_sum3A_1004 = vector.shape_cast %mul3A_1003 : vector<384x1xf32> to vector<1x384x1xf32>
    %reduce_sum3A_1005 = arith.constant dense<0.000000e+00> : vector<1xf32>
    %reduce_sum3A_1006 = vector.multi_reduction <add>, %reduce_sum3A_1004, %reduce_sum3A_1005 [1, 2] : vector<1x384x1xf32> to vector<1xf32>
    %reduce_sum3A_1007 = vector.shape_cast %reduce_sum3A_1006 : vector<1xf32> to vector<1x1x1xf32>
    %reduce_sum3A_1008 = vector.extract %reduce_sum3A_1007[0, 0, 0] : f32 from vector<1x1x1xf32>
    %get3A_1009 = arith.constant 0 : index
    %get3A_1010 = arith.constant 0 : index
    %get3A_1011 = vector.load %arg3[%get3A_1009, %get3A_1010] : memref<1x1xf32, #tpu.memory_space<vmem>>, vector<1x1xf32>
    %get3A_1012 = vector.extract %get3A_1011[0, 0] : f32 from vector<1x1xf32>
    %sub3A_1013 = arith.subf %get3A_1012, %reduce_sum3A_1008 : f32
    %div3A_1014 = arith.constant 2.772480e+05 : f32
    %div3A_1015 = arith.divf %sub3A_1013, %div3A_1014 : f32
    %add3A_1016 = arith.addf %add3A_670, %div3A_1015 : f32
    %mul3A_1017 = arith.constant 5.000000e-02 : f32
    %mul3A_1018 = arith.mulf %mul3A_1017, %add3A_963 : f32
    %add3A_1019 = arith.addf %mul3A_1018, %add3A_1016 : f32
    %mul3A_1020 = arith.constant 5.000000e-01 : f32
    %mul3A_1021 = arith.mulf %mul3A_1020, %add3A_933 : f32
    %add3A_1022 = arith.addf %add3A_1019, %mul3A_1021 : f32
    %broadcast_in_dim3A_1023 = vector.broadcast %add3A_1022 : f32 to vector<1x1xf32>
    %swap3A = arith.constant 0 : index
    %swap3A_1024 = arith.constant 0 : index
    %swap3A_1025 = vector.load %arg7[%swap3A, %swap3A_1024] : memref<1x1xf32, #tpu.memory_space<vmem>>, vector<1x1xf32>
    tpu.vector_store %arg7[%swap3A, %swap3A_1024], %broadcast_in_dim3A_1023 {strides = array<i32>} : memref<1x1xf32, #tpu.memory_space<vmem>>, vector<1x1xf32>,
    return
  }
}

</mosaic_0001>

<sc_bundles>
// kernel: kernel.6.cloned.1.call-start
scs
__scs_entry_jumppad:
0x0: {  	(pc) =	sbr.rel $0x88, $3  }
0x1: {  	(tag) =	ssettag $0x0;
	lr =	simm.s32 $0x1  }
0x2: {  	[smem:$0x3F9D] =	sst lr;
	_ =	strace $0xD0000000  }
0x3: {  	_ = 	snop  }
0x4: {  	_ = 	snop  }
0x5: {  	_ = 	snop  }
0x6: {  	_ = 	snop  }
0x7: {  	_ = 	snop  }
__scs_overlays_trampoline_lowered:
0x8: {  	[smem:$0x3FAC] =	sst s0  }
0x9: {  	[smem:$0x3FAD] =	sst s1  }
0xa: {  	[smem:$0x3FAE] =	sst s2  }
0xb: {  	[smem:$0x3FAF] =	sst s3  }
0xc: {  	[smem:$0x3FB0] =	sst s4  }
0xd: {  	[smem:$0x3FB1] =	sst s5  }
0xe: {  	[smem:$0x3FB2] =	sst s6  }
0xf: {  	[smem:$0x3FB3] =	sst s7  }
0x10: {  	[smem:$0x3FB4] =	sst s8  }
0x11: {  	[smem:$0x3FB5] =	sst s9;
	s0 =	simm.s32 @!p0 $0x0  }
0x12: {  	s1 =	sld [smem:$0x3F9B];
	s0 =	simm.s32 @p0 $0x1  }
0x13: {  	[smem:$0x3FB6] =	sst s0;
	s0 =	simm.s32 @!p1 $0x0  }
0x14: {  	s2 =	sld [smem:$0x3F9A];
	s0 =	simm.s32 @p1 $0x1  }
0x15: {  	[smem:$0x3FB7] =	sst s0;
	s0 =	simm.s32 @!p2 $0x0  }
0x16: {  	s3 =	sld [smem:$0x3FDB];
	s0 =	simm.s32 @p2 $0x1  }
0x17: {  	s4 =	simm.s32 $0x1BF5;
	[smem:$0x3FB9] =	sst s0  }
0x18: {  	s0 =	sld [smem:$0x3F9C];
	_ =	swait.ge [sflag:s4], $0x0  }
0x19: {  	s7 =	sld [smem:$0x3F9D]  }
0x1a: {  	s8 =	sadd.s32 $0xFFFFE003, lr  }
0x1b: {  	s9 =	sadd.s32 $0xFFFFFEF7, lr;
	s5 =	simm.s32 $0xFFFFFFFF;
	p2 =	slt.u32 s8, $0xFFFFF086  }
0x1c: {  	p1 =	slt.u32 s9, $0xF7A;
	s5 =	simm.s32 @!p2 $0x0  }
0x1d: {  	s5 =	simm.s32 @p1 $0x1;
	p0 =	seq.s32 s7, s2  }
0x1e: {  	s7 =	smul.u32 @!p0 $0xF7A, s2;
	p2 =	seq.s32 @!p0 s5, $0x0  }
0x1f: {  	s9 =	smul.u32 $0xF7A, s1;
	s8 =	simm.s32 @!p0 $0x1BF5;
	p2 =	por !p2, p0  }
0x20: {  	[sflag:s8] =	ssyncset.s32 @!p0 $0xFFFFF086;
	s6 =	sadd.s32 @!p0 s3, s7;
	s7 =	simm.s32 @!p0 $0x108  }
0x21: {  	s3 =	sadd.s32 s3, s9;
	s6 =	sadd.s32 @!p0 $0x88, s6;
	s7 =	simm.s32 @p2 $0x1082  }
0x22: {  	[simem:s7], [sflag:s8] =	dma.local @!p0 [hbm:s6], $0xF7A  }
0x23: {  	s9 =	sor.u32 $0xD0000000, s2;
	s6 =	simm.s32 $0x108;
	_ =	swait.ge @!p0 [sflag:s8], $0x0  }
0x24: {  	s3 =	sadd.s32 $0x88, s3;
	s6 =	simm.s32 @!p1 $0x1082;
	[sflag:s4] =	ssyncset.s32 $0xFFFFF086  }
0x25: {  	[simem:s6], [sflag:s4] =	dma.local [hbm:s3], $0xF7A  }
0x26: {  	[smem:$0x3F9D] =	sst s1;
	(tag) =	ssettag s2;
	_ =	strace s9  }
0x27: {  	s1 =	sld [smem:$0x3FAD]  }
0x28: {  	s2 =	sld [smem:$0x3FAE]  }
0x29: {  	s4 =	sld [smem:$0x3FB0]  }
0x2a: {  	p0 =	seq.s32 s5, $0x0;
	s5 =	sld [smem:$0x3FB1]  }
0x2b: {  	s6 =	sld [smem:$0x3FB2]  }
0x2c: {  	s7 =	sld [smem:$0x3FB3]  }
0x2d: {  	s3 =	simm.s32 $0x108;
	s8 =	sld [smem:$0x3FB4]  }
0x2e: {  	s3 =	simm.s32 @!p0 $0x1082;
	s9 =	sld [smem:$0x3FB5]  }
0x2f: {  	lr =	sadd.s32 s0, s3;
	s0 =	sld [smem:$0x3FAC]  }
0x30: {  	s3 =	sld [smem:$0x3FAF]  }
0x31: {  	[smem:$0x3FB8] =	sst s10  }
0x32: {  	s10 =	sld [smem:$0x3FB6];
	_ =	sdelay $0x3  }
0x33: {  	p0 =	seq.s32 s10, $0x1;
	s10 =	sld [smem:$0x3FB8];
	_ =	sdelay $0x3  }
0x34: {  	[smem:$0x3FB8] =	sst s10  }
0x35: {  	s10 =	sld [smem:$0x3FB7];
	_ =	sdelay $0x3  }
0x36: {  	p1 =	seq.s32 s10, $0x1;
	s10 =	sld [smem:$0x3FB8];
	_ =	sdelay $0x3  }
0x37: {  	[smem:$0x3FB8] =	sst s10  }
0x38: {  	s10 =	sld [smem:$0x3FB9]  }
0x39: {  	_ = 	snop;
	(pc) =	sbr.ind lr, $3  }
0x3a: {  	_ = 	snop  }
0x3b: {  	_ = 	snop  }
0x3c: {  	p2 =	seq.s32 s10, $0x1;
	s10 =	sld [smem:$0x3FB8]  }
0x3d: {  	_ =	shalt  }
0x3e: {  	_ =	shalt  }
0x3f: {  	_ =	shalt  }
0x40: {  	_ =	shalt  }
0x41: {  	_ =	shalt  }
0x42: {  	_ =	shalt  }
0x43: {  	_ =	shalt  }
0x44: {  	_ =	shalt  }
0x45: {  	_ =	shalt  }
0x46: {  	_ =	shalt  }
0x47: {  	_ =	shalt  }
0x48: {  	_ =	shalt  }
0x49: {  	_ =	shalt  }
0x4a: {  	_ =	shalt  }
0x4b: {  	_ =	shalt  }
0x4c: {  	_ =	shalt  }
0x4d: {  	_ =	shalt  }
0x4e: {  	_ =	shalt  }
0x4f: {  	_ =	shalt  }
0x50: {  	_ =	shalt  }
0x51: {  	_ =	shalt  }
0x52: {  	_ =	shalt  }
0x53: {  	_ =	shalt  }
0x54: {  	_ =	shalt  }
0x55: {  	_ =	shalt  }
0x56: {  	_ =	shalt  }
0x57: {  	_ =	shalt  }
0x58: {  	_ =	shalt  }
0x59: {  	_ =	shalt  }
0x5a: {  	_ =	shalt  }
0x5b: {  	_ =	shalt  }
0x5c: {  	_ =	shalt  }
0x5d: {  	_ =	shalt  }
0x5e: {  	_ =	shalt  }
0x5f: {  	_ =	shalt  }
0x60: {  	_ =	shalt  }
0x61: {  	_ =	shalt  }
0x62: {  	_ =	shalt  }
0x63: {  	_ =	shalt  }
0x64: {  	_ =	shalt  }
0x65: {  	_ =	shalt  }
0x66: {  	_ =	shalt  }
0x67: {  	_ =	shalt  }
0x68: {  	_ =	shalt  }
0x69: {  	_ =	shalt  }
0x6a: {  	_ =	shalt  }
0x6b: {  	_ =	shalt  }
0x6c: {  	_ =	shalt  }
0x6d: {  	_ =	shalt  }
0x6e: {  	_ =	shalt  }
0x6f: {  	_ =	shalt  }
0x70: {  	_ =	shalt  }
0x71: {  	_ =	shalt  }
0x72: {  	_ =	shalt  }
0x73: {  	_ =	shalt  }
0x74: {  	_ =	shalt  }
0x75: {  	_ =	shalt  }
0x76: {  	_ =	shalt  }
0x77: {  	_ =	shalt  }
0x78: {  	_ =	shalt  }
0x79: {  	_ =	shalt  }
0x7a: {  	_ =	shalt  }
0x7b: {  	_ =	shalt  }
0x7c: {  	_ =	shalt  }
0x7d: {  	_ =	shalt  }
0x7e: {  	_ =	shalt  }
0x7f: {  	_ =	shalt  }
0x80: {  	_ =	shalt  }
0x81: {  	_ =	shalt  }
0x82: {  	_ =	shalt  }
0x83: {  	_ =	shalt  }
0x84: {  	_ =	shalt  }
0x85: {  	_ =	shalt  }
0x86: {  	_ =	shalt  }
0x87: {  	_ =	shalt  }
.Lfunc_end0:
.L_simem_size_0:
called_computation_lowered:
.L_overlay_start_0:
0x88: {  	s2 =	sld [smem:$0x3FD9]  }
0x89: {  	s3 =	sld [smem:$0x3FFE];
	_ =	sdelay $0x1  }
0x8a: {  	s1 =	srdreg.scid  }
0x8b: {  	s0 =	sand.u32 $0x1, s1  }
0x8c: {  	s16 =	sshll.u32 s0, $0xA;
	s2 =	sadd.s32 s3, s2  }
0x8d: {  	s2 =	sadd.s32 s2, s16  }
0x8e: {  	[smem:$0x3FC4] =	sst s2  }
0x8f: {  	_ = 	snop  }
0x90: {  	(tm) =	ssettm $0x1  }
0x91: {  	s17 =	sld [smem:$0x3FFB];
	_ =	sdelay $0x3  }
0x92: {  	_ =	strace s17  }
0x93: {  	s2 =	sld [smem:$0x3FFC];
	_ =	sdelay $0x3  }
0x94: {  	_ =	strace s2  }
0x95: {  	s2 =	sld [smem:$0x3FFD];
	_ =	sdelay $0x3  }
0x96: {  	_ =	strace s2  }
0x97: {  	_ =	strace $0x8FFFFFFF  }
0x98: {  	s18 =	sld [smem:$0x3FDB];
	_ =	sdelay $0x1  }
0x99: {  	s19 =	simm.s32 $_scs_section_size  }
0x9a: {  	s4 =	simm.s32 $_size__tile_overlayer_lowered;
	s5 =	simm.s32 $_tile_overlayer_lowered  }
0x9b: {  	s22 =	simm.s32 $0x1BFF;
	s21 =	sshll.u32 s5, $0x1;
	s2 =	sadd.s32 s19, s18  }
0x9c: {  	s6 =	simm.s32 $0x0;
	s20 =	sshll.u32 s4, $0x1;
	s4 =	sadd.s32 s21, s2  }
0x9d: {  	[timem:s6], [sflag:s22] =	dma.local [hbm:s4], s20  }
0x9e: {  	_ =	swait.ge [sflag:s22], s20  }
0x9f: {  	s3 =	ssub.s32 $0x0, s20;
	[sflag:s22] =	ssyncset.done $0x0  }
0xa0: {  	[sflag:s22] =	ssyncadd.s32 s3;
	_ =	sdelay $0x1  }
0xa1: {  	s23 =	simm.s32 $0x1B8B  }
0xa2: {  	_ =	swait.ge [sflag:s23], $0x1  }
0xa3: {  	[sflag:s23] =	ssyncset.done $0x0  }
0xa4: {  	s25 =	simm.s32 $0x1B8E;
	s24 =	sld [smem:$0x3FFE];
	[sflag:s23] =	ssyncadd.s32 $0xFFFFFFFF  }
0xa5: {  	s26 =	simm.s32 $execute0_lowered;
	[smem:$0x3FD2] =	sst s25  }
0xa6: {  	s4 =	sshll.u32 s26, $0x1;
	_ =	strace $0x80000046;
	[dreg:$0x1] =	wrdreg $0xFFFFFFFF  }
0xa7: {  	s28 =	simm.s32 $_size_execute0_lowered;
	s2 =	sadd.s32 s2, s4;
	[dreg:$0x0] =	wrdreg $0x0  }
0xa8: {  	s4 =	sshll.u32 s28, $0x1;
	[dreg:$0x2] =	wrdreg s2  }
0xa9: {  	[dreg:$0x3] =	wrdreg s4  }
0xaa: {  	[dreg:$0x4] =	wrdreg $0xC0  }
0xab: {  	_ =	task [dreg:s6], $0x5FFFF  }
0xac: {  	[dreg:$0x1] =	wrdreg $0xFFFFFFFF  }
0xad: {  	[dreg:$0x0] =	wrdreg $0x60  }
0xae: {  	[dreg:$0x2] =	wrdreg s24  }
0xaf: {  	[dreg:$0x3] =	wrdreg $0x9  }
0xb0: {  	_ =	task.clear_ibuf [dreg:s6], $0x4FFFF;
	_ =	strace $0x90000046  }
0xb1: {  	s29 =	simm.s32 $0x9;
	_ =	strace $0x80000048  }
0xb2: {  	_ =	swait.ge [sflag:s29], $0x1  }
0xb3: {  	[sflag:s29] =	ssyncadd.s32 $0xFFFFFFFF  }
0xb4: {  	_ =	strace $0x90000048  }
0xb5: {  	_ =	sfence  }
0xb6: {  	s30 =	sld [smem:$0x0];
	_ =	sdelay $0x2  }
0xb7: {  	s31 =	sshll.u32 s1, $0xD;
	s1 =	sshrl.u32 s1, $0x2  }
0xb8: {  	s3 =	sand.u32 $0x4000, s31;
	s1 =	sadd.s32 s1, s30  }
0xb9: {  	s0 =	sor.u32 s3, s0;
	s1 =	sshll.u32 s1, $0x11  }
0xba: {  	s0 =	sor.u32 s1, s0  }
0xbb: {  	s0 =	sadd.s32 $0x8F2B, s0  }
0xbc: {  	[sflag:s0] =	ssyncadd.remote.s32 $0x1  }
0xbd: {  	_ =	sfence.sel $0xFFFF  }
0xbe: {  	[dreg:$0x0] =	wrdreg $0xFFFFFFFF;
	(pc) =	sbr.abs _section_cstart, $3  }
0xbf: {  	[dreg:$0x1] =	wrdreg $0xFFFFFFFF  }
0xc0: {  	_ =	task.clear_ibuf [dreg:s6], $0x2FFFF;
	_ =	strace $0x9FFFFFFF  }
0xc1: {  	(tm) =	ssettm $0x7FFFFFFF  }
tec
execute0_lowered:
.L_overlay_start_1:
0x0: {  	(tag) =	ssettag $0x1  }
0x1: {  	s1 =	stileid.u32  }
0x2: {  	p0 =	sgt.u32 s1, $0xB  }
.Ltmp0:
0x3: {  	_ = 	snop;
	(pc) =	sbr.rel @p0 .LBB2_3-.Ltmp0, $4  }
0x4: {  	_ = 	snop  }
0x5: {  	s5 =	rddreg [dreg:$0x0];
	s2 =	simm.s32 $0x0  }
0x6: {  	[smem:$0x7FF] =	sst s2  }
0x7: {  	s0 =	rddreg [dreg:$0x1];
	_ =	strace $0x80000047  }
0x8: {  	s9 =	simm.s32 $0x80  }
0x9: {  	s10 =	simm.s32 $0x200;
	[dreg:$0xc] =	wrdreg s9  }
0xa: {  	s11 =	simm.s32 $0x100;
	[dreg:$0xd] =	wrdreg s10  }
0xb: {  	s12 =	simm.s32 $0x280;
	[dreg:$0xe] =	wrdreg s11  }
0xc: {  	s13 =	simm.s32 $0x380;
	[dreg:$0xf] =	wrdreg s12  }
0xd: {  	s14 =	simm.s32 $0x400;
	[dreg:$0x10] =	wrdreg s13  }
0xe: {  	s15 =	simm.s32 $0x480;
	[dreg:$0x11] =	wrdreg s14  }
0xf: {  	s16 =	simm.s32 $0x500;
	[dreg:$0x12] =	wrdreg s15  }
0x10: {  	s17 =	simm.s32 $0x580;
	[dreg:$0x13] =	wrdreg s16  }
0x11: {  	s18 =	simm.s32 $0x600;
	[dreg:$0x14] =	wrdreg s17  }
0x12: {  	[dreg:$0x15] =	wrdreg s18;
	s9 =	simm.s32 $0xE80  }
0x13: {  	s10 =	simm.s32 $0xF00;
	[smem:$0x7E6] =	sst s9  }
0x14: {  	s11 =	simm.s32 $0xF80;
	[smem:$0x7E7] =	sst s10  }
0x15: {  	s12 =	simm.s32 $0x1000;
	[smem:$0x7E8] =	sst s11  }
0x16: {  	s13 =	simm.s32 $0x1080;
	[smem:$0x7E9] =	sst s12  }
0x17: {  	s14 =	simm.s32 $0x1100;
	[smem:$0x7EA] =	sst s13  }
0x18: {  	s15 =	simm.s32 $0x1180;
	[smem:$0x7EB] =	sst s14  }
0x19: {  	s3 =	srdreg.scid;
	s16 =	simm.s32 $0x1200;
	[smem:$0x7EC] =	sst s15  }
0x1a: {  	s19 =	sshll.u32 s1, $0x1;
	s17 =	simm.s32 $0x1280;
	[smem:$0x7ED] =	sst s16  }
0x1b: {  	s6 =	sand.u32 $0x1, s3;
	s18 =	simm.s32 $0x1380;
	[smem:$0x7EE] =	sst s17  }
0x1c: {  	s3 =	sor.u32 s6, s19;
	s19 =	simm.s32 $0x680;
	[smem:$0x7EF] =	sst s18  }
0x1d: {  	s9 =	simm.s32 $0x1900;
	[dreg:$0x16] =	wrdreg s19  }
0x1e: {  	s8 =	sadd.s32 $0x1200, s5;
	s10 =	simm.s32 $0x1980;
	[smem:$0x7FA] =	sst s9  }
0x1f: {  	s11 =	simm.s32 $0x1A00;
	s4 =	sshll.u32 s3, $0x8;
	[smem:$0x7FB] =	sst s10  }
0x20: {  	s3 =	sshll.u32 s3, $0x1;
	s19 =	simm.s32 $0x1400;
	[smem:$0x7FC] =	sst s11  }
0x21: {  	s21 =	sadd.s32 $0x1000, s5;
	s22 =	sadd.s32 s8, s3;
	[smem:$0x7F0] =	sst s19  }
0x22: {  	s23 =	sadd.s32 $0xE00, s5;
	s24 =	sadd.s32 s21, s3;
	[dreg:$0xa] =	wrdreg s22  }
0x23: {  	s25 =	sadd.s32 $0xC00, s5;
	s26 =	sadd.s32 s23, s3;
	[dreg:$0x9] =	wrdreg s24  }
0x24: {  	s28 =	sadd.s32 $0xA00, s5;
	s29 =	sadd.s32 s25, s3;
	[dreg:$0x8] =	wrdreg s26  }
0x25: {  	s30 =	sadd.s32 $0x800, s5;
	s31 =	sadd.s32 s28, s3;
	[dreg:$0x7] =	wrdreg s29  }
0x26: {  	s3 =	sadd.s32 s30, s3;
	[dreg:$0x6] =	wrdreg s31  }
0x27: {  	s8 =	simm.s32 $0x180;
	[dreg:$0x5] =	wrdreg s3  }
0x28: {  	s21 =	simm.s32 $0x780;
	[dreg:$0xb] =	wrdreg s8  }
0x29: {  	s23 =	simm.s32 $0x880;
	[dreg:$0x18] =	wrdreg s21  }
0x2a: {  	s25 =	simm.s32 $0x980;
	[dreg:$0x1a] =	wrdreg s23  }
0x2b: {  	s28 =	simm.s32 $0xA80;
	[dreg:$0x1c] =	wrdreg s25  }
0x2c: {  	s4 =	sadd.s32 s4, s5;
	s30 =	simm.s32 $0xC00;
	[dreg:$0x1e] =	wrdreg s28  }
0x2d: {  	s7 =	sadd.s32 $0x5E7C00, s4;
	[smem:$0x7E1] =	sst s30  }
0x2e: {  	s20 =	sadd.s32 $0x5E9C00, s4;
	[dreg:$0x2] =	wrdreg s7  }
0x2f: {  	s4 =	sadd.s32 $0x5EBC00, s4;
	[dreg:$0x3] =	wrdreg s20  }
0x30: {  	s22 =	simm.s32 $0x800;
	[dreg:$0x4] =	wrdreg s4  }
0x31: {  	s24 =	simm.s32 $0x900;
	[dreg:$0x19] =	wrdreg s22  }
0x32: {  	s26 =	simm.s32 $0xA00;
	[dreg:$0x1b] =	wrdreg s24  }
0x33: {  	s29 =	simm.s32 $0xB80;
	[dreg:$0x1d] =	wrdreg s26  }
0x34: {  	s31 =	simm.s32 $0xC80;
	[dreg:$0x1f] =	wrdreg s29  }
0x35: {  	s8 =	simm.s32 $0xE00;
	[smem:$0x7E2] =	sst s31  }
0x36: {  	s21 =	simm.s32 $0x1500;
	[smem:$0x7E5] =	sst s8  }
0x37: {  	s23 =	simm.s32 $0x1600;
	[smem:$0x7F2] =	sst s21  }
0x38: {  	s6 =	ssub.s32 $0x2, s6;
	s25 =	simm.s32 $0x1700;
	[smem:$0x7F4] =	sst s23  }
0x39: {  	s12 =	simm.s32 $0x3;
	s28 =	simm.s32 $0x1780;
	[smem:$0x7F6] =	sst s25  }
0x3a: {  	s9 =	simm.s32 $0xB00;
	s30 =	simm.s32 $0x1880;
	[smem:$0x7F7] =	sst s28  }
0x3b: {  	s10 =	simm.s32 $0x1300;
	s20 =	simm.s32 $0x700;
	[smem:$0x7F9] =	sst s30  }
0x3c: {  	s11 =	simm.s32 $0x2;
	s4 =	simm.s32 $0xD00;
	[dreg:$0x17] =	wrdreg s20  }
0x3d: {  	s3 =	sadd.s32 $0x592400, s5;
	s7 =	simm.s32 $0xD80;
	[smem:$0x7E3] =	sst s4  }
0x3e: {  	s22 =	simm.s32 $0x1580;
	s24 =	simm.s32 $0x1680;
	[smem:$0x7E4] =	sst s7  }
0x3f: {  	s26 =	sshrl.u32 s6, $0x1;
	s29 =	simm.s32 $0x1800;
	[smem:$0x7F3] =	sst s22  }
0x40: {  	s8 =	simm.s32 $0x300;
	s31 =	simm.s32 $0x1A80;
	[smem:$0x7F5] =	sst s24  }
0x41: {  	s20 =	simm.s32 $0x1480;
	s4 =	sadd.s32 $0x475400, s5;
	[smem:$0x7F8] =	sst s29  }
0x42: {  	s5 =	sadd.s32 $0x1400, s5;
	s6 =	ssub.s32 s6, s26;
	[smem:$0x7FD] =	sst s31  }
0x43: {  	s7 =	simm.s32 $0x1;
	[smem:$0x7F1] =	sst s20;
	s6 =	smax.u32 s6, $0x1  }
.LBB2_2:
0x44: {  	s13 =	rddreg [dreg:$0x5]  }
0x45: {  	s14 =	rddreg [dreg:$0x6]  }
0x46: {  	s15 =	rddreg [dreg:$0xb]  }
0x47: {  	s20 =	rddreg [dreg:$0x7]  }
0x48: {  	s21 =	rddreg [dreg:$0xc]  }
0x49: {  	s22 =	rddreg [dreg:$0x8]  }
0x4a: {  	[tilespmem:s2], [sflag:$0x1] =	stream.linear.gather [hbm4b:s13+s2], $0x10, $0x38;
	[tilespmem:$0x1B00] =	vst v63  }
0x4b: {  	s16 =	rddreg [dreg:$0xd]  }
0x4c: {  	[tilespmem:s15], [sflag:$0x1] =	stream.linear.gather [hbm4b:s14+s2], $0x10, $0x38;
	[tilespmem:$0x1B00] =	vst v63  }
0x4d: {  	s23 =	rddreg [dreg:$0x9]  }
0x4e: {  	[tilespmem:s21], [sflag:$0x1] =	stream.linear.gather [hbm4b:s20+s2], $0x10, $0x38;
	[tilespmem:$0x1B00] =	vst v63  }
0x4f: {  	s24 =	rddreg [dreg:$0xe]  }
0x50: {  	[tilespmem:s16], [sflag:$0x1] =	stream.linear.gather [hbm4b:s22+s2], $0x10, $0x38;
	[tilespmem:$0x1B00] =	vst v63  }
0x51: {  	s25 =	rddreg [dreg:$0xa]  }
0x52: {  	[tilespmem:s24], [sflag:$0x1] =	stream.linear.gather [hbm4b:s23+s2], $0x10, $0x38;
	[tilespmem:$0x1B00] =	vst v63  }
0x53: {  	s26 =	rddreg [dreg:$0xf]  }
0x54: {  	[tilespmem:s26], [sflag:$0x1] =	stream.linear.gather [hbm4b:s25+s2], $0x10, $0x38;
	[tilespmem:$0x1B00] =	vst v63  }
0x55: {  	_ =	swait.ge [sflag:s7], $0x10  }
0x56: {  	[sflag:s7] =	ssyncset.done $0x0  }
0x57: {  	[sflag:s7] =	ssyncadd.s32 $0xFFFFFFF0  }
0x58: {  	_ =	swait.ge [sflag:s7], $0x10  }
0x59: {  	[sflag:s7] =	ssyncset.done $0x0  }
0x5a: {  	[sflag:s7] =	ssyncadd.s32 $0xFFFFFFF0  }
0x5b: {  	_ =	swait.ge [sflag:s7], $0x10  }
0x5c: {  	[sflag:s7] =	ssyncset.done $0x0  }
0x5d: {  	[sflag:s7] =	ssyncadd.s32 $0xFFFFFFF0  }
0x5e: {  	_ =	swait.ge [sflag:s7], $0x10  }
0x5f: {  	[sflag:s7] =	ssyncset.done $0x0  }
0x60: {  	[sflag:s7] =	ssyncadd.s32 $0xFFFFFFF0  }
0x61: {  	_ =	swait.ge [sflag:s7], $0x10  }
0x62: {  	[sflag:s7] =	ssyncset.done $0x0  }
0x63: {  	[sflag:s7] =	ssyncadd.s32 $0xFFFFFFF0  }
0x64: {  	_ =	swait.ge [sflag:s7], $0x10  }
0x65: {  	[sflag:s7] =	ssyncset.done $0x0  }
0x66: {  	[sflag:s7] =	ssyncadd.s32 $0xFFFFFFF0  }
0x67: {  	v0 =	vld [tilespmem:$0x180];
	_ =	sdelay $0x1  }
0x68: {  	v1 =	vld [tilespmem:$0x0];
	_ =	sdelay $0x2  }
0x69: {  	v0 =	vshll.u32 v0, $0x7  }
0x6a: {  	(v2sf) =	vpush v0, $0x0  }
0x6b: {  	v1 =	vmul.u32 $0xC00, v1;
	_ =	sdelay $0x1  }
0x6c: {  	(v2sf) =	vpush v1, $0x0  }
0x6d: {  	(v2sf) =	vpush v0, $0x1;
	_ =	sdelay $0x1  }
0x6e: {  	(v2sf) =	vpush v1, $0x1  }
0x6f: {  	(v2sf) =	vpush v0, $0x2;
	_ =	sdelay $0x7  }
0x70: {  	s28 =	spop (v2sf);
	(v2sf) =	vpush v1, $0x2;
	_ =	sdelay $0x1  }
0x71: {  	(v2sf) =	vpush v0, $0x3  }
0x72: {  	s30 =	spop (v2sf)  }
0x73: {  	s31 =	spop (v2sf);
	(v2sf) =	vpush v1, $0x3;
	_ =	sdelay $0x1  }
0x74: {  	s16 =	spop (v2sf);
	(v2sf) =	vpush v0, $0x4  }
0x75: {  	s18 =	spop (v2sf);
	(v2sf) =	vpush v1, $0x4  }
0x76: {  	s29 =	sand.u32 $0xFFFFFC00, s28  }
0x77: {  	s13 =	sand.u32 $0x380, s28;
	s14 =	sadd.s32 s30, s29  }
0x78: {  	s13 =	sor.u32 s13, s14  }
0x79: {  	s13 =	sshrl.u32 s13, $0x3  }
0x7a: {  	s15 =	sand.u32 $0xFFFFFC00, s31;
	s13 =	sadd.s32 s3, s13  }
0x7b: {  	[tilespmem:s8], [sflag:$0x2] =	stream.linear.gather [hbm4b:s13+s2], $0x80, $0x38;
	[tilespmem:$0x1B00] =	vst v63  }
0x7c: {  	s14 =	sadd.s32 s16, s15;
	s13 =	sand.u32 $0x380, s31  }
0x7d: {  	s13 =	sor.u32 s13, s14;
	s20 =	spop (v2sf);
	(v2sf) =	vpush v0, $0x5  }
0x7e: {  	s13 =	sshrl.u32 s13, $0x3  }
0x7f: {  	s17 =	rddreg [dreg:$0x10];
	s13 =	sadd.s32 s3, s13;
	s22 =	spop (v2sf);
	(v2sf) =	vpush v1, $0x5  }
0x80: {  	[tilespmem:s17], [sflag:$0x2] =	stream.linear.gather [hbm4b:s13+s2], $0x80, $0x38;
	[tilespmem:$0x1B00] =	vst v63  }
0x81: {  	s19 =	sand.u32 $0xFFFFFC00, s18;
	s24 =	spop (v2sf);
	(v2sf) =	vpush v0, $0x6  }
0x82: {  	s13 =	sand.u32 $0x380, s18;
	s14 =	sadd.s32 s20, s19  }
0x83: {  	s13 =	sor.u32 s13, s14;
	s26 =	spop (v2sf);
	(v2sf) =	vpush v1, $0x6  }
0x84: {  	s13 =	sshrl.u32 s13, $0x3;
	s29 =	spop (v2sf);
	(v2sf) =	vpush v0, $0x7  }
0x85: {  	s21 =	rddreg [dreg:$0x11];
	s23 =	sand.u32 $0xFFFFFC00, s22;
	s13 =	sadd.s32 s3, s13  }
0x86: {  	[tilespmem:s21], [sflag:$0x2] =	stream.linear.gather [hbm4b:s13+s2], $0x80, $0x38;
	[tilespmem:$0x1B00] =	vst v63  }
0x87: {  	s14 =	sadd.s32 s24, s23;
	s13 =	sand.u32 $0x380, s22  }
0x88: {  	s13 =	sor.u32 s13, s14  }
0x89: {  	s13 =	sshrl.u32 s13, $0x3  }
0x8a: {  	s25 =	rddreg [dreg:$0x12];
	s13 =	sadd.s32 s3, s13  }
0x8b: {  	[tilespmem:s25], [sflag:$0x2] =	stream.linear.gather [hbm4b:s13+s2], $0x80, $0x38;
	[tilespmem:$0x1B00] =	vst v63  }
0x8c: {  	s28 =	sand.u32 $0xFFFFFC00, s26;
	s31 =	spop (v2sf);
	(v2sf) =	vpush v1, $0x7  }
0x8d: {  	s14 =	sadd.s32 s29, s28;
	s13 =	sand.u32 $0x380, s26  }
0x8e: {  	s13 =	sor.u32 s13, s14;
	s16 =	spop (v2sf);
	(v2sf) =	vpush v0, $0x8  }
0x8f: {  	s13 =	sshrl.u32 s13, $0x3  }
0x90: {  	s30 =	rddreg [dreg:$0x13];
	s13 =	sadd.s32 s3, s13;
	s18 =	spop (v2sf);
	(v2sf) =	vpush v1, $0x8  }
0x91: {  	[tilespmem:s30], [sflag:$0x2] =	stream.linear.gather [hbm4b:s13+s2], $0x80, $0x38;
	[tilespmem:$0x1B00] =	vst v63  }
0x92: {  	s20 =	spop (v2sf);
	(v2sf) =	vpush v0, $0x9  }
0x93: {  	s22 =	spop (v2sf);
	(v2sf) =	vpush v1, $0x9  }
0x94: {  	s15 =	sand.u32 $0xFFFFFC00, s31  }
0x95: {  	s13 =	sand.u32 $0x380, s31;
	s14 =	sadd.s32 s16, s15  }
0x96: {  	s13 =	sor.u32 s13, s14  }
0x97: {  	s13 =	sshrl.u32 s13, $0x3  }
0x98: {  	s17 =	rddreg [dreg:$0x14];
	s19 =	sand.u32 $0xFFFFFC00, s18;
	s13 =	sadd.s32 s3, s13  }
0x99: {  	[tilespmem:s17], [sflag:$0x2] =	stream.linear.gather [hbm4b:s13+s2], $0x80, $0x38;
	[tilespmem:$0x1B00] =	vst v63  }
0x9a: {  	s14 =	sadd.s32 s20, s19;
	s13 =	sand.u32 $0x380, s18  }
0x9b: {  	s13 =	sor.u32 s13, s14;
	s24 =	spop (v2sf);
	(v2sf) =	vpush v0, $0xA  }
0x9c: {  	s21 =	rddreg [dreg:$0x15];
	s13 =	sshrl.u32 s13, $0x3  }
0x9d: {  	s23 =	sand.u32 $0xFFFFFC00, s22;
	s13 =	sadd.s32 s3, s13;
	s26 =	spop (v2sf);
	(v2sf) =	vpush v1, $0xA  }
0x9e: {  	[tilespmem:s21], [sflag:$0x2] =	stream.linear.gather [hbm4b:s13+s2], $0x80, $0x38;
	[tilespmem:$0x1B00] =	vst v63  }
0x9f: {  	s13 =	sand.u32 $0x380, s22;
	s14 =	sadd.s32 s24, s23;
	s29 =	spop (v2sf);
	(v2sf) =	vpush v0, $0xB  }
0xa0: {  	s13 =	sor.u32 s13, s14  }
0xa1: {  	s25 =	rddreg [dreg:$0x16];
	s13 =	sshrl.u32 s13, $0x3;
	s31 =	spop (v2sf)  }
0xa2: {  	s28 =	sand.u32 $0xFFFFFC00, s26;
	(v2sf) =	vpush v1, $0xB;
	s13 =	sadd.s32 s3, s13;
	s16 =	spop (v2sf)  }
0xa3: {  	(v2sf) =	vpush v0, $0xC;
	[tilespmem:s25], [sflag:$0x2] =	stream.linear.gather [hbm4b:s13+s2], $0x80, $0x38;
	[tilespmem:$0x1B00] =	vst v63  }
0xa4: {  	s14 =	sadd.s32 s29, s28;
	s13 =	sand.u32 $0x380, s26  }
0xa5: {  	s13 =	sor.u32 s13, s14  }
0xa6: {  	s13 =	sshrl.u32 s13, $0x3  }
0xa7: {  	s30 =	rddreg [dreg:$0x17];
	s15 =	sand.u32 $0xFFFFFC00, s31;
	s13 =	sadd.s32 s3, s13  }
0xa8: {  	[tilespmem:s30], [sflag:$0x2] =	stream.linear.gather [hbm4b:s13+s2], $0x80, $0x38;
	[tilespmem:$0x1B00] =	vst v63  }
0xa9: {  	s14 =	sadd.s32 s16, s15;
	s13 =	sand.u32 $0x380, s31  }
0xaa: {  	s13 =	sor.u32 s13, s14;
	s18 =	spop (v2sf);
	(v2sf) =	vpush v1, $0xC  }
0xab: {  	s13 =	sshrl.u32 s13, $0x3  }
0xac: {  	s17 =	rddreg [dreg:$0x18];
	s13 =	sadd.s32 s3, s13;
	s20 =	spop (v2sf);
	(v2sf) =	vpush v0, $0xD  }
0xad: {  	[tilespmem:s17], [sflag:$0x2] =	stream.linear.gather [hbm4b:s13+s2], $0x80, $0x38;
	[tilespmem:$0x1B00] =	vst v63  }
0xae: {  	s19 =	sand.u32 $0xFFFFFC00, s18;
	s22 =	spop (v2sf);
	(v2sf) =	vpush v1, $0xD  }
0xaf: {  	s13 =	sand.u32 $0x380, s18;
	s14 =	sadd.s32 s20, s19  }
0xb0: {  	s13 =	sor.u32 s13, s14  }
0xb1: {  	s21 =	rddreg [dreg:$0x19];
	s24 =	spop (v2sf);
	s13 =	sshrl.u32 s13, $0x3  }
0xb2: {  	s23 =	sand.u32 $0xFFFFFC00, s22;
	(v2sf) =	vpush v0, $0xE;
	s26 =	spop (v2sf);
	s13 =	sadd.s32 s3, s13  }
0xb3: {  	(v2sf) =	vpush v1, $0xE;
	[tilespmem:s21], [sflag:$0x2] =	stream.linear.gather [hbm4b:s13+s2], $0x80, $0x38;
	[tilespmem:$0x1B00] =	vst v63  }
0xb4: {  	s14 =	sadd.s32 s24, s23;
	s13 =	sand.u32 $0x380, s22  }
0xb5: {  	s13 =	sor.u32 s13, s14  }
0xb6: {  	s13 =	sshrl.u32 s13, $0x3  }
0xb7: {  	s25 =	rddreg [dreg:$0x1a];
	s13 =	sadd.s32 s3, s13  }
0xb8: {  	[tilespmem:s25], [sflag:$0x2] =	stream.linear.gather [hbm4b:s13+s2], $0x80, $0x38;
	[tilespmem:$0x1B00] =	vst v63  }
0xb9: {  	s28 =	sand.u32 $0xFFFFFC00, s26;
	s29 =	spop (v2sf)  }
0xba: {  	s13 =	sand.u32 $0x380, s26;
	(v2sf) =	vpush v1, $0xF;
	s14 =	sadd.s32 s29, s28  }
0xbb: {  	s31 =	spop (v2sf);
	(v2sf) =	vpush v0, $0xF;
	s13 =	sor.u32 s13, s14  }
0xbc: {  	s30 =	rddreg [dreg:$0x1b];
	s13 =	sshrl.u32 s13, $0x3  }
0xbd: {  	s16 =	sand.u32 $0xFFFFFC00, s31;
	s17 =	spop (v2sf);
	s13 =	sadd.s32 s3, s13  }
0xbe: {  	[tilespmem:s30], [sflag:$0x2] =	stream.linear.gather [hbm4b:s13+s2], $0x80, $0x38;
	[tilespmem:$0x1B00] =	vst v63  }
0xbf: {  	s14 =	sadd.s32 s17, s16;
	s13 =	sand.u32 $0x380, s31  }
0xc0: {  	s13 =	sor.u32 s13, s14  }
0xc1: {  	s18 =	rddreg [dreg:$0x1c];
	s19 =	spop (v2sf);
	s13 =	sshrl.u32 s13, $0x3  }
0xc2: {  	s20 =	sand.u32 $0xFFFFFC00, s19;
	s21 =	spop (v2sf);
	s13 =	sadd.s32 s3, s13  }
0xc3: {  	[tilespmem:s18], [sflag:$0x2] =	stream.linear.gather [hbm4b:s13+s2], $0x80, $0x38;
	[tilespmem:$0x1B00] =	vst v63  }
0xc4: {  	s14 =	sadd.s32 s21, s20;
	s13 =	sand.u32 $0x380, s19  }
0xc5: {  	s13 =	sor.u32 s13, s14  }
0xc6: {  	s13 =	sshrl.u32 s13, $0x3  }
0xc7: {  	s22 =	rddreg [dreg:$0x1d];
	s13 =	sadd.s32 s3, s13  }
0xc8: {  	[tilespmem:s22], [sflag:$0x2] =	stream.linear.gather [hbm4b:s13+s2], $0x80, $0x38;
	[tilespmem:$0x1B00] =	vst v63  }
0xc9: {  	s23 =	spop (v2sf)  }
0xca: {  	s24 =	spop (v2sf)  }
0xcb: {  	s25 =	sand.u32 $0xFFFFFC00, s24  }
0xcc: {  	s14 =	sand.u32 $0x380, s24;
	s13 =	sadd.s32 s23, s25  }
0xcd: {  	s13 =	sor.u32 s14, s13  }
0xce: {  	s13 =	sshrl.u32 s13, $0x3  }
0xcf: {  	s26 =	rddreg [dreg:$0x1e];
	s13 =	sadd.s32 s3, s13  }
0xd0: {  	[tilespmem:s26], [sflag:$0x2] =	stream.linear.gather [hbm4b:s13+s2], $0x80, $0x38;
	[tilespmem:$0x1B00] =	vst v63  }
0xd1: {  	v60 =	vld [tilespmem:$0x80]  }
0xd2: {  	v61 =	vld [tilespmem:$0x200];
	_ =	sdelay $0x4  }
0xd3: {  	v0 =	vshll.u32 v61, $0x7;
	v1 =	vmul.u32 $0x1400, v60  }
0xd4: {  	(v2sf) =	vpush v0, $0x0  }
0xd5: {  	(v2sf) =	vpush v1, $0x0;
	_ =	sdelay $0x3  }
0xd6: {  	(v2sf) =	vpush v0, $0x1;
	_ =	sdelay $0x1  }
0xd7: {  	(v2sf) =	vpush v1, $0x1  }
0xd8: {  	(v2sf) =	vpush v0, $0x2;
	_ =	sdelay $0x4  }
0xd9: {  	(v2sf) =	vpush v1, $0x2;
	_ =	sdelay $0x1  }
0xda: {  	s28 =	spop (v2sf)  }
0xdb: {  	s30 =	spop (v2sf);
	(v2sf) =	vpush v0, $0x3;
	_ =	sdelay $0x3  }
0xdc: {  	s29 =	sand.u32 $0xFFFFFC00, s28;
	s31 =	spop (v2sf);
	(v2sf) =	vpush v1, $0x3  }
0xdd: {  	s13 =	sand.u32 $0x380, s28;
	s14 =	sadd.s32 s30, s29  }
0xde: {  	s13 =	sor.u32 s13, s14;
	s16 =	spop (v2sf);
	(v2sf) =	vpush v0, $0x4  }
0xdf: {  	s13 =	sshrl.u32 s13, $0x3;
	s18 =	spop (v2sf);
	(v2sf) =	vpush v1, $0x4  }
0xe0: {  	s15 =	sand.u32 $0xFFFFFC00, s31;
	s13 =	sadd.s32 s4, s13  }
0xe1: {  	[tilespmem:s9], [sflag:$0x2] =	stream.linear.gather [hbm4b:s13+s2], $0x80, $0x38;
	[tilespmem:$0x1B00] =	vst v63  }
0xe2: {  	s14 =	sadd.s32 s16, s15;
	s13 =	sand.u32 $0x380, s31  }
0xe3: {  	s13 =	sor.u32 s13, s14  }
0xe4: {  	s20 =	spop (v2sf);
	(v2sf) =	vpush v0, $0x5;
	s13 =	sshrl.u32 s13, $0x3  }
0xe5: {  	s17 =	rddreg [dreg:$0x1f];
	s13 =	sadd.s32 s4, s13  }
0xe6: {  	[tilespmem:s17], [sflag:$0x2] =	stream.linear.gather [hbm4b:s13+s2], $0x80, $0x38;
	[tilespmem:$0x1B00] =	vst v63  }
0xe7: {  	s19 =	sand.u32 $0xFFFFFC00, s18;
	s22 =	spop (v2sf);
	(v2sf) =	vpush v1, $0x5  }
0xe8: {  	s14 =	sadd.s32 s20, s19;
	s13 =	sand.u32 $0x380, s18  }
0xe9: {  	s21 =	sld [smem:$0x7E1];
	s13 =	sor.u32 s13, s14  }
0xea: {  	s13 =	sshrl.u32 s13, $0x3  }
0xeb: {  	s13 =	sadd.s32 s4, s13;
	s24 =	spop (v2sf);
	(v2sf) =	vpush v0, $0x6  }
0xec: {  	[tilespmem:s21], [sflag:$0x2] =	stream.linear.gather [hbm4b:s13+s2], $0x80, $0x38;
	[tilespmem:$0x1B00] =	vst v63  }
0xed: {  	s26 =	spop (v2sf);
	(v2sf) =	vpush v1, $0x6  }
0xee: {  	s29 =	spop (v2sf);
	(v2sf) =	vpush v0, $0x7  }
0xef: {  	s23 =	sand.u32 $0xFFFFFC00, s22  }
0xf0: {  	s13 =	sand.u32 $0x380, s22;
	s14 =	sadd.s32 s24, s23  }
0xf1: {  	s25 =	sld [smem:$0x7E2];
	s13 =	sor.u32 s13, s14  }
0xf2: {  	s13 =	sshrl.u32 s13, $0x3  }
0xf3: {  	s28 =	sand.u32 $0xFFFFFC00, s26;
	s31 =	spop (v2sf);
	(v2sf) =	vpush v1, $0x7;
	s13 =	sadd.s32 s4, s13  }
0xf4: {  	[tilespmem:s25], [sflag:$0x2] =	stream.linear.gather [hbm4b:s13+s2], $0x80, $0x38;
	[tilespmem:$0x1B00] =	vst v63  }
0xf5: {  	s14 =	sadd.s32 s29, s28;
	s13 =	sand.u32 $0x380, s26  }
0xf6: {  	s30 =	sld [smem:$0x7E3];
	s13 =	sor.u32 s13, s14;
	s16 =	spop (v2sf);
	(v2sf) =	vpush v0, $0x8  }
0xf7: {  	s13 =	sshrl.u32 s13, $0x3  }
0xf8: {  	s13 =	sadd.s32 s4, s13  }
0xf9: {  	[tilespmem:s30], [sflag:$0x2] =	stream.linear.gather [hbm4b:s13+s2], $0x80, $0x38;
	[tilespmem:$0x1B00] =	vst v63  }
0xfa: {  	s15 =	sand.u32 $0xFFFFFC00, s31;
	s18 =	spop (v2sf);
	(v2sf) =	vpush v1, $0x8  }
0xfb: {  	s13 =	sand.u32 $0x380, s31;
	s14 =	sadd.s32 s16, s15  }
0xfc: {  	s17 =	sld [smem:$0x7E4];
	s13 =	sor.u32 s13, s14;
	s20 =	spop (v2sf);
	(v2sf) =	vpush v0, $0x9  }
0xfd: {  	s13 =	sshrl.u32 s13, $0x3;
	s22 =	spop (v2sf);
	(v2sf) =	vpush v1, $0x9  }
0xfe: {  	s19 =	sand.u32 $0xFFFFFC00, s18;
	s13 =	sadd.s32 s4, s13  }
0xff: {  	[tilespmem:s17], [sflag:$0x2] =	stream.linear.gather [hbm4b:s13+s2], $0x80, $0x38;
	[tilespmem:$0x1B00] =	vst v63  }
0x100: {  	s14 =	sadd.s32 s20, s19;
	s13 =	sand.u32 $0x380, s18  }
0x101: {  	s21 =	sld [smem:$0x7E5];
	s13 =	sor.u32 s13, s14  }
0x102: {  	s24 =	spop (v2sf);
	(v2sf) =	vpush v0, $0xA;
	s13 =	sshrl.u32 s13, $0x3  }
0x103: {  	s13 =	sadd.s32 s4, s13  }
0x104: {  	[tilespmem:s21], [sflag:$0x2] =	stream.linear.gather [hbm4b:s13+s2], $0x80, $0x38;
	[tilespmem:$0x1B00] =	vst v63  }
0x105: {  	s23 =	sand.u32 $0xFFFFFC00, s22;
	s26 =	spop (v2sf);
	(v2sf) =	vpush v1, $0xA  }
0x106: {  	s14 =	sadd.s32 s24, s23;
	s13 =	sand.u32 $0x380, s22  }
0x107: {  	s25 =	sld [smem:$0x7E6];
	s13 =	sor.u32 s13, s14  }
0x108: {  	s13 =	sshrl.u32 s13, $0x3  }
0x109: {  	s13 =	sadd.s32 s4, s13;
	s29 =	spop (v2sf);
	(v2sf) =	vpush v0, $0xB  }
0x10a: {  	[tilespmem:s25], [sflag:$0x2] =	stream.linear.gather [hbm4b:s13+s2], $0x80, $0x38;
	[tilespmem:$0x1B00] =	vst v63  }
0x10b: {  	s31 =	spop (v2sf);
	(v2sf) =	vpush v1, $0xB  }
0x10c: {  	s16 =	spop (v2sf);
	(v2sf) =	vpush v0, $0xC  }
0x10d: {  	s28 =	sand.u32 $0xFFFFFC00, s26  }
0x10e: {  	s13 =	sand.u32 $0x380, s26;
	s14 =	sadd.s32 s29, s28  }
0x10f: {  	s30 =	sld [smem:$0x7E7];
	s13 =	sor.u32 s13, s14  }
0x110: {  	s13 =	sshrl.u32 s13, $0x3  }
0x111: {  	s15 =	sand.u32 $0xFFFFFC00, s31;
	s18 =	spop (v2sf);
	(v2sf) =	vpush v1, $0xC;
	s13 =	sadd.s32 s4, s13  }
0x112: {  	[tilespmem:s30], [sflag:$0x2] =	stream.linear.gather [hbm4b:s13+s2], $0x80, $0x38;
	[tilespmem:$0x1B00] =	vst v63  }
0x113: {  	s14 =	sadd.s32 s16, s15;
	s13 =	sand.u32 $0x380, s31  }
0x114: {  	s17 =	sld [smem:$0x7E8];
	s13 =	sor.u32 s13, s14;
	s20 =	spop (v2sf);
	(v2sf) =	vpush v0, $0xD  }
0x115: {  	s13 =	sshrl.u32 s13, $0x3  }
0x116: {  	s19 =	sand.u32 $0xFFFFFC00, s18;
	s13 =	sadd.s32 s4, s13  }
0x117: {  	[tilespmem:s17], [sflag:$0x2] =	stream.linear.gather [hbm4b:s13+s2], $0x80, $0x38;
	[tilespmem:$0x1B00] =	vst v63  }
0x118: {  	s13 =	sand.u32 $0x380, s18;
	s14 =	sadd.s32 s20, s19;
	s22 =	spop (v2sf);
	(v2sf) =	vpush v1, $0xD  }
0x119: {  	s21 =	sld [smem:$0x7E9];
	s13 =	sor.u32 s13, s14  }
0x11a: {  	s24 =	spop (v2sf);
	s13 =	sshrl.u32 s13, $0x3  }
0x11b: {  	s23 =	sand.u32 $0xFFFFFC00, s22;
	(v2sf) =	vpush v0, $0xE;
	s26 =	spop (v2sf);
	s13 =	sadd.s32 s4, s13  }
0x11c: {  	(v2sf) =	vpush v1, $0xE;
	[tilespmem:s21], [sflag:$0x2] =	stream.linear.gather [hbm4b:s13+s2], $0x80, $0x38;
	[tilespmem:$0x1B00] =	vst v63  }
0x11d: {  	s14 =	sadd.s32 s24, s23;
	s13 =	sand.u32 $0x380, s22  }
0x11e: {  	s25 =	sld [smem:$0x7EA];
	s13 =	sor.u32 s13, s14  }
0x11f: {  	s13 =	sshrl.u32 s13, $0x3  }
0x120: {  	s28 =	sand.u32 $0xFFFFFC00, s26;
	s29 =	spop (v2sf);
	s13 =	sadd.s32 s4, s13  }
0x121: {  	(v2sf) =	vpush v1, $0xF;
	[tilespmem:s25], [sflag:$0x2] =	stream.linear.gather [hbm4b:s13+s2], $0x80, $0x38;
	[tilespmem:$0x1B00] =	vst v63  }
0x122: {  	s14 =	sadd.s32 s29, s28;
	s13 =	sand.u32 $0x380, s26  }
0x123: {  	s30 =	sld [smem:$0x7EB];
	s13 =	sor.u32 s13, s14;
	s31 =	spop (v2sf);
	(v2sf) =	vpush v0, $0xF  }
0x124: {  	s13 =	sshrl.u32 s13, $0x3  }
0x125: {  	s13 =	sadd.s32 s4, s13  }
0x126: {  	[tilespmem:s30], [sflag:$0x2] =	stream.linear.gather [hbm4b:s13+s2], $0x80, $0x38;
	[tilespmem:$0x1B00] =	vst v63  }
0x127: {  	s16 =	sand.u32 $0xFFFFFC00, s31;
	s17 =	spop (v2sf)  }
0x128: {  	s13 =	sand.u32 $0x380, s31;
	s14 =	sadd.s32 s17, s16  }
0x129: {  	s18 =	sld [smem:$0x7EC];
	s13 =	sor.u32 s13, s14  }
0x12a: {  	s19 =	spop (v2sf);
	s13 =	sshrl.u32 s13, $0x3  }
0x12b: {  	s20 =	sand.u32 $0xFFFFFC00, s19;
	s21 =	spop (v2sf);
	s13 =	sadd.s32 s4, s13  }
0x12c: {  	[tilespmem:s18], [sflag:$0x2] =	stream.linear.gather [hbm4b:s13+s2], $0x80, $0x38;
	[tilespmem:$0x1B00] =	vst v63  }
0x12d: {  	s14 =	sadd.s32 s21, s20;
	s13 =	sand.u32 $0x380, s19  }
0x12e: {  	s22 =	sld [smem:$0x7ED];
	s13 =	sor.u32 s13, s14  }
0x12f: {  	s13 =	sshrl.u32 s13, $0x3  }
0x130: {  	s23 =	spop (v2sf);
	s13 =	sadd.s32 s4, s13  }
0x131: {  	[tilespmem:s22], [sflag:$0x2] =	stream.linear.gather [hbm4b:s13+s2], $0x80, $0x38;
	[tilespmem:$0x1B00] =	vst v63  }
0x132: {  	s24 =	spop (v2sf)  }
0x133: {  	s25 =	sand.u32 $0xFFFFFC00, s24  }
0x134: {  	s14 =	sand.u32 $0x380, s24;
	s13 =	sadd.s32 s23, s25  }
0x135: {  	s26 =	sld [smem:$0x7EE];
	s13 =	sor.u32 s14, s13  }
0x136: {  	s13 =	sshrl.u32 s13, $0x3  }
0x137: {  	s13 =	sadd.s32 s4, s13  }
0x138: {  	[tilespmem:s26], [sflag:$0x2] =	stream.linear.gather [hbm4b:s13+s2], $0x80, $0x38;
	[tilespmem:$0x1B00] =	vst v63  }
0x139: {  	v62 =	vld [tilespmem:$0x100]  }
0x13a: {  	v63 =	vld [tilespmem:$0x280];
	_ =	sdelay $0x4  }
0x13b: {  	v0 =	vshll.u32 v63, $0x7;
	v1 =	vmul.u32 $0x2800, v62  }
0x13c: {  	(v2sf) =	vpush v0, $0x0  }
0x13d: {  	(v2sf) =	vpush v1, $0x0;
	_ =	sdelay $0x2  }
0x13e: {  	(v2sf) =	vpush v0, $0x1  }
0x13f: {  	(v2sf) =	vpush v1, $0x1;
	_ =	sdelay $0x1  }
0x140: {  	(v2sf) =	vpush v0, $0x2;
	_ =	sdelay $0x1  }
0x141: {  	(v2sf) =	vpush v1, $0x2;
	_ =	sdelay $0x5  }
0x142: {  	s28 =	spop (v2sf)  }
0x143: {  	s30 =	spop (v2sf);
	(v2sf) =	vpush v0, $0x3;
	_ =	sdelay $0x2  }
0x144: {  	s31 =	spop (v2sf);
	(v2sf) =	vpush v1, $0x3  }
0x145: {  	s29 =	sand.u32 $0xFFFFFC00, s28;
	s16 =	spop (v2sf);
	(v2sf) =	vpush v0, $0x4  }
0x146: {  	s13 =	sand.u32 $0x380, s28;
	s14 =	sadd.s32 s30, s29  }
0x147: {  	s13 =	sor.u32 s13, s14;
	s18 =	spop (v2sf);
	(v2sf) =	vpush v1, $0x4  }
0x148: {  	s13 =	sshrl.u32 s13, $0x3  }
0x149: {  	s15 =	sand.u32 $0xFFFFFC00, s31;
	s13 =	sadd.s32 s5, s13;
	s20 =	spop (v2sf);
	(v2sf) =	vpush v0, $0x5  }
0x14a: {  	[tilespmem:s10], [sflag:$0x2] =	stream.linear.gather [hbm4b:s13+s2], $0x80, $0x38;
	[tilespmem:$0x1B00] =	vst v63  }
0x14b: {  	s14 =	sadd.s32 s16, s15;
	s13 =	sand.u32 $0x380, s31  }
0x14c: {  	s17 =	sld [smem:$0x7EF];
	s13 =	sor.u32 s13, s14  }
0x14d: {  	s13 =	sshrl.u32 s13, $0x3  }
0x14e: {  	s13 =	sadd.s32 s5, s13  }
0x14f: {  	[tilespmem:s17], [sflag:$0x2] =	stream.linear.gather [hbm4b:s13+s2], $0x80, $0x38;
	[tilespmem:$0x1B00] =	vst v63  }
0x150: {  	s19 =	sand.u32 $0xFFFFFC00, s18;
	s22 =	spop (v2sf);
	(v2sf) =	vpush v1, $0x5  }
0x151: {  	s14 =	sadd.s32 s20, s19;
	s13 =	sand.u32 $0x380, s18  }
0x152: {  	s21 =	sld [smem:$0x7F0];
	s13 =	sor.u32 s13, s14  }
0x153: {  	s13 =	sshrl.u32 s13, $0x3;
	s24 =	spop (v2sf);
	(v2sf) =	vpush v0, $0x6  }
0x154: {  	s13 =	sadd.s32 s5, s13;
	s26 =	spop (v2sf);
	(v2sf) =	vpush v1, $0x6  }
0x155: {  	[tilespmem:s21], [sflag:$0x2] =	stream.linear.gather [hbm4b:s13+s2], $0x80, $0x38;
	[tilespmem:$0x1B00] =	vst v63  }
0x156: {  	s29 =	spop (v2sf);
	(v2sf) =	vpush v0, $0x7  }
0x157: {  	s23 =	sand.u32 $0xFFFFFC00, s22  }
0x158: {  	s13 =	sand.u32 $0x380, s22;
	s14 =	sadd.s32 s24, s23;
	s31 =	spop (v2sf);
	(v2sf) =	vpush v1, $0x7  }
0x159: {  	s25 =	sld [smem:$0x7F1];
	s13 =	sor.u32 s13, s14  }
0x15a: {  	s13 =	sshrl.u32 s13, $0x3  }
0x15b: {  	s28 =	sand.u32 $0xFFFFFC00, s26;
	s13 =	sadd.s32 s5, s13  }
0x15c: {  	[tilespmem:s25], [sflag:$0x2] =	stream.linear.gather [hbm4b:s13+s2], $0x80, $0x38;
	[tilespmem:$0x1B00] =	vst v63  }
0x15d: {  	s14 =	sadd.s32 s29, s28;
	s13 =	sand.u32 $0x380, s26  }
0x15e: {  	s30 =	sld [smem:$0x7F2];
	s13 =	sor.u32 s13, s14  }
0x15f: {  	s13 =	sshrl.u32 s13, $0x3;
	s16 =	spop (v2sf);
	(v2sf) =	vpush v0, $0x8  }
0x160: {  	s15 =	sand.u32 $0xFFFFFC00, s31;
	s13 =	sadd.s32 s5, s13  }
0x161: {  	[tilespmem:s30], [sflag:$0x2] =	stream.linear.gather [hbm4b:s13+s2], $0x80, $0x38;
	[tilespmem:$0x1B00] =	vst v63  }
0x162: {  	s13 =	sand.u32 $0x380, s31;
	s14 =	sadd.s32 s16, s15;
	s18 =	spop (v2sf);
	(v2sf) =	vpush v1, $0x8  }
0x163: {  	s17 =	sld [smem:$0x7F3];
	s13 =	sor.u32 s13, s14;
	s20 =	spop (v2sf);
	(v2sf) =	vpush v0, $0x9  }
0x164: {  	s13 =	sshrl.u32 s13, $0x3  }
0x165: {  	s19 =	sand.u32 $0xFFFFFC00, s18;
	s22 =	spop (v2sf);
	s13 =	sadd.s32 s5, s13  }
0x166: {  	(v2sf) =	vpush v1, $0x9;
	[tilespmem:s17], [sflag:$0x2] =	stream.linear.gather [hbm4b:s13+s2], $0x80, $0x38;
	[tilespmem:$0x1B00] =	vst v63  }
0x167: {  	s14 =	sadd.s32 s20, s19;
	s24 =	spop (v2sf);
	(v2sf) =	vpush v0, $0xA;
	s13 =	sand.u32 $0x380, s18  }
0x168: {  	s21 =	sld [smem:$0x7F4];
	s13 =	sor.u32 s13, s14  }
0x169: {  	s13 =	sshrl.u32 s13, $0x3  }
0x16a: {  	s23 =	sand.u32 $0xFFFFFC00, s22;
	s13 =	sadd.s32 s5, s13  }
0x16b: {  	[tilespmem:s21], [sflag:$0x2] =	stream.linear.gather [hbm4b:s13+s2], $0x80, $0x38;
	[tilespmem:$0x1B00] =	vst v63  }
0x16c: {  	s14 =	sadd.s32 s24, s23;
	s13 =	sand.u32 $0x380, s22  }
0x16d: {  	s25 =	sld [smem:$0x7F5];
	s13 =	sor.u32 s13, s14  }
0x16e: {  	s13 =	sshrl.u32 s13, $0x3;
	s26 =	spop (v2sf);
	(v2sf) =	vpush v1, $0xA  }
0x16f: {  	s13 =	sadd.s32 s5, s13  }
0x170: {  	[tilespmem:s25], [sflag:$0x2] =	stream.linear.gather [hbm4b:s13+s2], $0x80, $0x38;
	[tilespmem:$0x1B00] =	vst v63  }
0x171: {  	s29 =	spop (v2sf);
	(v2sf) =	vpush v0, $0xB  }
0x172: {  	s28 =	sand.u32 $0xFFFFFC00, s26;
	s31 =	spop (v2sf);
	(v2sf) =	vpush v1, $0xB  }
0x173: {  	s13 =	sand.u32 $0x380, s26;
	s14 =	sadd.s32 s29, s28  }
0x174: {  	s30 =	sld [smem:$0x7F6];
	s13 =	sor.u32 s13, s14  }
0x175: {  	s16 =	spop (v2sf);
	(v2sf) =	vpush v0, $0xC;
	s13 =	sshrl.u32 s13, $0x3  }
0x176: {  	s15 =	sand.u32 $0xFFFFFC00, s31;
	s18 =	spop (v2sf);
	(v2sf) =	vpush v1, $0xC;
	s13 =	sadd.s32 s5, s13  }
0x177: {  	[tilespmem:s30], [sflag:$0x2] =	stream.linear.gather [hbm4b:s13+s2], $0x80, $0x38;
	[tilespmem:$0x1B00] =	vst v63  }
0x178: {  	s14 =	sadd.s32 s16, s15;
	s13 =	sand.u32 $0x380, s31  }
0x179: {  	s17 =	sld [smem:$0x7F7];
	s13 =	sor.u32 s13, s14  }
0x17a: {  	s13 =	sshrl.u32 s13, $0x3  }
0x17b: {  	s13 =	sadd.s32 s5, s13  }
0x17c: {  	(v2sf) =	vpush v0, $0xD;
	[tilespmem:s17], [sflag:$0x2] =	stream.linear.gather [hbm4b:s13+s2], $0x80, $0x38;
	[tilespmem:$0x1B00] =	vst v63  }
0x17d: {  	s19 =	sand.u32 $0xFFFFFC00, s18;
	s20 =	spop (v2sf)  }
0x17e: {  	s13 =	sand.u32 $0x380, s18;
	(v2sf) =	vpush v1, $0xD;
	s14 =	sadd.s32 s20, s19  }
0x17f: {  	s21 =	sld [smem:$0x7F8];
	s13 =	sor.u32 s13, s14  }
0x180: {  	s22 =	spop (v2sf);
	s13 =	sshrl.u32 s13, $0x3  }
0x181: {  	(v2sf) =	vpush v0, $0xE;
	s23 =	sand.u32 $0xFFFFFC00, s22;
	s24 =	spop (v2sf);
	s13 =	sadd.s32 s5, s13  }
0x182: {  	(v2sf) =	vpush v1, $0xE;
	[tilespmem:s21], [sflag:$0x2] =	stream.linear.gather [hbm4b:s13+s2], $0x80, $0x38;
	[tilespmem:$0x1B00] =	vst v63  }
0x183: {  	s14 =	sadd.s32 s24, s23;
	s13 =	sand.u32 $0x380, s22  }
0x184: {  	s25 =	sld [smem:$0x7F9];
	s26 =	spop (v2sf);
	s13 =	sor.u32 s13, s14  }
0x185: {  	s29 =	spop (v2sf);
	(v2sf) =	vpush v1, $0xF;
	s13 =	sshrl.u32 s13, $0x3  }
0x186: {  	s28 =	sand.u32 $0xFFFFFC00, s26;
	(v2sf) =	vpush v0, $0xF;
	s13 =	sadd.s32 s5, s13  }
0x187: {  	[tilespmem:s25], [sflag:$0x2] =	stream.linear.gather [hbm4b:s13+s2], $0x80, $0x38;
	[tilespmem:$0x1B00] =	vst v63  }
0x188: {  	s14 =	sadd.s32 s29, s28;
	s13 =	sand.u32 $0x380, s26  }
0x189: {  	s30 =	sld [smem:$0x7FA];
	s13 =	sor.u32 s13, s14  }
0x18a: {  	s13 =	sshrl.u32 s13, $0x3  }
0x18b: {  	s31 =	spop (v2sf);
	s13 =	sadd.s32 s5, s13  }
0x18c: {  	[tilespmem:s30], [sflag:$0x2] =	stream.linear.gather [hbm4b:s13+s2], $0x80, $0x38;
	[tilespmem:$0x1B00] =	vst v63  }
0x18d: {  	s16 =	sand.u32 $0xFFFFFC00, s31;
	s14 =	spop (v2sf)  }
0x18e: {  	s17 =	sand.u32 $0x380, s31;
	s13 =	sadd.s32 s14, s16  }
0x18f: {  	s18 =	sld [smem:$0x7FB];
	s13 =	sor.u32 s17, s13  }
0x190: {  	s19 =	spop (v2sf);
	s13 =	sshrl.u32 s13, $0x3  }
0x191: {  	s20 =	spop (v2sf);
	s21 =	sand.u32 $0xFFFFFC00, s19;
	s13 =	sadd.s32 s5, s13  }
0x192: {  	[tilespmem:s18], [sflag:$0x2] =	stream.linear.gather [hbm4b:s13+s2], $0x80, $0x38;
	[tilespmem:$0x1B00] =	vst v63  }
0x193: {  	s22 =	sand.u32 $0x380, s19;
	s13 =	sadd.s32 s20, s21  }
0x194: {  	s23 =	sld [smem:$0x7FC];
	s24 =	spop (v2sf);
	s13 =	sor.u32 s22, s13  }
0x195: {  	s25 =	spop (v2sf);
	s13 =	sshrl.u32 s13, $0x3  }
0x196: {  	s26 =	sand.u32 $0xFFFFFC00, s25;
	s13 =	sadd.s32 s5, s13  }
0x197: {  	[tilespmem:s23], [sflag:$0x2] =	stream.linear.gather [hbm4b:s13+s2], $0x80, $0x38;
	[tilespmem:$0x1B00] =	vst v63  }
0x198: {  	s14 =	sadd.s32 s24, s26;
	s13 =	sand.u32 $0x380, s25  }
0x199: {  	s28 =	sld [smem:$0x7FD];
	s13 =	sor.u32 s13, s14  }
0x19a: {  	s13 =	sshrl.u32 s13, $0x3  }
0x19b: {  	s13 =	sadd.s32 s5, s13  }
0x19c: {  	[tilespmem:s28], [sflag:$0x2] =	stream.linear.gather [hbm4b:s13+s2], $0x80, $0x38;
	[tilespmem:$0x1B00] =	vst v63  }
0x19d: {  	_ =	swait.ge [sflag:s11], $0x80  }
0x19e: {  	[sflag:s11] =	ssyncset.done $0x0  }
0x19f: {  	[sflag:s11] =	ssyncadd.s32 $0xFFFFFF80  }
0x1a0: {  	_ =	swait.ge [sflag:s11], $0x80  }
0x1a1: {  	[sflag:s11] =	ssyncset.done $0x0  }
0x1a2: {  	[sflag:s11] =	ssyncadd.s32 $0xFFFFFF80  }
0x1a3: {  	_ =	swait.ge [sflag:s11], $0x80  }
0x1a4: {  	[sflag:s11] =	ssyncset.done $0x0  }
0x1a5: {  	[sflag:s11] =	ssyncadd.s32 $0xFFFFFF80  }
0x1a6: {  	_ =	swait.ge [sflag:s11], $0x80  }
0x1a7: {  	[sflag:s11] =	ssyncset.done $0x0  }
0x1a8: {  	[sflag:s11] =	ssyncadd.s32 $0xFFFFFF80  }
0x1a9: {  	_ =	swait.ge [sflag:s11], $0x80  }
0x1aa: {  	[sflag:s11] =	ssyncset.done $0x0  }
0x1ab: {  	[sflag:s11] =	ssyncadd.s32 $0xFFFFFF80  }
0x1ac: {  	_ =	swait.ge [sflag:s11], $0x80  }
0x1ad: {  	[sflag:s11] =	ssyncset.done $0x0  }
0x1ae: {  	[sflag:s11] =	ssyncadd.s32 $0xFFFFFF80  }
0x1af: {  	_ =	swait.ge [sflag:s11], $0x80  }
0x1b0: {  	[sflag:s11] =	ssyncset.done $0x0  }
0x1b1: {  	[sflag:s11] =	ssyncadd.s32 $0xFFFFFF80  }
0x1b2: {  	_ =	swait.ge [sflag:s11], $0x80  }
0x1b3: {  	[sflag:s11] =	ssyncset.done $0x0  }
0x1b4: {  	[sflag:s11] =	ssyncadd.s32 $0xFFFFFF80  }
0x1b5: {  	_ =	swait.ge [sflag:s11], $0x80  }
0x1b6: {  	[sflag:s11] =	ssyncset.done $0x0  }
0x1b7: {  	[sflag:s11] =	ssyncadd.s32 $0xFFFFFF80  }
0x1b8: {  	_ =	swait.ge [sflag:s11], $0x80  }
0x1b9: {  	[sflag:s11] =	ssyncset.done $0x0  }
0x1ba: {  	[sflag:s11] =	ssyncadd.s32 $0xFFFFFF80  }
0x1bb: {  	_ =	swait.ge [sflag:s11], $0x80  }
0x1bc: {  	[sflag:s11] =	ssyncset.done $0x0  }
0x1bd: {  	[sflag:s11] =	ssyncadd.s32 $0xFFFFFF80  }
0x1be: {  	_ =	swait.ge [sflag:s11], $0x80  }
0x1bf: {  	[sflag:s11] =	ssyncset.done $0x0  }
0x1c0: {  	[sflag:s11] =	ssyncadd.s32 $0xFFFFFF80  }
0x1c1: {  	_ =	swait.ge [sflag:s11], $0x80  }
0x1c2: {  	[sflag:s11] =	ssyncset.done $0x0  }
0x1c3: {  	[sflag:s11] =	ssyncadd.s32 $0xFFFFFF80  }
0x1c4: {  	_ =	swait.ge [sflag:s11], $0x80  }
0x1c5: {  	[sflag:s11] =	ssyncset.done $0x0  }
0x1c6: {  	[sflag:s11] =	ssyncadd.s32 $0xFFFFFF80  }
0x1c7: {  	_ =	swait.ge [sflag:s11], $0x80  }
0x1c8: {  	[sflag:s11] =	ssyncset.done $0x0  }
0x1c9: {  	[sflag:s11] =	ssyncadd.s32 $0xFFFFFF80  }
0x1ca: {  	_ =	swait.ge [sflag:s11], $0x80  }
0x1cb: {  	[sflag:s11] =	ssyncset.done $0x0  }
0x1cc: {  	[sflag:s11] =	ssyncadd.s32 $0xFFFFFF80  }
0x1cd: {  	_ =	swait.ge [sflag:s11], $0x80  }
0x1ce: {  	[sflag:s11] =	ssyncset.done $0x0  }
0x1cf: {  	[sflag:s11] =	ssyncadd.s32 $0xFFFFFF80  }
0x1d0: {  	_ =	swait.ge [sflag:s11], $0x80  }
0x1d1: {  	[sflag:s11] =	ssyncset.done $0x0  }
0x1d2: {  	[sflag:s11] =	ssyncadd.s32 $0xFFFFFF80  }
0x1d3: {  	_ =	swait.ge [sflag:s11], $0x80  }
0x1d4: {  	[sflag:s11] =	ssyncset.done $0x0  }
0x1d5: {  	[sflag:s11] =	ssyncadd.s32 $0xFFFFFF80  }
0x1d6: {  	_ =	swait.ge [sflag:s11], $0x80  }
0x1d7: {  	[sflag:s11] =	ssyncset.done $0x0  }
0x1d8: {  	[sflag:s11] =	ssyncadd.s32 $0xFFFFFF80  }
0x1d9: {  	_ =	swait.ge [sflag:s11], $0x80  }
0x1da: {  	[sflag:s11] =	ssyncset.done $0x0  }
0x1db: {  	[sflag:s11] =	ssyncadd.s32 $0xFFFFFF80  }
0x1dc: {  	_ =	swait.ge [sflag:s11], $0x80  }
0x1dd: {  	[sflag:s11] =	ssyncset.done $0x0  }
0x1de: {  	[sflag:s11] =	ssyncadd.s32 $0xFFFFFF80  }
0x1df: {  	_ =	swait.ge [sflag:s11], $0x80  }
0x1e0: {  	[sflag:s11] =	ssyncset.done $0x0  }
0x1e1: {  	[sflag:s11] =	ssyncadd.s32 $0xFFFFFF80  }
0x1e2: {  	_ =	swait.ge [sflag:s11], $0x80  }
0x1e3: {  	[sflag:s11] =	ssyncset.done $0x0  }
0x1e4: {  	[sflag:s11] =	ssyncadd.s32 $0xFFFFFF80  }
0x1e5: {  	_ =	swait.ge [sflag:s11], $0x80  }
0x1e6: {  	[sflag:s11] =	ssyncset.done $0x0  }
0x1e7: {  	[sflag:s11] =	ssyncadd.s32 $0xFFFFFF80  }
0x1e8: {  	_ =	swait.ge [sflag:s11], $0x80  }
0x1e9: {  	[sflag:s11] =	ssyncset.done $0x0  }
0x1ea: {  	[sflag:s11] =	ssyncadd.s32 $0xFFFFFF80  }
0x1eb: {  	_ =	swait.ge [sflag:s11], $0x80  }
0x1ec: {  	[sflag:s11] =	ssyncset.done $0x0  }
0x1ed: {  	[sflag:s11] =	ssyncadd.s32 $0xFFFFFF80  }
0x1ee: {  	_ =	swait.ge [sflag:s11], $0x80  }
0x1ef: {  	[sflag:s11] =	ssyncset.done $0x0  }
0x1f0: {  	[sflag:s11] =	ssyncadd.s32 $0xFFFFFF80  }
0x1f1: {  	_ =	swait.ge [sflag:s11], $0x80  }
0x1f2: {  	[sflag:s11] =	ssyncset.done $0x0  }
0x1f3: {  	[sflag:s11] =	ssyncadd.s32 $0xFFFFFF80  }
0x1f4: {  	_ =	swait.ge [sflag:s11], $0x80  }
0x1f5: {  	[sflag:s11] =	ssyncset.done $0x0  }
0x1f6: {  	[sflag:s11] =	ssyncadd.s32 $0xFFFFFF80  }
0x1f7: {  	_ =	swait.ge [sflag:s11], $0x80  }
0x1f8: {  	[sflag:s11] =	ssyncset.done $0x0  }
0x1f9: {  	[sflag:s11] =	ssyncadd.s32 $0xFFFFFF80  }
0x1fa: {  	_ =	swait.ge [sflag:s11], $0x80  }
0x1fb: {  	[sflag:s11] =	ssyncset.done $0x0  }
0x1fc: {  	[sflag:s11] =	ssyncadd.s32 $0xFFFFFF80  }
0x1fd: {  	_ =	swait.ge [sflag:s11], $0x80  }
0x1fe: {  	[sflag:s11] =	ssyncset.done $0x0  }
0x1ff: {  	[sflag:s11] =	ssyncadd.s32 $0xFFFFFF80  }
0x200: {  	_ =	swait.ge [sflag:s11], $0x80  }
0x201: {  	[sflag:s11] =	ssyncset.done $0x0  }
0x202: {  	[sflag:s11] =	ssyncadd.s32 $0xFFFFFF80  }
0x203: {  	_ =	swait.ge [sflag:s11], $0x80  }
0x204: {  	[sflag:s11] =	ssyncset.done $0x0  }
0x205: {  	[sflag:s11] =	ssyncadd.s32 $0xFFFFFF80  }
0x206: {  	_ =	swait.ge [sflag:s11], $0x80  }
0x207: {  	[sflag:s11] =	ssyncset.done $0x0  }
0x208: {  	[sflag:s11] =	ssyncadd.s32 $0xFFFFFF80  }
0x209: {  	_ =	swait.ge [sflag:s11], $0x80  }
0x20a: {  	[sflag:s11] =	ssyncset.done $0x0  }
0x20b: {  	[sflag:s11] =	ssyncadd.s32 $0xFFFFFF80  }
0x20c: {  	_ =	swait.ge [sflag:s11], $0x80  }
0x20d: {  	[sflag:s11] =	ssyncset.done $0x0  }
0x20e: {  	[sflag:s11] =	ssyncadd.s32 $0xFFFFFF80  }
0x20f: {  	_ =	swait.ge [sflag:s11], $0x80  }
0x210: {  	[sflag:s11] =	ssyncset.done $0x0  }
0x211: {  	[sflag:s11] =	ssyncadd.s32 $0xFFFFFF80  }
0x212: {  	_ =	swait.ge [sflag:s11], $0x80  }
0x213: {  	[sflag:s11] =	ssyncset.done $0x0  }
0x214: {  	[sflag:s11] =	ssyncadd.s32 $0xFFFFFF80  }
0x215: {  	_ =	swait.ge [sflag:s11], $0x80  }
0x216: {  	[sflag:s11] =	ssyncset.done $0x0  }
0x217: {  	[sflag:s11] =	ssyncadd.s32 $0xFFFFFF80  }
0x218: {  	_ =	swait.ge [sflag:s11], $0x80  }
0x219: {  	[sflag:s11] =	ssyncset.done $0x0  }
0x21a: {  	[sflag:s11] =	ssyncadd.s32 $0xFFFFFF80  }
0x21b: {  	_ =	swait.ge [sflag:s11], $0x80  }
0x21c: {  	[sflag:s11] =	ssyncset.done $0x0  }
0x21d: {  	[sflag:s11] =	ssyncadd.s32 $0xFFFFFF80  }
0x21e: {  	_ =	swait.ge [sflag:s11], $0x80  }
0x21f: {  	[sflag:s11] =	ssyncset.done $0x0  }
0x220: {  	[sflag:s11] =	ssyncadd.s32 $0xFFFFFF80  }
0x221: {  	_ =	swait.ge [sflag:s11], $0x80  }
0x222: {  	[sflag:s11] =	ssyncset.done $0x0  }
0x223: {  	[sflag:s11] =	ssyncadd.s32 $0xFFFFFF80  }
0x224: {  	_ =	swait.ge [sflag:s11], $0x80  }
0x225: {  	[sflag:s11] =	ssyncset.done $0x0  }
0x226: {  	[sflag:s11] =	ssyncadd.s32 $0xFFFFFF80  }
0x227: {  	_ =	swait.ge [sflag:s11], $0x80  }
0x228: {  	[sflag:s11] =	ssyncset.done $0x0  }
0x229: {  	[sflag:s11] =	ssyncadd.s32 $0xFFFFFF80  }
0x22a: {  	_ =	swait.ge [sflag:s11], $0x80  }
0x22b: {  	[sflag:s11] =	ssyncset.done $0x0  }
0x22c: {  	s29 =	rddreg [dreg:$0x2];
	[sflag:s11] =	ssyncadd.s32 $0xFFFFFF80  }
0x22d: {  	[hbm4b:s29+s2] =	stream.linear.scatter [tilespmem:s8], [sflag:$0x3], $0x800, $0x38;
	[tilespmem:$0x1B00] =	vst v63  }
0x22e: {  	s30 =	rddreg [dreg:$0x3]  }
0x22f: {  	[hbm4b:s30+s2] =	stream.linear.scatter [tilespmem:s9], [sflag:$0x3], $0x800, $0x38;
	[tilespmem:$0x1B00] =	vst v63  }
0x230: {  	s31 =	rddreg [dreg:$0x4]  }
0x231: {  	[hbm4b:s31+s2] =	stream.linear.scatter [tilespmem:s10], [sflag:$0x3], $0x800, $0x38;
	[tilespmem:$0x1B00] =	vst v63  }
0x232: {  	_ =	swait.ge [sflag:s12], $0x800  }
0x233: {  	[sflag:s12] =	ssyncset.done $0x0  }
0x234: {  	[sflag:s12] =	ssyncadd.s32 $0xFFFFF800  }
0x235: {  	p0 =	sne.s32 s6, $0x1;
	_ =	swait.ge [sflag:s12], $0x800  }
.Ltmp1:
0x236: {  	[sflag:s12] =	ssyncset.done $0x0;
	(pc) =	sbr.rel @p0 .LBB2_2-.Ltmp1, $4  }
0x237: {  	[sflag:s12] =	ssyncadd.s32 $0xFFFFF800  }
0x238: {  	_ =	swait.ge [sflag:s12], $0x800  }
0x239: {  	[sflag:s12] =	ssyncset.done $0x0  }
0x23a: {  	s6 =	sadd.s32 $0xFFFFFFFF, s6;
	[sflag:s12] =	ssyncadd.s32 $0xFFFFF800  }
.LBB2_3:
0x23b: {  	_ =	sfence.sel $0x180000  }
0x23c: {  	[bflag:$0x0] =	sbarrier.arrive $0xFFFF  }
0x23d: {  	p0 =	sne.s32 s1, $0x0;
	_ =	strace $0x90000047  }
0x23e: {  	s0 =	sadd.s32 @!p0 $0x100000, s0;
	[bflag:$0x2] =	sbarrier.arrive $0xFFFF  }
0x23f: {  	[sflag:s0] =	ssyncadd.tile.s32 @!p0 $0x1;
	_ =	shalt  }
.Lfunc_end2:
_tile_overlayer_lowered:
.L_overlay_start_2:
0x240: {  	(tag) =	ssettag $0x2  }
0x241: {  	s0 =	rddreg [dreg:$0x0];
	s2 =	stileid.u32  }
0x242: {  	s1 =	rddreg [dreg:$0x1];
	p0 =	sne.s32 s2, $0x0  }
0x243: {  	s3 =	rddreg [dreg:$0x2];
	[bflag:$0x3] =	sbarrier.arrive $0xFFFF;
	s2 =	simm.s32 @!p0 $0x1C04  }
0x244: {  	[timem:s3], [sflag:s2] =	dma.local @!p0 [hbm:s0], s1  }
0x245: {  	s0 =	simm.s32 @!p0 $0x4  }
0x246: {  	_ =	swait.ge @!p0 [sflag:s0], s1  }
0x247: {  	s1 =	ssub.s32 @!p0 $0x0, s1;
	[sflag:s0] =	ssyncset.done @!p0 $0x0  }
0x248: {  	[sflag:s0] =	ssyncadd.s32 @!p0 s1  }
0x249: {  	[bflag:$0x3] =	sbarrier.arrive $0xFFFF  }
0x24a: {  	_ =	shalt  }

</sc_bundles>
